<compile_context>
chip_gen: v7x
topology: tpu7x:2x2x1
jax: 0.10.2.dev20260603
libtpu: 0.0.44.dev20260713+nightly
codegen_flags: <defaults>
</compile_context>

<pallas_src>
import jax
import jax.numpy as jnp
from jax import lax
from jax.experimental import pallas as pl
from jax.experimental.pallas import tpu as pltpu
from jax.experimental.pallas import tpu_sc as plsc

_BATCH = 2048
_D = 256
_NBR = 64
_J = 1024
_MASK_ID = 1000
_BB = 256
_NW = 32
_BPW = _BATCH // _NW


def _sc_gather(ent_sm, ent_c, rel_sm, rel_ss, rel_oo, idx_all):
    mesh = plsc.VectorSubcoreMesh(core_axis_name="c", subcore_axis_name="s")
    out_type = [jax.ShapeDtypeStruct((_BATCH, _D), jnp.float32)] * 14
    scratch = ([pltpu.VMEM((_BPW,), jnp.int32) for _ in range(6)]
               + [pltpu.VMEM((_BPW, _D), jnp.float32) for _ in range(2)]
               + [pltpu.SemaphoreType.DMA for _ in range(4)])

    def body(ent_sm_h, ent_c_h, rel_sm_h, rel_ss_h, rel_oo_h, idx_h,
             o_phsm, o_ptsm, o_phc, o_ptc, o_nhsm, o_ntsm, o_nhc, o_ntc,
             o_prsm, o_prss, o_proo, o_nrsm, o_nrss, o_nroo,
             iv0, iv1, iv2, iv3, iv4, iv5,
             rows0, rows1, gsem0, gsem1, ssem0, ssem1):
        wid = lax.axis_index("s") * 2 + lax.axis_index("c")
        base = wid * _BPW
        ivs = (iv0, iv1, iv2, iv3, iv4, iv5)
        for r in range(6):
            pltpu.sync_copy(idx_h.at[pl.ds(r * _BATCH + base, _BPW)], ivs[r])
        jobs = ((ent_sm_h, 0, o_phsm), (ent_sm_h, 1, o_ptsm),
                (ent_c_h, 0, o_phc), (ent_c_h, 1, o_ptc),
                (ent_sm_h, 2, o_nhsm), (ent_sm_h, 3, o_ntsm),
                (ent_c_h, 2, o_nhc), (ent_c_h, 3, o_ntc),
                (rel_sm_h, 4, o_prsm), (rel_ss_h, 4, o_prss),
                (rel_oo_h, 4, o_proo), (rel_sm_h, 5, o_nrsm),
                (rel_ss_h, 5, o_nrss), (rel_oo_h, 5, o_nroo))
        rows = (rows0, rows1)
        gsem = (gsem0, gsem1)
        ssem = (ssem0, ssem1)
        nj = len(jobs)
        g_h = [None] * nj
        s_h = [None] * nj
        for k in range(nj + 1):
            if k < nj:
                tab, r, _ = jobs[k]
                b = k % 2
                if k >= 2:
                    s_h[k - 2].wait()
                g_h[k] = pltpu.async_copy(tab.at[ivs[r]], rows[b], gsem[b])
            if k >= 1:
                kk = k - 1
                _, _, out = jobs[kk]
                b = kk % 2
                g_h[kk].wait()
                s_h[kk] = pltpu.async_copy(
                    rows[b], out.at[pl.ds(base, _BPW)], ssem[b])
        s_h[nj - 2].wait()
        s_h[nj - 1].wait()

    fn = pl.kernel(body, out_type=out_type, mesh=mesh, scratch_types=scratch)
    return fn(ent_sm, ent_c, rel_sm, rel_ss, rel_oo, idx_all)


def _sigmoid(x):
    return 1.0 / (1.0 + jnp.exp(-x))


def _nrm(x):
    return x * lax.rsqrt(jnp.maximum(jnp.sum(x * x, axis=1, keepdims=True),
                                     1e-12))


def _tc_body(phsm_r, ptsm_r, prsm_r, phc_r, ptc_r, prss_r, proo_r,
             nhsm_r, ntsm_r, nrsm_r, nhc_r, ntc_r, nrss_r, nroo_r,
             pdm_r, prg_r, ndm_r, nrg_r, aux_r, wcon_r, tss_r, too_r,
             out_r):
    jcol = lax.broadcasted_iota(jnp.int32, (_J, 1), 0)
    jbias = jnp.where(jcol == _MASK_ID, jnp.float32(-1e19), jnp.float32(0.0))
    tss = tss_r[...]
    too = too_r[...]
    w_sm = wcon_r[0:1, :]
    w_ty = wcon_r[1:2, :]
    w_as = wcon_r[2:3, :]
    aux = aux_r[...]

    def agg(inp, nbr_r, tab):
        p = lax.dot_general(tab, inp.astype(jnp.bfloat16),
                            (((1,), (1,)), ((), ())),
                            preferred_element_type=jnp.float32) + jbias
        nbrs = nbr_r[...]
        cnt = jnp.zeros((_J, _BB), jnp.float32)
        for n in range(_NBR):
            cnt = cnt + (nbrs[n:n + 1, :] == jcol).astype(jnp.float32)
        m = jnp.max(p, axis=0, keepdims=True)
        e = cnt * jnp.exp(p - m)
        z = jnp.maximum(jnp.sum(e, axis=0, keepdims=True), jnp.float32(1e-30))
        a = e / z
        return lax.dot_general(a.astype(jnp.bfloat16), tab,
                               (((0,), (0,)), ((), ())),
                               preferred_element_type=jnp.float32)

    def branch(hsm, tsm, rsm, hc, tc, rss, roo, dm_r, rg_r, eq):
        nh = _nrm(hsm)
        nt = _nrm(tsm)
        nr = _nrm(rsm)
        calc = jnp.sum(jnp.abs(nh + nr - nt), axis=1, keepdims=True)
        dm_hat = agg(rss, dm_r, tss)
        rg_hat = agg(roo, rg_r, too)
        dm_pred = _sigmoid(jnp.sum(hc * dm_hat, axis=1, keepdims=True))
        rg_pred = _sigmoid(jnp.sum(tc * rg_hat, axis=1, keepdims=True))
        dis_pred = _sigmoid(jnp.sum(rsm * (tsm - hsm), axis=1, keepdims=True))
        sso = _sigmoid(jnp.sum(rss * roo, axis=1, keepdims=True))
        irr_rel = _sigmoid(jnp.sum(rsm * w_sm + jnp.abs(rss - roo) * w_ty,
                                   axis=1, keepdims=True))
        irr_pred = irr_rel * sso * eq + (1.0 - eq)
        kge = _sigmoid(jnp.sum(jnp.abs(nt + nr - nh), axis=1, keepdims=True))
        masym = _sigmoid(jnp.sum(rsm * w_as, axis=1, keepdims=True))
        asym_pred = masym * kge * sso
        axioms = 5.0 - (dm_pred + rg_pred + dis_pred + irr_pred + asym_pred)
        return calc + axioms * 0.5

    peq = (aux[:, 0:1] == aux[:, 1:2]).astype(jnp.float32)
    neq = (aux[:, 2:3] == aux[:, 3:4]).astype(jnp.float32)
    pos = branch(phsm_r[...], ptsm_r[...], prsm_r[...], phc_r[...],
                 ptc_r[...], prss_r[...], proo_r[...], pdm_r, prg_r, peq)
    neg = branch(nhsm_r[...], ntsm_r[...], nrsm_r[...], nhc_r[...],
                 ntc_r[...], nrss_r[...], nroo_r[...], ndm_r, nrg_r, neq)
    part = jnp.sum(jnp.maximum(pos - neg + 1.0, 0.0)) * (1.0 / _BATCH)

    @pl.when(pl.program_id(0) == 0)
    def _():
        out_r[...] = jnp.zeros((1, 128), jnp.float32)

    out_r[...] += jnp.broadcast_to(part, (1, 128))


def _tc_specs():
    row = pl.BlockSpec((_BB, _D), lambda i: (i, 0))
    nbr = pl.BlockSpec((_NBR, _BB), lambda i: (0, i))
    full = lambda s: pl.BlockSpec(s, lambda i: (0, 0))
    in_specs = ([row] * 14
                + [nbr] * 4
                + [pl.BlockSpec((_BB, 8), lambda i: (i, 0)),
                   full((8, _D)), full((_J, _D)), full((_J, _D))])
    out_spec = pl.BlockSpec((1, 128), lambda i: (0, 0))
    return in_specs, out_spec


def _tc_call(args):
    in_specs, out_spec = _tc_specs()
    return pl.pallas_call(
        _tc_body,
        grid=(_BATCH // _BB,),
        in_specs=in_specs,
        out_specs=out_spec,
        out_shape=jax.ShapeDtypeStruct((1, 128), jnp.float32),
    )(*args)


def kernel(pos_h, pos_t, pos_r, pos_dm_nbrs, pos_rg_nbrs,
           neg_h, neg_t, neg_r, neg_dm_nbrs, neg_rg_nbrs,
           ent_c_embeddings, ent_sm_embeddings, rel_ss_embeddings,
           rel_oo_embeddings, rel_sm_embeddings, irr_w, asym_w):
    ph = pos_h.reshape(-1).astype(jnp.int32)
    pt = pos_t.reshape(-1).astype(jnp.int32)
    nh = neg_h.reshape(-1).astype(jnp.int32)
    nt = neg_t.reshape(-1).astype(jnp.int32)
    pr = pos_r.reshape(-1).astype(jnp.int32)
    nr = neg_r.reshape(-1).astype(jnp.int32)
    idx_all = jnp.concatenate([ph, pt, nh, nt, pr, nr], axis=0)

    (phsm, ptsm, phc, ptc, nhsm, ntsm, nhc, ntc,
     prsm, prss, proo, nrsm, nrss, nroo) = _sc_gather(
        ent_sm_embeddings, ent_c_embeddings, rel_sm_embeddings,
        rel_ss_embeddings, rel_oo_embeddings, idx_all)

    pad = jnp.zeros((_J - _MASK_ID, _D), jnp.bfloat16)
    tss = jnp.concatenate(
        [rel_ss_embeddings[:_MASK_ID].astype(jnp.bfloat16), pad], axis=0)
    too = jnp.concatenate(
        [rel_oo_embeddings[:_MASK_ID].astype(jnp.bfloat16), pad], axis=0)
    wcon = jnp.zeros((8, _D), jnp.float32)
    wcon = wcon.at[0].set(irr_w[:_D]).at[1].set(irr_w[_D:]).at[2].set(asym_w)
    aux = jnp.zeros((_BATCH, 8), jnp.int32)
    aux = aux.at[:, 0].set(ph).at[:, 1].set(pt)
    aux = aux.at[:, 2].set(nh).at[:, 3].set(nt)

    args = (phsm, ptsm, prsm, phc, ptc, prss, proo,
            nhsm, ntsm, nrsm, nhc, ntc, nrss, nroo,
            pos_dm_nbrs.astype(jnp.int32).T, pos_rg_nbrs.astype(jnp.int32).T,
            neg_dm_nbrs.astype(jnp.int32).T, neg_rg_nbrs.astype(jnp.int32).T,
            aux, wcon, tss, too)
    res = _tc_call(args)
    return res[0, 0]

# --- scband reference (transcript-rebuilt; emitter-appended) ---
"""Pipeline reference for scband-nbr-attention-transe-68891275428397 (READ-ONLY COPY).

The authoritative reference and input builder live on the scoring server;
editing this copy changes nothing except your own understanding.
"""

import jax, jax.numpy as jnp
import numpy as np

ENT_TOTAL = 50000
REL_TOTAL = 1000
TYPE_DIM = 256
SEM_DIM = 256
HD_MAX = 64
TL_MAX = 64
K_RATE = 1.0
S_RATE = 0.5
MARGIN = 1.0
BATCH = 2048


def _l2_normalize(x):
    return x * jax.lax.rsqrt(jnp.maximum(jnp.sum(x * x, axis=-1, keepdims=True), 1e-12))


def _calc(h, t, r):
    return jnp.abs(_l2_normalize(h) + _l2_normalize(r) - _l2_normalize(t))


def _aggregation(nbr_embeddings, input_embeddings, nbrs, hd_max):
    mask_emb = jnp.concatenate([jnp.ones((REL_TOTAL, 1), jnp.float32), jnp.zeros((1, 1), jnp.float32)], axis=0)
    mask_weight = jnp.concatenate([jnp.zeros((REL_TOTAL, 1), jnp.float32), jnp.ones((1, 1), jnp.float32) * 1e19], axis=0)
    nbrs2 = nbrs.reshape(-1, hd_max)
    mask = jnp.take(mask_emb, nbrs2, axis=0)
    vec = jnp.take(nbr_embeddings, nbrs2, axis=0) * mask
    att = jnp.matmul(vec, jnp.transpose(input_embeddings, (0, 2, 1))).reshape(-1, hd_max)
    att = att - jnp.take(mask_weight, nbrs2, axis=0).reshape(-1, hd_max)
    att = jax.nn.softmax(att, axis=-1)
    return jnp.sum(vec * att[:, :, None], axis=1)


def _irr_new(h_idx, t_idx, r_sm, rel_ss, rel_oo, irr_w):
    eq = (h_idx == t_idx).astype(jnp.float32)
    eq_rev = 1.0 - eq
    irr_rel = jax.nn.sigmoid(jnp.sum(jnp.concatenate([r_sm, jnp.abs(rel_ss - rel_oo)], axis=-1) * irr_w, axis=2))
    irr_type = jax.nn.sigmoid(jnp.sum(rel_ss * rel_oo, axis=-1))
    pred = irr_rel * irr_type
    return pred * eq + eq_rev


def _asym_new(rel_ss, rel_oo, h_sm, r_sm, t_sm, asym_w):
    rc = jax.nn.sigmoid(jnp.sum(rel_oo * rel_ss, axis=-1))
    kge = jax.nn.sigmoid(jnp.sum(_calc(t_sm, h_sm, r_sm), axis=-1))
    m = jax.nn.sigmoid(jnp.sum(r_sm * asym_w, axis=2))
    return m * kge * rc


def _branch_score(h, t, r, dm_nbrs, rg_nbrs, ent_c, ent_sm, rel_ss_t, rel_oo_t, rel_sm_t, irr_w, asym_w):
    h_sm = jnp.take(ent_sm, h, axis=0)
    t_sm = jnp.take(ent_sm, t, axis=0)
    r_sm = jnp.take(rel_sm_t, r, axis=0)
    h_type = jnp.take(ent_c, h, axis=0)
    t_type = jnp.take(ent_c, t, axis=0)
    rel_ss = jnp.take(rel_ss_t, r, axis=0)
    rel_oo = jnp.take(rel_oo_t, r, axis=0)
    dm_hat = _aggregation(rel_ss_t, rel_ss, dm_nbrs, HD_MAX)
    rg_hat = _aggregation(rel_oo_t, rel_oo, rg_nbrs, TL_MAX)
    dm_pred = jax.nn.sigmoid(jnp.sum(jnp.squeeze(h_type, axis=1) * dm_hat, axis=-1, keepdims=True))
    rg_pred = jax.nn.sigmoid(jnp.sum(jnp.squeeze(t_type, axis=1) * rg_hat, axis=-1, keepdims=True))
    dis_pred = jax.nn.sigmoid(jnp.sum(r_sm * (t_sm - h_sm), axis=-1))
    irr_pred = _irr_new(h, t, r_sm, rel_ss, rel_oo, irr_w)
    asym_pred = _asym_new(rel_ss, rel_oo, h_sm, r_sm, t_sm, asym_w)
    axioms = (1.0 - dm_pred) + (1.0 - rg_pred) + (1.0 - dis_pred) + (1.0 - irr_pred) + (1.0 - asym_pred)
    return jnp.sum(_calc(h_sm, t_sm, r_sm), axis=-1) * K_RATE + axioms * S_RATE


def setup_inputs(seed: int = 0):
    key = jax.random.key(seed)
    ks = jax.random.split(key, 17)
    inp = {}
    inp['pos_h'] = jax.random.randint(ks[0], (BATCH, 1), 0, ENT_TOTAL)
    inp['pos_t'] = jax.random.randint(ks[1], (BATCH, 1), 0, ENT_TOTAL)
    inp['pos_r'] = jax.random.randint(ks[2], (BATCH, 1), 0, REL_TOTAL)
    inp['pos_dm_nbrs'] = jax.random.randint(ks[3], (BATCH, HD_MAX), 0, REL_TOTAL + 1)
    inp['pos_rg_nbrs'] = jax.random.randint(ks[4], (BATCH, TL_MAX), 0, REL_TOTAL + 1)
    inp['neg_h'] = jax.random.randint(ks[5], (BATCH, 1), 0, ENT_TOTAL)
    inp['neg_t'] = jax.random.randint(ks[6], (BATCH, 1), 0, ENT_TOTAL)
    inp['neg_r'] = jax.random.randint(ks[7], (BATCH, 1), 0, REL_TOTAL)
    inp['neg_dm_nbrs'] = jax.random.randint(ks[8], (BATCH, HD_MAX), 0, REL_TOTAL + 1)
    inp['neg_rg_nbrs'] = jax.random.randint(ks[9], (BATCH, TL_MAX), 0, REL_TOTAL + 1)
    inp['ent_c_embeddings'] = jax.random.normal(ks[10], (ENT_TOTAL, TYPE_DIM), jnp.float32) * 0.05
    inp['ent_sm_embeddings'] = jax.random.normal(ks[11], (ENT_TOTAL, SEM_DIM), jnp.float32) * 0.05
    inp['rel_ss_embeddings'] = jax.random.normal(ks[12], (REL_TOTAL + 1, TYPE_DIM), jnp.float32) * 0.05
    inp['rel_oo_embeddings'] = jax.random.normal(ks[13], (REL_TOTAL + 1, TYPE_DIM), jnp.float32) * 0.05
    inp['rel_sm_embeddings'] = jax.random.normal(ks[14], (REL_TOTAL + 1, SEM_DIM), jnp.float32) * 0.05
    inp['irr_w'] = jax.random.normal(ks[15], (SEM_DIM + TYPE_DIM,), jnp.float32) * 0.05
    inp['asym_w'] = jax.random.normal(ks[16], (SEM_DIM,), jnp.float32) * 0.05
    return inp


def reference(pos_h, pos_t, pos_r, pos_dm_nbrs, pos_rg_nbrs, neg_h, neg_t, neg_r, neg_dm_nbrs, neg_rg_nbrs, ent_c_embeddings, ent_sm_embeddings, rel_ss_embeddings, rel_oo_embeddings, rel_sm_embeddings, irr_w, asym_w):
    pos_score = _branch_score(pos_h, pos_t, pos_r, pos_dm_nbrs, pos_rg_nbrs, ent_c_embeddings, ent_sm_embeddings, rel_ss_embeddings, rel_oo_embeddings, rel_sm_embeddings, irr_w, asym_w)
    neg_score = _branch_score(neg_h, neg_t, neg_r, neg_dm_nbrs, neg_rg_nbrs, ent_c_embeddings, ent_sm_embeddings, rel_ss_embeddings, rel_oo_embeddings, rel_sm_embeddings, irr_w, asym_w)
    loss = jnp.mean(jnp.maximum(pos_score - neg_score + MARGIN, 0.0))
    return loss

if __name__ == "__main__":
    import jax
    _d = setup_inputs()
    print(jax.jit(kernel)(*tuple(_d.values())))

</pallas_src>

<mosaic_0001>
#map = affine_map<(d0, d1) -> (0, 0)>
#map1 = affine_map<(d0, d1) -> (0)>
module attributes {stable_mosaic.version = 14 : i64} {
  func.func @body(%arg0: i32, %arg1: i32, %arg2: memref<50000x256xf32, #tpu.memory_space<hbm>>, %arg3: memref<50000x256xf32, #tpu.memory_space<hbm>>, %arg4: memref<1001x256xf32, #tpu.memory_space<hbm>>, %arg5: memref<1001x256xf32, #tpu.memory_space<hbm>>, %arg6: memref<1001x256xf32, #tpu.memory_space<hbm>>, %arg7: memref<12288xi32, #tpu.memory_space<hbm>>, %arg8: memref<2048x256xf32, #tpu.memory_space<hbm>>, %arg9: memref<2048x256xf32, #tpu.memory_space<hbm>>, %arg10: memref<2048x256xf32, #tpu.memory_space<hbm>>, %arg11: memref<2048x256xf32, #tpu.memory_space<hbm>>, %arg12: memref<2048x256xf32, #tpu.memory_space<hbm>>, %arg13: memref<2048x256xf32, #tpu.memory_space<hbm>>, %arg14: memref<2048x256xf32, #tpu.memory_space<hbm>>, %arg15: memref<2048x256xf32, #tpu.memory_space<hbm>>, %arg16: memref<2048x256xf32, #tpu.memory_space<hbm>>, %arg17: memref<2048x256xf32, #tpu.memory_space<hbm>>, %arg18: memref<2048x256xf32, #tpu.memory_space<hbm>>, %arg19: memref<2048x256xf32, #tpu.memory_space<hbm>>, %arg20: memref<2048x256xf32, #tpu.memory_space<hbm>>, %arg21: memref<2048x256xf32, #tpu.memory_space<hbm>>, %arg22: memref<64xi32, #tpu.memory_space<vmem>>, %arg23: memref<64xi32, #tpu.memory_space<vmem>>, %arg24: memref<64xi32, #tpu.memory_space<vmem>>, %arg25: memref<64xi32, #tpu.memory_space<vmem>>, %arg26: memref<64xi32, #tpu.memory_space<vmem>>, %arg27: memref<64xi32, #tpu.memory_space<vmem>>, %arg28: memref<64x256xf32, #tpu.memory_space<vmem>>, %arg29: memref<64x256xf32, #tpu.memory_space<vmem>>, %arg30: memref<!tpu.dma_semaphore, #tpu.memory_space<semaphore_mem>>, %arg31: memref<!tpu.dma_semaphore, #tpu.memory_space<semaphore_mem>>, %arg32: memref<!tpu.dma_semaphore, #tpu.memory_space<semaphore_mem>>, %arg33: memref<!tpu.dma_semaphore, #tpu.memory_space<semaphore_mem>>) attributes {dimension_semantics = [#tpu.dimension_semantics<core_parallel>, #tpu.dimension_semantics<subcore_parallel>], iteration_bounds = array<i64: 2, 16>, scalar_prefetch = 0 : i64, scratch_operands = 12 : i64, tpu.core_type = #tpu.core_type<sc_vector_subcore>, window_params = [{transform_indices = #map}, {transform_indices = #map}, {transform_indices = #map}, {transform_indices = #map}, {transform_indices = #map}, {transform_indices = #map1}, {transform_indices = #map}, {transform_indices = #map}, {transform_indices = #map}, {transform_indices = #map}, {transform_indices = #map}, {transform_indices = #map}, {transform_indices = #map}, {transform_indices = #map}, {transform_indices = #map}, {transform_indices = #map}, {transform_indices = #map}, {transform_indices = #map}, {transform_indices = #map}, {transform_indices = #map}]} {
    %mul3A = arith.constant 2 : i32
    %mul3A_0 = arith.muli %arg1, %mul3A : i32
    %add3A = arith.addi %mul3A_0, %arg0 : i32
    %mul3A_1 = arith.constant 64 : i32
    %mul3A_2 = arith.muli %add3A, %mul3A_1 : i32
    %add3A_3 = arith.constant 0 : i32
    %add3A_4 = arith.addi %add3A_3, %mul3A_2 : i32
    "tpu.region"() ({
      %run_scoped3A = tpu.sem_alloc : memref<!tpu.dma_semaphore, #tpu.memory_space<semaphore_mem>>
      %dma_start3A_209 = tpu.memref_slice %arg7[%add3A_4] : memref<12288xi32, #tpu.memory_space<hbm>> -> memref<64xi32, #tpu.memory_space<hbm>>
      %dma_start3A_210 = tpu.memref_slice %arg7[%add3A_4] : memref<12288xi32, #tpu.memory_space<hbm>> -> memref<64xi32, #tpu.memory_space<hbm>>
      tpu.enqueue_dma source(%dma_start3A_210 : memref<64xi32, #tpu.memory_space<hbm>>) target(%arg22 : memref<64xi32, #tpu.memory_space<vmem>>) target_semaphore(%run_scoped3A : memref<!tpu.dma_semaphore, #tpu.memory_space<semaphore_mem>>)
      %dma_wait3A_211 = tpu.memref_slice %arg7[%add3A_4] : memref<12288xi32, #tpu.memory_space<hbm>> -> memref<64xi32, #tpu.memory_space<hbm>>
      %dma_wait3A_212 = tpu.memref_slice %arg7[%add3A_4] : memref<12288xi32, #tpu.memory_space<hbm>> -> memref<64xi32, #tpu.memory_space<hbm>>
      tpu.wait_dma2 semaphore(%run_scoped3A : memref<!tpu.dma_semaphore, #tpu.memory_space<semaphore_mem>>) src(%dma_wait3A_212 : memref<64xi32, #tpu.memory_space<hbm>>) dst(%arg22 : memref<64xi32, #tpu.memory_space<vmem>>)
      tpu.yield
    }) : () -> ()
    %add3A_5 = arith.constant 2048 : i32
    %add3A_6 = arith.addi %add3A_5, %mul3A_2 : i32
    "tpu.region"() ({
      %run_scoped3A = tpu.sem_alloc : memref<!tpu.dma_semaphore, #tpu.memory_space<semaphore_mem>>
      %dma_start3A_209 = tpu.memref_slice %arg7[%add3A_6] : memref<12288xi32, #tpu.memory_space<hbm>> -> memref<64xi32, #tpu.memory_space<hbm>>
      %dma_start3A_210 = tpu.memref_slice %arg7[%add3A_6] : memref<12288xi32, #tpu.memory_space<hbm>> -> memref<64xi32, #tpu.memory_space<hbm>>
      tpu.enqueue_dma source(%dma_start3A_210 : memref<64xi32, #tpu.memory_space<hbm>>) target(%arg23 : memref<64xi32, #tpu.memory_space<vmem>>) target_semaphore(%run_scoped3A : memref<!tpu.dma_semaphore, #tpu.memory_space<semaphore_mem>>)
      %dma_wait3A_211 = tpu.memref_slice %arg7[%add3A_6] : memref<12288xi32, #tpu.memory_space<hbm>> -> memref<64xi32, #tpu.memory_space<hbm>>
      %dma_wait3A_212 = tpu.memref_slice %arg7[%add3A_6] : memref<12288xi32, #tpu.memory_space<hbm>> -> memref<64xi32, #tpu.memory_space<hbm>>
      tpu.wait_dma2 semaphore(%run_scoped3A : memref<!tpu.dma_semaphore, #tpu.memory_space<semaphore_mem>>) src(%dma_wait3A_212 : memref<64xi32, #tpu.memory_space<hbm>>) dst(%arg23 : memref<64xi32, #tpu.memory_space<vmem>>)
      tpu.yield
    }) : () -> ()
    %add3A_7 = arith.constant 4096 : i32
    %add3A_8 = arith.addi %add3A_7, %mul3A_2 : i32
    "tpu.region"() ({
      %run_scoped3A = tpu.sem_alloc : memref<!tpu.dma_semaphore, #tpu.memory_space<semaphore_mem>>
      %dma_start3A_209 = tpu.memref_slice %arg7[%add3A_8] : memref<12288xi32, #tpu.memory_space<hbm>> -> memref<64xi32, #tpu.memory_space<hbm>>
      %dma_start3A_210 = tpu.memref_slice %arg7[%add3A_8] : memref<12288xi32, #tpu.memory_space<hbm>> -> memref<64xi32, #tpu.memory_space<hbm>>
      tpu.enqueue_dma source(%dma_start3A_210 : memref<64xi32, #tpu.memory_space<hbm>>) target(%arg24 : memref<64xi32, #tpu.memory_space<vmem>>) target_semaphore(%run_scoped3A : memref<!tpu.dma_semaphore, #tpu.memory_space<semaphore_mem>>)
      %dma_wait3A_211 = tpu.memref_slice %arg7[%add3A_8] : memref<12288xi32, #tpu.memory_space<hbm>> -> memref<64xi32, #tpu.memory_space<hbm>>
      %dma_wait3A_212 = tpu.memref_slice %arg7[%add3A_8] : memref<12288xi32, #tpu.memory_space<hbm>> -> memref<64xi32, #tpu.memory_space<hbm>>
      tpu.wait_dma2 semaphore(%run_scoped3A : memref<!tpu.dma_semaphore, #tpu.memory_space<semaphore_mem>>) src(%dma_wait3A_212 : memref<64xi32, #tpu.memory_space<hbm>>) dst(%arg24 : memref<64xi32, #tpu.memory_space<vmem>>)
      tpu.yield
    }) : () -> ()
    %add3A_9 = arith.constant 6144 : i32
    %add3A_10 = arith.addi %add3A_9, %mul3A_2 : i32
    "tpu.region"() ({
      %run_scoped3A = tpu.sem_alloc : memref<!tpu.dma_semaphore, #tpu.memory_space<semaphore_mem>>
      %dma_start3A_209 = tpu.memref_slice %arg7[%add3A_10] : memref<12288xi32, #tpu.memory_space<hbm>> -> memref<64xi32, #tpu.memory_space<hbm>>
      %dma_start3A_210 = tpu.memref_slice %arg7[%add3A_10] : memref<12288xi32, #tpu.memory_space<hbm>> -> memref<64xi32, #tpu.memory_space<hbm>>
      tpu.enqueue_dma source(%dma_start3A_210 : memref<64xi32, #tpu.memory_space<hbm>>) target(%arg25 : memref<64xi32, #tpu.memory_space<vmem>>) target_semaphore(%run_scoped3A : memref<!tpu.dma_semaphore, #tpu.memory_space<semaphore_mem>>)
      %dma_wait3A_211 = tpu.memref_slice %arg7[%add3A_10] : memref<12288xi32, #tpu.memory_space<hbm>> -> memref<64xi32, #tpu.memory_space<hbm>>
      %dma_wait3A_212 = tpu.memref_slice %arg7[%add3A_10] : memref<12288xi32, #tpu.memory_space<hbm>> -> memref<64xi32, #tpu.memory_space<hbm>>
      tpu.wait_dma2 semaphore(%run_scoped3A : memref<!tpu.dma_semaphore, #tpu.memory_space<semaphore_mem>>) src(%dma_wait3A_212 : memref<64xi32, #tpu.memory_space<hbm>>) dst(%arg25 : memref<64xi32, #tpu.memory_space<vmem>>)
      tpu.yield
    }) : () -> ()
    %add3A_11 = arith.constant 8192 : i32
    %add3A_12 = arith.addi %add3A_11, %mul3A_2 : i32
    "tpu.region"() ({
      %run_scoped3A = tpu.sem_alloc : memref<!tpu.dma_semaphore, #tpu.memory_space<semaphore_mem>>
      %dma_start3A_209 = tpu.memref_slice %arg7[%add3A_12] : memref<12288xi32, #tpu.memory_space<hbm>> -> memref<64xi32, #tpu.memory_space<hbm>>
      %dma_start3A_210 = tpu.memref_slice %arg7[%add3A_12] : memref<12288xi32, #tpu.memory_space<hbm>> -> memref<64xi32, #tpu.memory_space<hbm>>
      tpu.enqueue_dma source(%dma_start3A_210 : memref<64xi32, #tpu.memory_space<hbm>>) target(%arg26 : memref<64xi32, #tpu.memory_space<vmem>>) target_semaphore(%run_scoped3A : memref<!tpu.dma_semaphore, #tpu.memory_space<semaphore_mem>>)
      %dma_wait3A_211 = tpu.memref_slice %arg7[%add3A_12] : memref<12288xi32, #tpu.memory_space<hbm>> -> memref<64xi32, #tpu.memory_space<hbm>>
      %dma_wait3A_212 = tpu.memref_slice %arg7[%add3A_12] : memref<12288xi32, #tpu.memory_space<hbm>> -> memref<64xi32, #tpu.memory_space<hbm>>
      tpu.wait_dma2 semaphore(%run_scoped3A : memref<!tpu.dma_semaphore, #tpu.memory_space<semaphore_mem>>) src(%dma_wait3A_212 : memref<64xi32, #tpu.memory_space<hbm>>) dst(%arg26 : memref<64xi32, #tpu.memory_space<vmem>>)
      tpu.yield
    }) : () -> ()
    %add3A_13 = arith.constant 10240 : i32
    %add3A_14 = arith.addi %add3A_13, %mul3A_2 : i32
    "tpu.region"() ({
      %run_scoped3A = tpu.sem_alloc : memref<!tpu.dma_semaphore, #tpu.memory_space<semaphore_mem>>
      %dma_start3A_209 = tpu.memref_slice %arg7[%add3A_14] : memref<12288xi32, #tpu.memory_space<hbm>> -> memref<64xi32, #tpu.memory_space<hbm>>
      %dma_start3A_210 = tpu.memref_slice %arg7[%add3A_14] : memref<12288xi32, #tpu.memory_space<hbm>> -> memref<64xi32, #tpu.memory_space<hbm>>
      tpu.enqueue_dma source(%dma_start3A_210 : memref<64xi32, #tpu.memory_space<hbm>>) target(%arg27 : memref<64xi32, #tpu.memory_space<vmem>>) target_semaphore(%run_scoped3A : memref<!tpu.dma_semaphore, #tpu.memory_space<semaphore_mem>>)
      %dma_wait3A_211 = tpu.memref_slice %arg7[%add3A_14] : memref<12288xi32, #tpu.memory_space<hbm>> -> memref<64xi32, #tpu.memory_space<hbm>>
      %dma_wait3A_212 = tpu.memref_slice %arg7[%add3A_14] : memref<12288xi32, #tpu.memory_space<hbm>> -> memref<64xi32, #tpu.memory_space<hbm>>
      tpu.wait_dma2 semaphore(%run_scoped3A : memref<!tpu.dma_semaphore, #tpu.memory_space<semaphore_mem>>) src(%dma_wait3A_212 : memref<64xi32, #tpu.memory_space<hbm>>) dst(%arg27 : memref<64xi32, #tpu.memory_space<vmem>>)
      tpu.yield
    }) : () -> ()
    %dma_start3A = arith.constant 0 : i32
    %dma_start3A_15 = arith.constant 0 : i32
    %dma_start3A_16 = tpu.memref_slice %arg2[%dma_start3A, %dma_start3A_15] : memref<50000x256xf32, #tpu.memory_space<hbm>> -> memref<50000x256xf32, #tpu.memory_space<hbm>>
    tpu.enqueue_indirect_dma source(%dma_start3A_16 : memref<50000x256xf32, #tpu.memory_space<hbm>>) target(%arg28 : memref<64x256xf32, #tpu.memory_space<vmem>>) offsets(%arg22 : memref<64xi32, #tpu.memory_space<vmem>>) semaphore(%arg30 : memref<!tpu.dma_semaphore, #tpu.memory_space<semaphore_mem>>)
    %dma_start3A_17 = arith.constant 0 : i32
    %dma_start3A_18 = arith.constant 0 : i32
    %dma_start3A_19 = tpu.memref_slice %arg2[%dma_start3A_17, %dma_start3A_18] : memref<50000x256xf32, #tpu.memory_space<hbm>> -> memref<50000x256xf32, #tpu.memory_space<hbm>>
    tpu.enqueue_indirect_dma source(%dma_start3A_19 : memref<50000x256xf32, #tpu.memory_space<hbm>>) target(%arg29 : memref<64x256xf32, #tpu.memory_space<vmem>>) offsets(%arg23 : memref<64xi32, #tpu.memory_space<vmem>>) semaphore(%arg31 : memref<!tpu.dma_semaphore, #tpu.memory_space<semaphore_mem>>)
    %dma_wait3A = arith.constant 0 : i32
    %dma_wait3A_20 = arith.constant 0 : i32
    %dma_wait3A_21 = tpu.memref_slice %arg2[%dma_wait3A, %dma_wait3A_20] : memref<50000x256xf32, #tpu.memory_space<hbm>> -> memref<50000x256xf32, #tpu.memory_space<hbm>>
    tpu.wait_indirect_dma semaphore(%arg30 : memref<!tpu.dma_semaphore, #tpu.memory_space<semaphore_mem>>) src(%dma_wait3A_21 : memref<50000x256xf32, #tpu.memory_space<hbm>>) dst(%arg28 : memref<64x256xf32, #tpu.memory_space<vmem>>)
    %dma_start3A_22 = arith.constant 0 : i32
    %dma_start3A_23 = tpu.memref_slice %arg8[%mul3A_2, %dma_start3A_22] : memref<2048x256xf32, #tpu.memory_space<hbm>> -> memref<64x256xf32, #tpu.memory_space<hbm>>
    %dma_start3A_24 = arith.constant 0 : i32
    %dma_start3A_25 = tpu.memref_slice %arg8[%mul3A_2, %dma_start3A_24] : memref<2048x256xf32, #tpu.memory_space<hbm>> -> memref<64x256xf32, #tpu.memory_space<hbm>>
    tpu.enqueue_dma source(%arg28 : memref<64x256xf32, #tpu.memory_space<vmem>>) target(%dma_start3A_25 : memref<64x256xf32, #tpu.memory_space<hbm>>) target_semaphore(%arg32 : memref<!tpu.dma_semaphore, #tpu.memory_space<semaphore_mem>>)
    %dma_wait3A_26 = arith.constant 0 : i32
    %dma_wait3A_27 = tpu.memref_slice %arg8[%mul3A_2, %dma_wait3A_26] : memref<2048x256xf32, #tpu.memory_space<hbm>> -> memref<64x256xf32, #tpu.memory_space<hbm>>
    %dma_wait3A_28 = arith.constant 0 : i32
    %dma_wait3A_29 = tpu.memref_slice %arg8[%mul3A_2, %dma_wait3A_28] : memref<2048x256xf32, #tpu.memory_space<hbm>> -> memref<64x256xf32, #tpu.memory_space<hbm>>
    tpu.wait_dma2 semaphore(%arg32 : memref<!tpu.dma_semaphore, #tpu.memory_space<semaphore_mem>>) src(%arg28 : memref<64x256xf32, #tpu.memory_space<vmem>>) dst(%dma_wait3A_29 : memref<64x256xf32, #tpu.memory_space<hbm>>)
    %dma_start3A_30 = arith.constant 0 : i32
    %dma_start3A_31 = arith.constant 0 : i32
    %dma_start3A_32 = tpu.memref_slice %arg3[%dma_start3A_30, %dma_start3A_31] : memref<50000x256xf32, #tpu.memory_space<hbm>> -> memref<50000x256xf32, #tpu.memory_space<hbm>>
    tpu.enqueue_indirect_dma source(%dma_start3A_32 : memref<50000x256xf32, #tpu.memory_space<hbm>>) target(%arg28 : memref<64x256xf32, #tpu.memory_space<vmem>>) offsets(%arg22 : memref<64xi32, #tpu.memory_space<vmem>>) semaphore(%arg30 : memref<!tpu.dma_semaphore, #tpu.memory_space<semaphore_mem>>)
    %dma_wait3A_33 = arith.constant 0 : i32
    %dma_wait3A_34 = arith.constant 0 : i32
    %dma_wait3A_35 = tpu.memref_slice %arg2[%dma_wait3A_33, %dma_wait3A_34] : memref<50000x256xf32, #tpu.memory_space<hbm>> -> memref<50000x256xf32, #tpu.memory_space<hbm>>
    tpu.wait_indirect_dma semaphore(%arg31 : memref<!tpu.dma_semaphore, #tpu.memory_space<semaphore_mem>>) src(%dma_wait3A_35 : memref<50000x256xf32, #tpu.memory_space<hbm>>) dst(%arg29 : memref<64x256xf32, #tpu.memory_space<vmem>>)
    %dma_start3A_36 = arith.constant 0 : i32
    %dma_start3A_37 = tpu.memref_slice %arg9[%mul3A_2, %dma_start3A_36] : memref<2048x256xf32, #tpu.memory_space<hbm>> -> memref<64x256xf32, #tpu.memory_space<hbm>>
    %dma_start3A_38 = arith.constant 0 : i32
    %dma_start3A_39 = tpu.memref_slice %arg9[%mul3A_2, %dma_start3A_38] : memref<2048x256xf32, #tpu.memory_space<hbm>> -> memref<64x256xf32, #tpu.memory_space<hbm>>
    tpu.enqueue_dma source(%arg29 : memref<64x256xf32, #tpu.memory_space<vmem>>) target(%dma_start3A_39 : memref<64x256xf32, #tpu.memory_space<hbm>>) target_semaphore(%arg33 : memref<!tpu.dma_semaphore, #tpu.memory_space<semaphore_mem>>)
    %dma_wait3A_40 = arith.constant 0 : i32
    %dma_wait3A_41 = tpu.memref_slice %arg9[%mul3A_2, %dma_wait3A_40] : memref<2048x256xf32, #tpu.memory_space<hbm>> -> memref<64x256xf32, #tpu.memory_space<hbm>>
    %dma_wait3A_42 = arith.constant 0 : i32
    %dma_wait3A_43 = tpu.memref_slice %arg9[%mul3A_2, %dma_wait3A_42] : memref<2048x256xf32, #tpu.memory_space<hbm>> -> memref<64x256xf32, #tpu.memory_space<hbm>>
    tpu.wait_dma2 semaphore(%arg33 : memref<!tpu.dma_semaphore, #tpu.memory_space<semaphore_mem>>) src(%arg29 : memref<64x256xf32, #tpu.memory_space<vmem>>) dst(%dma_wait3A_43 : memref<64x256xf32, #tpu.memory_space<hbm>>)
    %dma_start3A_44 = arith.constant 0 : i32
    %dma_start3A_45 = arith.constant 0 : i32
    %dma_start3A_46 = tpu.memref_slice %arg3[%dma_start3A_44, %dma_start3A_45] : memref<50000x256xf32, #tpu.memory_space<hbm>> -> memref<50000x256xf32, #tpu.memory_space<hbm>>
    tpu.enqueue_indirect_dma source(%dma_start3A_46 : memref<50000x256xf32, #tpu.memory_space<hbm>>) target(%arg29 : memref<64x256xf32, #tpu.memory_space<vmem>>) offsets(%arg23 : memref<64xi32, #tpu.memory_space<vmem>>) semaphore(%arg31 : memref<!tpu.dma_semaphore, #tpu.memory_space<semaphore_mem>>)
    %dma_wait3A_47 = arith.constant 0 : i32
    %dma_wait3A_48 = arith.constant 0 : i32
    %dma_wait3A_49 = tpu.memref_slice %arg3[%dma_wait3A_47, %dma_wait3A_48] : memref<50000x256xf32, #tpu.memory_space<hbm>> -> memref<50000x256xf32, #tpu.memory_space<hbm>>
    tpu.wait_indirect_dma semaphore(%arg30 : memref<!tpu.dma_semaphore, #tpu.memory_space<semaphore_mem>>) src(%dma_wait3A_49 : memref<50000x256xf32, #tpu.memory_space<hbm>>) dst(%arg28 : memref<64x256xf32, #tpu.memory_space<vmem>>)
    %dma_start3A_50 = arith.constant 0 : i32
    %dma_start3A_51 = tpu.memref_slice %arg10[%mul3A_2, %dma_start3A_50] : memref<2048x256xf32, #tpu.memory_space<hbm>> -> memref<64x256xf32, #tpu.memory_space<hbm>>
    %dma_start3A_52 = arith.constant 0 : i32
    %dma_start3A_53 = tpu.memref_slice %arg10[%mul3A_2, %dma_start3A_52] : memref<2048x256xf32, #tpu.memory_space<hbm>> -> memref<64x256xf32, #tpu.memory_space<hbm>>
    tpu.enqueue_dma source(%arg28 : memref<64x256xf32, #tpu.memory_space<vmem>>) target(%dma_start3A_53 : memref<64x256xf32, #tpu.memory_space<hbm>>) target_semaphore(%arg32 : memref<!tpu.dma_semaphore, #tpu.memory_space<semaphore_mem>>)
    %dma_wait3A_54 = arith.constant 0 : i32
    %dma_wait3A_55 = tpu.memref_slice %arg10[%mul3A_2, %dma_wait3A_54] : memref<2048x256xf32, #tpu.memory_space<hbm>> -> memref<64x256xf32, #tpu.memory_space<hbm>>
    %dma_wait3A_56 = arith.constant 0 : i32
    %dma_wait3A_57 = tpu.memref_slice %arg10[%mul3A_2, %dma_wait3A_56] : memref<2048x256xf32, #tpu.memory_space<hbm>> -> memref<64x256xf32, #tpu.memory_space<hbm>>
    tpu.wait_dma2 semaphore(%arg32 : memref<!tpu.dma_semaphore, #tpu.memory_space<semaphore_mem>>) src(%arg28 : memref<64x256xf32, #tpu.memory_space<vmem>>) dst(%dma_wait3A_57 : memref<64x256xf32, #tpu.memory_space<hbm>>)
    %dma_start3A_58 = arith.constant 0 : i32
    %dma_start3A_59 = arith.constant 0 : i32
    %dma_start3A_60 = tpu.memref_slice %arg2[%dma_start3A_58, %dma_start3A_59] : memref<50000x256xf32, #tpu.memory_space<hbm>> -> memref<50000x256xf32, #tpu.memory_space<hbm>>
    tpu.enqueue_indirect_dma source(%dma_start3A_60 : memref<50000x256xf32, #tpu.memory_space<hbm>>) target(%arg28 : memref<64x256xf32, #tpu.memory_space<vmem>>) offsets(%arg24 : memref<64xi32, #tpu.memory_space<vmem>>) semaphore(%arg30 : memref<!tpu.dma_semaphore, #tpu.memory_space<semaphore_mem>>)
    %dma_wait3A_61 = arith.constant 0 : i32
    %dma_wait3A_62 = arith.constant 0 : i32
    %dma_wait3A_63 = tpu.memref_slice %arg3[%dma_wait3A_61, %dma_wait3A_62] : memref<50000x256xf32, #tpu.memory_space<hbm>> -> memref<50000x256xf32, #tpu.memory_space<hbm>>
    tpu.wait_indirect_dma semaphore(%arg31 : memref<!tpu.dma_semaphore, #tpu.memory_space<semaphore_mem>>) src(%dma_wait3A_63 : memref<50000x256xf32, #tpu.memory_space<hbm>>) dst(%arg29 : memref<64x256xf32, #tpu.memory_space<vmem>>)
    %dma_start3A_64 = arith.constant 0 : i32
    %dma_start3A_65 = tpu.memref_slice %arg11[%mul3A_2, %dma_start3A_64] : memref<2048x256xf32, #tpu.memory_space<hbm>> -> memref<64x256xf32, #tpu.memory_space<hbm>>
    %dma_start3A_66 = arith.constant 0 : i32
    %dma_start3A_67 = tpu.memref_slice %arg11[%mul3A_2, %dma_start3A_66] : memref<2048x256xf32, #tpu.memory_space<hbm>> -> memref<64x256xf32, #tpu.memory_space<hbm>>
    tpu.enqueue_dma source(%arg29 : memref<64x256xf32, #tpu.memory_space<vmem>>) target(%dma_start3A_67 : memref<64x256xf32, #tpu.memory_space<hbm>>) target_semaphore(%arg33 : memref<!tpu.dma_semaphore, #tpu.memory_space<semaphore_mem>>)
    %dma_wait3A_68 = arith.constant 0 : i32
    %dma_wait3A_69 = tpu.memref_slice %arg11[%mul3A_2, %dma_wait3A_68] : memref<2048x256xf32, #tpu.memory_space<hbm>> -> memref<64x256xf32, #tpu.memory_space<hbm>>
    %dma_wait3A_70 = arith.constant 0 : i32
    %dma_wait3A_71 = tpu.memref_slice %arg11[%mul3A_2, %dma_wait3A_70] : memref<2048x256xf32, #tpu.memory_space<hbm>> -> memref<64x256xf32, #tpu.memory_space<hbm>>
    tpu.wait_dma2 semaphore(%arg33 : memref<!tpu.dma_semaphore, #tpu.memory_space<semaphore_mem>>) src(%arg29 : memref<64x256xf32, #tpu.memory_space<vmem>>) dst(%dma_wait3A_71 : memref<64x256xf32, #tpu.memory_space<hbm>>)
    %dma_start3A_72 = arith.constant 0 : i32
    %dma_start3A_73 = arith.constant 0 : i32
    %dma_start3A_74 = tpu.memref_slice %arg2[%dma_start3A_72, %dma_start3A_73] : memref<50000x256xf32, #tpu.memory_space<hbm>> -> memref<50000x256xf32, #tpu.memory_space<hbm>>
    tpu.enqueue_indirect_dma source(%dma_start3A_74 : memref<50000x256xf32, #tpu.memory_space<hbm>>) target(%arg29 : memref<64x256xf32, #tpu.memory_space<vmem>>) offsets(%arg25 : memref<64xi32, #tpu.memory_space<vmem>>) semaphore(%arg31 : memref<!tpu.dma_semaphore, #tpu.memory_space<semaphore_mem>>)
    %dma_wait3A_75 = arith.constant 0 : i32
    %dma_wait3A_76 = arith.constant 0 : i32
    %dma_wait3A_77 = tpu.memref_slice %arg2[%dma_wait3A_75, %dma_wait3A_76] : memref<50000x256xf32, #tpu.memory_space<hbm>> -> memref<50000x256xf32, #tpu.memory_space<hbm>>
    tpu.wait_indirect_dma semaphore(%arg30 : memref<!tpu.dma_semaphore, #tpu.memory_space<semaphore_mem>>) src(%dma_wait3A_77 : memref<50000x256xf32, #tpu.memory_space<hbm>>) dst(%arg28 : memref<64x256xf32, #tpu.memory_space<vmem>>)
    %dma_start3A_78 = arith.constant 0 : i32
    %dma_start3A_79 = tpu.memref_slice %arg12[%mul3A_2, %dma_start3A_78] : memref<2048x256xf32, #tpu.memory_space<hbm>> -> memref<64x256xf32, #tpu.memory_space<hbm>>
    %dma_start3A_80 = arith.constant 0 : i32
    %dma_start3A_81 = tpu.memref_slice %arg12[%mul3A_2, %dma_start3A_80] : memref<2048x256xf32, #tpu.memory_space<hbm>> -> memref<64x256xf32, #tpu.memory_space<hbm>>
    tpu.enqueue_dma source(%arg28 : memref<64x256xf32, #tpu.memory_space<vmem>>) target(%dma_start3A_81 : memref<64x256xf32, #tpu.memory_space<hbm>>) target_semaphore(%arg32 : memref<!tpu.dma_semaphore, #tpu.memory_space<semaphore_mem>>)
    %dma_wait3A_82 = arith.constant 0 : i32
    %dma_wait3A_83 = tpu.memref_slice %arg12[%mul3A_2, %dma_wait3A_82] : memref<2048x256xf32, #tpu.memory_space<hbm>> -> memref<64x256xf32, #tpu.memory_space<hbm>>
    %dma_wait3A_84 = arith.constant 0 : i32
    %dma_wait3A_85 = tpu.memref_slice %arg12[%mul3A_2, %dma_wait3A_84] : memref<2048x256xf32, #tpu.memory_space<hbm>> -> memref<64x256xf32, #tpu.memory_space<hbm>>
    tpu.wait_dma2 semaphore(%arg32 : memref<!tpu.dma_semaphore, #tpu.memory_space<semaphore_mem>>) src(%arg28 : memref<64x256xf32, #tpu.memory_space<vmem>>) dst(%dma_wait3A_85 : memref<64x256xf32, #tpu.memory_space<hbm>>)
    %dma_start3A_86 = arith.constant 0 : i32
    %dma_start3A_87 = arith.constant 0 : i32
    %dma_start3A_88 = tpu.memref_slice %arg3[%dma_start3A_86, %dma_start3A_87] : memref<50000x256xf32, #tpu.memory_space<hbm>> -> memref<50000x256xf32, #tpu.memory_space<hbm>>
    tpu.enqueue_indirect_dma source(%dma_start3A_88 : memref<50000x256xf32, #tpu.memory_space<hbm>>) target(%arg28 : memref<64x256xf32, #tpu.memory_space<vmem>>) offsets(%arg24 : memref<64xi32, #tpu.memory_space<vmem>>) semaphore(%arg30 : memref<!tpu.dma_semaphore, #tpu.memory_space<semaphore_mem>>)
    %dma_wait3A_89 = arith.constant 0 : i32
    %dma_wait3A_90 = arith.constant 0 : i32
    %dma_wait3A_91 = tpu.memref_slice %arg2[%dma_wait3A_89, %dma_wait3A_90] : memref<50000x256xf32, #tpu.memory_space<hbm>> -> memref<50000x256xf32, #tpu.memory_space<hbm>>
    tpu.wait_indirect_dma semaphore(%arg31 : memref<!tpu.dma_semaphore, #tpu.memory_space<semaphore_mem>>) src(%dma_wait3A_91 : memref<50000x256xf32, #tpu.memory_space<hbm>>) dst(%arg29 : memref<64x256xf32, #tpu.memory_space<vmem>>)
    %dma_start3A_92 = arith.constant 0 : i32
    %dma_start3A_93 = tpu.memref_slice %arg13[%mul3A_2, %dma_start3A_92] : memref<2048x256xf32, #tpu.memory_space<hbm>> -> memref<64x256xf32, #tpu.memory_space<hbm>>
    %dma_start3A_94 = arith.constant 0 : i32
    %dma_start3A_95 = tpu.memref_slice %arg13[%mul3A_2, %dma_start3A_94] : memref<2048x256xf32, #tpu.memory_space<hbm>> -> memref<64x256xf32, #tpu.memory_space<hbm>>
    tpu.enqueue_dma source(%arg29 : memref<64x256xf32, #tpu.memory_space<vmem>>) target(%dma_start3A_95 : memref<64x256xf32, #tpu.memory_space<hbm>>) target_semaphore(%arg33 : memref<!tpu.dma_semaphore, #tpu.memory_space<semaphore_mem>>)
    %dma_wait3A_96 = arith.constant 0 : i32
    %dma_wait3A_97 = tpu.memref_slice %arg13[%mul3A_2, %dma_wait3A_96] : memref<2048x256xf32, #tpu.memory_space<hbm>> -> memref<64x256xf32, #tpu.memory_space<hbm>>
    %dma_wait3A_98 = arith.constant 0 : i32
    %dma_wait3A_99 = tpu.memref_slice %arg13[%mul3A_2, %dma_wait3A_98] : memref<2048x256xf32, #tpu.memory_space<hbm>> -> memref<64x256xf32, #tpu.memory_space<hbm>>
    tpu.wait_dma2 semaphore(%arg33 : memref<!tpu.dma_semaphore, #tpu.memory_space<semaphore_mem>>) src(%arg29 : memref<64x256xf32, #tpu.memory_space<vmem>>) dst(%dma_wait3A_99 : memref<64x256xf32, #tpu.memory_space<hbm>>)
    %dma_start3A_100 = arith.constant 0 : i32
    %dma_start3A_101 = arith.constant 0 : i32
    %dma_start3A_102 = tpu.memref_slice %arg3[%dma_start3A_100, %dma_start3A_101] : memref<50000x256xf32, #tpu.memory_space<hbm>> -> memref<50000x256xf32, #tpu.memory_space<hbm>>
    tpu.enqueue_indirect_dma source(%dma_start3A_102 : memref<50000x256xf32, #tpu.memory_space<hbm>>) target(%arg29 : memref<64x256xf32, #tpu.memory_space<vmem>>) offsets(%arg25 : memref<64xi32, #tpu.memory_space<vmem>>) semaphore(%arg31 : memref<!tpu.dma_semaphore, #tpu.memory_space<semaphore_mem>>)
    %dma_wait3A_103 = arith.constant 0 : i32
    %dma_wait3A_104 = arith.constant 0 : i32
    %dma_wait3A_105 = tpu.memref_slice %arg3[%dma_wait3A_103, %dma_wait3A_104] : memref<50000x256xf32, #tpu.memory_space<hbm>> -> memref<50000x256xf32, #tpu.memory_space<hbm>>
    tpu.wait_indirect_dma semaphore(%arg30 : memref<!tpu.dma_semaphore, #tpu.memory_space<semaphore_mem>>) src(%dma_wait3A_105 : memref<50000x256xf32, #tpu.memory_space<hbm>>) dst(%arg28 : memref<64x256xf32, #tpu.memory_space<vmem>>)
    %dma_start3A_106 = arith.constant 0 : i32
    %dma_start3A_107 = tpu.memref_slice %arg14[%mul3A_2, %dma_start3A_106] : memref<2048x256xf32, #tpu.memory_space<hbm>> -> memref<64x256xf32, #tpu.memory_space<hbm>>
    %dma_start3A_108 = arith.constant 0 : i32
    %dma_start3A_109 = tpu.memref_slice %arg14[%mul3A_2, %dma_start3A_108] : memref<2048x256xf32, #tpu.memory_space<hbm>> -> memref<64x256xf32, #tpu.memory_space<hbm>>
    tpu.enqueue_dma source(%arg28 : memref<64x256xf32, #tpu.memory_space<vmem>>) target(%dma_start3A_109 : memref<64x256xf32, #tpu.memory_space<hbm>>) target_semaphore(%arg32 : memref<!tpu.dma_semaphore, #tpu.memory_space<semaphore_mem>>)
    %dma_wait3A_110 = arith.constant 0 : i32
    %dma_wait3A_111 = tpu.memref_slice %arg14[%mul3A_2, %dma_wait3A_110] : memref<2048x256xf32, #tpu.memory_space<hbm>> -> memref<64x256xf32, #tpu.memory_space<hbm>>
    %dma_wait3A_112 = arith.constant 0 : i32
    %dma_wait3A_113 = tpu.memref_slice %arg14[%mul3A_2, %dma_wait3A_112] : memref<2048x256xf32, #tpu.memory_space<hbm>> -> memref<64x256xf32, #tpu.memory_space<hbm>>
    tpu.wait_dma2 semaphore(%arg32 : memref<!tpu.dma_semaphore, #tpu.memory_space<semaphore_mem>>) src(%arg28 : memref<64x256xf32, #tpu.memory_space<vmem>>) dst(%dma_wait3A_113 : memref<64x256xf32, #tpu.memory_space<hbm>>)
    %dma_start3A_114 = arith.constant 0 : i32
    %dma_start3A_115 = arith.constant 0 : i32
    %dma_start3A_116 = tpu.memref_slice %arg4[%dma_start3A_114, %dma_start3A_115] : memref<1001x256xf32, #tpu.memory_space<hbm>> -> memref<1001x256xf32, #tpu.memory_space<hbm>>
    tpu.enqueue_indirect_dma source(%dma_start3A_116 : memref<1001x256xf32, #tpu.memory_space<hbm>>) target(%arg28 : memref<64x256xf32, #tpu.memory_space<vmem>>) offsets(%arg26 : memref<64xi32, #tpu.memory_space<vmem>>) semaphore(%arg30 : memref<!tpu.dma_semaphore, #tpu.memory_space<semaphore_mem>>)
    %dma_wait3A_117 = arith.constant 0 : i32
    %dma_wait3A_118 = arith.constant 0 : i32
    %dma_wait3A_119 = tpu.memref_slice %arg3[%dma_wait3A_117, %dma_wait3A_118] : memref<50000x256xf32, #tpu.memory_space<hbm>> -> memref<50000x256xf32, #tpu.memory_space<hbm>>
    tpu.wait_indirect_dma semaphore(%arg31 : memref<!tpu.dma_semaphore, #tpu.memory_space<semaphore_mem>>) src(%dma_wait3A_119 : memref<50000x256xf32, #tpu.memory_space<hbm>>) dst(%arg29 : memref<64x256xf32, #tpu.memory_space<vmem>>)
    %dma_start3A_120 = arith.constant 0 : i32
    %dma_start3A_121 = tpu.memref_slice %arg15[%mul3A_2, %dma_start3A_120] : memref<2048x256xf32, #tpu.memory_space<hbm>> -> memref<64x256xf32, #tpu.memory_space<hbm>>
    %dma_start3A_122 = arith.constant 0 : i32
    %dma_start3A_123 = tpu.memref_slice %arg15[%mul3A_2, %dma_start3A_122] : memref<2048x256xf32, #tpu.memory_space<hbm>> -> memref<64x256xf32, #tpu.memory_space<hbm>>
    tpu.enqueue_dma source(%arg29 : memref<64x256xf32, #tpu.memory_space<vmem>>) target(%dma_start3A_123 : memref<64x256xf32, #tpu.memory_space<hbm>>) target_semaphore(%arg33 : memref<!tpu.dma_semaphore, #tpu.memory_space<semaphore_mem>>)
    %dma_wait3A_124 = arith.constant 0 : i32
    %dma_wait3A_125 = tpu.memref_slice %arg15[%mul3A_2, %dma_wait3A_124] : memref<2048x256xf32, #tpu.memory_space<hbm>> -> memref<64x256xf32, #tpu.memory_space<hbm>>
    %dma_wait3A_126 = arith.constant 0 : i32
    %dma_wait3A_127 = tpu.memref_slice %arg15[%mul3A_2, %dma_wait3A_126] : memref<2048x256xf32, #tpu.memory_space<hbm>> -> memref<64x256xf32, #tpu.memory_space<hbm>>
    tpu.wait_dma2 semaphore(%arg33 : memref<!tpu.dma_semaphore, #tpu.memory_space<semaphore_mem>>) src(%arg29 : memref<64x256xf32, #tpu.memory_space<vmem>>) dst(%dma_wait3A_127 : memref<64x256xf32, #tpu.memory_space<hbm>>)
    %dma_start3A_128 = arith.constant 0 : i32
    %dma_start3A_129 = arith.constant 0 : i32
    %dma_start3A_130 = tpu.memref_slice %arg5[%dma_start3A_128, %dma_start3A_129] : memref<1001x256xf32, #tpu.memory_space<hbm>> -> memref<1001x256xf32, #tpu.memory_space<hbm>>
    tpu.enqueue_indirect_dma source(%dma_start3A_130 : memref<1001x256xf32, #tpu.memory_space<hbm>>) target(%arg29 : memref<64x256xf32, #tpu.memory_space<vmem>>) offsets(%arg26 : memref<64xi32, #tpu.memory_space<vmem>>) semaphore(%arg31 : memref<!tpu.dma_semaphore, #tpu.memory_space<semaphore_mem>>)
    %dma_wait3A_131 = arith.constant 0 : i32
    %dma_wait3A_132 = arith.constant 0 : i32
    %dma_wait3A_133 = tpu.memref_slice %arg4[%dma_wait3A_131, %dma_wait3A_132] : memref<1001x256xf32, #tpu.memory_space<hbm>> -> memref<1001x256xf32, #tpu.memory_space<hbm>>
    tpu.wait_indirect_dma semaphore(%arg30 : memref<!tpu.dma_semaphore, #tpu.memory_space<semaphore_mem>>) src(%dma_wait3A_133 : memref<1001x256xf32, #tpu.memory_space<hbm>>) dst(%arg28 : memref<64x256xf32, #tpu.memory_space<vmem>>)
    %dma_start3A_134 = arith.constant 0 : i32
    %dma_start3A_135 = tpu.memref_slice %arg16[%mul3A_2, %dma_start3A_134] : memref<2048x256xf32, #tpu.memory_space<hbm>> -> memref<64x256xf32, #tpu.memory_space<hbm>>
    %dma_start3A_136 = arith.constant 0 : i32
    %dma_start3A_137 = tpu.memref_slice %arg16[%mul3A_2, %dma_start3A_136] : memref<2048x256xf32, #tpu.memory_space<hbm>> -> memref<64x256xf32, #tpu.memory_space<hbm>>
    tpu.enqueue_dma source(%arg28 : memref<64x256xf32, #tpu.memory_space<vmem>>) target(%dma_start3A_137 : memref<64x256xf32, #tpu.memory_space<hbm>>) target_semaphore(%arg32 : memref<!tpu.dma_semaphore, #tpu.memory_space<semaphore_mem>>)
    %dma_wait3A_138 = arith.constant 0 : i32
    %dma_wait3A_139 = tpu.memref_slice %arg16[%mul3A_2, %dma_wait3A_138] : memref<2048x256xf32, #tpu.memory_space<hbm>> -> memref<64x256xf32, #tpu.memory_space<hbm>>
    %dma_wait3A_140 = arith.constant 0 : i32
    %dma_wait3A_141 = tpu.memref_slice %arg16[%mul3A_2, %dma_wait3A_140] : memref<2048x256xf32, #tpu.memory_space<hbm>> -> memref<64x256xf32, #tpu.memory_space<hbm>>
    tpu.wait_dma2 semaphore(%arg32 : memref<!tpu.dma_semaphore, #tpu.memory_space<semaphore_mem>>) src(%arg28 : memref<64x256xf32, #tpu.memory_space<vmem>>) dst(%dma_wait3A_141 : memref<64x256xf32, #tpu.memory_space<hbm>>)
    %dma_start3A_142 = arith.constant 0 : i32
    %dma_start3A_143 = arith.constant 0 : i32
    %dma_start3A_144 = tpu.memref_slice %arg6[%dma_start3A_142, %dma_start3A_143] : memref<1001x256xf32, #tpu.memory_space<hbm>> -> memref<1001x256xf32, #tpu.memory_space<hbm>>
    tpu.enqueue_indirect_dma source(%dma_start3A_144 : memref<1001x256xf32, #tpu.memory_space<hbm>>) target(%arg28 : memref<64x256xf32, #tpu.memory_space<vmem>>) offsets(%arg26 : memref<64xi32, #tpu.memory_space<vmem>>) semaphore(%arg30 : memref<!tpu.dma_semaphore, #tpu.memory_space<semaphore_mem>>)
    %dma_wait3A_145 = arith.constant 0 : i32
    %dma_wait3A_146 = arith.constant 0 : i32
    %dma_wait3A_147 = tpu.memref_slice %arg5[%dma_wait3A_145, %dma_wait3A_146] : memref<1001x256xf32, #tpu.memory_space<hbm>> -> memref<1001x256xf32, #tpu.memory_space<hbm>>
    tpu.wait_indirect_dma semaphore(%arg31 : memref<!tpu.dma_semaphore, #tpu.memory_space<semaphore_mem>>) src(%dma_wait3A_147 : memref<1001x256xf32, #tpu.memory_space<hbm>>) dst(%arg29 : memref<64x256xf32, #tpu.memory_space<vmem>>)
    %dma_start3A_148 = arith.constant 0 : i32
    %dma_start3A_149 = tpu.memref_slice %arg17[%mul3A_2, %dma_start3A_148] : memref<2048x256xf32, #tpu.memory_space<hbm>> -> memref<64x256xf32, #tpu.memory_space<hbm>>
    %dma_start3A_150 = arith.constant 0 : i32
    %dma_start3A_151 = tpu.memref_slice %arg17[%mul3A_2, %dma_start3A_150] : memref<2048x256xf32, #tpu.memory_space<hbm>> -> memref<64x256xf32, #tpu.memory_space<hbm>>
    tpu.enqueue_dma source(%arg29 : memref<64x256xf32, #tpu.memory_space<vmem>>) target(%dma_start3A_151 : memref<64x256xf32, #tpu.memory_space<hbm>>) target_semaphore(%arg33 : memref<!tpu.dma_semaphore, #tpu.memory_space<semaphore_mem>>)
    %dma_wait3A_152 = arith.constant 0 : i32
    %dma_wait3A_153 = tpu.memref_slice %arg17[%mul3A_2, %dma_wait3A_152] : memref<2048x256xf32, #tpu.memory_space<hbm>> -> memref<64x256xf32, #tpu.memory_space<hbm>>
    %dma_wait3A_154 = arith.constant 0 : i32
    %dma_wait3A_155 = tpu.memref_slice %arg17[%mul3A_2, %dma_wait3A_154] : memref<2048x256xf32, #tpu.memory_space<hbm>> -> memref<64x256xf32, #tpu.memory_space<hbm>>
    tpu.wait_dma2 semaphore(%arg33 : memref<!tpu.dma_semaphore, #tpu.memory_space<semaphore_mem>>) src(%arg29 : memref<64x256xf32, #tpu.memory_space<vmem>>) dst(%dma_wait3A_155 : memref<64x256xf32, #tpu.memory_space<hbm>>)
    %dma_start3A_156 = arith.constant 0 : i32
    %dma_start3A_157 = arith.constant 0 : i32
    %dma_start3A_158 = tpu.memref_slice %arg4[%dma_start3A_156, %dma_start3A_157] : memref<1001x256xf32, #tpu.memory_space<hbm>> -> memref<1001x256xf32, #tpu.memory_space<hbm>>
    tpu.enqueue_indirect_dma source(%dma_start3A_158 : memref<1001x256xf32, #tpu.memory_space<hbm>>) target(%arg29 : memref<64x256xf32, #tpu.memory_space<vmem>>) offsets(%arg27 : memref<64xi32, #tpu.memory_space<vmem>>) semaphore(%arg31 : memref<!tpu.dma_semaphore, #tpu.memory_space<semaphore_mem>>)
    %dma_wait3A_159 = arith.constant 0 : i32
    %dma_wait3A_160 = arith.constant 0 : i32
    %dma_wait3A_161 = tpu.memref_slice %arg6[%dma_wait3A_159, %dma_wait3A_160] : memref<1001x256xf32, #tpu.memory_space<hbm>> -> memref<1001x256xf32, #tpu.memory_space<hbm>>
    tpu.wait_indirect_dma semaphore(%arg30 : memref<!tpu.dma_semaphore, #tpu.memory_space<semaphore_mem>>) src(%dma_wait3A_161 : memref<1001x256xf32, #tpu.memory_space<hbm>>) dst(%arg28 : memref<64x256xf32, #tpu.memory_space<vmem>>)
    %dma_start3A_162 = arith.constant 0 : i32
    %dma_start3A_163 = tpu.memref_slice %arg18[%mul3A_2, %dma_start3A_162] : memref<2048x256xf32, #tpu.memory_space<hbm>> -> memref<64x256xf32, #tpu.memory_space<hbm>>
    %dma_start3A_164 = arith.constant 0 : i32
    %dma_start3A_165 = tpu.memref_slice %arg18[%mul3A_2, %dma_start3A_164] : memref<2048x256xf32, #tpu.memory_space<hbm>> -> memref<64x256xf32, #tpu.memory_space<hbm>>
    tpu.enqueue_dma source(%arg28 : memref<64x256xf32, #tpu.memory_space<vmem>>) target(%dma_start3A_165 : memref<64x256xf32, #tpu.memory_space<hbm>>) target_semaphore(%arg32 : memref<!tpu.dma_semaphore, #tpu.memory_space<semaphore_mem>>)
    %dma_wait3A_166 = arith.constant 0 : i32
    %dma_wait3A_167 = tpu.memref_slice %arg18[%mul3A_2, %dma_wait3A_166] : memref<2048x256xf32, #tpu.memory_space<hbm>> -> memref<64x256xf32, #tpu.memory_space<hbm>>
    %dma_wait3A_168 = arith.constant 0 : i32
    %dma_wait3A_169 = tpu.memref_slice %arg18[%mul3A_2, %dma_wait3A_168] : memref<2048x256xf32, #tpu.memory_space<hbm>> -> memref<64x256xf32, #tpu.memory_space<hbm>>
    tpu.wait_dma2 semaphore(%arg32 : memref<!tpu.dma_semaphore, #tpu.memory_space<semaphore_mem>>) src(%arg28 : memref<64x256xf32, #tpu.memory_space<vmem>>) dst(%dma_wait3A_169 : memref<64x256xf32, #tpu.memory_space<hbm>>)
    %dma_start3A_170 = arith.constant 0 : i32
    %dma_start3A_171 = arith.constant 0 : i32
    %dma_start3A_172 = tpu.memref_slice %arg5[%dma_start3A_170, %dma_start3A_171] : memref<1001x256xf32, #tpu.memory_space<hbm>> -> memref<1001x256xf32, #tpu.memory_space<hbm>>
    tpu.enqueue_indirect_dma source(%dma_start3A_172 : memref<1001x256xf32, #tpu.memory_space<hbm>>) target(%arg28 : memref<64x256xf32, #tpu.memory_space<vmem>>) offsets(%arg27 : memref<64xi32, #tpu.memory_space<vmem>>) semaphore(%arg30 : memref<!tpu.dma_semaphore, #tpu.memory_space<semaphore_mem>>)
    %dma_wait3A_173 = arith.constant 0 : i32
    %dma_wait3A_174 = arith.constant 0 : i32
    %dma_wait3A_175 = tpu.memref_slice %arg4[%dma_wait3A_173, %dma_wait3A_174] : memref<1001x256xf32, #tpu.memory_space<hbm>> -> memref<1001x256xf32, #tpu.memory_space<hbm>>
    tpu.wait_indirect_dma semaphore(%arg31 : memref<!tpu.dma_semaphore, #tpu.memory_space<semaphore_mem>>) src(%dma_wait3A_175 : memref<1001x256xf32, #tpu.memory_space<hbm>>) dst(%arg29 : memref<64x256xf32, #tpu.memory_space<vmem>>)
    %dma_start3A_176 = arith.constant 0 : i32
    %dma_start3A_177 = tpu.memref_slice %arg19[%mul3A_2, %dma_start3A_176] : memref<2048x256xf32, #tpu.memory_space<hbm>> -> memref<64x256xf32, #tpu.memory_space<hbm>>
    %dma_start3A_178 = arith.constant 0 : i32
    %dma_start3A_179 = tpu.memref_slice %arg19[%mul3A_2, %dma_start3A_178] : memref<2048x256xf32, #tpu.memory_space<hbm>> -> memref<64x256xf32, #tpu.memory_space<hbm>>
    tpu.enqueue_dma source(%arg29 : memref<64x256xf32, #tpu.memory_space<vmem>>) target(%dma_start3A_179 : memref<64x256xf32, #tpu.memory_space<hbm>>) target_semaphore(%arg33 : memref<!tpu.dma_semaphore, #tpu.memory_space<semaphore_mem>>)
    %dma_wait3A_180 = arith.constant 0 : i32
    %dma_wait3A_181 = tpu.memref_slice %arg19[%mul3A_2, %dma_wait3A_180] : memref<2048x256xf32, #tpu.memory_space<hbm>> -> memref<64x256xf32, #tpu.memory_space<hbm>>
    %dma_wait3A_182 = arith.constant 0 : i32
    %dma_wait3A_183 = tpu.memref_slice %arg19[%mul3A_2, %dma_wait3A_182] : memref<2048x256xf32, #tpu.memory_space<hbm>> -> memref<64x256xf32, #tpu.memory_space<hbm>>
    tpu.wait_dma2 semaphore(%arg33 : memref<!tpu.dma_semaphore, #tpu.memory_space<semaphore_mem>>) src(%arg29 : memref<64x256xf32, #tpu.memory_space<vmem>>) dst(%dma_wait3A_183 : memref<64x256xf32, #tpu.memory_space<hbm>>)
    %dma_start3A_184 = arith.constant 0 : i32
    %dma_start3A_185 = arith.constant 0 : i32
    %dma_start3A_186 = tpu.memref_slice %arg6[%dma_start3A_184, %dma_start3A_185] : memref<1001x256xf32, #tpu.memory_space<hbm>> -> memref<1001x256xf32, #tpu.memory_space<hbm>>
    tpu.enqueue_indirect_dma source(%dma_start3A_186 : memref<1001x256xf32, #tpu.memory_space<hbm>>) target(%arg29 : memref<64x256xf32, #tpu.memory_space<vmem>>) offsets(%arg27 : memref<64xi32, #tpu.memory_space<vmem>>) semaphore(%arg31 : memref<!tpu.dma_semaphore, #tpu.memory_space<semaphore_mem>>)
    %dma_wait3A_187 = arith.constant 0 : i32
    %dma_wait3A_188 = arith.constant 0 : i32
    %dma_wait3A_189 = tpu.memref_slice %arg5[%dma_wait3A_187, %dma_wait3A_188] : memref<1001x256xf32, #tpu.memory_space<hbm>> -> memref<1001x256xf32, #tpu.memory_space<hbm>>
    tpu.wait_indirect_dma semaphore(%arg30 : memref<!tpu.dma_semaphore, #tpu.memory_space<semaphore_mem>>) src(%dma_wait3A_189 : memref<1001x256xf32, #tpu.memory_space<hbm>>) dst(%arg28 : memref<64x256xf32, #tpu.memory_space<vmem>>)
    %dma_start3A_190 = arith.constant 0 : i32
    %dma_start3A_191 = tpu.memref_slice %arg20[%mul3A_2, %dma_start3A_190] : memref<2048x256xf32, #tpu.memory_space<hbm>> -> memref<64x256xf32, #tpu.memory_space<hbm>>
    %dma_start3A_192 = arith.constant 0 : i32
    %dma_start3A_193 = tpu.memref_slice %arg20[%mul3A_2, %dma_start3A_192] : memref<2048x256xf32, #tpu.memory_space<hbm>> -> memref<64x256xf32, #tpu.memory_space<hbm>>
    tpu.enqueue_dma source(%arg28 : memref<64x256xf32, #tpu.memory_space<vmem>>) target(%dma_start3A_193 : memref<64x256xf32, #tpu.memory_space<hbm>>) target_semaphore(%arg32 : memref<!tpu.dma_semaphore, #tpu.memory_space<semaphore_mem>>)
    %dma_wait3A_194 = arith.constant 0 : i32
    %dma_wait3A_195 = arith.constant 0 : i32
    %dma_wait3A_196 = tpu.memref_slice %arg6[%dma_wait3A_194, %dma_wait3A_195] : memref<1001x256xf32, #tpu.memory_space<hbm>> -> memref<1001x256xf32, #tpu.memory_space<hbm>>
    tpu.wait_indirect_dma semaphore(%arg31 : memref<!tpu.dma_semaphore, #tpu.memory_space<semaphore_mem>>) src(%dma_wait3A_196 : memref<1001x256xf32, #tpu.memory_space<hbm>>) dst(%arg29 : memref<64x256xf32, #tpu.memory_space<vmem>>)
    %dma_start3A_197 = arith.constant 0 : i32
    %dma_start3A_198 = tpu.memref_slice %arg21[%mul3A_2, %dma_start3A_197] : memref<2048x256xf32, #tpu.memory_space<hbm>> -> memref<64x256xf32, #tpu.memory_space<hbm>>
    %dma_start3A_199 = arith.constant 0 : i32
    %dma_start3A_200 = tpu.memref_slice %arg21[%mul3A_2, %dma_start3A_199] : memref<2048x256xf32, #tpu.memory_space<hbm>> -> memref<64x256xf32, #tpu.memory_space<hbm>>
    tpu.enqueue_dma source(%arg29 : memref<64x256xf32, #tpu.memory_space<vmem>>) target(%dma_start3A_200 : memref<64x256xf32, #tpu.memory_space<hbm>>) target_semaphore(%arg33 : memref<!tpu.dma_semaphore, #tpu.memory_space<semaphore_mem>>)
    %dma_wait3A_201 = arith.constant 0 : i32
    %dma_wait3A_202 = tpu.memref_slice %arg20[%mul3A_2, %dma_wait3A_201] : memref<2048x256xf32, #tpu.memory_space<hbm>> -> memref<64x256xf32, #tpu.memory_space<hbm>>
    %dma_wait3A_203 = arith.constant 0 : i32
    %dma_wait3A_204 = tpu.memref_slice %arg20[%mul3A_2, %dma_wait3A_203] : memref<2048x256xf32, #tpu.memory_space<hbm>> -> memref<64x256xf32, #tpu.memory_space<hbm>>
    tpu.wait_dma2 semaphore(%arg32 : memref<!tpu.dma_semaphore, #tpu.memory_space<semaphore_mem>>) src(%arg28 : memref<64x256xf32, #tpu.memory_space<vmem>>) dst(%dma_wait3A_204 : memref<64x256xf32, #tpu.memory_space<hbm>>)
    %dma_wait3A_205 = arith.constant 0 : i32
    %dma_wait3A_206 = tpu.memref_slice %arg21[%mul3A_2, %dma_wait3A_205] : memref<2048x256xf32, #tpu.memory_space<hbm>> -> memref<64x256xf32, #tpu.memory_space<hbm>>
    %dma_wait3A_207 = arith.constant 0 : i32
    %dma_wait3A_208 = tpu.memref_slice %arg21[%mul3A_2, %dma_wait3A_207] : memref<2048x256xf32, #tpu.memory_space<hbm>> -> memref<64x256xf32, #tpu.memory_space<hbm>>
    tpu.wait_dma2 semaphore(%arg33 : memref<!tpu.dma_semaphore, #tpu.memory_space<semaphore_mem>>) src(%arg29 : memref<64x256xf32, #tpu.memory_space<vmem>>) dst(%dma_wait3A_208 : memref<64x256xf32, #tpu.memory_space<hbm>>)
    return
  }
}

module attributes {stable_mosaic.version = 14 : i64} {
  func.func @_tc_body(%arg0: i32, %arg1: memref<256x256xf32, #tpu.memory_space<vmem>>, %arg2: memref<256x256xf32, #tpu.memory_space<vmem>>, %arg3: memref<256x256xf32, #tpu.memory_space<vmem>>, %arg4: memref<256x256xf32, #tpu.memory_space<vmem>>, %arg5: memref<256x256xf32, #tpu.memory_space<vmem>>, %arg6: memref<256x256xf32, #tpu.memory_space<vmem>>, %arg7: memref<256x256xf32, #tpu.memory_space<vmem>>, %arg8: memref<256x256xf32, #tpu.memory_space<vmem>>, %arg9: memref<256x256xf32, #tpu.memory_space<vmem>>, %arg10: memref<256x256xf32, #tpu.memory_space<vmem>>, %arg11: memref<256x256xf32, #tpu.memory_space<vmem>>, %arg12: memref<256x256xf32, #tpu.memory_space<vmem>>, %arg13: memref<256x256xf32, #tpu.memory_space<vmem>>, %arg14: memref<256x256xf32, #tpu.memory_space<vmem>>, %arg15: memref<64x256xi32, #tpu.memory_space<vmem>>, %arg16: memref<64x256xi32, #tpu.memory_space<vmem>>, %arg17: memref<64x256xi32, #tpu.memory_space<vmem>>, %arg18: memref<64x256xi32, #tpu.memory_space<vmem>>, %arg19: memref<256x8xi32, #tpu.memory_space<vmem>>, %arg20: memref<8x256xf32, #tpu.memory_space<vmem>>, %arg21: memref<1024x256xbf16, #tpu.memory_space<vmem>>, %arg22: memref<1024x256xbf16, #tpu.memory_space<vmem>>, %arg23: memref<1x128xf32, #tpu.memory_space<vmem>>) attributes {dimension_semantics = [#tpu.dimension_semantics<arbitrary>], iteration_bounds = array<i64: 8>, scalar_prefetch = 0 : i64, scratch_operands = 0 : i64, tpu.core_type = #tpu.core_type<tc>, window_params = [{transform_indices = @transform_0, window_bounds = array<i64: 256, 256>}, {transform_indices = @transform_1, window_bounds = array<i64: 256, 256>}, {transform_indices = @transform_2, window_bounds = array<i64: 256, 256>}, {transform_indices = @transform_3, window_bounds = array<i64: 256, 256>}, {transform_indices = @transform_4, window_bounds = array<i64: 256, 256>}, {transform_indices = @transform_5, window_bounds = array<i64: 256, 256>}, {transform_indices = @transform_6, window_bounds = array<i64: 256, 256>}, {transform_indices = @transform_7, window_bounds = array<i64: 256, 256>}, {transform_indices = @transform_8, window_bounds = array<i64: 256, 256>}, {transform_indices = @transform_9, window_bounds = array<i64: 256, 256>}, {transform_indices = @transform_10, window_bounds = array<i64: 256, 256>}, {transform_indices = @transform_11, window_bounds = array<i64: 256, 256>}, {transform_indices = @transform_12, window_bounds = array<i64: 256, 256>}, {transform_indices = @transform_13, window_bounds = array<i64: 256, 256>}, {transform_indices = @transform_14, window_bounds = array<i64: 64, 256>}, {transform_indices = @transform_15, window_bounds = array<i64: 64, 256>}, {transform_indices = @transform_16, window_bounds = array<i64: 64, 256>}, {transform_indices = @transform_17, window_bounds = array<i64: 64, 256>}, {transform_indices = @transform_18, window_bounds = array<i64: 256, 8>}, {pipeline_mode = #tpu.pipeline_mode<synchronous>, transform_indices = @transform_19, window_bounds = array<i64: 8, 256>}, {pipeline_mode = #tpu.pipeline_mode<synchronous>, transform_indices = @transform_20, window_bounds = array<i64: 1024, 256>}, {pipeline_mode = #tpu.pipeline_mode<synchronous>, transform_indices = @transform_21, window_bounds = array<i64: 1024, 256>}, {pipeline_mode = #tpu.pipeline_mode<synchronous>, transform_indices = @transform_22, window_bounds = array<i64: 1, 128>}]} {
    %iota3A = tpu.iota {dimensions = array<i32: 0>} : vector<1024x1xi32>
    %eq3A = arith.constant 1000 : i32
    %eq3A_0 = vector.broadcast %eq3A : i32 to vector<1024x1xi32>
    %eq3A_1 = arith.cmpi eq, %iota3A, %eq3A_0 : vector<1024x1xi32>
    %jit3A = arith.constant -9.99999998E+18 : f32
    %jit3A_2 = arith.constant 0.000000e+00 : f32
    %broadcast_in_dim3A = vector.broadcast %jit3A : f32 to vector<1024x1xf32>
    %broadcast_in_dim3A_3 = vector.broadcast %jit3A_2 : f32 to vector<1024x1xf32>
    %select_n3A = arith.select %eq3A_1, %broadcast_in_dim3A, %broadcast_in_dim3A_3 : vector<1024x1xi1>, vector<1024x1xf32>
    %get3A = arith.constant 0 : index
    %get3A_4 = arith.constant 0 : index
    %get3A_5 = vector.load %arg21[%get3A, %get3A_4] : memref<1024x256xbf16, #tpu.memory_space<vmem>>, vector<1024x256xbf16>
    %get3A_6 = arith.constant 0 : index
    %get3A_7 = arith.constant 0 : index
    %get3A_8 = vector.load %arg22[%get3A_6, %get3A_7] : memref<1024x256xbf16, #tpu.memory_space<vmem>>, vector<1024x256xbf16>
    %get3A_9 = arith.constant 0 : index
    %get3A_10 = arith.constant 0 : index
    %get3A_11 = vector.load %arg20[%get3A_9, %get3A_10] : memref<8x256xf32, #tpu.memory_space<vmem>>, vector<1x256xf32>
    %get3A_12 = arith.constant 1 : index
    %get3A_13 = arith.constant 0 : index
    %get3A_14 = vector.load %arg20[%get3A_12, %get3A_13] : memref<8x256xf32, #tpu.memory_space<vmem>>, vector<1x256xf32>
    %get3A_15 = arith.constant 2 : index
    %get3A_16 = arith.constant 0 : index
    %get3A_17 = vector.load %arg20[%get3A_15, %get3A_16] : memref<8x256xf32, #tpu.memory_space<vmem>>, vector<1x256xf32>
    %get3A_18 = arith.constant 0 : index
    %get3A_19 = arith.constant 0 : index
    %get3A_20 = vector.load %arg19[%get3A_18, %get3A_19] : memref<256x8xi32, #tpu.memory_space<vmem>>, vector<256x8xi32>
    %slice3A = vector.extract_strided_slice %get3A_20 {offsets = [0, 0], sizes = [256, 1], strides = [1, 1]} : vector<256x8xi32> to vector<256x1xi32>
    %slice3A_21 = vector.extract_strided_slice %get3A_20 {offsets = [0, 1], sizes = [256, 1], strides = [1, 1]} : vector<256x8xi32> to vector<256x1xi32>
    %eq3A_22 = arith.cmpi eq, %slice3A, %slice3A_21 : vector<256x1xi32>
    %convert_element_type3A = arith.extui %eq3A_22 : vector<256x1xi1> to vector<256x1xi32>
    %convert_element_type3A_23 = arith.sitofp %convert_element_type3A : vector<256x1xi32> to vector<256x1xf32>
    %slice3A_24 = vector.extract_strided_slice %get3A_20 {offsets = [0, 2], sizes = [256, 1], strides = [1, 1]} : vector<256x8xi32> to vector<256x1xi32>
    %slice3A_25 = vector.extract_strided_slice %get3A_20 {offsets = [0, 3], sizes = [256, 1], strides = [1, 1]} : vector<256x8xi32> to vector<256x1xi32>
    %eq3A_26 = arith.cmpi eq, %slice3A_24, %slice3A_25 : vector<256x1xi32>
    %convert_element_type3A_27 = arith.extui %eq3A_26 : vector<256x1xi1> to vector<256x1xi32>
    %convert_element_type3A_28 = arith.sitofp %convert_element_type3A_27 : vector<256x1xi32> to vector<256x1xf32>
    %get3A_29 = arith.constant 0 : index
    %get3A_30 = arith.constant 0 : index
    %get3A_31 = vector.load %arg1[%get3A_29, %get3A_30] : memref<256x256xf32, #tpu.memory_space<vmem>>, vector<256x256xf32>
    %get3A_32 = arith.constant 0 : index
    %get3A_33 = arith.constant 0 : index
    %get3A_34 = vector.load %arg2[%get3A_32, %get3A_33] : memref<256x256xf32, #tpu.memory_space<vmem>>, vector<256x256xf32>
    %get3A_35 = arith.constant 0 : index
    %get3A_36 = arith.constant 0 : index
    %get3A_37 = vector.load %arg3[%get3A_35, %get3A_36] : memref<256x256xf32, #tpu.memory_space<vmem>>, vector<256x256xf32>
    %get3A_38 = arith.constant 0 : index
    %get3A_39 = arith.constant 0 : index
    %get3A_40 = vector.load %arg4[%get3A_38, %get3A_39] : memref<256x256xf32, #tpu.memory_space<vmem>>, vector<256x256xf32>
    %get3A_41 = arith.constant 0 : index
    %get3A_42 = arith.constant 0 : index
    %get3A_43 = vector.load %arg5[%get3A_41, %get3A_42] : memref<256x256xf32, #tpu.memory_space<vmem>>, vector<256x256xf32>
    %get3A_44 = arith.constant 0 : index
    %get3A_45 = arith.constant 0 : index
    %get3A_46 = vector.load %arg6[%get3A_44, %get3A_45] : memref<256x256xf32, #tpu.memory_space<vmem>>, vector<256x256xf32>
    %get3A_47 = arith.constant 0 : index
    %get3A_48 = arith.constant 0 : index
    %get3A_49 = vector.load %arg7[%get3A_47, %get3A_48] : memref<256x256xf32, #tpu.memory_space<vmem>>, vector<256x256xf32>
    %mul3A = arith.mulf %get3A_31, %get3A_31 : vector<256x256xf32>
    %reduce_sum3A = arith.constant dense<0.000000e+00> : vector<256xf32>
    %reduce_sum3A_50 = vector.multi_reduction <add>, %mul3A, %reduce_sum3A [1] : vector<256x256xf32> to vector<256xf32>
    %broadcast_in_dim3A_51 = vector.shape_cast %reduce_sum3A_50 : vector<256xf32> to vector<256x1xf32>
    %max3A = arith.constant 9.99999996E-13 : f32
    %max3A_52 = vector.broadcast %max3A : f32 to vector<256x1xf32>
    %max3A_53 = arith.maximumf %broadcast_in_dim3A_51, %max3A_52 : vector<256x1xf32>
    %rsqrt3A = math.rsqrt %max3A_53 : vector<256x1xf32>
    %mul3A_54 = vector.broadcast %rsqrt3A : vector<256x1xf32> to vector<256x256xf32>
    %mul3A_55 = arith.mulf %get3A_31, %mul3A_54 : vector<256x256xf32>
    %mul3A_56 = arith.mulf %get3A_34, %get3A_34 : vector<256x256xf32>
    %reduce_sum3A_57 = arith.constant dense<0.000000e+00> : vector<256xf32>
    %reduce_sum3A_58 = vector.multi_reduction <add>, %mul3A_56, %reduce_sum3A_57 [1] : vector<256x256xf32> to vector<256xf32>
    %broadcast_in_dim3A_59 = vector.shape_cast %reduce_sum3A_58 : vector<256xf32> to vector<256x1xf32>
    %max3A_60 = arith.constant 9.99999996E-13 : f32
    %max3A_61 = vector.broadcast %max3A_60 : f32 to vector<256x1xf32>
    %max3A_62 = arith.maximumf %broadcast_in_dim3A_59, %max3A_61 : vector<256x1xf32>
    %rsqrt3A_63 = math.rsqrt %max3A_62 : vector<256x1xf32>
    %mul3A_64 = vector.broadcast %rsqrt3A_63 : vector<256x1xf32> to vector<256x256xf32>
    %mul3A_65 = arith.mulf %get3A_34, %mul3A_64 : vector<256x256xf32>
    %mul3A_66 = arith.mulf %get3A_37, %get3A_37 : vector<256x256xf32>
    %reduce_sum3A_67 = arith.constant dense<0.000000e+00> : vector<256xf32>
    %reduce_sum3A_68 = vector.multi_reduction <add>, %mul3A_66, %reduce_sum3A_67 [1] : vector<256x256xf32> to vector<256xf32>
    %broadcast_in_dim3A_69 = vector.shape_cast %reduce_sum3A_68 : vector<256xf32> to vector<256x1xf32>
    %max3A_70 = arith.constant 9.99999996E-13 : f32
    %max3A_71 = vector.broadcast %max3A_70 : f32 to vector<256x1xf32>
    %max3A_72 = arith.maximumf %broadcast_in_dim3A_69, %max3A_71 : vector<256x1xf32>
    %rsqrt3A_73 = math.rsqrt %max3A_72 : vector<256x1xf32>
    %mul3A_74 = vector.broadcast %rsqrt3A_73 : vector<256x1xf32> to vector<256x256xf32>
    %mul3A_75 = arith.mulf %get3A_37, %mul3A_74 : vector<256x256xf32>
    %add3A = arith.addf %mul3A_55, %mul3A_75 : vector<256x256xf32>
    %sub3A = arith.subf %add3A, %mul3A_65 : vector<256x256xf32>
    %abs3A = math.absf %sub3A : vector<256x256xf32>
    %reduce_sum3A_76 = arith.constant dense<0.000000e+00> : vector<256xf32>
    %reduce_sum3A_77 = vector.multi_reduction <add>, %abs3A, %reduce_sum3A_76 [1] : vector<256x256xf32> to vector<256xf32>
    %broadcast_in_dim3A_78 = vector.shape_cast %reduce_sum3A_77 : vector<256xf32> to vector<256x1xf32>
    %convert_element_type3A_79 = arith.truncf %get3A_46 : vector<256x256xf32> to vector<256x256xbf16>
    %dot_general3A = arith.constant dense<0.000000e+00> : vector<1024x256xf32>
    %dot_general3A_80 = tpu.matmul %get3A_5, %convert_element_type3A_79, %dot_general3A {dimension_numbers = #tpu.dot_dimension_numbers<[1], [1], [0], [0], [0, 0, 1, 0], [], []>, transpose_lhs_hint = false} : vector<1024x256xbf16>, vector<256x256xbf16>, vector<1024x256xf32> -> vector<1024x256xf32>
    %add3A_81 = vector.broadcast %select_n3A : vector<1024x1xf32> to vector<1024x256xf32>
    %add3A_82 = arith.addf %dot_general3A_80, %add3A_81 : vector<1024x256xf32>
    %get3A_83 = arith.constant 0 : index
    %get3A_84 = arith.constant 0 : index
    %get3A_85 = vector.load %arg15[%get3A_83, %get3A_84] : memref<64x256xi32, #tpu.memory_space<vmem>>, vector<64x256xi32>
    %broadcast_in_dim3A_86 = arith.constant 0.000000e+00 : f32
    %broadcast_in_dim3A_87 = vector.broadcast %broadcast_in_dim3A_86 : f32 to vector<1024x256xf32>
    %slice3A_88 = vector.extract_strided_slice %get3A_85 {offsets = [0, 0], sizes = [1, 256], strides = [1, 1]} : vector<64x256xi32> to vector<1x256xi32>
    %eq3A_89 = vector.broadcast %slice3A_88 : vector<1x256xi32> to vector<1024x256xi32>
    %eq3A_90 = vector.broadcast %iota3A : vector<1024x1xi32> to vector<1024x256xi32>
    %eq3A_91 = arith.cmpi eq, %eq3A_89, %eq3A_90 : vector<1024x256xi32>
    %convert_element_type3A_92 = arith.extui %eq3A_91 : vector<1024x256xi1> to vector<1024x256xi32>
    %convert_element_type3A_93 = arith.sitofp %convert_element_type3A_92 : vector<1024x256xi32> to vector<1024x256xf32>
    %add3A_94 = arith.addf %broadcast_in_dim3A_87, %convert_element_type3A_93 : vector<1024x256xf32>
    %slice3A_95 = vector.extract_strided_slice %get3A_85 {offsets = [1, 0], sizes = [1, 256], strides = [1, 1]} : vector<64x256xi32> to vector<1x256xi32>
    %eq3A_96 = vector.broadcast %slice3A_95 : vector<1x256xi32> to vector<1024x256xi32>
    %eq3A_97 = vector.broadcast %iota3A : vector<1024x1xi32> to vector<1024x256xi32>
    %eq3A_98 = arith.cmpi eq, %eq3A_96, %eq3A_97 : vector<1024x256xi32>
    %convert_element_type3A_99 = arith.extui %eq3A_98 : vector<1024x256xi1> to vector<1024x256xi32>
    %convert_element_type3A_100 = arith.sitofp %convert_element_type3A_99 : vector<1024x256xi32> to vector<1024x256xf32>
    %add3A_101 = arith.addf %add3A_94, %convert_element_type3A_100 : vector<1024x256xf32>
    %slice3A_102 = vector.extract_strided_slice %get3A_85 {offsets = [2, 0], sizes = [1, 256], strides = [1, 1]} : vector<64x256xi32> to vector<1x256xi32>
    %eq3A_103 = vector.broadcast %slice3A_102 : vector<1x256xi32> to vector<1024x256xi32>
    %eq3A_104 = vector.broadcast %iota3A : vector<1024x1xi32> to vector<1024x256xi32>
    %eq3A_105 = arith.cmpi eq, %eq3A_103, %eq3A_104 : vector<1024x256xi32>
    %convert_element_type3A_106 = arith.extui %eq3A_105 : vector<1024x256xi1> to vector<1024x256xi32>
    %convert_element_type3A_107 = arith.sitofp %convert_element_type3A_106 : vector<1024x256xi32> to vector<1024x256xf32>
    %add3A_108 = arith.addf %add3A_101, %convert_element_type3A_107 : vector<1024x256xf32>
    %slice3A_109 = vector.extract_strided_slice %get3A_85 {offsets = [3, 0], sizes = [1, 256], strides = [1, 1]} : vector<64x256xi32> to vector<1x256xi32>
    %eq3A_110 = vector.broadcast %slice3A_109 : vector<1x256xi32> to vector<1024x256xi32>
    %eq3A_111 = vector.broadcast %iota3A : vector<1024x1xi32> to vector<1024x256xi32>
    %eq3A_112 = arith.cmpi eq, %eq3A_110, %eq3A_111 : vector<1024x256xi32>
    %convert_element_type3A_113 = arith.extui %eq3A_112 : vector<1024x256xi1> to vector<1024x256xi32>
    %convert_element_type3A_114 = arith.sitofp %convert_element_type3A_113 : vector<1024x256xi32> to vector<1024x256xf32>
    %add3A_115 = arith.addf %add3A_108, %convert_element_type3A_114 : vector<1024x256xf32>
    %slice3A_116 = vector.extract_strided_slice %get3A_85 {offsets = [4, 0], sizes = [1, 256], strides = [1, 1]} : vector<64x256xi32> to vector<1x256xi32>
    %eq3A_117 = vector.broadcast %slice3A_116 : vector<1x256xi32> to vector<1024x256xi32>
    %eq3A_118 = vector.broadcast %iota3A : vector<1024x1xi32> to vector<1024x256xi32>
    %eq3A_119 = arith.cmpi eq, %eq3A_117, %eq3A_118 : vector<1024x256xi32>
    %convert_element_type3A_120 = arith.extui %eq3A_119 : vector<1024x256xi1> to vector<1024x256xi32>
    %convert_element_type3A_121 = arith.sitofp %convert_element_type3A_120 : vector<1024x256xi32> to vector<1024x256xf32>
    %add3A_122 = arith.addf %add3A_115, %convert_element_type3A_121 : vector<1024x256xf32>
    %slice3A_123 = vector.extract_strided_slice %get3A_85 {offsets = [5, 0], sizes = [1, 256], strides = [1, 1]} : vector<64x256xi32> to vector<1x256xi32>
    %eq3A_124 = vector.broadcast %slice3A_123 : vector<1x256xi32> to vector<1024x256xi32>
    %eq3A_125 = vector.broadcast %iota3A : vector<1024x1xi32> to vector<1024x256xi32>
    %eq3A_126 = arith.cmpi eq, %eq3A_124, %eq3A_125 : vector<1024x256xi32>
    %convert_element_type3A_127 = arith.extui %eq3A_126 : vector<1024x256xi1> to vector<1024x256xi32>
    %convert_element_type3A_128 = arith.sitofp %convert_element_type3A_127 : vector<1024x256xi32> to vector<1024x256xf32>
    %add3A_129 = arith.addf %add3A_122, %convert_element_type3A_128 : vector<1024x256xf32>
    %slice3A_130 = vector.extract_strided_slice %get3A_85 {offsets = [6, 0], sizes = [1, 256], strides = [1, 1]} : vector<64x256xi32> to vector<1x256xi32>
    %eq3A_131 = vector.broadcast %slice3A_130 : vector<1x256xi32> to vector<1024x256xi32>
    %eq3A_132 = vector.broadcast %iota3A : vector<1024x1xi32> to vector<1024x256xi32>
    %eq3A_133 = arith.cmpi eq, %eq3A_131, %eq3A_132 : vector<1024x256xi32>
    %convert_element_type3A_134 = arith.extui %eq3A_133 : vector<1024x256xi1> to vector<1024x256xi32>
    %convert_element_type3A_135 = arith.sitofp %convert_element_type3A_134 : vector<1024x256xi32> to vector<1024x256xf32>
    %add3A_136 = arith.addf %add3A_129, %convert_element_type3A_135 : vector<1024x256xf32>
    %slice3A_137 = vector.extract_strided_slice %get3A_85 {offsets = [7, 0], sizes = [1, 256], strides = [1, 1]} : vector<64x256xi32> to vector<1x256xi32>
    %eq3A_138 = vector.broadcast %slice3A_137 : vector<1x256xi32> to vector<1024x256xi32>
    %eq3A_139 = vector.broadcast %iota3A : vector<1024x1xi32> to vector<1024x256xi32>
    %eq3A_140 = arith.cmpi eq, %eq3A_138, %eq3A_139 : vector<1024x256xi32>
    %convert_element_type3A_141 = arith.extui %eq3A_140 : vector<1024x256xi1> to vector<1024x256xi32>
    %convert_element_type3A_142 = arith.sitofp %convert_element_type3A_141 : vector<1024x256xi32> to vector<1024x256xf32>
    %add3A_143 = arith.addf %add3A_136, %convert_element_type3A_142 : vector<1024x256xf32>
    %slice3A_144 = vector.extract_strided_slice %get3A_85 {offsets = [8, 0], sizes = [1, 256], strides = [1, 1]} : vector<64x256xi32> to vector<1x256xi32>
    %eq3A_145 = vector.broadcast %slice3A_144 : vector<1x256xi32> to vector<1024x256xi32>
    %eq3A_146 = vector.broadcast %iota3A : vector<1024x1xi32> to vector<1024x256xi32>
    %eq3A_147 = arith.cmpi eq, %eq3A_145, %eq3A_146 : vector<1024x256xi32>
    %convert_element_type3A_148 = arith.extui %eq3A_147 : vector<1024x256xi1> to vector<1024x256xi32>
    %convert_element_type3A_149 = arith.sitofp %convert_element_type3A_148 : vector<1024x256xi32> to vector<1024x256xf32>
    %add3A_150 = arith.addf %add3A_143, %convert_element_type3A_149 : vector<1024x256xf32>
    %slice3A_151 = vector.extract_strided_slice %get3A_85 {offsets = [9, 0], sizes = [1, 256], strides = [1, 1]} : vector<64x256xi32> to vector<1x256xi32>
    %eq3A_152 = vector.broadcast %slice3A_151 : vector<1x256xi32> to vector<1024x256xi32>
    %eq3A_153 = vector.broadcast %iota3A : vector<1024x1xi32> to vector<1024x256xi32>
    %eq3A_154 = arith.cmpi eq, %eq3A_152, %eq3A_153 : vector<1024x256xi32>
    %convert_element_type3A_155 = arith.extui %eq3A_154 : vector<1024x256xi1> to vector<1024x256xi32>
    %convert_element_type3A_156 = arith.sitofp %convert_element_type3A_155 : vector<1024x256xi32> to vector<1024x256xf32>
    %add3A_157 = arith.addf %add3A_150, %convert_element_type3A_156 : vector<1024x256xf32>
    %slice3A_158 = vector.extract_strided_slice %get3A_85 {offsets = [10, 0], sizes = [1, 256], strides = [1, 1]} : vector<64x256xi32> to vector<1x256xi32>
    %eq3A_159 = vector.broadcast %slice3A_158 : vector<1x256xi32> to vector<1024x256xi32>
    %eq3A_160 = vector.broadcast %iota3A : vector<1024x1xi32> to vector<1024x256xi32>
    %eq3A_161 = arith.cmpi eq, %eq3A_159, %eq3A_160 : vector<1024x256xi32>
    %convert_element_type3A_162 = arith.extui %eq3A_161 : vector<1024x256xi1> to vector<1024x256xi32>
    %convert_element_type3A_163 = arith.sitofp %convert_element_type3A_162 : vector<1024x256xi32> to vector<1024x256xf32>
    %add3A_164 = arith.addf %add3A_157, %convert_element_type3A_163 : vector<1024x256xf32>
    %slice3A_165 = vector.extract_strided_slice %get3A_85 {offsets = [11, 0], sizes = [1, 256], strides = [1, 1]} : vector<64x256xi32> to vector<1x256xi32>
    %eq3A_166 = vector.broadcast %slice3A_165 : vector<1x256xi32> to vector<1024x256xi32>
    %eq3A_167 = vector.broadcast %iota3A : vector<1024x1xi32> to vector<1024x256xi32>
    %eq3A_168 = arith.cmpi eq, %eq3A_166, %eq3A_167 : vector<1024x256xi32>
    %convert_element_type3A_169 = arith.extui %eq3A_168 : vector<1024x256xi1> to vector<1024x256xi32>
    %convert_element_type3A_170 = arith.sitofp %convert_element_type3A_169 : vector<1024x256xi32> to vector<1024x256xf32>
    %add3A_171 = arith.addf %add3A_164, %convert_element_type3A_170 : vector<1024x256xf32>
    %slice3A_172 = vector.extract_strided_slice %get3A_85 {offsets = [12, 0], sizes = [1, 256], strides = [1, 1]} : vector<64x256xi32> to vector<1x256xi32>
    %eq3A_173 = vector.broadcast %slice3A_172 : vector<1x256xi32> to vector<1024x256xi32>
    %eq3A_174 = vector.broadcast %iota3A : vector<1024x1xi32> to vector<1024x256xi32>
    %eq3A_175 = arith.cmpi eq, %eq3A_173, %eq3A_174 : vector<1024x256xi32>
    %convert_element_type3A_176 = arith.extui %eq3A_175 : vector<1024x256xi1> to vector<1024x256xi32>
    %convert_element_type3A_177 = arith.sitofp %convert_element_type3A_176 : vector<1024x256xi32> to vector<1024x256xf32>
    %add3A_178 = arith.addf %add3A_171, %convert_element_type3A_177 : vector<1024x256xf32>
    %slice3A_179 = vector.extract_strided_slice %get3A_85 {offsets = [13, 0], sizes = [1, 256], strides = [1, 1]} : vector<64x256xi32> to vector<1x256xi32>
    %eq3A_180 = vector.broadcast %slice3A_179 : vector<1x256xi32> to vector<1024x256xi32>
    %eq3A_181 = vector.broadcast %iota3A : vector<1024x1xi32> to vector<1024x256xi32>
    %eq3A_182 = arith.cmpi eq, %eq3A_180, %eq3A_181 : vector<1024x256xi32>
    %convert_element_type3A_183 = arith.extui %eq3A_182 : vector<1024x256xi1> to vector<1024x256xi32>
    %convert_element_type3A_184 = arith.sitofp %convert_element_type3A_183 : vector<1024x256xi32> to vector<1024x256xf32>
    %add3A_185 = arith.addf %add3A_178, %convert_element_type3A_184 : vector<1024x256xf32>
    %slice3A_186 = vector.extract_strided_slice %get3A_85 {offsets = [14, 0], sizes = [1, 256], strides = [1, 1]} : vector<64x256xi32> to vector<1x256xi32>
    %eq3A_187 = vector.broadcast %slice3A_186 : vector<1x256xi32> to vector<1024x256xi32>
    %eq3A_188 = vector.broadcast %iota3A : vector<1024x1xi32> to vector<1024x256xi32>
    %eq3A_189 = arith.cmpi eq, %eq3A_187, %eq3A_188 : vector<1024x256xi32>
    %convert_element_type3A_190 = arith.extui %eq3A_189 : vector<1024x256xi1> to vector<1024x256xi32>
    %convert_element_type3A_191 = arith.sitofp %convert_element_type3A_190 : vector<1024x256xi32> to vector<1024x256xf32>
    %add3A_192 = arith.addf %add3A_185, %convert_element_type3A_191 : vector<1024x256xf32>
    %slice3A_193 = vector.extract_strided_slice %get3A_85 {offsets = [15, 0], sizes = [1, 256], strides = [1, 1]} : vector<64x256xi32> to vector<1x256xi32>
    %eq3A_194 = vector.broadcast %slice3A_193 : vector<1x256xi32> to vector<1024x256xi32>
    %eq3A_195 = vector.broadcast %iota3A : vector<1024x1xi32> to vector<1024x256xi32>
    %eq3A_196 = arith.cmpi eq, %eq3A_194, %eq3A_195 : vector<1024x256xi32>
    %convert_element_type3A_197 = arith.extui %eq3A_196 : vector<1024x256xi1> to vector<1024x256xi32>
    %convert_element_type3A_198 = arith.sitofp %convert_element_type3A_197 : vector<1024x256xi32> to vector<1024x256xf32>
    %add3A_199 = arith.addf %add3A_192, %convert_element_type3A_198 : vector<1024x256xf32>
    %slice3A_200 = vector.extract_strided_slice %get3A_85 {offsets = [16, 0], sizes = [1, 256], strides = [1, 1]} : vector<64x256xi32> to vector<1x256xi32>
    %eq3A_201 = vector.broadcast %slice3A_200 : vector<1x256xi32> to vector<1024x256xi32>
    %eq3A_202 = vector.broadcast %iota3A : vector<1024x1xi32> to vector<1024x256xi32>
    %eq3A_203 = arith.cmpi eq, %eq3A_201, %eq3A_202 : vector<1024x256xi32>
    %convert_element_type3A_204 = arith.extui %eq3A_203 : vector<1024x256xi1> to vector<1024x256xi32>
    %convert_element_type3A_205 = arith.sitofp %convert_element_type3A_204 : vector<1024x256xi32> to vector<1024x256xf32>
    %add3A_206 = arith.addf %add3A_199, %convert_element_type3A_205 : vector<1024x256xf32>
    %slice3A_207 = vector.extract_strided_slice %get3A_85 {offsets = [17, 0], sizes = [1, 256], strides = [1, 1]} : vector<64x256xi32> to vector<1x256xi32>
    %eq3A_208 = vector.broadcast %slice3A_207 : vector<1x256xi32> to vector<1024x256xi32>
    %eq3A_209 = vector.broadcast %iota3A : vector<1024x1xi32> to vector<1024x256xi32>
    %eq3A_210 = arith.cmpi eq, %eq3A_208, %eq3A_209 : vector<1024x256xi32>
    %convert_element_type3A_211 = arith.extui %eq3A_210 : vector<1024x256xi1> to vector<1024x256xi32>
    %convert_element_type3A_212 = arith.sitofp %convert_element_type3A_211 : vector<1024x256xi32> to vector<1024x256xf32>
    %add3A_213 = arith.addf %add3A_206, %convert_element_type3A_212 : vector<1024x256xf32>
    %slice3A_214 = vector.extract_strided_slice %get3A_85 {offsets = [18, 0], sizes = [1, 256], strides = [1, 1]} : vector<64x256xi32> to vector<1x256xi32>
    %eq3A_215 = vector.broadcast %slice3A_214 : vector<1x256xi32> to vector<1024x256xi32>
    %eq3A_216 = vector.broadcast %iota3A : vector<1024x1xi32> to vector<1024x256xi32>
    %eq3A_217 = arith.cmpi eq, %eq3A_215, %eq3A_216 : vector<1024x256xi32>
    %convert_element_type3A_218 = arith.extui %eq3A_217 : vector<1024x256xi1> to vector<1024x256xi32>
    %convert_element_type3A_219 = arith.sitofp %convert_element_type3A_218 : vector<1024x256xi32> to vector<1024x256xf32>
    %add3A_220 = arith.addf %add3A_213, %convert_element_type3A_219 : vector<1024x256xf32>
    %slice3A_221 = vector.extract_strided_slice %get3A_85 {offsets = [19, 0], sizes = [1, 256], strides = [1, 1]} : vector<64x256xi32> to vector<1x256xi32>
    %eq3A_222 = vector.broadcast %slice3A_221 : vector<1x256xi32> to vector<1024x256xi32>
    %eq3A_223 = vector.broadcast %iota3A : vector<1024x1xi32> to vector<1024x256xi32>
    %eq3A_224 = arith.cmpi eq, %eq3A_222, %eq3A_223 : vector<1024x256xi32>
    %convert_element_type3A_225 = arith.extui %eq3A_224 : vector<1024x256xi1> to vector<1024x256xi32>
    %convert_element_type3A_226 = arith.sitofp %convert_element_type3A_225 : vector<1024x256xi32> to vector<1024x256xf32>
    %add3A_227 = arith.addf %add3A_220, %convert_element_type3A_226 : vector<1024x256xf32>
    %slice3A_228 = vector.extract_strided_slice %get3A_85 {offsets = [20, 0], sizes = [1, 256], strides = [1, 1]} : vector<64x256xi32> to vector<1x256xi32>
    %eq3A_229 = vector.broadcast %slice3A_228 : vector<1x256xi32> to vector<1024x256xi32>
    %eq3A_230 = vector.broadcast %iota3A : vector<1024x1xi32> to vector<1024x256xi32>
    %eq3A_231 = arith.cmpi eq, %eq3A_229, %eq3A_230 : vector<1024x256xi32>
    %convert_element_type3A_232 = arith.extui %eq3A_231 : vector<1024x256xi1> to vector<1024x256xi32>
    %convert_element_type3A_233 = arith.sitofp %convert_element_type3A_232 : vector<1024x256xi32> to vector<1024x256xf32>
    %add3A_234 = arith.addf %add3A_227, %convert_element_type3A_233 : vector<1024x256xf32>
    %slice3A_235 = vector.extract_strided_slice %get3A_85 {offsets = [21, 0], sizes = [1, 256], strides = [1, 1]} : vector<64x256xi32> to vector<1x256xi32>
    %eq3A_236 = vector.broadcast %slice3A_235 : vector<1x256xi32> to vector<1024x256xi32>
    %eq3A_237 = vector.broadcast %iota3A : vector<1024x1xi32> to vector<1024x256xi32>
    %eq3A_238 = arith.cmpi eq, %eq3A_236, %eq3A_237 : vector<1024x256xi32>
    %convert_element_type3A_239 = arith.extui %eq3A_238 : vector<1024x256xi1> to vector<1024x256xi32>
    %convert_element_type3A_240 = arith.sitofp %convert_element_type3A_239 : vector<1024x256xi32> to vector<1024x256xf32>
    %add3A_241 = arith.addf %add3A_234, %convert_element_type3A_240 : vector<1024x256xf32>
    %slice3A_242 = vector.extract_strided_slice %get3A_85 {offsets = [22, 0], sizes = [1, 256], strides = [1, 1]} : vector<64x256xi32> to vector<1x256xi32>
    %eq3A_243 = vector.broadcast %slice3A_242 : vector<1x256xi32> to vector<1024x256xi32>
    %eq3A_244 = vector.broadcast %iota3A : vector<1024x1xi32> to vector<1024x256xi32>
    %eq3A_245 = arith.cmpi eq, %eq3A_243, %eq3A_244 : vector<1024x256xi32>
    %convert_element_type3A_246 = arith.extui %eq3A_245 : vector<1024x256xi1> to vector<1024x256xi32>
    %convert_element_type3A_247 = arith.sitofp %convert_element_type3A_246 : vector<1024x256xi32> to vector<1024x256xf32>
    %add3A_248 = arith.addf %add3A_241, %convert_element_type3A_247 : vector<1024x256xf32>
    %slice3A_249 = vector.extract_strided_slice %get3A_85 {offsets = [23, 0], sizes = [1, 256], strides = [1, 1]} : vector<64x256xi32> to vector<1x256xi32>
    %eq3A_250 = vector.broadcast %slice3A_249 : vector<1x256xi32> to vector<1024x256xi32>
    %eq3A_251 = vector.broadcast %iota3A : vector<1024x1xi32> to vector<1024x256xi32>
    %eq3A_252 = arith.cmpi eq, %eq3A_250, %eq3A_251 : vector<1024x256xi32>
    %convert_element_type3A_253 = arith.extui %eq3A_252 : vector<1024x256xi1> to vector<1024x256xi32>
    %convert_element_type3A_254 = arith.sitofp %convert_element_type3A_253 : vector<1024x256xi32> to vector<1024x256xf32>
    %add3A_255 = arith.addf %add3A_248, %convert_element_type3A_254 : vector<1024x256xf32>
    %slice3A_256 = vector.extract_strided_slice %get3A_85 {offsets = [24, 0], sizes = [1, 256], strides = [1, 1]} : vector<64x256xi32> to vector<1x256xi32>
    %eq3A_257 = vector.broadcast %slice3A_256 : vector<1x256xi32> to vector<1024x256xi32>
    %eq3A_258 = vector.broadcast %iota3A : vector<1024x1xi32> to vector<1024x256xi32>
    %eq3A_259 = arith.cmpi eq, %eq3A_257, %eq3A_258 : vector<1024x256xi32>
    %convert_element_type3A_260 = arith.extui %eq3A_259 : vector<1024x256xi1> to vector<1024x256xi32>
    %convert_element_type3A_261 = arith.sitofp %convert_element_type3A_260 : vector<1024x256xi32> to vector<1024x256xf32>
    %add3A_262 = arith.addf %add3A_255, %convert_element_type3A_261 : vector<1024x256xf32>
    %slice3A_263 = vector.extract_strided_slice %get3A_85 {offsets = [25, 0], sizes = [1, 256], strides = [1, 1]} : vector<64x256xi32> to vector<1x256xi32>
    %eq3A_264 = vector.broadcast %slice3A_263 : vector<1x256xi32> to vector<1024x256xi32>
    %eq3A_265 = vector.broadcast %iota3A : vector<1024x1xi32> to vector<1024x256xi32>
    %eq3A_266 = arith.cmpi eq, %eq3A_264, %eq3A_265 : vector<1024x256xi32>
    %convert_element_type3A_267 = arith.extui %eq3A_266 : vector<1024x256xi1> to vector<1024x256xi32>
    %convert_element_type3A_268 = arith.sitofp %convert_element_type3A_267 : vector<1024x256xi32> to vector<1024x256xf32>
    %add3A_269 = arith.addf %add3A_262, %convert_element_type3A_268 : vector<1024x256xf32>
    %slice3A_270 = vector.extract_strided_slice %get3A_85 {offsets = [26, 0], sizes = [1, 256], strides = [1, 1]} : vector<64x256xi32> to vector<1x256xi32>
    %eq3A_271 = vector.broadcast %slice3A_270 : vector<1x256xi32> to vector<1024x256xi32>
    %eq3A_272 = vector.broadcast %iota3A : vector<1024x1xi32> to vector<1024x256xi32>
    %eq3A_273 = arith.cmpi eq, %eq3A_271, %eq3A_272 : vector<1024x256xi32>
    %convert_element_type3A_274 = arith.extui %eq3A_273 : vector<1024x256xi1> to vector<1024x256xi32>
    %convert_element_type3A_275 = arith.sitofp %convert_element_type3A_274 : vector<1024x256xi32> to vector<1024x256xf32>
    %add3A_276 = arith.addf %add3A_269, %convert_element_type3A_275 : vector<1024x256xf32>
    %slice3A_277 = vector.extract_strided_slice %get3A_85 {offsets = [27, 0], sizes = [1, 256], strides = [1, 1]} : vector<64x256xi32> to vector<1x256xi32>
    %eq3A_278 = vector.broadcast %slice3A_277 : vector<1x256xi32> to vector<1024x256xi32>
    %eq3A_279 = vector.broadcast %iota3A : vector<1024x1xi32> to vector<1024x256xi32>
    %eq3A_280 = arith.cmpi eq, %eq3A_278, %eq3A_279 : vector<1024x256xi32>
    %convert_element_type3A_281 = arith.extui %eq3A_280 : vector<1024x256xi1> to vector<1024x256xi32>
    %convert_element_type3A_282 = arith.sitofp %convert_element_type3A_281 : vector<1024x256xi32> to vector<1024x256xf32>
    %add3A_283 = arith.addf %add3A_276, %convert_element_type3A_282 : vector<1024x256xf32>
    %slice3A_284 = vector.extract_strided_slice %get3A_85 {offsets = [28, 0], sizes = [1, 256], strides = [1, 1]} : vector<64x256xi32> to vector<1x256xi32>
    %eq3A_285 = vector.broadcast %slice3A_284 : vector<1x256xi32> to vector<1024x256xi32>
    %eq3A_286 = vector.broadcast %iota3A : vector<1024x1xi32> to vector<1024x256xi32>
    %eq3A_287 = arith.cmpi eq, %eq3A_285, %eq3A_286 : vector<1024x256xi32>
    %convert_element_type3A_288 = arith.extui %eq3A_287 : vector<1024x256xi1> to vector<1024x256xi32>
    %convert_element_type3A_289 = arith.sitofp %convert_element_type3A_288 : vector<1024x256xi32> to vector<1024x256xf32>
    %add3A_290 = arith.addf %add3A_283, %convert_element_type3A_289 : vector<1024x256xf32>
    %slice3A_291 = vector.extract_strided_slice %get3A_85 {offsets = [29, 0], sizes = [1, 256], strides = [1, 1]} : vector<64x256xi32> to vector<1x256xi32>
    %eq3A_292 = vector.broadcast %slice3A_291 : vector<1x256xi32> to vector<1024x256xi32>
    %eq3A_293 = vector.broadcast %iota3A : vector<1024x1xi32> to vector<1024x256xi32>
    %eq3A_294 = arith.cmpi eq, %eq3A_292, %eq3A_293 : vector<1024x256xi32>
    %convert_element_type3A_295 = arith.extui %eq3A_294 : vector<1024x256xi1> to vector<1024x256xi32>
    %convert_element_type3A_296 = arith.sitofp %convert_element_type3A_295 : vector<1024x256xi32> to vector<1024x256xf32>
    %add3A_297 = arith.addf %add3A_290, %convert_element_type3A_296 : vector<1024x256xf32>
    %slice3A_298 = vector.extract_strided_slice %get3A_85 {offsets = [30, 0], sizes = [1, 256], strides = [1, 1]} : vector<64x256xi32> to vector<1x256xi32>
    %eq3A_299 = vector.broadcast %slice3A_298 : vector<1x256xi32> to vector<1024x256xi32>
    %eq3A_300 = vector.broadcast %iota3A : vector<1024x1xi32> to vector<1024x256xi32>
    %eq3A_301 = arith.cmpi eq, %eq3A_299, %eq3A_300 : vector<1024x256xi32>
    %convert_element_type3A_302 = arith.extui %eq3A_301 : vector<1024x256xi1> to vector<1024x256xi32>
    %convert_element_type3A_303 = arith.sitofp %convert_element_type3A_302 : vector<1024x256xi32> to vector<1024x256xf32>
    %add3A_304 = arith.addf %add3A_297, %convert_element_type3A_303 : vector<1024x256xf32>
    %slice3A_305 = vector.extract_strided_slice %get3A_85 {offsets = [31, 0], sizes = [1, 256], strides = [1, 1]} : vector<64x256xi32> to vector<1x256xi32>
    %eq3A_306 = vector.broadcast %slice3A_305 : vector<1x256xi32> to vector<1024x256xi32>
    %eq3A_307 = vector.broadcast %iota3A : vector<1024x1xi32> to vector<1024x256xi32>
    %eq3A_308 = arith.cmpi eq, %eq3A_306, %eq3A_307 : vector<1024x256xi32>
    %convert_element_type3A_309 = arith.extui %eq3A_308 : vector<1024x256xi1> to vector<1024x256xi32>
    %convert_element_type3A_310 = arith.sitofp %convert_element_type3A_309 : vector<1024x256xi32> to vector<1024x256xf32>
    %add3A_311 = arith.addf %add3A_304, %convert_element_type3A_310 : vector<1024x256xf32>
    %slice3A_312 = vector.extract_strided_slice %get3A_85 {offsets = [32, 0], sizes = [1, 256], strides = [1, 1]} : vector<64x256xi32> to vector<1x256xi32>
    %eq3A_313 = vector.broadcast %slice3A_312 : vector<1x256xi32> to vector<1024x256xi32>
    %eq3A_314 = vector.broadcast %iota3A : vector<1024x1xi32> to vector<1024x256xi32>
    %eq3A_315 = arith.cmpi eq, %eq3A_313, %eq3A_314 : vector<1024x256xi32>
    %convert_element_type3A_316 = arith.extui %eq3A_315 : vector<1024x256xi1> to vector<1024x256xi32>
    %convert_element_type3A_317 = arith.sitofp %convert_element_type3A_316 : vector<1024x256xi32> to vector<1024x256xf32>
    %add3A_318 = arith.addf %add3A_311, %convert_element_type3A_317 : vector<1024x256xf32>
    %slice3A_319 = vector.extract_strided_slice %get3A_85 {offsets = [33, 0], sizes = [1, 256], strides = [1, 1]} : vector<64x256xi32> to vector<1x256xi32>
    %eq3A_320 = vector.broadcast %slice3A_319 : vector<1x256xi32> to vector<1024x256xi32>
    %eq3A_321 = vector.broadcast %iota3A : vector<1024x1xi32> to vector<1024x256xi32>
    %eq3A_322 = arith.cmpi eq, %eq3A_320, %eq3A_321 : vector<1024x256xi32>
    %convert_element_type3A_323 = arith.extui %eq3A_322 : vector<1024x256xi1> to vector<1024x256xi32>
    %convert_element_type3A_324 = arith.sitofp %convert_element_type3A_323 : vector<1024x256xi32> to vector<1024x256xf32>
    %add3A_325 = arith.addf %add3A_318, %convert_element_type3A_324 : vector<1024x256xf32>
    %slice3A_326 = vector.extract_strided_slice %get3A_85 {offsets = [34, 0], sizes = [1, 256], strides = [1, 1]} : vector<64x256xi32> to vector<1x256xi32>
    %eq3A_327 = vector.broadcast %slice3A_326 : vector<1x256xi32> to vector<1024x256xi32>
    %eq3A_328 = vector.broadcast %iota3A : vector<1024x1xi32> to vector<1024x256xi32>
    %eq3A_329 = arith.cmpi eq, %eq3A_327, %eq3A_328 : vector<1024x256xi32>
    %convert_element_type3A_330 = arith.extui %eq3A_329 : vector<1024x256xi1> to vector<1024x256xi32>
    %convert_element_type3A_331 = arith.sitofp %convert_element_type3A_330 : vector<1024x256xi32> to vector<1024x256xf32>
    %add3A_332 = arith.addf %add3A_325, %convert_element_type3A_331 : vector<1024x256xf32>
    %slice3A_333 = vector.extract_strided_slice %get3A_85 {offsets = [35, 0], sizes = [1, 256], strides = [1, 1]} : vector<64x256xi32> to vector<1x256xi32>
    %eq3A_334 = vector.broadcast %slice3A_333 : vector<1x256xi32> to vector<1024x256xi32>
    %eq3A_335 = vector.broadcast %iota3A : vector<1024x1xi32> to vector<1024x256xi32>
    %eq3A_336 = arith.cmpi eq, %eq3A_334, %eq3A_335 : vector<1024x256xi32>
    %convert_element_type3A_337 = arith.extui %eq3A_336 : vector<1024x256xi1> to vector<1024x256xi32>
    %convert_element_type3A_338 = arith.sitofp %convert_element_type3A_337 : vector<1024x256xi32> to vector<1024x256xf32>
    %add3A_339 = arith.addf %add3A_332, %convert_element_type3A_338 : vector<1024x256xf32>
    %slice3A_340 = vector.extract_strided_slice %get3A_85 {offsets = [36, 0], sizes = [1, 256], strides = [1, 1]} : vector<64x256xi32> to vector<1x256xi32>
    %eq3A_341 = vector.broadcast %slice3A_340 : vector<1x256xi32> to vector<1024x256xi32>
    %eq3A_342 = vector.broadcast %iota3A : vector<1024x1xi32> to vector<1024x256xi32>
    %eq3A_343 = arith.cmpi eq, %eq3A_341, %eq3A_342 : vector<1024x256xi32>
    %convert_element_type3A_344 = arith.extui %eq3A_343 : vector<1024x256xi1> to vector<1024x256xi32>
    %convert_element_type3A_345 = arith.sitofp %convert_element_type3A_344 : vector<1024x256xi32> to vector<1024x256xf32>
    %add3A_346 = arith.addf %add3A_339, %convert_element_type3A_345 : vector<1024x256xf32>
    %slice3A_347 = vector.extract_strided_slice %get3A_85 {offsets = [37, 0], sizes = [1, 256], strides = [1, 1]} : vector<64x256xi32> to vector<1x256xi32>
    %eq3A_348 = vector.broadcast %slice3A_347 : vector<1x256xi32> to vector<1024x256xi32>
    %eq3A_349 = vector.broadcast %iota3A : vector<1024x1xi32> to vector<1024x256xi32>
    %eq3A_350 = arith.cmpi eq, %eq3A_348, %eq3A_349 : vector<1024x256xi32>
    %convert_element_type3A_351 = arith.extui %eq3A_350 : vector<1024x256xi1> to vector<1024x256xi32>
    %convert_element_type3A_352 = arith.sitofp %convert_element_type3A_351 : vector<1024x256xi32> to vector<1024x256xf32>
    %add3A_353 = arith.addf %add3A_346, %convert_element_type3A_352 : vector<1024x256xf32>
    %slice3A_354 = vector.extract_strided_slice %get3A_85 {offsets = [38, 0], sizes = [1, 256], strides = [1, 1]} : vector<64x256xi32> to vector<1x256xi32>
    %eq3A_355 = vector.broadcast %slice3A_354 : vector<1x256xi32> to vector<1024x256xi32>
    %eq3A_356 = vector.broadcast %iota3A : vector<1024x1xi32> to vector<1024x256xi32>
    %eq3A_357 = arith.cmpi eq, %eq3A_355, %eq3A_356 : vector<1024x256xi32>
    %convert_element_type3A_358 = arith.extui %eq3A_357 : vector<1024x256xi1> to vector<1024x256xi32>
    %convert_element_type3A_359 = arith.sitofp %convert_element_type3A_358 : vector<1024x256xi32> to vector<1024x256xf32>
    %add3A_360 = arith.addf %add3A_353, %convert_element_type3A_359 : vector<1024x256xf32>
    %slice3A_361 = vector.extract_strided_slice %get3A_85 {offsets = [39, 0], sizes = [1, 256], strides = [1, 1]} : vector<64x256xi32> to vector<1x256xi32>
    %eq3A_362 = vector.broadcast %slice3A_361 : vector<1x256xi32> to vector<1024x256xi32>
    %eq3A_363 = vector.broadcast %iota3A : vector<1024x1xi32> to vector<1024x256xi32>
    %eq3A_364 = arith.cmpi eq, %eq3A_362, %eq3A_363 : vector<1024x256xi32>
    %convert_element_type3A_365 = arith.extui %eq3A_364 : vector<1024x256xi1> to vector<1024x256xi32>
    %convert_element_type3A_366 = arith.sitofp %convert_element_type3A_365 : vector<1024x256xi32> to vector<1024x256xf32>
    %add3A_367 = arith.addf %add3A_360, %convert_element_type3A_366 : vector<1024x256xf32>
    %slice3A_368 = vector.extract_strided_slice %get3A_85 {offsets = [40, 0], sizes = [1, 256], strides = [1, 1]} : vector<64x256xi32> to vector<1x256xi32>
    %eq3A_369 = vector.broadcast %slice3A_368 : vector<1x256xi32> to vector<1024x256xi32>
    %eq3A_370 = vector.broadcast %iota3A : vector<1024x1xi32> to vector<1024x256xi32>
    %eq3A_371 = arith.cmpi eq, %eq3A_369, %eq3A_370 : vector<1024x256xi32>
    %convert_element_type3A_372 = arith.extui %eq3A_371 : vector<1024x256xi1> to vector<1024x256xi32>
    %convert_element_type3A_373 = arith.sitofp %convert_element_type3A_372 : vector<1024x256xi32> to vector<1024x256xf32>
    %add3A_374 = arith.addf %add3A_367, %convert_element_type3A_373 : vector<1024x256xf32>
    %slice3A_375 = vector.extract_strided_slice %get3A_85 {offsets = [41, 0], sizes = [1, 256], strides = [1, 1]} : vector<64x256xi32> to vector<1x256xi32>
    %eq3A_376 = vector.broadcast %slice3A_375 : vector<1x256xi32> to vector<1024x256xi32>
    %eq3A_377 = vector.broadcast %iota3A : vector<1024x1xi32> to vector<1024x256xi32>
    %eq3A_378 = arith.cmpi eq, %eq3A_376, %eq3A_377 : vector<1024x256xi32>
    %convert_element_type3A_379 = arith.extui %eq3A_378 : vector<1024x256xi1> to vector<1024x256xi32>
    %convert_element_type3A_380 = arith.sitofp %convert_element_type3A_379 : vector<1024x256xi32> to vector<1024x256xf32>
    %add3A_381 = arith.addf %add3A_374, %convert_element_type3A_380 : vector<1024x256xf32>
    %slice3A_382 = vector.extract_strided_slice %get3A_85 {offsets = [42, 0], sizes = [1, 256], strides = [1, 1]} : vector<64x256xi32> to vector<1x256xi32>
    %eq3A_383 = vector.broadcast %slice3A_382 : vector<1x256xi32> to vector<1024x256xi32>
    %eq3A_384 = vector.broadcast %iota3A : vector<1024x1xi32> to vector<1024x256xi32>
    %eq3A_385 = arith.cmpi eq, %eq3A_383, %eq3A_384 : vector<1024x256xi32>
    %convert_element_type3A_386 = arith.extui %eq3A_385 : vector<1024x256xi1> to vector<1024x256xi32>
    %convert_element_type3A_387 = arith.sitofp %convert_element_type3A_386 : vector<1024x256xi32> to vector<1024x256xf32>
    %add3A_388 = arith.addf %add3A_381, %convert_element_type3A_387 : vector<1024x256xf32>
    %slice3A_389 = vector.extract_strided_slice %get3A_85 {offsets = [43, 0], sizes = [1, 256], strides = [1, 1]} : vector<64x256xi32> to vector<1x256xi32>
    %eq3A_390 = vector.broadcast %slice3A_389 : vector<1x256xi32> to vector<1024x256xi32>
    %eq3A_391 = vector.broadcast %iota3A : vector<1024x1xi32> to vector<1024x256xi32>
    %eq3A_392 = arith.cmpi eq, %eq3A_390, %eq3A_391 : vector<1024x256xi32>
    %convert_element_type3A_393 = arith.extui %eq3A_392 : vector<1024x256xi1> to vector<1024x256xi32>
    %convert_element_type3A_394 = arith.sitofp %convert_element_type3A_393 : vector<1024x256xi32> to vector<1024x256xf32>
    %add3A_395 = arith.addf %add3A_388, %convert_element_type3A_394 : vector<1024x256xf32>
    %slice3A_396 = vector.extract_strided_slice %get3A_85 {offsets = [44, 0], sizes = [1, 256], strides = [1, 1]} : vector<64x256xi32> to vector<1x256xi32>
    %eq3A_397 = vector.broadcast %slice3A_396 : vector<1x256xi32> to vector<1024x256xi32>
    %eq3A_398 = vector.broadcast %iota3A : vector<1024x1xi32> to vector<1024x256xi32>
    %eq3A_399 = arith.cmpi eq, %eq3A_397, %eq3A_398 : vector<1024x256xi32>
    %convert_element_type3A_400 = arith.extui %eq3A_399 : vector<1024x256xi1> to vector<1024x256xi32>
    %convert_element_type3A_401 = arith.sitofp %convert_element_type3A_400 : vector<1024x256xi32> to vector<1024x256xf32>
    %add3A_402 = arith.addf %add3A_395, %convert_element_type3A_401 : vector<1024x256xf32>
    %slice3A_403 = vector.extract_strided_slice %get3A_85 {offsets = [45, 0], sizes = [1, 256], strides = [1, 1]} : vector<64x256xi32> to vector<1x256xi32>
    %eq3A_404 = vector.broadcast %slice3A_403 : vector<1x256xi32> to vector<1024x256xi32>
    %eq3A_405 = vector.broadcast %iota3A : vector<1024x1xi32> to vector<1024x256xi32>
    %eq3A_406 = arith.cmpi eq, %eq3A_404, %eq3A_405 : vector<1024x256xi32>
    %convert_element_type3A_407 = arith.extui %eq3A_406 : vector<1024x256xi1> to vector<1024x256xi32>
    %convert_element_type3A_408 = arith.sitofp %convert_element_type3A_407 : vector<1024x256xi32> to vector<1024x256xf32>
    %add3A_409 = arith.addf %add3A_402, %convert_element_type3A_408 : vector<1024x256xf32>
    %slice3A_410 = vector.extract_strided_slice %get3A_85 {offsets = [46, 0], sizes = [1, 256], strides = [1, 1]} : vector<64x256xi32> to vector<1x256xi32>
    %eq3A_411 = vector.broadcast %slice3A_410 : vector<1x256xi32> to vector<1024x256xi32>
    %eq3A_412 = vector.broadcast %iota3A : vector<1024x1xi32> to vector<1024x256xi32>
    %eq3A_413 = arith.cmpi eq, %eq3A_411, %eq3A_412 : vector<1024x256xi32>
    %convert_element_type3A_414 = arith.extui %eq3A_413 : vector<1024x256xi1> to vector<1024x256xi32>
    %convert_element_type3A_415 = arith.sitofp %convert_element_type3A_414 : vector<1024x256xi32> to vector<1024x256xf32>
    %add3A_416 = arith.addf %add3A_409, %convert_element_type3A_415 : vector<1024x256xf32>
    %slice3A_417 = vector.extract_strided_slice %get3A_85 {offsets = [47, 0], sizes = [1, 256], strides = [1, 1]} : vector<64x256xi32> to vector<1x256xi32>
    %eq3A_418 = vector.broadcast %slice3A_417 : vector<1x256xi32> to vector<1024x256xi32>
    %eq3A_419 = vector.broadcast %iota3A : vector<1024x1xi32> to vector<1024x256xi32>
    %eq3A_420 = arith.cmpi eq, %eq3A_418, %eq3A_419 : vector<1024x256xi32>
    %convert_element_type3A_421 = arith.extui %eq3A_420 : vector<1024x256xi1> to vector<1024x256xi32>
    %convert_element_type3A_422 = arith.sitofp %convert_element_type3A_421 : vector<1024x256xi32> to vector<1024x256xf32>
    %add3A_423 = arith.addf %add3A_416, %convert_element_type3A_422 : vector<1024x256xf32>
    %slice3A_424 = vector.extract_strided_slice %get3A_85 {offsets = [48, 0], sizes = [1, 256], strides = [1, 1]} : vector<64x256xi32> to vector<1x256xi32>
    %eq3A_425 = vector.broadcast %slice3A_424 : vector<1x256xi32> to vector<1024x256xi32>
    %eq3A_426 = vector.broadcast %iota3A : vector<1024x1xi32> to vector<1024x256xi32>
    %eq3A_427 = arith.cmpi eq, %eq3A_425, %eq3A_426 : vector<1024x256xi32>
    %convert_element_type3A_428 = arith.extui %eq3A_427 : vector<1024x256xi1> to vector<1024x256xi32>
    %convert_element_type3A_429 = arith.sitofp %convert_element_type3A_428 : vector<1024x256xi32> to vector<1024x256xf32>
    %add3A_430 = arith.addf %add3A_423, %convert_element_type3A_429 : vector<1024x256xf32>
    %slice3A_431 = vector.extract_strided_slice %get3A_85 {offsets = [49, 0], sizes = [1, 256], strides = [1, 1]} : vector<64x256xi32> to vector<1x256xi32>
    %eq3A_432 = vector.broadcast %slice3A_431 : vector<1x256xi32> to vector<1024x256xi32>
    %eq3A_433 = vector.broadcast %iota3A : vector<1024x1xi32> to vector<1024x256xi32>
    %eq3A_434 = arith.cmpi eq, %eq3A_432, %eq3A_433 : vector<1024x256xi32>
    %convert_element_type3A_435 = arith.extui %eq3A_434 : vector<1024x256xi1> to vector<1024x256xi32>
    %convert_element_type3A_436 = arith.sitofp %convert_element_type3A_435 : vector<1024x256xi32> to vector<1024x256xf32>
    %add3A_437 = arith.addf %add3A_430, %convert_element_type3A_436 : vector<1024x256xf32>
    %slice3A_438 = vector.extract_strided_slice %get3A_85 {offsets = [50, 0], sizes = [1, 256], strides = [1, 1]} : vector<64x256xi32> to vector<1x256xi32>
    %eq3A_439 = vector.broadcast %slice3A_438 : vector<1x256xi32> to vector<1024x256xi32>
    %eq3A_440 = vector.broadcast %iota3A : vector<1024x1xi32> to vector<1024x256xi32>
    %eq3A_441 = arith.cmpi eq, %eq3A_439, %eq3A_440 : vector<1024x256xi32>
    %convert_element_type3A_442 = arith.extui %eq3A_441 : vector<1024x256xi1> to vector<1024x256xi32>
    %convert_element_type3A_443 = arith.sitofp %convert_element_type3A_442 : vector<1024x256xi32> to vector<1024x256xf32>
    %add3A_444 = arith.addf %add3A_437, %convert_element_type3A_443 : vector<1024x256xf32>
    %slice3A_445 = vector.extract_strided_slice %get3A_85 {offsets = [51, 0], sizes = [1, 256], strides = [1, 1]} : vector<64x256xi32> to vector<1x256xi32>
    %eq3A_446 = vector.broadcast %slice3A_445 : vector<1x256xi32> to vector<1024x256xi32>
    %eq3A_447 = vector.broadcast %iota3A : vector<1024x1xi32> to vector<1024x256xi32>
    %eq3A_448 = arith.cmpi eq, %eq3A_446, %eq3A_447 : vector<1024x256xi32>
    %convert_element_type3A_449 = arith.extui %eq3A_448 : vector<1024x256xi1> to vector<1024x256xi32>
    %convert_element_type3A_450 = arith.sitofp %convert_element_type3A_449 : vector<1024x256xi32> to vector<1024x256xf32>
    %add3A_451 = arith.addf %add3A_444, %convert_element_type3A_450 : vector<1024x256xf32>
    %slice3A_452 = vector.extract_strided_slice %get3A_85 {offsets = [52, 0], sizes = [1, 256], strides = [1, 1]} : vector<64x256xi32> to vector<1x256xi32>
    %eq3A_453 = vector.broadcast %slice3A_452 : vector<1x256xi32> to vector<1024x256xi32>
    %eq3A_454 = vector.broadcast %iota3A : vector<1024x1xi32> to vector<1024x256xi32>
    %eq3A_455 = arith.cmpi eq, %eq3A_453, %eq3A_454 : vector<1024x256xi32>
    %convert_element_type3A_456 = arith.extui %eq3A_455 : vector<1024x256xi1> to vector<1024x256xi32>
    %convert_element_type3A_457 = arith.sitofp %convert_element_type3A_456 : vector<1024x256xi32> to vector<1024x256xf32>
    %add3A_458 = arith.addf %add3A_451, %convert_element_type3A_457 : vector<1024x256xf32>
    %slice3A_459 = vector.extract_strided_slice %get3A_85 {offsets = [53, 0], sizes = [1, 256], strides = [1, 1]} : vector<64x256xi32> to vector<1x256xi32>
    %eq3A_460 = vector.broadcast %slice3A_459 : vector<1x256xi32> to vector<1024x256xi32>
    %eq3A_461 = vector.broadcast %iota3A : vector<1024x1xi32> to vector<1024x256xi32>
    %eq3A_462 = arith.cmpi eq, %eq3A_460, %eq3A_461 : vector<1024x256xi32>
    %convert_element_type3A_463 = arith.extui %eq3A_462 : vector<1024x256xi1> to vector<1024x256xi32>
    %convert_element_type3A_464 = arith.sitofp %convert_element_type3A_463 : vector<1024x256xi32> to vector<1024x256xf32>
    %add3A_465 = arith.addf %add3A_458, %convert_element_type3A_464 : vector<1024x256xf32>
    %slice3A_466 = vector.extract_strided_slice %get3A_85 {offsets = [54, 0], sizes = [1, 256], strides = [1, 1]} : vector<64x256xi32> to vector<1x256xi32>
    %eq3A_467 = vector.broadcast %slice3A_466 : vector<1x256xi32> to vector<1024x256xi32>
    %eq3A_468 = vector.broadcast %iota3A : vector<1024x1xi32> to vector<1024x256xi32>
    %eq3A_469 = arith.cmpi eq, %eq3A_467, %eq3A_468 : vector<1024x256xi32>
    %convert_element_type3A_470 = arith.extui %eq3A_469 : vector<1024x256xi1> to vector<1024x256xi32>
    %convert_element_type3A_471 = arith.sitofp %convert_element_type3A_470 : vector<1024x256xi32> to vector<1024x256xf32>
    %add3A_472 = arith.addf %add3A_465, %convert_element_type3A_471 : vector<1024x256xf32>
    %slice3A_473 = vector.extract_strided_slice %get3A_85 {offsets = [55, 0], sizes = [1, 256], strides = [1, 1]} : vector<64x256xi32> to vector<1x256xi32>
    %eq3A_474 = vector.broadcast %slice3A_473 : vector<1x256xi32> to vector<1024x256xi32>
    %eq3A_475 = vector.broadcast %iota3A : vector<1024x1xi32> to vector<1024x256xi32>
    %eq3A_476 = arith.cmpi eq, %eq3A_474, %eq3A_475 : vector<1024x256xi32>
    %convert_element_type3A_477 = arith.extui %eq3A_476 : vector<1024x256xi1> to vector<1024x256xi32>
    %convert_element_type3A_478 = arith.sitofp %convert_element_type3A_477 : vector<1024x256xi32> to vector<1024x256xf32>
    %add3A_479 = arith.addf %add3A_472, %convert_element_type3A_478 : vector<1024x256xf32>
    %slice3A_480 = vector.extract_strided_slice %get3A_85 {offsets = [56, 0], sizes = [1, 256], strides = [1, 1]} : vector<64x256xi32> to vector<1x256xi32>
    %eq3A_481 = vector.broadcast %slice3A_480 : vector<1x256xi32> to vector<1024x256xi32>
    %eq3A_482 = vector.broadcast %iota3A : vector<1024x1xi32> to vector<1024x256xi32>
    %eq3A_483 = arith.cmpi eq, %eq3A_481, %eq3A_482 : vector<1024x256xi32>
    %convert_element_type3A_484 = arith.extui %eq3A_483 : vector<1024x256xi1> to vector<1024x256xi32>
    %convert_element_type3A_485 = arith.sitofp %convert_element_type3A_484 : vector<1024x256xi32> to vector<1024x256xf32>
    %add3A_486 = arith.addf %add3A_479, %convert_element_type3A_485 : vector<1024x256xf32>
    %slice3A_487 = vector.extract_strided_slice %get3A_85 {offsets = [57, 0], sizes = [1, 256], strides = [1, 1]} : vector<64x256xi32> to vector<1x256xi32>
    %eq3A_488 = vector.broadcast %slice3A_487 : vector<1x256xi32> to vector<1024x256xi32>
    %eq3A_489 = vector.broadcast %iota3A : vector<1024x1xi32> to vector<1024x256xi32>
    %eq3A_490 = arith.cmpi eq, %eq3A_488, %eq3A_489 : vector<1024x256xi32>
    %convert_element_type3A_491 = arith.extui %eq3A_490 : vector<1024x256xi1> to vector<1024x256xi32>
    %convert_element_type3A_492 = arith.sitofp %convert_element_type3A_491 : vector<1024x256xi32> to vector<1024x256xf32>
    %add3A_493 = arith.addf %add3A_486, %convert_element_type3A_492 : vector<1024x256xf32>
    %slice3A_494 = vector.extract_strided_slice %get3A_85 {offsets = [58, 0], sizes = [1, 256], strides = [1, 1]} : vector<64x256xi32> to vector<1x256xi32>
    %eq3A_495 = vector.broadcast %slice3A_494 : vector<1x256xi32> to vector<1024x256xi32>
    %eq3A_496 = vector.broadcast %iota3A : vector<1024x1xi32> to vector<1024x256xi32>
    %eq3A_497 = arith.cmpi eq, %eq3A_495, %eq3A_496 : vector<1024x256xi32>
    %convert_element_type3A_498 = arith.extui %eq3A_497 : vector<1024x256xi1> to vector<1024x256xi32>
    %convert_element_type3A_499 = arith.sitofp %convert_element_type3A_498 : vector<1024x256xi32> to vector<1024x256xf32>
    %add3A_500 = arith.addf %add3A_493, %convert_element_type3A_499 : vector<1024x256xf32>
    %slice3A_501 = vector.extract_strided_slice %get3A_85 {offsets = [59, 0], sizes = [1, 256], strides = [1, 1]} : vector<64x256xi32> to vector<1x256xi32>
    %eq3A_502 = vector.broadcast %slice3A_501 : vector<1x256xi32> to vector<1024x256xi32>
    %eq3A_503 = vector.broadcast %iota3A : vector<1024x1xi32> to vector<1024x256xi32>
    %eq3A_504 = arith.cmpi eq, %eq3A_502, %eq3A_503 : vector<1024x256xi32>
    %convert_element_type3A_505 = arith.extui %eq3A_504 : vector<1024x256xi1> to vector<1024x256xi32>
    %convert_element_type3A_506 = arith.sitofp %convert_element_type3A_505 : vector<1024x256xi32> to vector<1024x256xf32>
    %add3A_507 = arith.addf %add3A_500, %convert_element_type3A_506 : vector<1024x256xf32>
    %slice3A_508 = vector.extract_strided_slice %get3A_85 {offsets = [60, 0], sizes = [1, 256], strides = [1, 1]} : vector<64x256xi32> to vector<1x256xi32>
    %eq3A_509 = vector.broadcast %slice3A_508 : vector<1x256xi32> to vector<1024x256xi32>
    %eq3A_510 = vector.broadcast %iota3A : vector<1024x1xi32> to vector<1024x256xi32>
    %eq3A_511 = arith.cmpi eq, %eq3A_509, %eq3A_510 : vector<1024x256xi32>
    %convert_element_type3A_512 = arith.extui %eq3A_511 : vector<1024x256xi1> to vector<1024x256xi32>
    %convert_element_type3A_513 = arith.sitofp %convert_element_type3A_512 : vector<1024x256xi32> to vector<1024x256xf32>
    %add3A_514 = arith.addf %add3A_507, %convert_element_type3A_513 : vector<1024x256xf32>
    %slice3A_515 = vector.extract_strided_slice %get3A_85 {offsets = [61, 0], sizes = [1, 256], strides = [1, 1]} : vector<64x256xi32> to vector<1x256xi32>
    %eq3A_516 = vector.broadcast %slice3A_515 : vector<1x256xi32> to vector<1024x256xi32>
    %eq3A_517 = vector.broadcast %iota3A : vector<1024x1xi32> to vector<1024x256xi32>
    %eq3A_518 = arith.cmpi eq, %eq3A_516, %eq3A_517 : vector<1024x256xi32>
    %convert_element_type3A_519 = arith.extui %eq3A_518 : vector<1024x256xi1> to vector<1024x256xi32>
    %convert_element_type3A_520 = arith.sitofp %convert_element_type3A_519 : vector<1024x256xi32> to vector<1024x256xf32>
    %add3A_521 = arith.addf %add3A_514, %convert_element_type3A_520 : vector<1024x256xf32>
    %slice3A_522 = vector.extract_strided_slice %get3A_85 {offsets = [62, 0], sizes = [1, 256], strides = [1, 1]} : vector<64x256xi32> to vector<1x256xi32>
    %eq3A_523 = vector.broadcast %slice3A_522 : vector<1x256xi32> to vector<1024x256xi32>
    %eq3A_524 = vector.broadcast %iota3A : vector<1024x1xi32> to vector<1024x256xi32>
    %eq3A_525 = arith.cmpi eq, %eq3A_523, %eq3A_524 : vector<1024x256xi32>
    %convert_element_type3A_526 = arith.extui %eq3A_525 : vector<1024x256xi1> to vector<1024x256xi32>
    %convert_element_type3A_527 = arith.sitofp %convert_element_type3A_526 : vector<1024x256xi32> to vector<1024x256xf32>
    %add3A_528 = arith.addf %add3A_521, %convert_element_type3A_527 : vector<1024x256xf32>
    %slice3A_529 = vector.extract_strided_slice %get3A_85 {offsets = [63, 0], sizes = [1, 256], strides = [1, 1]} : vector<64x256xi32> to vector<1x256xi32>
    %eq3A_530 = vector.broadcast %slice3A_529 : vector<1x256xi32> to vector<1024x256xi32>
    %eq3A_531 = vector.broadcast %iota3A : vector<1024x1xi32> to vector<1024x256xi32>
    %eq3A_532 = arith.cmpi eq, %eq3A_530, %eq3A_531 : vector<1024x256xi32>
    %convert_element_type3A_533 = arith.extui %eq3A_532 : vector<1024x256xi1> to vector<1024x256xi32>
    %convert_element_type3A_534 = arith.sitofp %convert_element_type3A_533 : vector<1024x256xi32> to vector<1024x256xf32>
    %add3A_535 = arith.addf %add3A_528, %convert_element_type3A_534 : vector<1024x256xf32>
    %reduce_max3A = arith.constant dense<0xFF800000> : vector<256xf32>
    %reduce_max3A_536 = vector.multi_reduction <maximumf>, %add3A_82, %reduce_max3A [0] : vector<1024x256xf32> to vector<256xf32>
    %broadcast_in_dim3A_537 = vector.shape_cast %reduce_max3A_536 : vector<256xf32> to vector<1x256xf32>
    %sub3A_538 = vector.broadcast %broadcast_in_dim3A_537 : vector<1x256xf32> to vector<1024x256xf32>
    %sub3A_539 = arith.subf %add3A_82, %sub3A_538 : vector<1024x256xf32>
    %exp3A = math.exp %sub3A_539 : vector<1024x256xf32>
    %mul3A_540 = arith.mulf %add3A_535, %exp3A : vector<1024x256xf32>
    %reduce_sum3A_541 = arith.constant dense<0.000000e+00> : vector<256xf32>
    %reduce_sum3A_542 = vector.multi_reduction <add>, %mul3A_540, %reduce_sum3A_541 [0] : vector<1024x256xf32> to vector<256xf32>
    %broadcast_in_dim3A_543 = vector.shape_cast %reduce_sum3A_542 : vector<256xf32> to vector<1x256xf32>
    %max3A_544 = arith.constant 1.000000e-30 : f32
    %max3A_545 = vector.broadcast %max3A_544 : f32 to vector<1x256xf32>
    %max3A_546 = arith.maximumf %broadcast_in_dim3A_543, %max3A_545 : vector<1x256xf32>
    %div3A = vector.broadcast %max3A_546 : vector<1x256xf32> to vector<1024x256xf32>
    %div3A_547 = arith.divf %mul3A_540, %div3A : vector<1024x256xf32>
    %convert_element_type3A_548 = arith.truncf %div3A_547 : vector<1024x256xf32> to vector<1024x256xbf16>
    %dot_general3A_549 = arith.constant dense<0.000000e+00> : vector<256x256xf32>
    %dot_general3A_550 = tpu.matmul %convert_element_type3A_548, %get3A_5, %dot_general3A_549 {dimension_numbers = #tpu.dot_dimension_numbers<[0], [0], [1], [1], [0, 1, 1, 1], [], []>, transpose_lhs_hint = false} : vector<1024x256xbf16>, vector<1024x256xbf16>, vector<256x256xf32> -> vector<256x256xf32>
    %convert_element_type3A_551 = arith.truncf %get3A_49 : vector<256x256xf32> to vector<256x256xbf16>
    %dot_general3A_552 = arith.constant dense<0.000000e+00> : vector<1024x256xf32>
    %dot_general3A_553 = tpu.matmul %get3A_8, %convert_element_type3A_551, %dot_general3A_552 {dimension_numbers = #tpu.dot_dimension_numbers<[1], [1], [0], [0], [0, 0, 1, 0], [], []>, transpose_lhs_hint = false} : vector<1024x256xbf16>, vector<256x256xbf16>, vector<1024x256xf32> -> vector<1024x256xf32>
    %add3A_554 = vector.broadcast %select_n3A : vector<1024x1xf32> to vector<1024x256xf32>
    %add3A_555 = arith.addf %dot_general3A_553, %add3A_554 : vector<1024x256xf32>
    %get3A_556 = arith.constant 0 : index
    %get3A_557 = arith.constant 0 : index
    %get3A_558 = vector.load %arg16[%get3A_556, %get3A_557] : memref<64x256xi32, #tpu.memory_space<vmem>>, vector<64x256xi32>
    %broadcast_in_dim3A_559 = arith.constant 0.000000e+00 : f32
    %broadcast_in_dim3A_560 = vector.broadcast %broadcast_in_dim3A_559 : f32 to vector<1024x256xf32>
    %slice3A_561 = vector.extract_strided_slice %get3A_558 {offsets = [0, 0], sizes = [1, 256], strides = [1, 1]} : vector<64x256xi32> to vector<1x256xi32>
    %eq3A_562 = vector.broadcast %slice3A_561 : vector<1x256xi32> to vector<1024x256xi32>
    %eq3A_563 = vector.broadcast %iota3A : vector<1024x1xi32> to vector<1024x256xi32>
    %eq3A_564 = arith.cmpi eq, %eq3A_562, %eq3A_563 : vector<1024x256xi32>
    %convert_element_type3A_565 = arith.extui %eq3A_564 : vector<1024x256xi1> to vector<1024x256xi32>
    %convert_element_type3A_566 = arith.sitofp %convert_element_type3A_565 : vector<1024x256xi32> to vector<1024x256xf32>
    %add3A_567 = arith.addf %broadcast_in_dim3A_560, %convert_element_type3A_566 : vector<1024x256xf32>
    %slice3A_568 = vector.extract_strided_slice %get3A_558 {offsets = [1, 0], sizes = [1, 256], strides = [1, 1]} : vector<64x256xi32> to vector<1x256xi32>
    %eq3A_569 = vector.broadcast %slice3A_568 : vector<1x256xi32> to vector<1024x256xi32>
    %eq3A_570 = vector.broadcast %iota3A : vector<1024x1xi32> to vector<1024x256xi32>
    %eq3A_571 = arith.cmpi eq, %eq3A_569, %eq3A_570 : vector<1024x256xi32>
    %convert_element_type3A_572 = arith.extui %eq3A_571 : vector<1024x256xi1> to vector<1024x256xi32>
    %convert_element_type3A_573 = arith.sitofp %convert_element_type3A_572 : vector<1024x256xi32> to vector<1024x256xf32>
    %add3A_574 = arith.addf %add3A_567, %convert_element_type3A_573 : vector<1024x256xf32>
    %slice3A_575 = vector.extract_strided_slice %get3A_558 {offsets = [2, 0], sizes = [1, 256], strides = [1, 1]} : vector<64x256xi32> to vector<1x256xi32>
    %eq3A_576 = vector.broadcast %slice3A_575 : vector<1x256xi32> to vector<1024x256xi32>
    %eq3A_577 = vector.broadcast %iota3A : vector<1024x1xi32> to vector<1024x256xi32>
    %eq3A_578 = arith.cmpi eq, %eq3A_576, %eq3A_577 : vector<1024x256xi32>
    %convert_element_type3A_579 = arith.extui %eq3A_578 : vector<1024x256xi1> to vector<1024x256xi32>
    %convert_element_type3A_580 = arith.sitofp %convert_element_type3A_579 : vector<1024x256xi32> to vector<1024x256xf32>
    %add3A_581 = arith.addf %add3A_574, %convert_element_type3A_580 : vector<1024x256xf32>
    %slice3A_582 = vector.extract_strided_slice %get3A_558 {offsets = [3, 0], sizes = [1, 256], strides = [1, 1]} : vector<64x256xi32> to vector<1x256xi32>
    %eq3A_583 = vector.broadcast %slice3A_582 : vector<1x256xi32> to vector<1024x256xi32>
    %eq3A_584 = vector.broadcast %iota3A : vector<1024x1xi32> to vector<1024x256xi32>
    %eq3A_585 = arith.cmpi eq, %eq3A_583, %eq3A_584 : vector<1024x256xi32>
    %convert_element_type3A_586 = arith.extui %eq3A_585 : vector<1024x256xi1> to vector<1024x256xi32>
    %convert_element_type3A_587 = arith.sitofp %convert_element_type3A_586 : vector<1024x256xi32> to vector<1024x256xf32>
    %add3A_588 = arith.addf %add3A_581, %convert_element_type3A_587 : vector<1024x256xf32>
    %slice3A_589 = vector.extract_strided_slice %get3A_558 {offsets = [4, 0], sizes = [1, 256], strides = [1, 1]} : vector<64x256xi32> to vector<1x256xi32>
    %eq3A_590 = vector.broadcast %slice3A_589 : vector<1x256xi32> to vector<1024x256xi32>
    %eq3A_591 = vector.broadcast %iota3A : vector<1024x1xi32> to vector<1024x256xi32>
    %eq3A_592 = arith.cmpi eq, %eq3A_590, %eq3A_591 : vector<1024x256xi32>
    %convert_element_type3A_593 = arith.extui %eq3A_592 : vector<1024x256xi1> to vector<1024x256xi32>
    %convert_element_type3A_594 = arith.sitofp %convert_element_type3A_593 : vector<1024x256xi32> to vector<1024x256xf32>
    %add3A_595 = arith.addf %add3A_588, %convert_element_type3A_594 : vector<1024x256xf32>
    %slice3A_596 = vector.extract_strided_slice %get3A_558 {offsets = [5, 0], sizes = [1, 256], strides = [1, 1]} : vector<64x256xi32> to vector<1x256xi32>
    %eq3A_597 = vector.broadcast %slice3A_596 : vector<1x256xi32> to vector<1024x256xi32>
    %eq3A_598 = vector.broadcast %iota3A : vector<1024x1xi32> to vector<1024x256xi32>
    %eq3A_599 = arith.cmpi eq, %eq3A_597, %eq3A_598 : vector<1024x256xi32>
    %convert_element_type3A_600 = arith.extui %eq3A_599 : vector<1024x256xi1> to vector<1024x256xi32>
    %convert_element_type3A_601 = arith.sitofp %convert_element_type3A_600 : vector<1024x256xi32> to vector<1024x256xf32>
    %add3A_602 = arith.addf %add3A_595, %convert_element_type3A_601 : vector<1024x256xf32>
    %slice3A_603 = vector.extract_strided_slice %get3A_558 {offsets = [6, 0], sizes = [1, 256], strides = [1, 1]} : vector<64x256xi32> to vector<1x256xi32>
    %eq3A_604 = vector.broadcast %slice3A_603 : vector<1x256xi32> to vector<1024x256xi32>
    %eq3A_605 = vector.broadcast %iota3A : vector<1024x1xi32> to vector<1024x256xi32>
    %eq3A_606 = arith.cmpi eq, %eq3A_604, %eq3A_605 : vector<1024x256xi32>
    %convert_element_type3A_607 = arith.extui %eq3A_606 : vector<1024x256xi1> to vector<1024x256xi32>
    %convert_element_type3A_608 = arith.sitofp %convert_element_type3A_607 : vector<1024x256xi32> to vector<1024x256xf32>
    %add3A_609 = arith.addf %add3A_602, %convert_element_type3A_608 : vector<1024x256xf32>
    %slice3A_610 = vector.extract_strided_slice %get3A_558 {offsets = [7, 0], sizes = [1, 256], strides = [1, 1]} : vector<64x256xi32> to vector<1x256xi32>
    %eq3A_611 = vector.broadcast %slice3A_610 : vector<1x256xi32> to vector<1024x256xi32>
    %eq3A_612 = vector.broadcast %iota3A : vector<1024x1xi32> to vector<1024x256xi32>
    %eq3A_613 = arith.cmpi eq, %eq3A_611, %eq3A_612 : vector<1024x256xi32>
    %convert_element_type3A_614 = arith.extui %eq3A_613 : vector<1024x256xi1> to vector<1024x256xi32>
    %convert_element_type3A_615 = arith.sitofp %convert_element_type3A_614 : vector<1024x256xi32> to vector<1024x256xf32>
    %add3A_616 = arith.addf %add3A_609, %convert_element_type3A_615 : vector<1024x256xf32>
    %slice3A_617 = vector.extract_strided_slice %get3A_558 {offsets = [8, 0], sizes = [1, 256], strides = [1, 1]} : vector<64x256xi32> to vector<1x256xi32>
    %eq3A_618 = vector.broadcast %slice3A_617 : vector<1x256xi32> to vector<1024x256xi32>
    %eq3A_619 = vector.broadcast %iota3A : vector<1024x1xi32> to vector<1024x256xi32>
    %eq3A_620 = arith.cmpi eq, %eq3A_618, %eq3A_619 : vector<1024x256xi32>
    %convert_element_type3A_621 = arith.extui %eq3A_620 : vector<1024x256xi1> to vector<1024x256xi32>
    %convert_element_type3A_622 = arith.sitofp %convert_element_type3A_621 : vector<1024x256xi32> to vector<1024x256xf32>
    %add3A_623 = arith.addf %add3A_616, %convert_element_type3A_622 : vector<1024x256xf32>
    %slice3A_624 = vector.extract_strided_slice %get3A_558 {offsets = [9, 0], sizes = [1, 256], strides = [1, 1]} : vector<64x256xi32> to vector<1x256xi32>
    %eq3A_625 = vector.broadcast %slice3A_624 : vector<1x256xi32> to vector<1024x256xi32>
    %eq3A_626 = vector.broadcast %iota3A : vector<1024x1xi32> to vector<1024x256xi32>
    %eq3A_627 = arith.cmpi eq, %eq3A_625, %eq3A_626 : vector<1024x256xi32>
    %convert_element_type3A_628 = arith.extui %eq3A_627 : vector<1024x256xi1> to vector<1024x256xi32>
    %convert_element_type3A_629 = arith.sitofp %convert_element_type3A_628 : vector<1024x256xi32> to vector<1024x256xf32>
    %add3A_630 = arith.addf %add3A_623, %convert_element_type3A_629 : vector<1024x256xf32>
    %slice3A_631 = vector.extract_strided_slice %get3A_558 {offsets = [10, 0], sizes = [1, 256], strides = [1, 1]} : vector<64x256xi32> to vector<1x256xi32>
    %eq3A_632 = vector.broadcast %slice3A_631 : vector<1x256xi32> to vector<1024x256xi32>
    %eq3A_633 = vector.broadcast %iota3A : vector<1024x1xi32> to vector<1024x256xi32>
    %eq3A_634 = arith.cmpi eq, %eq3A_632, %eq3A_633 : vector<1024x256xi32>
    %convert_element_type3A_635 = arith.extui %eq3A_634 : vector<1024x256xi1> to vector<1024x256xi32>
    %convert_element_type3A_636 = arith.sitofp %convert_element_type3A_635 : vector<1024x256xi32> to vector<1024x256xf32>
    %add3A_637 = arith.addf %add3A_630, %convert_element_type3A_636 : vector<1024x256xf32>
    %slice3A_638 = vector.extract_strided_slice %get3A_558 {offsets = [11, 0], sizes = [1, 256], strides = [1, 1]} : vector<64x256xi32> to vector<1x256xi32>
    %eq3A_639 = vector.broadcast %slice3A_638 : vector<1x256xi32> to vector<1024x256xi32>
    %eq3A_640 = vector.broadcast %iota3A : vector<1024x1xi32> to vector<1024x256xi32>
    %eq3A_641 = arith.cmpi eq, %eq3A_639, %eq3A_640 : vector<1024x256xi32>
    %convert_element_type3A_642 = arith.extui %eq3A_641 : vector<1024x256xi1> to vector<1024x256xi32>
    %convert_element_type3A_643 = arith.sitofp %convert_element_type3A_642 : vector<1024x256xi32> to vector<1024x256xf32>
    %add3A_644 = arith.addf %add3A_637, %convert_element_type3A_643 : vector<1024x256xf32>
    %slice3A_645 = vector.extract_strided_slice %get3A_558 {offsets = [12, 0], sizes = [1, 256], strides = [1, 1]} : vector<64x256xi32> to vector<1x256xi32>
    %eq3A_646 = vector.broadcast %slice3A_645 : vector<1x256xi32> to vector<1024x256xi32>
    %eq3A_647 = vector.broadcast %iota3A : vector<1024x1xi32> to vector<1024x256xi32>
    %eq3A_648 = arith.cmpi eq, %eq3A_646, %eq3A_647 : vector<1024x256xi32>
    %convert_element_type3A_649 = arith.extui %eq3A_648 : vector<1024x256xi1> to vector<1024x256xi32>
    %convert_element_type3A_650 = arith.sitofp %convert_element_type3A_649 : vector<1024x256xi32> to vector<1024x256xf32>
    %add3A_651 = arith.addf %add3A_644, %convert_element_type3A_650 : vector<1024x256xf32>
    %slice3A_652 = vector.extract_strided_slice %get3A_558 {offsets = [13, 0], sizes = [1, 256], strides = [1, 1]} : vector<64x256xi32> to vector<1x256xi32>
    %eq3A_653 = vector.broadcast %slice3A_652 : vector<1x256xi32> to vector<1024x256xi32>
    %eq3A_654 = vector.broadcast %iota3A : vector<1024x1xi32> to vector<1024x256xi32>
    %eq3A_655 = arith.cmpi eq, %eq3A_653, %eq3A_654 : vector<1024x256xi32>
    %convert_element_type3A_656 = arith.extui %eq3A_655 : vector<1024x256xi1> to vector<1024x256xi32>
    %convert_element_type3A_657 = arith.sitofp %convert_element_type3A_656 : vector<1024x256xi32> to vector<1024x256xf32>
    %add3A_658 = arith.addf %add3A_651, %convert_element_type3A_657 : vector<1024x256xf32>
    %slice3A_659 = vector.extract_strided_slice %get3A_558 {offsets = [14, 0], sizes = [1, 256], strides = [1, 1]} : vector<64x256xi32> to vector<1x256xi32>
    %eq3A_660 = vector.broadcast %slice3A_659 : vector<1x256xi32> to vector<1024x256xi32>
    %eq3A_661 = vector.broadcast %iota3A : vector<1024x1xi32> to vector<1024x256xi32>
    %eq3A_662 = arith.cmpi eq, %eq3A_660, %eq3A_661 : vector<1024x256xi32>
    %convert_element_type3A_663 = arith.extui %eq3A_662 : vector<1024x256xi1> to vector<1024x256xi32>
    %convert_element_type3A_664 = arith.sitofp %convert_element_type3A_663 : vector<1024x256xi32> to vector<1024x256xf32>
    %add3A_665 = arith.addf %add3A_658, %convert_element_type3A_664 : vector<1024x256xf32>
    %slice3A_666 = vector.extract_strided_slice %get3A_558 {offsets = [15, 0], sizes = [1, 256], strides = [1, 1]} : vector<64x256xi32> to vector<1x256xi32>
    %eq3A_667 = vector.broadcast %slice3A_666 : vector<1x256xi32> to vector<1024x256xi32>
    %eq3A_668 = vector.broadcast %iota3A : vector<1024x1xi32> to vector<1024x256xi32>
    %eq3A_669 = arith.cmpi eq, %eq3A_667, %eq3A_668 : vector<1024x256xi32>
    %convert_element_type3A_670 = arith.extui %eq3A_669 : vector<1024x256xi1> to vector<1024x256xi32>
    %convert_element_type3A_671 = arith.sitofp %convert_element_type3A_670 : vector<1024x256xi32> to vector<1024x256xf32>
    %add3A_672 = arith.addf %add3A_665, %convert_element_type3A_671 : vector<1024x256xf32>
    %slice3A_673 = vector.extract_strided_slice %get3A_558 {offsets = [16, 0], sizes = [1, 256], strides = [1, 1]} : vector<64x256xi32> to vector<1x256xi32>
    %eq3A_674 = vector.broadcast %slice3A_673 : vector<1x256xi32> to vector<1024x256xi32>
    %eq3A_675 = vector.broadcast %iota3A : vector<1024x1xi32> to vector<1024x256xi32>
    %eq3A_676 = arith.cmpi eq, %eq3A_674, %eq3A_675 : vector<1024x256xi32>
    %convert_element_type3A_677 = arith.extui %eq3A_676 : vector<1024x256xi1> to vector<1024x256xi32>
    %convert_element_type3A_678 = arith.sitofp %convert_element_type3A_677 : vector<1024x256xi32> to vector<1024x256xf32>
    %add3A_679 = arith.addf %add3A_672, %convert_element_type3A_678 : vector<1024x256xf32>
    %slice3A_680 = vector.extract_strided_slice %get3A_558 {offsets = [17, 0], sizes = [1, 256], strides = [1, 1]} : vector<64x256xi32> to vector<1x256xi32>
    %eq3A_681 = vector.broadcast %slice3A_680 : vector<1x256xi32> to vector<1024x256xi32>
    %eq3A_682 = vector.broadcast %iota3A : vector<1024x1xi32> to vector<1024x256xi32>
    %eq3A_683 = arith.cmpi eq, %eq3A_681, %eq3A_682 : vector<1024x256xi32>
    %convert_element_type3A_684 = arith.extui %eq3A_683 : vector<1024x256xi1> to vector<1024x256xi32>
    %convert_element_type3A_685 = arith.sitofp %convert_element_type3A_684 : vector<1024x256xi32> to vector<1024x256xf32>
    %add3A_686 = arith.addf %add3A_679, %convert_element_type3A_685 : vector<1024x256xf32>
    %slice3A_687 = vector.extract_strided_slice %get3A_558 {offsets = [18, 0], sizes = [1, 256], strides = [1, 1]} : vector<64x256xi32> to vector<1x256xi32>
    %eq3A_688 = vector.broadcast %slice3A_687 : vector<1x256xi32> to vector<1024x256xi32>
    %eq3A_689 = vector.broadcast %iota3A : vector<1024x1xi32> to vector<1024x256xi32>
    %eq3A_690 = arith.cmpi eq, %eq3A_688, %eq3A_689 : vector<1024x256xi32>
    %convert_element_type3A_691 = arith.extui %eq3A_690 : vector<1024x256xi1> to vector<1024x256xi32>
    %convert_element_type3A_692 = arith.sitofp %convert_element_type3A_691 : vector<1024x256xi32> to vector<1024x256xf32>
    %add3A_693 = arith.addf %add3A_686, %convert_element_type3A_692 : vector<1024x256xf32>
    %slice3A_694 = vector.extract_strided_slice %get3A_558 {offsets = [19, 0], sizes = [1, 256], strides = [1, 1]} : vector<64x256xi32> to vector<1x256xi32>
    %eq3A_695 = vector.broadcast %slice3A_694 : vector<1x256xi32> to vector<1024x256xi32>
    %eq3A_696 = vector.broadcast %iota3A : vector<1024x1xi32> to vector<1024x256xi32>
    %eq3A_697 = arith.cmpi eq, %eq3A_695, %eq3A_696 : vector<1024x256xi32>
    %convert_element_type3A_698 = arith.extui %eq3A_697 : vector<1024x256xi1> to vector<1024x256xi32>
    %convert_element_type3A_699 = arith.sitofp %convert_element_type3A_698 : vector<1024x256xi32> to vector<1024x256xf32>
    %add3A_700 = arith.addf %add3A_693, %convert_element_type3A_699 : vector<1024x256xf32>
    %slice3A_701 = vector.extract_strided_slice %get3A_558 {offsets = [20, 0], sizes = [1, 256], strides = [1, 1]} : vector<64x256xi32> to vector<1x256xi32>
    %eq3A_702 = vector.broadcast %slice3A_701 : vector<1x256xi32> to vector<1024x256xi32>
    %eq3A_703 = vector.broadcast %iota3A : vector<1024x1xi32> to vector<1024x256xi32>
    %eq3A_704 = arith.cmpi eq, %eq3A_702, %eq3A_703 : vector<1024x256xi32>
    %convert_element_type3A_705 = arith.extui %eq3A_704 : vector<1024x256xi1> to vector<1024x256xi32>
    %convert_element_type3A_706 = arith.sitofp %convert_element_type3A_705 : vector<1024x256xi32> to vector<1024x256xf32>
    %add3A_707 = arith.addf %add3A_700, %convert_element_type3A_706 : vector<1024x256xf32>
    %slice3A_708 = vector.extract_strided_slice %get3A_558 {offsets = [21, 0], sizes = [1, 256], strides = [1, 1]} : vector<64x256xi32> to vector<1x256xi32>
    %eq3A_709 = vector.broadcast %slice3A_708 : vector<1x256xi32> to vector<1024x256xi32>
    %eq3A_710 = vector.broadcast %iota3A : vector<1024x1xi32> to vector<1024x256xi32>
    %eq3A_711 = arith.cmpi eq, %eq3A_709, %eq3A_710 : vector<1024x256xi32>
    %convert_element_type3A_712 = arith.extui %eq3A_711 : vector<1024x256xi1> to vector<1024x256xi32>
    %convert_element_type3A_713 = arith.sitofp %convert_element_type3A_712 : vector<1024x256xi32> to vector<1024x256xf32>
    %add3A_714 = arith.addf %add3A_707, %convert_element_type3A_713 : vector<1024x256xf32>
    %slice3A_715 = vector.extract_strided_slice %get3A_558 {offsets = [22, 0], sizes = [1, 256], strides = [1, 1]} : vector<64x256xi32> to vector<1x256xi32>
    %eq3A_716 = vector.broadcast %slice3A_715 : vector<1x256xi32> to vector<1024x256xi32>
    %eq3A_717 = vector.broadcast %iota3A : vector<1024x1xi32> to vector<1024x256xi32>
    %eq3A_718 = arith.cmpi eq, %eq3A_716, %eq3A_717 : vector<1024x256xi32>
    %convert_element_type3A_719 = arith.extui %eq3A_718 : vector<1024x256xi1> to vector<1024x256xi32>
    %convert_element_type3A_720 = arith.sitofp %convert_element_type3A_719 : vector<1024x256xi32> to vector<1024x256xf32>
    %add3A_721 = arith.addf %add3A_714, %convert_element_type3A_720 : vector<1024x256xf32>
    %slice3A_722 = vector.extract_strided_slice %get3A_558 {offsets = [23, 0], sizes = [1, 256], strides = [1, 1]} : vector<64x256xi32> to vector<1x256xi32>
    %eq3A_723 = vector.broadcast %slice3A_722 : vector<1x256xi32> to vector<1024x256xi32>
    %eq3A_724 = vector.broadcast %iota3A : vector<1024x1xi32> to vector<1024x256xi32>
    %eq3A_725 = arith.cmpi eq, %eq3A_723, %eq3A_724 : vector<1024x256xi32>
    %convert_element_type3A_726 = arith.extui %eq3A_725 : vector<1024x256xi1> to vector<1024x256xi32>
    %convert_element_type3A_727 = arith.sitofp %convert_element_type3A_726 : vector<1024x256xi32> to vector<1024x256xf32>
    %add3A_728 = arith.addf %add3A_721, %convert_element_type3A_727 : vector<1024x256xf32>
    %slice3A_729 = vector.extract_strided_slice %get3A_558 {offsets = [24, 0], sizes = [1, 256], strides = [1, 1]} : vector<64x256xi32> to vector<1x256xi32>
    %eq3A_730 = vector.broadcast %slice3A_729 : vector<1x256xi32> to vector<1024x256xi32>
    %eq3A_731 = vector.broadcast %iota3A : vector<1024x1xi32> to vector<1024x256xi32>
    %eq3A_732 = arith.cmpi eq, %eq3A_730, %eq3A_731 : vector<1024x256xi32>
    %convert_element_type3A_733 = arith.extui %eq3A_732 : vector<1024x256xi1> to vector<1024x256xi32>
    %convert_element_type3A_734 = arith.sitofp %convert_element_type3A_733 : vector<1024x256xi32> to vector<1024x256xf32>
    %add3A_735 = arith.addf %add3A_728, %convert_element_type3A_734 : vector<1024x256xf32>
    %slice3A_736 = vector.extract_strided_slice %get3A_558 {offsets = [25, 0], sizes = [1, 256], strides = [1, 1]} : vector<64x256xi32> to vector<1x256xi32>
    %eq3A_737 = vector.broadcast %slice3A_736 : vector<1x256xi32> to vector<1024x256xi32>
    %eq3A_738 = vector.broadcast %iota3A : vector<1024x1xi32> to vector<1024x256xi32>
    %eq3A_739 = arith.cmpi eq, %eq3A_737, %eq3A_738 : vector<1024x256xi32>
    %convert_element_type3A_740 = arith.extui %eq3A_739 : vector<1024x256xi1> to vector<1024x256xi32>
    %convert_element_type3A_741 = arith.sitofp %convert_element_type3A_740 : vector<1024x256xi32> to vector<1024x256xf32>
    %add3A_742 = arith.addf %add3A_735, %convert_element_type3A_741 : vector<1024x256xf32>
    %slice3A_743 = vector.extract_strided_slice %get3A_558 {offsets = [26, 0], sizes = [1, 256], strides = [1, 1]} : vector<64x256xi32> to vector<1x256xi32>
    %eq3A_744 = vector.broadcast %slice3A_743 : vector<1x256xi32> to vector<1024x256xi32>
    %eq3A_745 = vector.broadcast %iota3A : vector<1024x1xi32> to vector<1024x256xi32>
    %eq3A_746 = arith.cmpi eq, %eq3A_744, %eq3A_745 : vector<1024x256xi32>
    %convert_element_type3A_747 = arith.extui %eq3A_746 : vector<1024x256xi1> to vector<1024x256xi32>
    %convert_element_type3A_748 = arith.sitofp %convert_element_type3A_747 : vector<1024x256xi32> to vector<1024x256xf32>
    %add3A_749 = arith.addf %add3A_742, %convert_element_type3A_748 : vector<1024x256xf32>
    %slice3A_750 = vector.extract_strided_slice %get3A_558 {offsets = [27, 0], sizes = [1, 256], strides = [1, 1]} : vector<64x256xi32> to vector<1x256xi32>
    %eq3A_751 = vector.broadcast %slice3A_750 : vector<1x256xi32> to vector<1024x256xi32>
    %eq3A_752 = vector.broadcast %iota3A : vector<1024x1xi32> to vector<1024x256xi32>
    %eq3A_753 = arith.cmpi eq, %eq3A_751, %eq3A_752 : vector<1024x256xi32>
    %convert_element_type3A_754 = arith.extui %eq3A_753 : vector<1024x256xi1> to vector<1024x256xi32>
    %convert_element_type3A_755 = arith.sitofp %convert_element_type3A_754 : vector<1024x256xi32> to vector<1024x256xf32>
    %add3A_756 = arith.addf %add3A_749, %convert_element_type3A_755 : vector<1024x256xf32>
    %slice3A_757 = vector.extract_strided_slice %get3A_558 {offsets = [28, 0], sizes = [1, 256], strides = [1, 1]} : vector<64x256xi32> to vector<1x256xi32>
    %eq3A_758 = vector.broadcast %slice3A_757 : vector<1x256xi32> to vector<1024x256xi32>
    %eq3A_759 = vector.broadcast %iota3A : vector<1024x1xi32> to vector<1024x256xi32>
    %eq3A_760 = arith.cmpi eq, %eq3A_758, %eq3A_759 : vector<1024x256xi32>
    %convert_element_type3A_761 = arith.extui %eq3A_760 : vector<1024x256xi1> to vector<1024x256xi32>
    %convert_element_type3A_762 = arith.sitofp %convert_element_type3A_761 : vector<1024x256xi32> to vector<1024x256xf32>
    %add3A_763 = arith.addf %add3A_756, %convert_element_type3A_762 : vector<1024x256xf32>
    %slice3A_764 = vector.extract_strided_slice %get3A_558 {offsets = [29, 0], sizes = [1, 256], strides = [1, 1]} : vector<64x256xi32> to vector<1x256xi32>
    %eq3A_765 = vector.broadcast %slice3A_764 : vector<1x256xi32> to vector<1024x256xi32>
    %eq3A_766 = vector.broadcast %iota3A : vector<1024x1xi32> to vector<1024x256xi32>
    %eq3A_767 = arith.cmpi eq, %eq3A_765, %eq3A_766 : vector<1024x256xi32>
    %convert_element_type3A_768 = arith.extui %eq3A_767 : vector<1024x256xi1> to vector<1024x256xi32>
    %convert_element_type3A_769 = arith.sitofp %convert_element_type3A_768 : vector<1024x256xi32> to vector<1024x256xf32>
    %add3A_770 = arith.addf %add3A_763, %convert_element_type3A_769 : vector<1024x256xf32>
    %slice3A_771 = vector.extract_strided_slice %get3A_558 {offsets = [30, 0], sizes = [1, 256], strides = [1, 1]} : vector<64x256xi32> to vector<1x256xi32>
    %eq3A_772 = vector.broadcast %slice3A_771 : vector<1x256xi32> to vector<1024x256xi32>
    %eq3A_773 = vector.broadcast %iota3A : vector<1024x1xi32> to vector<1024x256xi32>
    %eq3A_774 = arith.cmpi eq, %eq3A_772, %eq3A_773 : vector<1024x256xi32>
    %convert_element_type3A_775 = arith.extui %eq3A_774 : vector<1024x256xi1> to vector<1024x256xi32>
    %convert_element_type3A_776 = arith.sitofp %convert_element_type3A_775 : vector<1024x256xi32> to vector<1024x256xf32>
    %add3A_777 = arith.addf %add3A_770, %convert_element_type3A_776 : vector<1024x256xf32>
    %slice3A_778 = vector.extract_strided_slice %get3A_558 {offsets = [31, 0], sizes = [1, 256], strides = [1, 1]} : vector<64x256xi32> to vector<1x256xi32>
    %eq3A_779 = vector.broadcast %slice3A_778 : vector<1x256xi32> to vector<1024x256xi32>
    %eq3A_780 = vector.broadcast %iota3A : vector<1024x1xi32> to vector<1024x256xi32>
    %eq3A_781 = arith.cmpi eq, %eq3A_779, %eq3A_780 : vector<1024x256xi32>
    %convert_element_type3A_782 = arith.extui %eq3A_781 : vector<1024x256xi1> to vector<1024x256xi32>
    %convert_element_type3A_783 = arith.sitofp %convert_element_type3A_782 : vector<1024x256xi32> to vector<1024x256xf32>
    %add3A_784 = arith.addf %add3A_777, %convert_element_type3A_783 : vector<1024x256xf32>
    %slice3A_785 = vector.extract_strided_slice %get3A_558 {offsets = [32, 0], sizes = [1, 256], strides = [1, 1]} : vector<64x256xi32> to vector<1x256xi32>
    %eq3A_786 = vector.broadcast %slice3A_785 : vector<1x256xi32> to vector<1024x256xi32>
    %eq3A_787 = vector.broadcast %iota3A : vector<1024x1xi32> to vector<1024x256xi32>
    %eq3A_788 = arith.cmpi eq, %eq3A_786, %eq3A_787 : vector<1024x256xi32>
    %convert_element_type3A_789 = arith.extui %eq3A_788 : vector<1024x256xi1> to vector<1024x256xi32>
    %convert_element_type3A_790 = arith.sitofp %convert_element_type3A_789 : vector<1024x256xi32> to vector<1024x256xf32>
    %add3A_791 = arith.addf %add3A_784, %convert_element_type3A_790 : vector<1024x256xf32>
    %slice3A_792 = vector.extract_strided_slice %get3A_558 {offsets = [33, 0], sizes = [1, 256], strides = [1, 1]} : vector<64x256xi32> to vector<1x256xi32>
    %eq3A_793 = vector.broadcast %slice3A_792 : vector<1x256xi32> to vector<1024x256xi32>
    %eq3A_794 = vector.broadcast %iota3A : vector<1024x1xi32> to vector<1024x256xi32>
    %eq3A_795 = arith.cmpi eq, %eq3A_793, %eq3A_794 : vector<1024x256xi32>
    %convert_element_type3A_796 = arith.extui %eq3A_795 : vector<1024x256xi1> to vector<1024x256xi32>
    %convert_element_type3A_797 = arith.sitofp %convert_element_type3A_796 : vector<1024x256xi32> to vector<1024x256xf32>
    %add3A_798 = arith.addf %add3A_791, %convert_element_type3A_797 : vector<1024x256xf32>
    %slice3A_799 = vector.extract_strided_slice %get3A_558 {offsets = [34, 0], sizes = [1, 256], strides = [1, 1]} : vector<64x256xi32> to vector<1x256xi32>
    %eq3A_800 = vector.broadcast %slice3A_799 : vector<1x256xi32> to vector<1024x256xi32>
    %eq3A_801 = vector.broadcast %iota3A : vector<1024x1xi32> to vector<1024x256xi32>
    %eq3A_802 = arith.cmpi eq, %eq3A_800, %eq3A_801 : vector<1024x256xi32>
    %convert_element_type3A_803 = arith.extui %eq3A_802 : vector<1024x256xi1> to vector<1024x256xi32>
    %convert_element_type3A_804 = arith.sitofp %convert_element_type3A_803 : vector<1024x256xi32> to vector<1024x256xf32>
    %add3A_805 = arith.addf %add3A_798, %convert_element_type3A_804 : vector<1024x256xf32>
    %slice3A_806 = vector.extract_strided_slice %get3A_558 {offsets = [35, 0], sizes = [1, 256], strides = [1, 1]} : vector<64x256xi32> to vector<1x256xi32>
    %eq3A_807 = vector.broadcast %slice3A_806 : vector<1x256xi32> to vector<1024x256xi32>
    %eq3A_808 = vector.broadcast %iota3A : vector<1024x1xi32> to vector<1024x256xi32>
    %eq3A_809 = arith.cmpi eq, %eq3A_807, %eq3A_808 : vector<1024x256xi32>
    %convert_element_type3A_810 = arith.extui %eq3A_809 : vector<1024x256xi1> to vector<1024x256xi32>
    %convert_element_type3A_811 = arith.sitofp %convert_element_type3A_810 : vector<1024x256xi32> to vector<1024x256xf32>
    %add3A_812 = arith.addf %add3A_805, %convert_element_type3A_811 : vector<1024x256xf32>
    %slice3A_813 = vector.extract_strided_slice %get3A_558 {offsets = [36, 0], sizes = [1, 256], strides = [1, 1]} : vector<64x256xi32> to vector<1x256xi32>
    %eq3A_814 = vector.broadcast %slice3A_813 : vector<1x256xi32> to vector<1024x256xi32>
    %eq3A_815 = vector.broadcast %iota3A : vector<1024x1xi32> to vector<1024x256xi32>
    %eq3A_816 = arith.cmpi eq, %eq3A_814, %eq3A_815 : vector<1024x256xi32>
    %convert_element_type3A_817 = arith.extui %eq3A_816 : vector<1024x256xi1> to vector<1024x256xi32>
    %convert_element_type3A_818 = arith.sitofp %convert_element_type3A_817 : vector<1024x256xi32> to vector<1024x256xf32>
    %add3A_819 = arith.addf %add3A_812, %convert_element_type3A_818 : vector<1024x256xf32>
    %slice3A_820 = vector.extract_strided_slice %get3A_558 {offsets = [37, 0], sizes = [1, 256], strides = [1, 1]} : vector<64x256xi32> to vector<1x256xi32>
    %eq3A_821 = vector.broadcast %slice3A_820 : vector<1x256xi32> to vector<1024x256xi32>
    %eq3A_822 = vector.broadcast %iota3A : vector<1024x1xi32> to vector<1024x256xi32>
    %eq3A_823 = arith.cmpi eq, %eq3A_821, %eq3A_822 : vector<1024x256xi32>
    %convert_element_type3A_824 = arith.extui %eq3A_823 : vector<1024x256xi1> to vector<1024x256xi32>
    %convert_element_type3A_825 = arith.sitofp %convert_element_type3A_824 : vector<1024x256xi32> to vector<1024x256xf32>
    %add3A_826 = arith.addf %add3A_819, %convert_element_type3A_825 : vector<1024x256xf32>
    %slice3A_827 = vector.extract_strided_slice %get3A_558 {offsets = [38, 0], sizes = [1, 256], strides = [1, 1]} : vector<64x256xi32> to vector<1x256xi32>
    %eq3A_828 = vector.broadcast %slice3A_827 : vector<1x256xi32> to vector<1024x256xi32>
    %eq3A_829 = vector.broadcast %iota3A : vector<1024x1xi32> to vector<1024x256xi32>
    %eq3A_830 = arith.cmpi eq, %eq3A_828, %eq3A_829 : vector<1024x256xi32>
    %convert_element_type3A_831 = arith.extui %eq3A_830 : vector<1024x256xi1> to vector<1024x256xi32>
    %convert_element_type3A_832 = arith.sitofp %convert_element_type3A_831 : vector<1024x256xi32> to vector<1024x256xf32>
    %add3A_833 = arith.addf %add3A_826, %convert_element_type3A_832 : vector<1024x256xf32>
    %slice3A_834 = vector.extract_strided_slice %get3A_558 {offsets = [39, 0], sizes = [1, 256], strides = [1, 1]} : vector<64x256xi32> to vector<1x256xi32>
    %eq3A_835 = vector.broadcast %slice3A_834 : vector<1x256xi32> to vector<1024x256xi32>
    %eq3A_836 = vector.broadcast %iota3A : vector<1024x1xi32> to vector<1024x256xi32>
    %eq3A_837 = arith.cmpi eq, %eq3A_835, %eq3A_836 : vector<1024x256xi32>
    %convert_element_type3A_838 = arith.extui %eq3A_837 : vector<1024x256xi1> to vector<1024x256xi32>
    %convert_element_type3A_839 = arith.sitofp %convert_element_type3A_838 : vector<1024x256xi32> to vector<1024x256xf32>
    %add3A_840 = arith.addf %add3A_833, %convert_element_type3A_839 : vector<1024x256xf32>
    %slice3A_841 = vector.extract_strided_slice %get3A_558 {offsets = [40, 0], sizes = [1, 256], strides = [1, 1]} : vector<64x256xi32> to vector<1x256xi32>
    %eq3A_842 = vector.broadcast %slice3A_841 : vector<1x256xi32> to vector<1024x256xi32>
    %eq3A_843 = vector.broadcast %iota3A : vector<1024x1xi32> to vector<1024x256xi32>
    %eq3A_844 = arith.cmpi eq, %eq3A_842, %eq3A_843 : vector<1024x256xi32>
    %convert_element_type3A_845 = arith.extui %eq3A_844 : vector<1024x256xi1> to vector<1024x256xi32>
    %convert_element_type3A_846 = arith.sitofp %convert_element_type3A_845 : vector<1024x256xi32> to vector<1024x256xf32>
    %add3A_847 = arith.addf %add3A_840, %convert_element_type3A_846 : vector<1024x256xf32>
    %slice3A_848 = vector.extract_strided_slice %get3A_558 {offsets = [41, 0], sizes = [1, 256], strides = [1, 1]} : vector<64x256xi32> to vector<1x256xi32>
    %eq3A_849 = vector.broadcast %slice3A_848 : vector<1x256xi32> to vector<1024x256xi32>
    %eq3A_850 = vector.broadcast %iota3A : vector<1024x1xi32> to vector<1024x256xi32>
    %eq3A_851 = arith.cmpi eq, %eq3A_849, %eq3A_850 : vector<1024x256xi32>
    %convert_element_type3A_852 = arith.extui %eq3A_851 : vector<1024x256xi1> to vector<1024x256xi32>
    %convert_element_type3A_853 = arith.sitofp %convert_element_type3A_852 : vector<1024x256xi32> to vector<1024x256xf32>
    %add3A_854 = arith.addf %add3A_847, %convert_element_type3A_853 : vector<1024x256xf32>
    %slice3A_855 = vector.extract_strided_slice %get3A_558 {offsets = [42, 0], sizes = [1, 256], strides = [1, 1]} : vector<64x256xi32> to vector<1x256xi32>
    %eq3A_856 = vector.broadcast %slice3A_855 : vector<1x256xi32> to vector<1024x256xi32>
    %eq3A_857 = vector.broadcast %iota3A : vector<1024x1xi32> to vector<1024x256xi32>
    %eq3A_858 = arith.cmpi eq, %eq3A_856, %eq3A_857 : vector<1024x256xi32>
    %convert_element_type3A_859 = arith.extui %eq3A_858 : vector<1024x256xi1> to vector<1024x256xi32>
    %convert_element_type3A_860 = arith.sitofp %convert_element_type3A_859 : vector<1024x256xi32> to vector<1024x256xf32>
    %add3A_861 = arith.addf %add3A_854, %convert_element_type3A_860 : vector<1024x256xf32>
    %slice3A_862 = vector.extract_strided_slice %get3A_558 {offsets = [43, 0], sizes = [1, 256], strides = [1, 1]} : vector<64x256xi32> to vector<1x256xi32>
    %eq3A_863 = vector.broadcast %slice3A_862 : vector<1x256xi32> to vector<1024x256xi32>
    %eq3A_864 = vector.broadcast %iota3A : vector<1024x1xi32> to vector<1024x256xi32>
    %eq3A_865 = arith.cmpi eq, %eq3A_863, %eq3A_864 : vector<1024x256xi32>
    %convert_element_type3A_866 = arith.extui %eq3A_865 : vector<1024x256xi1> to vector<1024x256xi32>
    %convert_element_type3A_867 = arith.sitofp %convert_element_type3A_866 : vector<1024x256xi32> to vector<1024x256xf32>
    %add3A_868 = arith.addf %add3A_861, %convert_element_type3A_867 : vector<1024x256xf32>
    %slice3A_869 = vector.extract_strided_slice %get3A_558 {offsets = [44, 0], sizes = [1, 256], strides = [1, 1]} : vector<64x256xi32> to vector<1x256xi32>
    %eq3A_870 = vector.broadcast %slice3A_869 : vector<1x256xi32> to vector<1024x256xi32>
    %eq3A_871 = vector.broadcast %iota3A : vector<1024x1xi32> to vector<1024x256xi32>
    %eq3A_872 = arith.cmpi eq, %eq3A_870, %eq3A_871 : vector<1024x256xi32>
    %convert_element_type3A_873 = arith.extui %eq3A_872 : vector<1024x256xi1> to vector<1024x256xi32>
    %convert_element_type3A_874 = arith.sitofp %convert_element_type3A_873 : vector<1024x256xi32> to vector<1024x256xf32>
    %add3A_875 = arith.addf %add3A_868, %convert_element_type3A_874 : vector<1024x256xf32>
    %slice3A_876 = vector.extract_strided_slice %get3A_558 {offsets = [45, 0], sizes = [1, 256], strides = [1, 1]} : vector<64x256xi32> to vector<1x256xi32>
    %eq3A_877 = vector.broadcast %slice3A_876 : vector<1x256xi32> to vector<1024x256xi32>
    %eq3A_878 = vector.broadcast %iota3A : vector<1024x1xi32> to vector<1024x256xi32>
    %eq3A_879 = arith.cmpi eq, %eq3A_877, %eq3A_878 : vector<1024x256xi32>
    %convert_element_type3A_880 = arith.extui %eq3A_879 : vector<1024x256xi1> to vector<1024x256xi32>
    %convert_element_type3A_881 = arith.sitofp %convert_element_type3A_880 : vector<1024x256xi32> to vector<1024x256xf32>
    %add3A_882 = arith.addf %add3A_875, %convert_element_type3A_881 : vector<1024x256xf32>
    %slice3A_883 = vector.extract_strided_slice %get3A_558 {offsets = [46, 0], sizes = [1, 256], strides = [1, 1]} : vector<64x256xi32> to vector<1x256xi32>
    %eq3A_884 = vector.broadcast %slice3A_883 : vector<1x256xi32> to vector<1024x256xi32>
    %eq3A_885 = vector.broadcast %iota3A : vector<1024x1xi32> to vector<1024x256xi32>
    %eq3A_886 = arith.cmpi eq, %eq3A_884, %eq3A_885 : vector<1024x256xi32>
    %convert_element_type3A_887 = arith.extui %eq3A_886 : vector<1024x256xi1> to vector<1024x256xi32>
    %convert_element_type3A_888 = arith.sitofp %convert_element_type3A_887 : vector<1024x256xi32> to vector<1024x256xf32>
    %add3A_889 = arith.addf %add3A_882, %convert_element_type3A_888 : vector<1024x256xf32>
    %slice3A_890 = vector.extract_strided_slice %get3A_558 {offsets = [47, 0], sizes = [1, 256], strides = [1, 1]} : vector<64x256xi32> to vector<1x256xi32>
    %eq3A_891 = vector.broadcast %slice3A_890 : vector<1x256xi32> to vector<1024x256xi32>
    %eq3A_892 = vector.broadcast %iota3A : vector<1024x1xi32> to vector<1024x256xi32>
    %eq3A_893 = arith.cmpi eq, %eq3A_891, %eq3A_892 : vector<1024x256xi32>
    %convert_element_type3A_894 = arith.extui %eq3A_893 : vector<1024x256xi1> to vector<1024x256xi32>
    %convert_element_type3A_895 = arith.sitofp %convert_element_type3A_894 : vector<1024x256xi32> to vector<1024x256xf32>
    %add3A_896 = arith.addf %add3A_889, %convert_element_type3A_895 : vector<1024x256xf32>
    %slice3A_897 = vector.extract_strided_slice %get3A_558 {offsets = [48, 0], sizes = [1, 256], strides = [1, 1]} : vector<64x256xi32> to vector<1x256xi32>
    %eq3A_898 = vector.broadcast %slice3A_897 : vector<1x256xi32> to vector<1024x256xi32>
    %eq3A_899 = vector.broadcast %iota3A : vector<1024x1xi32> to vector<1024x256xi32>
    %eq3A_900 = arith.cmpi eq, %eq3A_898, %eq3A_899 : vector<1024x256xi32>
    %convert_element_type3A_901 = arith.extui %eq3A_900 : vector<1024x256xi1> to vector<1024x256xi32>
    %convert_element_type3A_902 = arith.sitofp %convert_element_type3A_901 : vector<1024x256xi32> to vector<1024x256xf32>
    %add3A_903 = arith.addf %add3A_896, %convert_element_type3A_902 : vector<1024x256xf32>
    %slice3A_904 = vector.extract_strided_slice %get3A_558 {offsets = [49, 0], sizes = [1, 256], strides = [1, 1]} : vector<64x256xi32> to vector<1x256xi32>
    %eq3A_905 = vector.broadcast %slice3A_904 : vector<1x256xi32> to vector<1024x256xi32>
    %eq3A_906 = vector.broadcast %iota3A : vector<1024x1xi32> to vector<1024x256xi32>
    %eq3A_907 = arith.cmpi eq, %eq3A_905, %eq3A_906 : vector<1024x256xi32>
    %convert_element_type3A_908 = arith.extui %eq3A_907 : vector<1024x256xi1> to vector<1024x256xi32>
    %convert_element_type3A_909 = arith.sitofp %convert_element_type3A_908 : vector<1024x256xi32> to vector<1024x256xf32>
    %add3A_910 = arith.addf %add3A_903, %convert_element_type3A_909 : vector<1024x256xf32>
    %slice3A_911 = vector.extract_strided_slice %get3A_558 {offsets = [50, 0], sizes = [1, 256], strides = [1, 1]} : vector<64x256xi32> to vector<1x256xi32>
    %eq3A_912 = vector.broadcast %slice3A_911 : vector<1x256xi32> to vector<1024x256xi32>
    %eq3A_913 = vector.broadcast %iota3A : vector<1024x1xi32> to vector<1024x256xi32>
    %eq3A_914 = arith.cmpi eq, %eq3A_912, %eq3A_913 : vector<1024x256xi32>
    %convert_element_type3A_915 = arith.extui %eq3A_914 : vector<1024x256xi1> to vector<1024x256xi32>
    %convert_element_type3A_916 = arith.sitofp %convert_element_type3A_915 : vector<1024x256xi32> to vector<1024x256xf32>
    %add3A_917 = arith.addf %add3A_910, %convert_element_type3A_916 : vector<1024x256xf32>
    %slice3A_918 = vector.extract_strided_slice %get3A_558 {offsets = [51, 0], sizes = [1, 256], strides = [1, 1]} : vector<64x256xi32> to vector<1x256xi32>
    %eq3A_919 = vector.broadcast %slice3A_918 : vector<1x256xi32> to vector<1024x256xi32>
    %eq3A_920 = vector.broadcast %iota3A : vector<1024x1xi32> to vector<1024x256xi32>
    %eq3A_921 = arith.cmpi eq, %eq3A_919, %eq3A_920 : vector<1024x256xi32>
    %convert_element_type3A_922 = arith.extui %eq3A_921 : vector<1024x256xi1> to vector<1024x256xi32>
    %convert_element_type3A_923 = arith.sitofp %convert_element_type3A_922 : vector<1024x256xi32> to vector<1024x256xf32>
    %add3A_924 = arith.addf %add3A_917, %convert_element_type3A_923 : vector<1024x256xf32>
    %slice3A_925 = vector.extract_strided_slice %get3A_558 {offsets = [52, 0], sizes = [1, 256], strides = [1, 1]} : vector<64x256xi32> to vector<1x256xi32>
    %eq3A_926 = vector.broadcast %slice3A_925 : vector<1x256xi32> to vector<1024x256xi32>
    %eq3A_927 = vector.broadcast %iota3A : vector<1024x1xi32> to vector<1024x256xi32>
    %eq3A_928 = arith.cmpi eq, %eq3A_926, %eq3A_927 : vector<1024x256xi32>
    %convert_element_type3A_929 = arith.extui %eq3A_928 : vector<1024x256xi1> to vector<1024x256xi32>
    %convert_element_type3A_930 = arith.sitofp %convert_element_type3A_929 : vector<1024x256xi32> to vector<1024x256xf32>
    %add3A_931 = arith.addf %add3A_924, %convert_element_type3A_930 : vector<1024x256xf32>
    %slice3A_932 = vector.extract_strided_slice %get3A_558 {offsets = [53, 0], sizes = [1, 256], strides = [1, 1]} : vector<64x256xi32> to vector<1x256xi32>
    %eq3A_933 = vector.broadcast %slice3A_932 : vector<1x256xi32> to vector<1024x256xi32>
    %eq3A_934 = vector.broadcast %iota3A : vector<1024x1xi32> to vector<1024x256xi32>
    %eq3A_935 = arith.cmpi eq, %eq3A_933, %eq3A_934 : vector<1024x256xi32>
    %convert_element_type3A_936 = arith.extui %eq3A_935 : vector<1024x256xi1> to vector<1024x256xi32>
    %convert_element_type3A_937 = arith.sitofp %convert_element_type3A_936 : vector<1024x256xi32> to vector<1024x256xf32>
    %add3A_938 = arith.addf %add3A_931, %convert_element_type3A_937 : vector<1024x256xf32>
    %slice3A_939 = vector.extract_strided_slice %get3A_558 {offsets = [54, 0], sizes = [1, 256], strides = [1, 1]} : vector<64x256xi32> to vector<1x256xi32>
    %eq3A_940 = vector.broadcast %slice3A_939 : vector<1x256xi32> to vector<1024x256xi32>
    %eq3A_941 = vector.broadcast %iota3A : vector<1024x1xi32> to vector<1024x256xi32>
    %eq3A_942 = arith.cmpi eq, %eq3A_940, %eq3A_941 : vector<1024x256xi32>
    %convert_element_type3A_943 = arith.extui %eq3A_942 : vector<1024x256xi1> to vector<1024x256xi32>
    %convert_element_type3A_944 = arith.sitofp %convert_element_type3A_943 : vector<1024x256xi32> to vector<1024x256xf32>
    %add3A_945 = arith.addf %add3A_938, %convert_element_type3A_944 : vector<1024x256xf32>
    %slice3A_946 = vector.extract_strided_slice %get3A_558 {offsets = [55, 0], sizes = [1, 256], strides = [1, 1]} : vector<64x256xi32> to vector<1x256xi32>
    %eq3A_947 = vector.broadcast %slice3A_946 : vector<1x256xi32> to vector<1024x256xi32>
    %eq3A_948 = vector.broadcast %iota3A : vector<1024x1xi32> to vector<1024x256xi32>
    %eq3A_949 = arith.cmpi eq, %eq3A_947, %eq3A_948 : vector<1024x256xi32>
    %convert_element_type3A_950 = arith.extui %eq3A_949 : vector<1024x256xi1> to vector<1024x256xi32>
    %convert_element_type3A_951 = arith.sitofp %convert_element_type3A_950 : vector<1024x256xi32> to vector<1024x256xf32>
    %add3A_952 = arith.addf %add3A_945, %convert_element_type3A_951 : vector<1024x256xf32>
    %slice3A_953 = vector.extract_strided_slice %get3A_558 {offsets = [56, 0], sizes = [1, 256], strides = [1, 1]} : vector<64x256xi32> to vector<1x256xi32>
    %eq3A_954 = vector.broadcast %slice3A_953 : vector<1x256xi32> to vector<1024x256xi32>
    %eq3A_955 = vector.broadcast %iota3A : vector<1024x1xi32> to vector<1024x256xi32>
    %eq3A_956 = arith.cmpi eq, %eq3A_954, %eq3A_955 : vector<1024x256xi32>
    %convert_element_type3A_957 = arith.extui %eq3A_956 : vector<1024x256xi1> to vector<1024x256xi32>
    %convert_element_type3A_958 = arith.sitofp %convert_element_type3A_957 : vector<1024x256xi32> to vector<1024x256xf32>
    %add3A_959 = arith.addf %add3A_952, %convert_element_type3A_958 : vector<1024x256xf32>
    %slice3A_960 = vector.extract_strided_slice %get3A_558 {offsets = [57, 0], sizes = [1, 256], strides = [1, 1]} : vector<64x256xi32> to vector<1x256xi32>
    %eq3A_961 = vector.broadcast %slice3A_960 : vector<1x256xi32> to vector<1024x256xi32>
    %eq3A_962 = vector.broadcast %iota3A : vector<1024x1xi32> to vector<1024x256xi32>
    %eq3A_963 = arith.cmpi eq, %eq3A_961, %eq3A_962 : vector<1024x256xi32>
    %convert_element_type3A_964 = arith.extui %eq3A_963 : vector<1024x256xi1> to vector<1024x256xi32>
    %convert_element_type3A_965 = arith.sitofp %convert_element_type3A_964 : vector<1024x256xi32> to vector<1024x256xf32>
    %add3A_966 = arith.addf %add3A_959, %convert_element_type3A_965 : vector<1024x256xf32>
    %slice3A_967 = vector.extract_strided_slice %get3A_558 {offsets = [58, 0], sizes = [1, 256], strides = [1, 1]} : vector<64x256xi32> to vector<1x256xi32>
    %eq3A_968 = vector.broadcast %slice3A_967 : vector<1x256xi32> to vector<1024x256xi32>
    %eq3A_969 = vector.broadcast %iota3A : vector<1024x1xi32> to vector<1024x256xi32>
    %eq3A_970 = arith.cmpi eq, %eq3A_968, %eq3A_969 : vector<1024x256xi32>
    %convert_element_type3A_971 = arith.extui %eq3A_970 : vector<1024x256xi1> to vector<1024x256xi32>
    %convert_element_type3A_972 = arith.sitofp %convert_element_type3A_971 : vector<1024x256xi32> to vector<1024x256xf32>
    %add3A_973 = arith.addf %add3A_966, %convert_element_type3A_972 : vector<1024x256xf32>
    %slice3A_974 = vector.extract_strided_slice %get3A_558 {offsets = [59, 0], sizes = [1, 256], strides = [1, 1]} : vector<64x256xi32> to vector<1x256xi32>
    %eq3A_975 = vector.broadcast %slice3A_974 : vector<1x256xi32> to vector<1024x256xi32>
    %eq3A_976 = vector.broadcast %iota3A : vector<1024x1xi32> to vector<1024x256xi32>
    %eq3A_977 = arith.cmpi eq, %eq3A_975, %eq3A_976 : vector<1024x256xi32>
    %convert_element_type3A_978 = arith.extui %eq3A_977 : vector<1024x256xi1> to vector<1024x256xi32>
    %convert_element_type3A_979 = arith.sitofp %convert_element_type3A_978 : vector<1024x256xi32> to vector<1024x256xf32>
    %add3A_980 = arith.addf %add3A_973, %convert_element_type3A_979 : vector<1024x256xf32>
    %slice3A_981 = vector.extract_strided_slice %get3A_558 {offsets = [60, 0], sizes = [1, 256], strides = [1, 1]} : vector<64x256xi32> to vector<1x256xi32>
    %eq3A_982 = vector.broadcast %slice3A_981 : vector<1x256xi32> to vector<1024x256xi32>
    %eq3A_983 = vector.broadcast %iota3A : vector<1024x1xi32> to vector<1024x256xi32>
    %eq3A_984 = arith.cmpi eq, %eq3A_982, %eq3A_983 : vector<1024x256xi32>
    %convert_element_type3A_985 = arith.extui %eq3A_984 : vector<1024x256xi1> to vector<1024x256xi32>
    %convert_element_type3A_986 = arith.sitofp %convert_element_type3A_985 : vector<1024x256xi32> to vector<1024x256xf32>
    %add3A_987 = arith.addf %add3A_980, %convert_element_type3A_986 : vector<1024x256xf32>
    %slice3A_988 = vector.extract_strided_slice %get3A_558 {offsets = [61, 0], sizes = [1, 256], strides = [1, 1]} : vector<64x256xi32> to vector<1x256xi32>
    %eq3A_989 = vector.broadcast %slice3A_988 : vector<1x256xi32> to vector<1024x256xi32>
    %eq3A_990 = vector.broadcast %iota3A : vector<1024x1xi32> to vector<1024x256xi32>
    %eq3A_991 = arith.cmpi eq, %eq3A_989, %eq3A_990 : vector<1024x256xi32>
    %convert_element_type3A_992 = arith.extui %eq3A_991 : vector<1024x256xi1> to vector<1024x256xi32>
    %convert_element_type3A_993 = arith.sitofp %convert_element_type3A_992 : vector<1024x256xi32> to vector<1024x256xf32>
    %add3A_994 = arith.addf %add3A_987, %convert_element_type3A_993 : vector<1024x256xf32>
    %slice3A_995 = vector.extract_strided_slice %get3A_558 {offsets = [62, 0], sizes = [1, 256], strides = [1, 1]} : vector<64x256xi32> to vector<1x256xi32>
    %eq3A_996 = vector.broadcast %slice3A_995 : vector<1x256xi32> to vector<1024x256xi32>
    %eq3A_997 = vector.broadcast %iota3A : vector<1024x1xi32> to vector<1024x256xi32>
    %eq3A_998 = arith.cmpi eq, %eq3A_996, %eq3A_997 : vector<1024x256xi32>
    %convert_element_type3A_999 = arith.extui %eq3A_998 : vector<1024x256xi1> to vector<1024x256xi32>
    %convert_element_type3A_1000 = arith.sitofp %convert_element_type3A_999 : vector<1024x256xi32> to vector<1024x256xf32>
    %add3A_1001 = arith.addf %add3A_994, %convert_element_type3A_1000 : vector<1024x256xf32>
    %slice3A_1002 = vector.extract_strided_slice %get3A_558 {offsets = [63, 0], sizes = [1, 256], strides = [1, 1]} : vector<64x256xi32> to vector<1x256xi32>
    %eq3A_1003 = vector.broadcast %slice3A_1002 : vector<1x256xi32> to vector<1024x256xi32>
    %eq3A_1004 = vector.broadcast %iota3A : vector<1024x1xi32> to vector<1024x256xi32>
    %eq3A_1005 = arith.cmpi eq, %eq3A_1003, %eq3A_1004 : vector<1024x256xi32>
    %convert_element_type3A_1006 = arith.extui %eq3A_1005 : vector<1024x256xi1> to vector<1024x256xi32>
    %convert_element_type3A_1007 = arith.sitofp %convert_element_type3A_1006 : vector<1024x256xi32> to vector<1024x256xf32>
    %add3A_1008 = arith.addf %add3A_1001, %convert_element_type3A_1007 : vector<1024x256xf32>
    %reduce_max3A_1009 = arith.constant dense<0xFF800000> : vector<256xf32>
    %reduce_max3A_1010 = vector.multi_reduction <maximumf>, %add3A_555, %reduce_max3A_1009 [0] : vector<1024x256xf32> to vector<256xf32>
    %broadcast_in_dim3A_1011 = vector.shape_cast %reduce_max3A_1010 : vector<256xf32> to vector<1x256xf32>
    %sub3A_1012 = vector.broadcast %broadcast_in_dim3A_1011 : vector<1x256xf32> to vector<1024x256xf32>
    %sub3A_1013 = arith.subf %add3A_555, %sub3A_1012 : vector<1024x256xf32>
    %exp3A_1014 = math.exp %sub3A_1013 : vector<1024x256xf32>
    %mul3A_1015 = arith.mulf %add3A_1008, %exp3A_1014 : vector<1024x256xf32>
    %reduce_sum3A_1016 = arith.constant dense<0.000000e+00> : vector<256xf32>
    %reduce_sum3A_1017 = vector.multi_reduction <add>, %mul3A_1015, %reduce_sum3A_1016 [0] : vector<1024x256xf32> to vector<256xf32>
    %broadcast_in_dim3A_1018 = vector.shape_cast %reduce_sum3A_1017 : vector<256xf32> to vector<1x256xf32>
    %max3A_1019 = arith.constant 1.000000e-30 : f32
    %max3A_1020 = vector.broadcast %max3A_1019 : f32 to vector<1x256xf32>
    %max3A_1021 = arith.maximumf %broadcast_in_dim3A_1018, %max3A_1020 : vector<1x256xf32>
    %div3A_1022 = vector.broadcast %max3A_1021 : vector<1x256xf32> to vector<1024x256xf32>
    %div3A_1023 = arith.divf %mul3A_1015, %div3A_1022 : vector<1024x256xf32>
    %convert_element_type3A_1024 = arith.truncf %div3A_1023 : vector<1024x256xf32> to vector<1024x256xbf16>
    %dot_general3A_1025 = arith.constant dense<0.000000e+00> : vector<256x256xf32>
    %dot_general3A_1026 = tpu.matmul %convert_element_type3A_1024, %get3A_8, %dot_general3A_1025 {dimension_numbers = #tpu.dot_dimension_numbers<[0], [0], [1], [1], [0, 1, 1, 1], [], []>, transpose_lhs_hint = false} : vector<1024x256xbf16>, vector<1024x256xbf16>, vector<256x256xf32> -> vector<256x256xf32>
    %mul3A_1027 = arith.mulf %get3A_40, %dot_general3A_550 : vector<256x256xf32>
    %reduce_sum3A_1028 = arith.constant dense<0.000000e+00> : vector<256xf32>
    %reduce_sum3A_1029 = vector.multi_reduction <add>, %mul3A_1027, %reduce_sum3A_1028 [1] : vector<256x256xf32> to vector<256xf32>
    %broadcast_in_dim3A_1030 = vector.shape_cast %reduce_sum3A_1029 : vector<256xf32> to vector<256x1xf32>
    %neg3A = arith.constant 0.000000e+00 : f32
    %neg3A_1031 = vector.broadcast %neg3A : f32 to vector<256x1xf32>
    %neg3A_1032 = arith.subf %neg3A_1031, %broadcast_in_dim3A_1030 : vector<256x1xf32>
    %exp3A_1033 = math.exp %neg3A_1032 : vector<256x1xf32>
    %add3A_1034 = arith.constant 1.000000e+00 : f32
    %add3A_1035 = vector.broadcast %add3A_1034 : f32 to vector<256x1xf32>
    %add3A_1036 = arith.addf %add3A_1035, %exp3A_1033 : vector<256x1xf32>
    %div3A_1037 = arith.constant 1.000000e+00 : f32
    %div3A_1038 = vector.broadcast %div3A_1037 : f32 to vector<256x1xf32>
    %div3A_1039 = arith.divf %div3A_1038, %add3A_1036 : vector<256x1xf32>
    %mul3A_1040 = arith.mulf %get3A_43, %dot_general3A_1026 : vector<256x256xf32>
    %reduce_sum3A_1041 = arith.constant dense<0.000000e+00> : vector<256xf32>
    %reduce_sum3A_1042 = vector.multi_reduction <add>, %mul3A_1040, %reduce_sum3A_1041 [1] : vector<256x256xf32> to vector<256xf32>
    %broadcast_in_dim3A_1043 = vector.shape_cast %reduce_sum3A_1042 : vector<256xf32> to vector<256x1xf32>
    %neg3A_1044 = arith.constant 0.000000e+00 : f32
    %neg3A_1045 = vector.broadcast %neg3A_1044 : f32 to vector<256x1xf32>
    %neg3A_1046 = arith.subf %neg3A_1045, %broadcast_in_dim3A_1043 : vector<256x1xf32>
    %exp3A_1047 = math.exp %neg3A_1046 : vector<256x1xf32>
    %add3A_1048 = arith.constant 1.000000e+00 : f32
    %add3A_1049 = vector.broadcast %add3A_1048 : f32 to vector<256x1xf32>
    %add3A_1050 = arith.addf %add3A_1049, %exp3A_1047 : vector<256x1xf32>
    %div3A_1051 = arith.constant 1.000000e+00 : f32
    %div3A_1052 = vector.broadcast %div3A_1051 : f32 to vector<256x1xf32>
    %div3A_1053 = arith.divf %div3A_1052, %add3A_1050 : vector<256x1xf32>
    %sub3A_1054 = arith.subf %get3A_34, %get3A_31 : vector<256x256xf32>
    %mul3A_1055 = arith.mulf %get3A_37, %sub3A_1054 : vector<256x256xf32>
    %reduce_sum3A_1056 = arith.constant dense<0.000000e+00> : vector<256xf32>
    %reduce_sum3A_1057 = vector.multi_reduction <add>, %mul3A_1055, %reduce_sum3A_1056 [1] : vector<256x256xf32> to vector<256xf32>
    %broadcast_in_dim3A_1058 = vector.shape_cast %reduce_sum3A_1057 : vector<256xf32> to vector<256x1xf32>
    %neg3A_1059 = arith.constant 0.000000e+00 : f32
    %neg3A_1060 = vector.broadcast %neg3A_1059 : f32 to vector<256x1xf32>
    %neg3A_1061 = arith.subf %neg3A_1060, %broadcast_in_dim3A_1058 : vector<256x1xf32>
    %exp3A_1062 = math.exp %neg3A_1061 : vector<256x1xf32>
    %add3A_1063 = arith.constant 1.000000e+00 : f32
    %add3A_1064 = vector.broadcast %add3A_1063 : f32 to vector<256x1xf32>
    %add3A_1065 = arith.addf %add3A_1064, %exp3A_1062 : vector<256x1xf32>
    %div3A_1066 = arith.constant 1.000000e+00 : f32
    %div3A_1067 = vector.broadcast %div3A_1066 : f32 to vector<256x1xf32>
    %div3A_1068 = arith.divf %div3A_1067, %add3A_1065 : vector<256x1xf32>
    %mul3A_1069 = arith.mulf %get3A_46, %get3A_49 : vector<256x256xf32>
    %reduce_sum3A_1070 = arith.constant dense<0.000000e+00> : vector<256xf32>
    %reduce_sum3A_1071 = vector.multi_reduction <add>, %mul3A_1069, %reduce_sum3A_1070 [1] : vector<256x256xf32> to vector<256xf32>
    %broadcast_in_dim3A_1072 = vector.shape_cast %reduce_sum3A_1071 : vector<256xf32> to vector<256x1xf32>
    %neg3A_1073 = arith.constant 0.000000e+00 : f32
    %neg3A_1074 = vector.broadcast %neg3A_1073 : f32 to vector<256x1xf32>
    %neg3A_1075 = arith.subf %neg3A_1074, %broadcast_in_dim3A_1072 : vector<256x1xf32>
    %exp3A_1076 = math.exp %neg3A_1075 : vector<256x1xf32>
    %add3A_1077 = arith.constant 1.000000e+00 : f32
    %add3A_1078 = vector.broadcast %add3A_1077 : f32 to vector<256x1xf32>
    %add3A_1079 = arith.addf %add3A_1078, %exp3A_1076 : vector<256x1xf32>
    %div3A_1080 = arith.constant 1.000000e+00 : f32
    %div3A_1081 = vector.broadcast %div3A_1080 : f32 to vector<256x1xf32>
    %div3A_1082 = arith.divf %div3A_1081, %add3A_1079 : vector<256x1xf32>
    %mul3A_1083 = vector.broadcast %get3A_11 : vector<1x256xf32> to vector<256x256xf32>
    %mul3A_1084 = arith.mulf %get3A_37, %mul3A_1083 : vector<256x256xf32>
    %sub3A_1085 = arith.subf %get3A_46, %get3A_49 : vector<256x256xf32>
    %abs3A_1086 = math.absf %sub3A_1085 : vector<256x256xf32>
    %mul3A_1087 = vector.broadcast %get3A_14 : vector<1x256xf32> to vector<256x256xf32>
    %mul3A_1088 = arith.mulf %abs3A_1086, %mul3A_1087 : vector<256x256xf32>
    %add3A_1089 = arith.addf %mul3A_1084, %mul3A_1088 : vector<256x256xf32>
    %reduce_sum3A_1090 = arith.constant dense<0.000000e+00> : vector<256xf32>
    %reduce_sum3A_1091 = vector.multi_reduction <add>, %add3A_1089, %reduce_sum3A_1090 [1] : vector<256x256xf32> to vector<256xf32>
    %broadcast_in_dim3A_1092 = vector.shape_cast %reduce_sum3A_1091 : vector<256xf32> to vector<256x1xf32>
    %neg3A_1093 = arith.constant 0.000000e+00 : f32
    %neg3A_1094 = vector.broadcast %neg3A_1093 : f32 to vector<256x1xf32>
    %neg3A_1095 = arith.subf %neg3A_1094, %broadcast_in_dim3A_1092 : vector<256x1xf32>
    %exp3A_1096 = math.exp %neg3A_1095 : vector<256x1xf32>
    %add3A_1097 = arith.constant 1.000000e+00 : f32
    %add3A_1098 = vector.broadcast %add3A_1097 : f32 to vector<256x1xf32>
    %add3A_1099 = arith.addf %add3A_1098, %exp3A_1096 : vector<256x1xf32>
    %div3A_1100 = arith.constant 1.000000e+00 : f32
    %div3A_1101 = vector.broadcast %div3A_1100 : f32 to vector<256x1xf32>
    %div3A_1102 = arith.divf %div3A_1101, %add3A_1099 : vector<256x1xf32>
    %mul3A_1103 = arith.mulf %div3A_1102, %div3A_1082 : vector<256x1xf32>
    %mul3A_1104 = arith.mulf %mul3A_1103, %convert_element_type3A_23 : vector<256x1xf32>
    %sub3A_1105 = arith.constant 1.000000e+00 : f32
    %sub3A_1106 = vector.broadcast %sub3A_1105 : f32 to vector<256x1xf32>
    %sub3A_1107 = arith.subf %sub3A_1106, %convert_element_type3A_23 : vector<256x1xf32>
    %add3A_1108 = arith.addf %mul3A_1104, %sub3A_1107 : vector<256x1xf32>
    %add3A_1109 = arith.addf %mul3A_65, %mul3A_75 : vector<256x256xf32>
    %sub3A_1110 = arith.subf %add3A_1109, %mul3A_55 : vector<256x256xf32>
    %abs3A_1111 = math.absf %sub3A_1110 : vector<256x256xf32>
    %reduce_sum3A_1112 = arith.constant dense<0.000000e+00> : vector<256xf32>
    %reduce_sum3A_1113 = vector.multi_reduction <add>, %abs3A_1111, %reduce_sum3A_1112 [1] : vector<256x256xf32> to vector<256xf32>
    %broadcast_in_dim3A_1114 = vector.shape_cast %reduce_sum3A_1113 : vector<256xf32> to vector<256x1xf32>
    %neg3A_1115 = arith.constant 0.000000e+00 : f32
    %neg3A_1116 = vector.broadcast %neg3A_1115 : f32 to vector<256x1xf32>
    %neg3A_1117 = arith.subf %neg3A_1116, %broadcast_in_dim3A_1114 : vector<256x1xf32>
    %exp3A_1118 = math.exp %neg3A_1117 : vector<256x1xf32>
    %add3A_1119 = arith.constant 1.000000e+00 : f32
    %add3A_1120 = vector.broadcast %add3A_1119 : f32 to vector<256x1xf32>
    %add3A_1121 = arith.addf %add3A_1120, %exp3A_1118 : vector<256x1xf32>
    %div3A_1122 = arith.constant 1.000000e+00 : f32
    %div3A_1123 = vector.broadcast %div3A_1122 : f32 to vector<256x1xf32>
    %div3A_1124 = arith.divf %div3A_1123, %add3A_1121 : vector<256x1xf32>
    %mul3A_1125 = vector.broadcast %get3A_17 : vector<1x256xf32> to vector<256x256xf32>
    %mul3A_1126 = arith.mulf %get3A_37, %mul3A_1125 : vector<256x256xf32>
    %reduce_sum3A_1127 = arith.constant dense<0.000000e+00> : vector<256xf32>
    %reduce_sum3A_1128 = vector.multi_reduction <add>, %mul3A_1126, %reduce_sum3A_1127 [1] : vector<256x256xf32> to vector<256xf32>
    %broadcast_in_dim3A_1129 = vector.shape_cast %reduce_sum3A_1128 : vector<256xf32> to vector<256x1xf32>
    %neg3A_1130 = arith.constant 0.000000e+00 : f32
    %neg3A_1131 = vector.broadcast %neg3A_1130 : f32 to vector<256x1xf32>
    %neg3A_1132 = arith.subf %neg3A_1131, %broadcast_in_dim3A_1129 : vector<256x1xf32>
    %exp3A_1133 = math.exp %neg3A_1132 : vector<256x1xf32>
    %add3A_1134 = arith.constant 1.000000e+00 : f32
    %add3A_1135 = vector.broadcast %add3A_1134 : f32 to vector<256x1xf32>
    %add3A_1136 = arith.addf %add3A_1135, %exp3A_1133 : vector<256x1xf32>
    %div3A_1137 = arith.constant 1.000000e+00 : f32
    %div3A_1138 = vector.broadcast %div3A_1137 : f32 to vector<256x1xf32>
    %div3A_1139 = arith.divf %div3A_1138, %add3A_1136 : vector<256x1xf32>
    %mul3A_1140 = arith.mulf %div3A_1139, %div3A_1124 : vector<256x1xf32>
    %mul3A_1141 = arith.mulf %mul3A_1140, %div3A_1082 : vector<256x1xf32>
    %add3A_1142 = arith.addf %div3A_1039, %div3A_1053 : vector<256x1xf32>
    %add3A_1143 = arith.addf %add3A_1142, %div3A_1068 : vector<256x1xf32>
    %add3A_1144 = arith.addf %add3A_1143, %add3A_1108 : vector<256x1xf32>
    %add3A_1145 = arith.addf %add3A_1144, %mul3A_1141 : vector<256x1xf32>
    %sub3A_1146 = arith.constant 5.000000e+00 : f32
    %sub3A_1147 = vector.broadcast %sub3A_1146 : f32 to vector<256x1xf32>
    %sub3A_1148 = arith.subf %sub3A_1147, %add3A_1145 : vector<256x1xf32>
    %mul3A_1149 = arith.constant 5.000000e-01 : f32
    %mul3A_1150 = vector.broadcast %mul3A_1149 : f32 to vector<256x1xf32>
    %mul3A_1151 = arith.mulf %sub3A_1148, %mul3A_1150 : vector<256x1xf32>
    %add3A_1152 = arith.addf %broadcast_in_dim3A_78, %mul3A_1151 : vector<256x1xf32>
    %get3A_1153 = arith.constant 0 : index
    %get3A_1154 = arith.constant 0 : index
    %get3A_1155 = vector.load %arg8[%get3A_1153, %get3A_1154] : memref<256x256xf32, #tpu.memory_space<vmem>>, vector<256x256xf32>
    %get3A_1156 = arith.constant 0 : index
    %get3A_1157 = arith.constant 0 : index
    %get3A_1158 = vector.load %arg9[%get3A_1156, %get3A_1157] : memref<256x256xf32, #tpu.memory_space<vmem>>, vector<256x256xf32>
    %get3A_1159 = arith.constant 0 : index
    %get3A_1160 = arith.constant 0 : index
    %get3A_1161 = vector.load %arg10[%get3A_1159, %get3A_1160] : memref<256x256xf32, #tpu.memory_space<vmem>>, vector<256x256xf32>
    %get3A_1162 = arith.constant 0 : index
    %get3A_1163 = arith.constant 0 : index
    %get3A_1164 = vector.load %arg11[%get3A_1162, %get3A_1163] : memref<256x256xf32, #tpu.memory_space<vmem>>, vector<256x256xf32>
    %get3A_1165 = arith.constant 0 : index
    %get3A_1166 = arith.constant 0 : index
    %get3A_1167 = vector.load %arg12[%get3A_1165, %get3A_1166] : memref<256x256xf32, #tpu.memory_space<vmem>>, vector<256x256xf32>
    %get3A_1168 = arith.constant 0 : index
    %get3A_1169 = arith.constant 0 : index
    %get3A_1170 = vector.load %arg13[%get3A_1168, %get3A_1169] : memref<256x256xf32, #tpu.memory_space<vmem>>, vector<256x256xf32>
    %get3A_1171 = arith.constant 0 : index
    %get3A_1172 = arith.constant 0 : index
    %get3A_1173 = vector.load %arg14[%get3A_1171, %get3A_1172] : memref<256x256xf32, #tpu.memory_space<vmem>>, vector<256x256xf32>
    %mul3A_1174 = arith.mulf %get3A_1155, %get3A_1155 : vector<256x256xf32>
    %reduce_sum3A_1175 = arith.constant dense<0.000000e+00> : vector<256xf32>
    %reduce_sum3A_1176 = vector.multi_reduction <add>, %mul3A_1174, %reduce_sum3A_1175 [1] : vector<256x256xf32> to vector<256xf32>
    %broadcast_in_dim3A_1177 = vector.shape_cast %reduce_sum3A_1176 : vector<256xf32> to vector<256x1xf32>
    %max3A_1178 = arith.constant 9.99999996E-13 : f32
    %max3A_1179 = vector.broadcast %max3A_1178 : f32 to vector<256x1xf32>
    %max3A_1180 = arith.maximumf %broadcast_in_dim3A_1177, %max3A_1179 : vector<256x1xf32>
    %rsqrt3A_1181 = math.rsqrt %max3A_1180 : vector<256x1xf32>
    %mul3A_1182 = vector.broadcast %rsqrt3A_1181 : vector<256x1xf32> to vector<256x256xf32>
    %mul3A_1183 = arith.mulf %get3A_1155, %mul3A_1182 : vector<256x256xf32>
    %mul3A_1184 = arith.mulf %get3A_1158, %get3A_1158 : vector<256x256xf32>
    %reduce_sum3A_1185 = arith.constant dense<0.000000e+00> : vector<256xf32>
    %reduce_sum3A_1186 = vector.multi_reduction <add>, %mul3A_1184, %reduce_sum3A_1185 [1] : vector<256x256xf32> to vector<256xf32>
    %broadcast_in_dim3A_1187 = vector.shape_cast %reduce_sum3A_1186 : vector<256xf32> to vector<256x1xf32>
    %max3A_1188 = arith.constant 9.99999996E-13 : f32
    %max3A_1189 = vector.broadcast %max3A_1188 : f32 to vector<256x1xf32>
    %max3A_1190 = arith.maximumf %broadcast_in_dim3A_1187, %max3A_1189 : vector<256x1xf32>
    %rsqrt3A_1191 = math.rsqrt %max3A_1190 : vector<256x1xf32>
    %mul3A_1192 = vector.broadcast %rsqrt3A_1191 : vector<256x1xf32> to vector<256x256xf32>
    %mul3A_1193 = arith.mulf %get3A_1158, %mul3A_1192 : vector<256x256xf32>
    %mul3A_1194 = arith.mulf %get3A_1161, %get3A_1161 : vector<256x256xf32>
    %reduce_sum3A_1195 = arith.constant dense<0.000000e+00> : vector<256xf32>
    %reduce_sum3A_1196 = vector.multi_reduction <add>, %mul3A_1194, %reduce_sum3A_1195 [1] : vector<256x256xf32> to vector<256xf32>
    %broadcast_in_dim3A_1197 = vector.shape_cast %reduce_sum3A_1196 : vector<256xf32> to vector<256x1xf32>
    %max3A_1198 = arith.constant 9.99999996E-13 : f32
    %max3A_1199 = vector.broadcast %max3A_1198 : f32 to vector<256x1xf32>
    %max3A_1200 = arith.maximumf %broadcast_in_dim3A_1197, %max3A_1199 : vector<256x1xf32>
    %rsqrt3A_1201 = math.rsqrt %max3A_1200 : vector<256x1xf32>
    %mul3A_1202 = vector.broadcast %rsqrt3A_1201 : vector<256x1xf32> to vector<256x256xf32>
    %mul3A_1203 = arith.mulf %get3A_1161, %mul3A_1202 : vector<256x256xf32>
    %add3A_1204 = arith.addf %mul3A_1183, %mul3A_1203 : vector<256x256xf32>
    %sub3A_1205 = arith.subf %add3A_1204, %mul3A_1193 : vector<256x256xf32>
    %abs3A_1206 = math.absf %sub3A_1205 : vector<256x256xf32>
    %reduce_sum3A_1207 = arith.constant dense<0.000000e+00> : vector<256xf32>
    %reduce_sum3A_1208 = vector.multi_reduction <add>, %abs3A_1206, %reduce_sum3A_1207 [1] : vector<256x256xf32> to vector<256xf32>
    %broadcast_in_dim3A_1209 = vector.shape_cast %reduce_sum3A_1208 : vector<256xf32> to vector<256x1xf32>
    %convert_element_type3A_1210 = arith.truncf %get3A_1170 : vector<256x256xf32> to vector<256x256xbf16>
    %dot_general3A_1211 = arith.constant dense<0.000000e+00> : vector<1024x256xf32>
    %dot_general3A_1212 = tpu.matmul %get3A_5, %convert_element_type3A_1210, %dot_general3A_1211 {dimension_numbers = #tpu.dot_dimension_numbers<[1], [1], [0], [0], [0, 0, 1, 0], [], []>, transpose_lhs_hint = false} : vector<1024x256xbf16>, vector<256x256xbf16>, vector<1024x256xf32> -> vector<1024x256xf32>
    %add3A_1213 = vector.broadcast %select_n3A : vector<1024x1xf32> to vector<1024x256xf32>
    %add3A_1214 = arith.addf %dot_general3A_1212, %add3A_1213 : vector<1024x256xf32>
    %get3A_1215 = arith.constant 0 : index
    %get3A_1216 = arith.constant 0 : index
    %get3A_1217 = vector.load %arg17[%get3A_1215, %get3A_1216] : memref<64x256xi32, #tpu.memory_space<vmem>>, vector<64x256xi32>
    %broadcast_in_dim3A_1218 = arith.constant 0.000000e+00 : f32
    %broadcast_in_dim3A_1219 = vector.broadcast %broadcast_in_dim3A_1218 : f32 to vector<1024x256xf32>
    %slice3A_1220 = vector.extract_strided_slice %get3A_1217 {offsets = [0, 0], sizes = [1, 256], strides = [1, 1]} : vector<64x256xi32> to vector<1x256xi32>
    %eq3A_1221 = vector.broadcast %slice3A_1220 : vector<1x256xi32> to vector<1024x256xi32>
    %eq3A_1222 = vector.broadcast %iota3A : vector<1024x1xi32> to vector<1024x256xi32>
    %eq3A_1223 = arith.cmpi eq, %eq3A_1221, %eq3A_1222 : vector<1024x256xi32>
    %convert_element_type3A_1224 = arith.extui %eq3A_1223 : vector<1024x256xi1> to vector<1024x256xi32>
    %convert_element_type3A_1225 = arith.sitofp %convert_element_type3A_1224 : vector<1024x256xi32> to vector<1024x256xf32>
    %add3A_1226 = arith.addf %broadcast_in_dim3A_1219, %convert_element_type3A_1225 : vector<1024x256xf32>
    %slice3A_1227 = vector.extract_strided_slice %get3A_1217 {offsets = [1, 0], sizes = [1, 256], strides = [1, 1]} : vector<64x256xi32> to vector<1x256xi32>
    %eq3A_1228 = vector.broadcast %slice3A_1227 : vector<1x256xi32> to vector<1024x256xi32>
    %eq3A_1229 = vector.broadcast %iota3A : vector<1024x1xi32> to vector<1024x256xi32>
    %eq3A_1230 = arith.cmpi eq, %eq3A_1228, %eq3A_1229 : vector<1024x256xi32>
    %convert_element_type3A_1231 = arith.extui %eq3A_1230 : vector<1024x256xi1> to vector<1024x256xi32>
    %convert_element_type3A_1232 = arith.sitofp %convert_element_type3A_1231 : vector<1024x256xi32> to vector<1024x256xf32>
    %add3A_1233 = arith.addf %add3A_1226, %convert_element_type3A_1232 : vector<1024x256xf32>
    %slice3A_1234 = vector.extract_strided_slice %get3A_1217 {offsets = [2, 0], sizes = [1, 256], strides = [1, 1]} : vector<64x256xi32> to vector<1x256xi32>
    %eq3A_1235 = vector.broadcast %slice3A_1234 : vector<1x256xi32> to vector<1024x256xi32>
    %eq3A_1236 = vector.broadcast %iota3A : vector<1024x1xi32> to vector<1024x256xi32>
    %eq3A_1237 = arith.cmpi eq, %eq3A_1235, %eq3A_1236 : vector<1024x256xi32>
    %convert_element_type3A_1238 = arith.extui %eq3A_1237 : vector<1024x256xi1> to vector<1024x256xi32>
    %convert_element_type3A_1239 = arith.sitofp %convert_element_type3A_1238 : vector<1024x256xi32> to vector<1024x256xf32>
    %add3A_1240 = arith.addf %add3A_1233, %convert_element_type3A_1239 : vector<1024x256xf32>
    %slice3A_1241 = vector.extract_strided_slice %get3A_1217 {offsets = [3, 0], sizes = [1, 256], strides = [1, 1]} : vector<64x256xi32> to vector<1x256xi32>
    %eq3A_1242 = vector.broadcast %slice3A_1241 : vector<1x256xi32> to vector<1024x256xi32>
    %eq3A_1243 = vector.broadcast %iota3A : vector<1024x1xi32> to vector<1024x256xi32>
    %eq3A_1244 = arith.cmpi eq, %eq3A_1242, %eq3A_1243 : vector<1024x256xi32>
    %convert_element_type3A_1245 = arith.extui %eq3A_1244 : vector<1024x256xi1> to vector<1024x256xi32>
    %convert_element_type3A_1246 = arith.sitofp %convert_element_type3A_1245 : vector<1024x256xi32> to vector<1024x256xf32>
    %add3A_1247 = arith.addf %add3A_1240, %convert_element_type3A_1246 : vector<1024x256xf32>
    %slice3A_1248 = vector.extract_strided_slice %get3A_1217 {offsets = [4, 0], sizes = [1, 256], strides = [1, 1]} : vector<64x256xi32> to vector<1x256xi32>
    %eq3A_1249 = vector.broadcast %slice3A_1248 : vector<1x256xi32> to vector<1024x256xi32>
    %eq3A_1250 = vector.broadcast %iota3A : vector<1024x1xi32> to vector<1024x256xi32>
    %eq3A_1251 = arith.cmpi eq, %eq3A_1249, %eq3A_1250 : vector<1024x256xi32>
    %convert_element_type3A_1252 = arith.extui %eq3A_1251 : vector<1024x256xi1> to vector<1024x256xi32>
    %convert_element_type3A_1253 = arith.sitofp %convert_element_type3A_1252 : vector<1024x256xi32> to vector<1024x256xf32>
    %add3A_1254 = arith.addf %add3A_1247, %convert_element_type3A_1253 : vector<1024x256xf32>
    %slice3A_1255 = vector.extract_strided_slice %get3A_1217 {offsets = [5, 0], sizes = [1, 256], strides = [1, 1]} : vector<64x256xi32> to vector<1x256xi32>
    %eq3A_1256 = vector.broadcast %slice3A_1255 : vector<1x256xi32> to vector<1024x256xi32>
    %eq3A_1257 = vector.broadcast %iota3A : vector<1024x1xi32> to vector<1024x256xi32>
    %eq3A_1258 = arith.cmpi eq, %eq3A_1256, %eq3A_1257 : vector<1024x256xi32>
    %convert_element_type3A_1259 = arith.extui %eq3A_1258 : vector<1024x256xi1> to vector<1024x256xi32>
    %convert_element_type3A_1260 = arith.sitofp %convert_element_type3A_1259 : vector<1024x256xi32> to vector<1024x256xf32>
    %add3A_1261 = arith.addf %add3A_1254, %convert_element_type3A_1260 : vector<1024x256xf32>
    %slice3A_1262 = vector.extract_strided_slice %get3A_1217 {offsets = [6, 0], sizes = [1, 256], strides = [1, 1]} : vector<64x256xi32> to vector<1x256xi32>
    %eq3A_1263 = vector.broadcast %slice3A_1262 : vector<1x256xi32> to vector<1024x256xi32>
    %eq3A_1264 = vector.broadcast %iota3A : vector<1024x1xi32> to vector<1024x256xi32>
    %eq3A_1265 = arith.cmpi eq, %eq3A_1263, %eq3A_1264 : vector<1024x256xi32>
    %convert_element_type3A_1266 = arith.extui %eq3A_1265 : vector<1024x256xi1> to vector<1024x256xi32>
    %convert_element_type3A_1267 = arith.sitofp %convert_element_type3A_1266 : vector<1024x256xi32> to vector<1024x256xf32>
    %add3A_1268 = arith.addf %add3A_1261, %convert_element_type3A_1267 : vector<1024x256xf32>
    %slice3A_1269 = vector.extract_strided_slice %get3A_1217 {offsets = [7, 0], sizes = [1, 256], strides = [1, 1]} : vector<64x256xi32> to vector<1x256xi32>
    %eq3A_1270 = vector.broadcast %slice3A_1269 : vector<1x256xi32> to vector<1024x256xi32>
    %eq3A_1271 = vector.broadcast %iota3A : vector<1024x1xi32> to vector<1024x256xi32>
    %eq3A_1272 = arith.cmpi eq, %eq3A_1270, %eq3A_1271 : vector<1024x256xi32>
    %convert_element_type3A_1273 = arith.extui %eq3A_1272 : vector<1024x256xi1> to vector<1024x256xi32>
    %convert_element_type3A_1274 = arith.sitofp %convert_element_type3A_1273 : vector<1024x256xi32> to vector<1024x256xf32>
    %add3A_1275 = arith.addf %add3A_1268, %convert_element_type3A_1274 : vector<1024x256xf32>
    %slice3A_1276 = vector.extract_strided_slice %get3A_1217 {offsets = [8, 0], sizes = [1, 256], strides = [1, 1]} : vector<64x256xi32> to vector<1x256xi32>
    %eq3A_1277 = vector.broadcast %slice3A_1276 : vector<1x256xi32> to vector<1024x256xi32>
    %eq3A_1278 = vector.broadcast %iota3A : vector<1024x1xi32> to vector<1024x256xi32>
    %eq3A_1279 = arith.cmpi eq, %eq3A_1277, %eq3A_1278 : vector<1024x256xi32>
    %convert_element_type3A_1280 = arith.extui %eq3A_1279 : vector<1024x256xi1> to vector<1024x256xi32>
    %convert_element_type3A_1281 = arith.sitofp %convert_element_type3A_1280 : vector<1024x256xi32> to vector<1024x256xf32>
    %add3A_1282 = arith.addf %add3A_1275, %convert_element_type3A_1281 : vector<1024x256xf32>
    %slice3A_1283 = vector.extract_strided_slice %get3A_1217 {offsets = [9, 0], sizes = [1, 256], strides = [1, 1]} : vector<64x256xi32> to vector<1x256xi32>
    %eq3A_1284 = vector.broadcast %slice3A_1283 : vector<1x256xi32> to vector<1024x256xi32>
    %eq3A_1285 = vector.broadcast %iota3A : vector<1024x1xi32> to vector<1024x256xi32>
    %eq3A_1286 = arith.cmpi eq, %eq3A_1284, %eq3A_1285 : vector<1024x256xi32>
    %convert_element_type3A_1287 = arith.extui %eq3A_1286 : vector<1024x256xi1> to vector<1024x256xi32>
    %convert_element_type3A_1288 = arith.sitofp %convert_element_type3A_1287 : vector<1024x256xi32> to vector<1024x256xf32>
    %add3A_1289 = arith.addf %add3A_1282, %convert_element_type3A_1288 : vector<1024x256xf32>
    %slice3A_1290 = vector.extract_strided_slice %get3A_1217 {offsets = [10, 0], sizes = [1, 256], strides = [1, 1]} : vector<64x256xi32> to vector<1x256xi32>
    %eq3A_1291 = vector.broadcast %slice3A_1290 : vector<1x256xi32> to vector<1024x256xi32>
    %eq3A_1292 = vector.broadcast %iota3A : vector<1024x1xi32> to vector<1024x256xi32>
    %eq3A_1293 = arith.cmpi eq, %eq3A_1291, %eq3A_1292 : vector<1024x256xi32>
    %convert_element_type3A_1294 = arith.extui %eq3A_1293 : vector<1024x256xi1> to vector<1024x256xi32>
    %convert_element_type3A_1295 = arith.sitofp %convert_element_type3A_1294 : vector<1024x256xi32> to vector<1024x256xf32>
    %add3A_1296 = arith.addf %add3A_1289, %convert_element_type3A_1295 : vector<1024x256xf32>
    %slice3A_1297 = vector.extract_strided_slice %get3A_1217 {offsets = [11, 0], sizes = [1, 256], strides = [1, 1]} : vector<64x256xi32> to vector<1x256xi32>
    %eq3A_1298 = vector.broadcast %slice3A_1297 : vector<1x256xi32> to vector<1024x256xi32>
    %eq3A_1299 = vector.broadcast %iota3A : vector<1024x1xi32> to vector<1024x256xi32>
    %eq3A_1300 = arith.cmpi eq, %eq3A_1298, %eq3A_1299 : vector<1024x256xi32>
    %convert_element_type3A_1301 = arith.extui %eq3A_1300 : vector<1024x256xi1> to vector<1024x256xi32>
    %convert_element_type3A_1302 = arith.sitofp %convert_element_type3A_1301 : vector<1024x256xi32> to vector<1024x256xf32>
    %add3A_1303 = arith.addf %add3A_1296, %convert_element_type3A_1302 : vector<1024x256xf32>
    %slice3A_1304 = vector.extract_strided_slice %get3A_1217 {offsets = [12, 0], sizes = [1, 256], strides = [1, 1]} : vector<64x256xi32> to vector<1x256xi32>
    %eq3A_1305 = vector.broadcast %slice3A_1304 : vector<1x256xi32> to vector<1024x256xi32>
    %eq3A_1306 = vector.broadcast %iota3A : vector<1024x1xi32> to vector<1024x256xi32>
    %eq3A_1307 = arith.cmpi eq, %eq3A_1305, %eq3A_1306 : vector<1024x256xi32>
    %convert_element_type3A_1308 = arith.extui %eq3A_1307 : vector<1024x256xi1> to vector<1024x256xi32>
    %convert_element_type3A_1309 = arith.sitofp %convert_element_type3A_1308 : vector<1024x256xi32> to vector<1024x256xf32>
    %add3A_1310 = arith.addf %add3A_1303, %convert_element_type3A_1309 : vector<1024x256xf32>
    %slice3A_1311 = vector.extract_strided_slice %get3A_1217 {offsets = [13, 0], sizes = [1, 256], strides = [1, 1]} : vector<64x256xi32> to vector<1x256xi32>
    %eq3A_1312 = vector.broadcast %slice3A_1311 : vector<1x256xi32> to vector<1024x256xi32>
    %eq3A_1313 = vector.broadcast %iota3A : vector<1024x1xi32> to vector<1024x256xi32>
    %eq3A_1314 = arith.cmpi eq, %eq3A_1312, %eq3A_1313 : vector<1024x256xi32>
    %convert_element_type3A_1315 = arith.extui %eq3A_1314 : vector<1024x256xi1> to vector<1024x256xi32>
    %convert_element_type3A_1316 = arith.sitofp %convert_element_type3A_1315 : vector<1024x256xi32> to vector<1024x256xf32>
    %add3A_1317 = arith.addf %add3A_1310, %convert_element_type3A_1316 : vector<1024x256xf32>
    %slice3A_1318 = vector.extract_strided_slice %get3A_1217 {offsets = [14, 0], sizes = [1, 256], strides = [1, 1]} : vector<64x256xi32> to vector<1x256xi32>
    %eq3A_1319 = vector.broadcast %slice3A_1318 : vector<1x256xi32> to vector<1024x256xi32>
    %eq3A_1320 = vector.broadcast %iota3A : vector<1024x1xi32> to vector<1024x256xi32>
    %eq3A_1321 = arith.cmpi eq, %eq3A_1319, %eq3A_1320 : vector<1024x256xi32>
    %convert_element_type3A_1322 = arith.extui %eq3A_1321 : vector<1024x256xi1> to vector<1024x256xi32>
    %convert_element_type3A_1323 = arith.sitofp %convert_element_type3A_1322 : vector<1024x256xi32> to vector<1024x256xf32>
    %add3A_1324 = arith.addf %add3A_1317, %convert_element_type3A_1323 : vector<1024x256xf32>
    %slice3A_1325 = vector.extract_strided_slice %get3A_1217 {offsets = [15, 0], sizes = [1, 256], strides = [1, 1]} : vector<64x256xi32> to vector<1x256xi32>
    %eq3A_1326 = vector.broadcast %slice3A_1325 : vector<1x256xi32> to vector<1024x256xi32>
    %eq3A_1327 = vector.broadcast %iota3A : vector<1024x1xi32> to vector<1024x256xi32>
    %eq3A_1328 = arith.cmpi eq, %eq3A_1326, %eq3A_1327 : vector<1024x256xi32>
    %convert_element_type3A_1329 = arith.extui %eq3A_1328 : vector<1024x256xi1> to vector<1024x256xi32>
    %convert_element_type3A_1330 = arith.sitofp %convert_element_type3A_1329 : vector<1024x256xi32> to vector<1024x256xf32>
    %add3A_1331 = arith.addf %add3A_1324, %convert_element_type3A_1330 : vector<1024x256xf32>
    %slice3A_1332 = vector.extract_strided_slice %get3A_1217 {offsets = [16, 0], sizes = [1, 256], strides = [1, 1]} : vector<64x256xi32> to vector<1x256xi32>
    %eq3A_1333 = vector.broadcast %slice3A_1332 : vector<1x256xi32> to vector<1024x256xi32>
    %eq3A_1334 = vector.broadcast %iota3A : vector<1024x1xi32> to vector<1024x256xi32>
    %eq3A_1335 = arith.cmpi eq, %eq3A_1333, %eq3A_1334 : vector<1024x256xi32>
    %convert_element_type3A_1336 = arith.extui %eq3A_1335 : vector<1024x256xi1> to vector<1024x256xi32>
    %convert_element_type3A_1337 = arith.sitofp %convert_element_type3A_1336 : vector<1024x256xi32> to vector<1024x256xf32>
    %add3A_1338 = arith.addf %add3A_1331, %convert_element_type3A_1337 : vector<1024x256xf32>
    %slice3A_1339 = vector.extract_strided_slice %get3A_1217 {offsets = [17, 0], sizes = [1, 256], strides = [1, 1]} : vector<64x256xi32> to vector<1x256xi32>
    %eq3A_1340 = vector.broadcast %slice3A_1339 : vector<1x256xi32> to vector<1024x256xi32>
    %eq3A_1341 = vector.broadcast %iota3A : vector<1024x1xi32> to vector<1024x256xi32>
    %eq3A_1342 = arith.cmpi eq, %eq3A_1340, %eq3A_1341 : vector<1024x256xi32>
    %convert_element_type3A_1343 = arith.extui %eq3A_1342 : vector<1024x256xi1> to vector<1024x256xi32>
    %convert_element_type3A_1344 = arith.sitofp %convert_element_type3A_1343 : vector<1024x256xi32> to vector<1024x256xf32>
    %add3A_1345 = arith.addf %add3A_1338, %convert_element_type3A_1344 : vector<1024x256xf32>
    %slice3A_1346 = vector.extract_strided_slice %get3A_1217 {offsets = [18, 0], sizes = [1, 256], strides = [1, 1]} : vector<64x256xi32> to vector<1x256xi32>
    %eq3A_1347 = vector.broadcast %slice3A_1346 : vector<1x256xi32> to vector<1024x256xi32>
    %eq3A_1348 = vector.broadcast %iota3A : vector<1024x1xi32> to vector<1024x256xi32>
    %eq3A_1349 = arith.cmpi eq, %eq3A_1347, %eq3A_1348 : vector<1024x256xi32>
    %convert_element_type3A_1350 = arith.extui %eq3A_1349 : vector<1024x256xi1> to vector<1024x256xi32>
    %convert_element_type3A_1351 = arith.sitofp %convert_element_type3A_1350 : vector<1024x256xi32> to vector<1024x256xf32>
    %add3A_1352 = arith.addf %add3A_1345, %convert_element_type3A_1351 : vector<1024x256xf32>
    %slice3A_1353 = vector.extract_strided_slice %get3A_1217 {offsets = [19, 0], sizes = [1, 256], strides = [1, 1]} : vector<64x256xi32> to vector<1x256xi32>
    %eq3A_1354 = vector.broadcast %slice3A_1353 : vector<1x256xi32> to vector<1024x256xi32>
    %eq3A_1355 = vector.broadcast %iota3A : vector<1024x1xi32> to vector<1024x256xi32>
    %eq3A_1356 = arith.cmpi eq, %eq3A_1354, %eq3A_1355 : vector<1024x256xi32>
    %convert_element_type3A_1357 = arith.extui %eq3A_1356 : vector<1024x256xi1> to vector<1024x256xi32>
    %convert_element_type3A_1358 = arith.sitofp %convert_element_type3A_1357 : vector<1024x256xi32> to vector<1024x256xf32>
    %add3A_1359 = arith.addf %add3A_1352, %convert_element_type3A_1358 : vector<1024x256xf32>
    %slice3A_1360 = vector.extract_strided_slice %get3A_1217 {offsets = [20, 0], sizes = [1, 256], strides = [1, 1]} : vector<64x256xi32> to vector<1x256xi32>
    %eq3A_1361 = vector.broadcast %slice3A_1360 : vector<1x256xi32> to vector<1024x256xi32>
    %eq3A_1362 = vector.broadcast %iota3A : vector<1024x1xi32> to vector<1024x256xi32>
    %eq3A_1363 = arith.cmpi eq, %eq3A_1361, %eq3A_1362 : vector<1024x256xi32>
    %convert_element_type3A_1364 = arith.extui %eq3A_1363 : vector<1024x256xi1> to vector<1024x256xi32>
    %convert_element_type3A_1365 = arith.sitofp %convert_element_type3A_1364 : vector<1024x256xi32> to vector<1024x256xf32>
    %add3A_1366 = arith.addf %add3A_1359, %convert_element_type3A_1365 : vector<1024x256xf32>
    %slice3A_1367 = vector.extract_strided_slice %get3A_1217 {offsets = [21, 0], sizes = [1, 256], strides = [1, 1]} : vector<64x256xi32> to vector<1x256xi32>
    %eq3A_1368 = vector.broadcast %slice3A_1367 : vector<1x256xi32> to vector<1024x256xi32>
    %eq3A_1369 = vector.broadcast %iota3A : vector<1024x1xi32> to vector<1024x256xi32>
    %eq3A_1370 = arith.cmpi eq, %eq3A_1368, %eq3A_1369 : vector<1024x256xi32>
    %convert_element_type3A_1371 = arith.extui %eq3A_1370 : vector<1024x256xi1> to vector<1024x256xi32>
    %convert_element_type3A_1372 = arith.sitofp %convert_element_type3A_1371 : vector<1024x256xi32> to vector<1024x256xf32>
    %add3A_1373 = arith.addf %add3A_1366, %convert_element_type3A_1372 : vector<1024x256xf32>
    %slice3A_1374 = vector.extract_strided_slice %get3A_1217 {offsets = [22, 0], sizes = [1, 256], strides = [1, 1]} : vector<64x256xi32> to vector<1x256xi32>
    %eq3A_1375 = vector.broadcast %slice3A_1374 : vector<1x256xi32> to vector<1024x256xi32>
    %eq3A_1376 = vector.broadcast %iota3A : vector<1024x1xi32> to vector<1024x256xi32>
    %eq3A_1377 = arith.cmpi eq, %eq3A_1375, %eq3A_1376 : vector<1024x256xi32>
    %convert_element_type3A_1378 = arith.extui %eq3A_1377 : vector<1024x256xi1> to vector<1024x256xi32>
    %convert_element_type3A_1379 = arith.sitofp %convert_element_type3A_1378 : vector<1024x256xi32> to vector<1024x256xf32>
    %add3A_1380 = arith.addf %add3A_1373, %convert_element_type3A_1379 : vector<1024x256xf32>
    %slice3A_1381 = vector.extract_strided_slice %get3A_1217 {offsets = [23, 0], sizes = [1, 256], strides = [1, 1]} : vector<64x256xi32> to vector<1x256xi32>
    %eq3A_1382 = vector.broadcast %slice3A_1381 : vector<1x256xi32> to vector<1024x256xi32>
    %eq3A_1383 = vector.broadcast %iota3A : vector<1024x1xi32> to vector<1024x256xi32>
    %eq3A_1384 = arith.cmpi eq, %eq3A_1382, %eq3A_1383 : vector<1024x256xi32>
    %convert_element_type3A_1385 = arith.extui %eq3A_1384 : vector<1024x256xi1> to vector<1024x256xi32>
    %convert_element_type3A_1386 = arith.sitofp %convert_element_type3A_1385 : vector<1024x256xi32> to vector<1024x256xf32>
    %add3A_1387 = arith.addf %add3A_1380, %convert_element_type3A_1386 : vector<1024x256xf32>
    %slice3A_1388 = vector.extract_strided_slice %get3A_1217 {offsets = [24, 0], sizes = [1, 256], strides = [1, 1]} : vector<64x256xi32> to vector<1x256xi32>
    %eq3A_1389 = vector.broadcast %slice3A_1388 : vector<1x256xi32> to vector<1024x256xi32>
    %eq3A_1390 = vector.broadcast %iota3A : vector<1024x1xi32> to vector<1024x256xi32>
    %eq3A_1391 = arith.cmpi eq, %eq3A_1389, %eq3A_1390 : vector<1024x256xi32>
    %convert_element_type3A_1392 = arith.extui %eq3A_1391 : vector<1024x256xi1> to vector<1024x256xi32>
    %convert_element_type3A_1393 = arith.sitofp %convert_element_type3A_1392 : vector<1024x256xi32> to vector<1024x256xf32>
    %add3A_1394 = arith.addf %add3A_1387, %convert_element_type3A_1393 : vector<1024x256xf32>
    %slice3A_1395 = vector.extract_strided_slice %get3A_1217 {offsets = [25, 0], sizes = [1, 256], strides = [1, 1]} : vector<64x256xi32> to vector<1x256xi32>
    %eq3A_1396 = vector.broadcast %slice3A_1395 : vector<1x256xi32> to vector<1024x256xi32>
    %eq3A_1397 = vector.broadcast %iota3A : vector<1024x1xi32> to vector<1024x256xi32>
    %eq3A_1398 = arith.cmpi eq, %eq3A_1396, %eq3A_1397 : vector<1024x256xi32>
    %convert_element_type3A_1399 = arith.extui %eq3A_1398 : vector<1024x256xi1> to vector<1024x256xi32>
    %convert_element_type3A_1400 = arith.sitofp %convert_element_type3A_1399 : vector<1024x256xi32> to vector<1024x256xf32>
    %add3A_1401 = arith.addf %add3A_1394, %convert_element_type3A_1400 : vector<1024x256xf32>
    %slice3A_1402 = vector.extract_strided_slice %get3A_1217 {offsets = [26, 0], sizes = [1, 256], strides = [1, 1]} : vector<64x256xi32> to vector<1x256xi32>
    %eq3A_1403 = vector.broadcast %slice3A_1402 : vector<1x256xi32> to vector<1024x256xi32>
    %eq3A_1404 = vector.broadcast %iota3A : vector<1024x1xi32> to vector<1024x256xi32>
    %eq3A_1405 = arith.cmpi eq, %eq3A_1403, %eq3A_1404 : vector<1024x256xi32>
    %convert_element_type3A_1406 = arith.extui %eq3A_1405 : vector<1024x256xi1> to vector<1024x256xi32>
    %convert_element_type3A_1407 = arith.sitofp %convert_element_type3A_1406 : vector<1024x256xi32> to vector<1024x256xf32>
    %add3A_1408 = arith.addf %add3A_1401, %convert_element_type3A_1407 : vector<1024x256xf32>
    %slice3A_1409 = vector.extract_strided_slice %get3A_1217 {offsets = [27, 0], sizes = [1, 256], strides = [1, 1]} : vector<64x256xi32> to vector<1x256xi32>
    %eq3A_1410 = vector.broadcast %slice3A_1409 : vector<1x256xi32> to vector<1024x256xi32>
    %eq3A_1411 = vector.broadcast %iota3A : vector<1024x1xi32> to vector<1024x256xi32>
    %eq3A_1412 = arith.cmpi eq, %eq3A_1410, %eq3A_1411 : vector<1024x256xi32>
    %convert_element_type3A_1413 = arith.extui %eq3A_1412 : vector<1024x256xi1> to vector<1024x256xi32>
    %convert_element_type3A_1414 = arith.sitofp %convert_element_type3A_1413 : vector<1024x256xi32> to vector<1024x256xf32>
    %add3A_1415 = arith.addf %add3A_1408, %convert_element_type3A_1414 : vector<1024x256xf32>
    %slice3A_1416 = vector.extract_strided_slice %get3A_1217 {offsets = [28, 0], sizes = [1, 256], strides = [1, 1]} : vector<64x256xi32> to vector<1x256xi32>
    %eq3A_1417 = vector.broadcast %slice3A_1416 : vector<1x256xi32> to vector<1024x256xi32>
    %eq3A_1418 = vector.broadcast %iota3A : vector<1024x1xi32> to vector<1024x256xi32>
    %eq3A_1419 = arith.cmpi eq, %eq3A_1417, %eq3A_1418 : vector<1024x256xi32>
    %convert_element_type3A_1420 = arith.extui %eq3A_1419 : vector<1024x256xi1> to vector<1024x256xi32>
    %convert_element_type3A_1421 = arith.sitofp %convert_element_type3A_1420 : vector<1024x256xi32> to vector<1024x256xf32>
    %add3A_1422 = arith.addf %add3A_1415, %convert_element_type3A_1421 : vector<1024x256xf32>
    %slice3A_1423 = vector.extract_strided_slice %get3A_1217 {offsets = [29, 0], sizes = [1, 256], strides = [1, 1]} : vector<64x256xi32> to vector<1x256xi32>
    %eq3A_1424 = vector.broadcast %slice3A_1423 : vector<1x256xi32> to vector<1024x256xi32>
    %eq3A_1425 = vector.broadcast %iota3A : vector<1024x1xi32> to vector<1024x256xi32>
    %eq3A_1426 = arith.cmpi eq, %eq3A_1424, %eq3A_1425 : vector<1024x256xi32>
    %convert_element_type3A_1427 = arith.extui %eq3A_1426 : vector<1024x256xi1> to vector<1024x256xi32>
    %convert_element_type3A_1428 = arith.sitofp %convert_element_type3A_1427 : vector<1024x256xi32> to vector<1024x256xf32>
    %add3A_1429 = arith.addf %add3A_1422, %convert_element_type3A_1428 : vector<1024x256xf32>
    %slice3A_1430 = vector.extract_strided_slice %get3A_1217 {offsets = [30, 0], sizes = [1, 256], strides = [1, 1]} : vector<64x256xi32> to vector<1x256xi32>
    %eq3A_1431 = vector.broadcast %slice3A_1430 : vector<1x256xi32> to vector<1024x256xi32>
    %eq3A_1432 = vector.broadcast %iota3A : vector<1024x1xi32> to vector<1024x256xi32>
    %eq3A_1433 = arith.cmpi eq, %eq3A_1431, %eq3A_1432 : vector<1024x256xi32>
    %convert_element_type3A_1434 = arith.extui %eq3A_1433 : vector<1024x256xi1> to vector<1024x256xi32>
    %convert_element_type3A_1435 = arith.sitofp %convert_element_type3A_1434 : vector<1024x256xi32> to vector<1024x256xf32>
    %add3A_1436 = arith.addf %add3A_1429, %convert_element_type3A_1435 : vector<1024x256xf32>
    %slice3A_1437 = vector.extract_strided_slice %get3A_1217 {offsets = [31, 0], sizes = [1, 256], strides = [1, 1]} : vector<64x256xi32> to vector<1x256xi32>
    %eq3A_1438 = vector.broadcast %slice3A_1437 : vector<1x256xi32> to vector<1024x256xi32>
    %eq3A_1439 = vector.broadcast %iota3A : vector<1024x1xi32> to vector<1024x256xi32>
    %eq3A_1440 = arith.cmpi eq, %eq3A_1438, %eq3A_1439 : vector<1024x256xi32>
    %convert_element_type3A_1441 = arith.extui %eq3A_1440 : vector<1024x256xi1> to vector<1024x256xi32>
    %convert_element_type3A_1442 = arith.sitofp %convert_element_type3A_1441 : vector<1024x256xi32> to vector<1024x256xf32>
    %add3A_1443 = arith.addf %add3A_1436, %convert_element_type3A_1442 : vector<1024x256xf32>
    %slice3A_1444 = vector.extract_strided_slice %get3A_1217 {offsets = [32, 0], sizes = [1, 256], strides = [1, 1]} : vector<64x256xi32> to vector<1x256xi32>
    %eq3A_1445 = vector.broadcast %slice3A_1444 : vector<1x256xi32> to vector<1024x256xi32>
    %eq3A_1446 = vector.broadcast %iota3A : vector<1024x1xi32> to vector<1024x256xi32>
    %eq3A_1447 = arith.cmpi eq, %eq3A_1445, %eq3A_1446 : vector<1024x256xi32>
    %convert_element_type3A_1448 = arith.extui %eq3A_1447 : vector<1024x256xi1> to vector<1024x256xi32>
    %convert_element_type3A_1449 = arith.sitofp %convert_element_type3A_1448 : vector<1024x256xi32> to vector<1024x256xf32>
    %add3A_1450 = arith.addf %add3A_1443, %convert_element_type3A_1449 : vector<1024x256xf32>
    %slice3A_1451 = vector.extract_strided_slice %get3A_1217 {offsets = [33, 0], sizes = [1, 256], strides = [1, 1]} : vector<64x256xi32> to vector<1x256xi32>
    %eq3A_1452 = vector.broadcast %slice3A_1451 : vector<1x256xi32> to vector<1024x256xi32>
    %eq3A_1453 = vector.broadcast %iota3A : vector<1024x1xi32> to vector<1024x256xi32>
    %eq3A_1454 = arith.cmpi eq, %eq3A_1452, %eq3A_1453 : vector<1024x256xi32>
    %convert_element_type3A_1455 = arith.extui %eq3A_1454 : vector<1024x256xi1> to vector<1024x256xi32>
    %convert_element_type3A_1456 = arith.sitofp %convert_element_type3A_1455 : vector<1024x256xi32> to vector<1024x256xf32>
    %add3A_1457 = arith.addf %add3A_1450, %convert_element_type3A_1456 : vector<1024x256xf32>
    %slice3A_1458 = vector.extract_strided_slice %get3A_1217 {offsets = [34, 0], sizes = [1, 256], strides = [1, 1]} : vector<64x256xi32> to vector<1x256xi32>
    %eq3A_1459 = vector.broadcast %slice3A_1458 : vector<1x256xi32> to vector<1024x256xi32>
    %eq3A_1460 = vector.broadcast %iota3A : vector<1024x1xi32> to vector<1024x256xi32>
    %eq3A_1461 = arith.cmpi eq, %eq3A_1459, %eq3A_1460 : vector<1024x256xi32>
    %convert_element_type3A_1462 = arith.extui %eq3A_1461 : vector<1024x256xi1> to vector<1024x256xi32>
    %convert_element_type3A_1463 = arith.sitofp %convert_element_type3A_1462 : vector<1024x256xi32> to vector<1024x256xf32>
    %add3A_1464 = arith.addf %add3A_1457, %convert_element_type3A_1463 : vector<1024x256xf32>
    %slice3A_1465 = vector.extract_strided_slice %get3A_1217 {offsets = [35, 0], sizes = [1, 256], strides = [1, 1]} : vector<64x256xi32> to vector<1x256xi32>
    %eq3A_1466 = vector.broadcast %slice3A_1465 : vector<1x256xi32> to vector<1024x256xi32>
    %eq3A_1467 = vector.broadcast %iota3A : vector<1024x1xi32> to vector<1024x256xi32>
    %eq3A_1468 = arith.cmpi eq, %eq3A_1466, %eq3A_1467 : vector<1024x256xi32>
    %convert_element_type3A_1469 = arith.extui %eq3A_1468 : vector<1024x256xi1> to vector<1024x256xi32>
    %convert_element_type3A_1470 = arith.sitofp %convert_element_type3A_1469 : vector<1024x256xi32> to vector<1024x256xf32>
    %add3A_1471 = arith.addf %add3A_1464, %convert_element_type3A_1470 : vector<1024x256xf32>
    %slice3A_1472 = vector.extract_strided_slice %get3A_1217 {offsets = [36, 0], sizes = [1, 256], strides = [1, 1]} : vector<64x256xi32> to vector<1x256xi32>
    %eq3A_1473 = vector.broadcast %slice3A_1472 : vector<1x256xi32> to vector<1024x256xi32>
    %eq3A_1474 = vector.broadcast %iota3A : vector<1024x1xi32> to vector<1024x256xi32>
    %eq3A_1475 = arith.cmpi eq, %eq3A_1473, %eq3A_1474 : vector<1024x256xi32>
    %convert_element_type3A_1476 = arith.extui %eq3A_1475 : vector<1024x256xi1> to vector<1024x256xi32>
    %convert_element_type3A_1477 = arith.sitofp %convert_element_type3A_1476 : vector<1024x256xi32> to vector<1024x256xf32>
    %add3A_1478 = arith.addf %add3A_1471, %convert_element_type3A_1477 : vector<1024x256xf32>
    %slice3A_1479 = vector.extract_strided_slice %get3A_1217 {offsets = [37, 0], sizes = [1, 256], strides = [1, 1]} : vector<64x256xi32> to vector<1x256xi32>
    %eq3A_1480 = vector.broadcast %slice3A_1479 : vector<1x256xi32> to vector<1024x256xi32>
    %eq3A_1481 = vector.broadcast %iota3A : vector<1024x1xi32> to vector<1024x256xi32>
    %eq3A_1482 = arith.cmpi eq, %eq3A_1480, %eq3A_1481 : vector<1024x256xi32>
    %convert_element_type3A_1483 = arith.extui %eq3A_1482 : vector<1024x256xi1> to vector<1024x256xi32>
    %convert_element_type3A_1484 = arith.sitofp %convert_element_type3A_1483 : vector<1024x256xi32> to vector<1024x256xf32>
    %add3A_1485 = arith.addf %add3A_1478, %convert_element_type3A_1484 : vector<1024x256xf32>
    %slice3A_1486 = vector.extract_strided_slice %get3A_1217 {offsets = [38, 0], sizes = [1, 256], strides = [1, 1]} : vector<64x256xi32> to vector<1x256xi32>
    %eq3A_1487 = vector.broadcast %slice3A_1486 : vector<1x256xi32> to vector<1024x256xi32>
    %eq3A_1488 = vector.broadcast %iota3A : vector<1024x1xi32> to vector<1024x256xi32>
    %eq3A_1489 = arith.cmpi eq, %eq3A_1487, %eq3A_1488 : vector<1024x256xi32>
    %convert_element_type3A_1490 = arith.extui %eq3A_1489 : vector<1024x256xi1> to vector<1024x256xi32>
    %convert_element_type3A_1491 = arith.sitofp %convert_element_type3A_1490 : vector<1024x256xi32> to vector<1024x256xf32>
    %add3A_1492 = arith.addf %add3A_1485, %convert_element_type3A_1491 : vector<1024x256xf32>
    %slice3A_1493 = vector.extract_strided_slice %get3A_1217 {offsets = [39, 0], sizes = [1, 256], strides = [1, 1]} : vector<64x256xi32> to vector<1x256xi32>
    %eq3A_1494 = vector.broadcast %slice3A_1493 : vector<1x256xi32> to vector<1024x256xi32>
    %eq3A_1495 = vector.broadcast %iota3A : vector<1024x1xi32> to vector<1024x256xi32>
    %eq3A_1496 = arith.cmpi eq, %eq3A_1494, %eq3A_1495 : vector<1024x256xi32>
    %convert_element_type3A_1497 = arith.extui %eq3A_1496 : vector<1024x256xi1> to vector<1024x256xi32>
    %convert_element_type3A_1498 = arith.sitofp %convert_element_type3A_1497 : vector<1024x256xi32> to vector<1024x256xf32>
    %add3A_1499 = arith.addf %add3A_1492, %convert_element_type3A_1498 : vector<1024x256xf32>
    %slice3A_1500 = vector.extract_strided_slice %get3A_1217 {offsets = [40, 0], sizes = [1, 256], strides = [1, 1]} : vector<64x256xi32> to vector<1x256xi32>
    %eq3A_1501 = vector.broadcast %slice3A_1500 : vector<1x256xi32> to vector<1024x256xi32>
    %eq3A_1502 = vector.broadcast %iota3A : vector<1024x1xi32> to vector<1024x256xi32>
    %eq3A_1503 = arith.cmpi eq, %eq3A_1501, %eq3A_1502 : vector<1024x256xi32>
    %convert_element_type3A_1504 = arith.extui %eq3A_1503 : vector<1024x256xi1> to vector<1024x256xi32>
    %convert_element_type3A_1505 = arith.sitofp %convert_element_type3A_1504 : vector<1024x256xi32> to vector<1024x256xf32>
    %add3A_1506 = arith.addf %add3A_1499, %convert_element_type3A_1505 : vector<1024x256xf32>
    %slice3A_1507 = vector.extract_strided_slice %get3A_1217 {offsets = [41, 0], sizes = [1, 256], strides = [1, 1]} : vector<64x256xi32> to vector<1x256xi32>
    %eq3A_1508 = vector.broadcast %slice3A_1507 : vector<1x256xi32> to vector<1024x256xi32>
    %eq3A_1509 = vector.broadcast %iota3A : vector<1024x1xi32> to vector<1024x256xi32>
    %eq3A_1510 = arith.cmpi eq, %eq3A_1508, %eq3A_1509 : vector<1024x256xi32>
    %convert_element_type3A_1511 = arith.extui %eq3A_1510 : vector<1024x256xi1> to vector<1024x256xi32>
    %convert_element_type3A_1512 = arith.sitofp %convert_element_type3A_1511 : vector<1024x256xi32> to vector<1024x256xf32>
    %add3A_1513 = arith.addf %add3A_1506, %convert_element_type3A_1512 : vector<1024x256xf32>
    %slice3A_1514 = vector.extract_strided_slice %get3A_1217 {offsets = [42, 0], sizes = [1, 256], strides = [1, 1]} : vector<64x256xi32> to vector<1x256xi32>
    %eq3A_1515 = vector.broadcast %slice3A_1514 : vector<1x256xi32> to vector<1024x256xi32>
    %eq3A_1516 = vector.broadcast %iota3A : vector<1024x1xi32> to vector<1024x256xi32>
    %eq3A_1517 = arith.cmpi eq, %eq3A_1515, %eq3A_1516 : vector<1024x256xi32>
    %convert_element_type3A_1518 = arith.extui %eq3A_1517 : vector<1024x256xi1> to vector<1024x256xi32>
    %convert_element_type3A_1519 = arith.sitofp %convert_element_type3A_1518 : vector<1024x256xi32> to vector<1024x256xf32>
    %add3A_1520 = arith.addf %add3A_1513, %convert_element_type3A_1519 : vector<1024x256xf32>
    %slice3A_1521 = vector.extract_strided_slice %get3A_1217 {offsets = [43, 0], sizes = [1, 256], strides = [1, 1]} : vector<64x256xi32> to vector<1x256xi32>
    %eq3A_1522 = vector.broadcast %slice3A_1521 : vector<1x256xi32> to vector<1024x256xi32>
    %eq3A_1523 = vector.broadcast %iota3A : vector<1024x1xi32> to vector<1024x256xi32>
    %eq3A_1524 = arith.cmpi eq, %eq3A_1522, %eq3A_1523 : vector<1024x256xi32>
    %convert_element_type3A_1525 = arith.extui %eq3A_1524 : vector<1024x256xi1> to vector<1024x256xi32>
    %convert_element_type3A_1526 = arith.sitofp %convert_element_type3A_1525 : vector<1024x256xi32> to vector<1024x256xf32>
    %add3A_1527 = arith.addf %add3A_1520, %convert_element_type3A_1526 : vector<1024x256xf32>
    %slice3A_1528 = vector.extract_strided_slice %get3A_1217 {offsets = [44, 0], sizes = [1, 256], strides = [1, 1]} : vector<64x256xi32> to vector<1x256xi32>
    %eq3A_1529 = vector.broadcast %slice3A_1528 : vector<1x256xi32> to vector<1024x256xi32>
    %eq3A_1530 = vector.broadcast %iota3A : vector<1024x1xi32> to vector<1024x256xi32>
    %eq3A_1531 = arith.cmpi eq, %eq3A_1529, %eq3A_1530 : vector<1024x256xi32>
    %convert_element_type3A_1532 = arith.extui %eq3A_1531 : vector<1024x256xi1> to vector<1024x256xi32>
    %convert_element_type3A_1533 = arith.sitofp %convert_element_type3A_1532 : vector<1024x256xi32> to vector<1024x256xf32>
    %add3A_1534 = arith.addf %add3A_1527, %convert_element_type3A_1533 : vector<1024x256xf32>
    %slice3A_1535 = vector.extract_strided_slice %get3A_1217 {offsets = [45, 0], sizes = [1, 256], strides = [1, 1]} : vector<64x256xi32> to vector<1x256xi32>
    %eq3A_1536 = vector.broadcast %slice3A_1535 : vector<1x256xi32> to vector<1024x256xi32>
    %eq3A_1537 = vector.broadcast %iota3A : vector<1024x1xi32> to vector<1024x256xi32>
    %eq3A_1538 = arith.cmpi eq, %eq3A_1536, %eq3A_1537 : vector<1024x256xi32>
    %convert_element_type3A_1539 = arith.extui %eq3A_1538 : vector<1024x256xi1> to vector<1024x256xi32>
    %convert_element_type3A_1540 = arith.sitofp %convert_element_type3A_1539 : vector<1024x256xi32> to vector<1024x256xf32>
    %add3A_1541 = arith.addf %add3A_1534, %convert_element_type3A_1540 : vector<1024x256xf32>
    %slice3A_1542 = vector.extract_strided_slice %get3A_1217 {offsets = [46, 0], sizes = [1, 256], strides = [1, 1]} : vector<64x256xi32> to vector<1x256xi32>
    %eq3A_1543 = vector.broadcast %slice3A_1542 : vector<1x256xi32> to vector<1024x256xi32>
    %eq3A_1544 = vector.broadcast %iota3A : vector<1024x1xi32> to vector<1024x256xi32>
    %eq3A_1545 = arith.cmpi eq, %eq3A_1543, %eq3A_1544 : vector<1024x256xi32>
    %convert_element_type3A_1546 = arith.extui %eq3A_1545 : vector<1024x256xi1> to vector<1024x256xi32>
    %convert_element_type3A_1547 = arith.sitofp %convert_element_type3A_1546 : vector<1024x256xi32> to vector<1024x256xf32>
    %add3A_1548 = arith.addf %add3A_1541, %convert_element_type3A_1547 : vector<1024x256xf32>
    %slice3A_1549 = vector.extract_strided_slice %get3A_1217 {offsets = [47, 0], sizes = [1, 256], strides = [1, 1]} : vector<64x256xi32> to vector<1x256xi32>
    %eq3A_1550 = vector.broadcast %slice3A_1549 : vector<1x256xi32> to vector<1024x256xi32>
    %eq3A_1551 = vector.broadcast %iota3A : vector<1024x1xi32> to vector<1024x256xi32>
    %eq3A_1552 = arith.cmpi eq, %eq3A_1550, %eq3A_1551 : vector<1024x256xi32>
    %convert_element_type3A_1553 = arith.extui %eq3A_1552 : vector<1024x256xi1> to vector<1024x256xi32>
    %convert_element_type3A_1554 = arith.sitofp %convert_element_type3A_1553 : vector<1024x256xi32> to vector<1024x256xf32>
    %add3A_1555 = arith.addf %add3A_1548, %convert_element_type3A_1554 : vector<1024x256xf32>
    %slice3A_1556 = vector.extract_strided_slice %get3A_1217 {offsets = [48, 0], sizes = [1, 256], strides = [1, 1]} : vector<64x256xi32> to vector<1x256xi32>
    %eq3A_1557 = vector.broadcast %slice3A_1556 : vector<1x256xi32> to vector<1024x256xi32>
    %eq3A_1558 = vector.broadcast %iota3A : vector<1024x1xi32> to vector<1024x256xi32>
    %eq3A_1559 = arith.cmpi eq, %eq3A_1557, %eq3A_1558 : vector<1024x256xi32>
    %convert_element_type3A_1560 = arith.extui %eq3A_1559 : vector<1024x256xi1> to vector<1024x256xi32>
    %convert_element_type3A_1561 = arith.sitofp %convert_element_type3A_1560 : vector<1024x256xi32> to vector<1024x256xf32>
    %add3A_1562 = arith.addf %add3A_1555, %convert_element_type3A_1561 : vector<1024x256xf32>
    %slice3A_1563 = vector.extract_strided_slice %get3A_1217 {offsets = [49, 0], sizes = [1, 256], strides = [1, 1]} : vector<64x256xi32> to vector<1x256xi32>
    %eq3A_1564 = vector.broadcast %slice3A_1563 : vector<1x256xi32> to vector<1024x256xi32>
    %eq3A_1565 = vector.broadcast %iota3A : vector<1024x1xi32> to vector<1024x256xi32>
    %eq3A_1566 = arith.cmpi eq, %eq3A_1564, %eq3A_1565 : vector<1024x256xi32>
    %convert_element_type3A_1567 = arith.extui %eq3A_1566 : vector<1024x256xi1> to vector<1024x256xi32>
    %convert_element_type3A_1568 = arith.sitofp %convert_element_type3A_1567 : vector<1024x256xi32> to vector<1024x256xf32>
    %add3A_1569 = arith.addf %add3A_1562, %convert_element_type3A_1568 : vector<1024x256xf32>
    %slice3A_1570 = vector.extract_strided_slice %get3A_1217 {offsets = [50, 0], sizes = [1, 256], strides = [1, 1]} : vector<64x256xi32> to vector<1x256xi32>
    %eq3A_1571 = vector.broadcast %slice3A_1570 : vector<1x256xi32> to vector<1024x256xi32>
    %eq3A_1572 = vector.broadcast %iota3A : vector<1024x1xi32> to vector<1024x256xi32>
    %eq3A_1573 = arith.cmpi eq, %eq3A_1571, %eq3A_1572 : vector<1024x256xi32>
    %convert_element_type3A_1574 = arith.extui %eq3A_1573 : vector<1024x256xi1> to vector<1024x256xi32>
    %convert_element_type3A_1575 = arith.sitofp %convert_element_type3A_1574 : vector<1024x256xi32> to vector<1024x256xf32>
    %add3A_1576 = arith.addf %add3A_1569, %convert_element_type3A_1575 : vector<1024x256xf32>
    %slice3A_1577 = vector.extract_strided_slice %get3A_1217 {offsets = [51, 0], sizes = [1, 256], strides = [1, 1]} : vector<64x256xi32> to vector<1x256xi32>
    %eq3A_1578 = vector.broadcast %slice3A_1577 : vector<1x256xi32> to vector<1024x256xi32>
    %eq3A_1579 = vector.broadcast %iota3A : vector<1024x1xi32> to vector<1024x256xi32>
    %eq3A_1580 = arith.cmpi eq, %eq3A_1578, %eq3A_1579 : vector<1024x256xi32>
    %convert_element_type3A_1581 = arith.extui %eq3A_1580 : vector<1024x256xi1> to vector<1024x256xi32>
    %convert_element_type3A_1582 = arith.sitofp %convert_element_type3A_1581 : vector<1024x256xi32> to vector<1024x256xf32>
    %add3A_1583 = arith.addf %add3A_1576, %convert_element_type3A_1582 : vector<1024x256xf32>
    %slice3A_1584 = vector.extract_strided_slice %get3A_1217 {offsets = [52, 0], sizes = [1, 256], strides = [1, 1]} : vector<64x256xi32> to vector<1x256xi32>
    %eq3A_1585 = vector.broadcast %slice3A_1584 : vector<1x256xi32> to vector<1024x256xi32>
    %eq3A_1586 = vector.broadcast %iota3A : vector<1024x1xi32> to vector<1024x256xi32>
    %eq3A_1587 = arith.cmpi eq, %eq3A_1585, %eq3A_1586 : vector<1024x256xi32>
    %convert_element_type3A_1588 = arith.extui %eq3A_1587 : vector<1024x256xi1> to vector<1024x256xi32>
    %convert_element_type3A_1589 = arith.sitofp %convert_element_type3A_1588 : vector<1024x256xi32> to vector<1024x256xf32>
    %add3A_1590 = arith.addf %add3A_1583, %convert_element_type3A_1589 : vector<1024x256xf32>
    %slice3A_1591 = vector.extract_strided_slice %get3A_1217 {offsets = [53, 0], sizes = [1, 256], strides = [1, 1]} : vector<64x256xi32> to vector<1x256xi32>
    %eq3A_1592 = vector.broadcast %slice3A_1591 : vector<1x256xi32> to vector<1024x256xi32>
    %eq3A_1593 = vector.broadcast %iota3A : vector<1024x1xi32> to vector<1024x256xi32>
    %eq3A_1594 = arith.cmpi eq, %eq3A_1592, %eq3A_1593 : vector<1024x256xi32>
    %convert_element_type3A_1595 = arith.extui %eq3A_1594 : vector<1024x256xi1> to vector<1024x256xi32>
    %convert_element_type3A_1596 = arith.sitofp %convert_element_type3A_1595 : vector<1024x256xi32> to vector<1024x256xf32>
    %add3A_1597 = arith.addf %add3A_1590, %convert_element_type3A_1596 : vector<1024x256xf32>
    %slice3A_1598 = vector.extract_strided_slice %get3A_1217 {offsets = [54, 0], sizes = [1, 256], strides = [1, 1]} : vector<64x256xi32> to vector<1x256xi32>
    %eq3A_1599 = vector.broadcast %slice3A_1598 : vector<1x256xi32> to vector<1024x256xi32>
    %eq3A_1600 = vector.broadcast %iota3A : vector<1024x1xi32> to vector<1024x256xi32>
    %eq3A_1601 = arith.cmpi eq, %eq3A_1599, %eq3A_1600 : vector<1024x256xi32>
    %convert_element_type3A_1602 = arith.extui %eq3A_1601 : vector<1024x256xi1> to vector<1024x256xi32>
    %convert_element_type3A_1603 = arith.sitofp %convert_element_type3A_1602 : vector<1024x256xi32> to vector<1024x256xf32>
    %add3A_1604 = arith.addf %add3A_1597, %convert_element_type3A_1603 : vector<1024x256xf32>
    %slice3A_1605 = vector.extract_strided_slice %get3A_1217 {offsets = [55, 0], sizes = [1, 256], strides = [1, 1]} : vector<64x256xi32> to vector<1x256xi32>
    %eq3A_1606 = vector.broadcast %slice3A_1605 : vector<1x256xi32> to vector<1024x256xi32>
    %eq3A_1607 = vector.broadcast %iota3A : vector<1024x1xi32> to vector<1024x256xi32>
    %eq3A_1608 = arith.cmpi eq, %eq3A_1606, %eq3A_1607 : vector<1024x256xi32>
    %convert_element_type3A_1609 = arith.extui %eq3A_1608 : vector<1024x256xi1> to vector<1024x256xi32>
    %convert_element_type3A_1610 = arith.sitofp %convert_element_type3A_1609 : vector<1024x256xi32> to vector<1024x256xf32>
    %add3A_1611 = arith.addf %add3A_1604, %convert_element_type3A_1610 : vector<1024x256xf32>
    %slice3A_1612 = vector.extract_strided_slice %get3A_1217 {offsets = [56, 0], sizes = [1, 256], strides = [1, 1]} : vector<64x256xi32> to vector<1x256xi32>
    %eq3A_1613 = vector.broadcast %slice3A_1612 : vector<1x256xi32> to vector<1024x256xi32>
    %eq3A_1614 = vector.broadcast %iota3A : vector<1024x1xi32> to vector<1024x256xi32>
    %eq3A_1615 = arith.cmpi eq, %eq3A_1613, %eq3A_1614 : vector<1024x256xi32>
    %convert_element_type3A_1616 = arith.extui %eq3A_1615 : vector<1024x256xi1> to vector<1024x256xi32>
    %convert_element_type3A_1617 = arith.sitofp %convert_element_type3A_1616 : vector<1024x256xi32> to vector<1024x256xf32>
    %add3A_1618 = arith.addf %add3A_1611, %convert_element_type3A_1617 : vector<1024x256xf32>
    %slice3A_1619 = vector.extract_strided_slice %get3A_1217 {offsets = [57, 0], sizes = [1, 256], strides = [1, 1]} : vector<64x256xi32> to vector<1x256xi32>
    %eq3A_1620 = vector.broadcast %slice3A_1619 : vector<1x256xi32> to vector<1024x256xi32>
    %eq3A_1621 = vector.broadcast %iota3A : vector<1024x1xi32> to vector<1024x256xi32>
    %eq3A_1622 = arith.cmpi eq, %eq3A_1620, %eq3A_1621 : vector<1024x256xi32>
    %convert_element_type3A_1623 = arith.extui %eq3A_1622 : vector<1024x256xi1> to vector<1024x256xi32>
    %convert_element_type3A_1624 = arith.sitofp %convert_element_type3A_1623 : vector<1024x256xi32> to vector<1024x256xf32>
    %add3A_1625 = arith.addf %add3A_1618, %convert_element_type3A_1624 : vector<1024x256xf32>
    %slice3A_1626 = vector.extract_strided_slice %get3A_1217 {offsets = [58, 0], sizes = [1, 256], strides = [1, 1]} : vector<64x256xi32> to vector<1x256xi32>
    %eq3A_1627 = vector.broadcast %slice3A_1626 : vector<1x256xi32> to vector<1024x256xi32>
    %eq3A_1628 = vector.broadcast %iota3A : vector<1024x1xi32> to vector<1024x256xi32>
    %eq3A_1629 = arith.cmpi eq, %eq3A_1627, %eq3A_1628 : vector<1024x256xi32>
    %convert_element_type3A_1630 = arith.extui %eq3A_1629 : vector<1024x256xi1> to vector<1024x256xi32>
    %convert_element_type3A_1631 = arith.sitofp %convert_element_type3A_1630 : vector<1024x256xi32> to vector<1024x256xf32>
    %add3A_1632 = arith.addf %add3A_1625, %convert_element_type3A_1631 : vector<1024x256xf32>
    %slice3A_1633 = vector.extract_strided_slice %get3A_1217 {offsets = [59, 0], sizes = [1, 256], strides = [1, 1]} : vector<64x256xi32> to vector<1x256xi32>
    %eq3A_1634 = vector.broadcast %slice3A_1633 : vector<1x256xi32> to vector<1024x256xi32>
    %eq3A_1635 = vector.broadcast %iota3A : vector<1024x1xi32> to vector<1024x256xi32>
    %eq3A_1636 = arith.cmpi eq, %eq3A_1634, %eq3A_1635 : vector<1024x256xi32>
    %convert_element_type3A_1637 = arith.extui %eq3A_1636 : vector<1024x256xi1> to vector<1024x256xi32>
    %convert_element_type3A_1638 = arith.sitofp %convert_element_type3A_1637 : vector<1024x256xi32> to vector<1024x256xf32>
    %add3A_1639 = arith.addf %add3A_1632, %convert_element_type3A_1638 : vector<1024x256xf32>
    %slice3A_1640 = vector.extract_strided_slice %get3A_1217 {offsets = [60, 0], sizes = [1, 256], strides = [1, 1]} : vector<64x256xi32> to vector<1x256xi32>
    %eq3A_1641 = vector.broadcast %slice3A_1640 : vector<1x256xi32> to vector<1024x256xi32>
    %eq3A_1642 = vector.broadcast %iota3A : vector<1024x1xi32> to vector<1024x256xi32>
    %eq3A_1643 = arith.cmpi eq, %eq3A_1641, %eq3A_1642 : vector<1024x256xi32>
    %convert_element_type3A_1644 = arith.extui %eq3A_1643 : vector<1024x256xi1> to vector<1024x256xi32>
    %convert_element_type3A_1645 = arith.sitofp %convert_element_type3A_1644 : vector<1024x256xi32> to vector<1024x256xf32>
    %add3A_1646 = arith.addf %add3A_1639, %convert_element_type3A_1645 : vector<1024x256xf32>
    %slice3A_1647 = vector.extract_strided_slice %get3A_1217 {offsets = [61, 0], sizes = [1, 256], strides = [1, 1]} : vector<64x256xi32> to vector<1x256xi32>
    %eq3A_1648 = vector.broadcast %slice3A_1647 : vector<1x256xi32> to vector<1024x256xi32>
    %eq3A_1649 = vector.broadcast %iota3A : vector<1024x1xi32> to vector<1024x256xi32>
    %eq3A_1650 = arith.cmpi eq, %eq3A_1648, %eq3A_1649 : vector<1024x256xi32>
    %convert_element_type3A_1651 = arith.extui %eq3A_1650 : vector<1024x256xi1> to vector<1024x256xi32>
    %convert_element_type3A_1652 = arith.sitofp %convert_element_type3A_1651 : vector<1024x256xi32> to vector<1024x256xf32>
    %add3A_1653 = arith.addf %add3A_1646, %convert_element_type3A_1652 : vector<1024x256xf32>
    %slice3A_1654 = vector.extract_strided_slice %get3A_1217 {offsets = [62, 0], sizes = [1, 256], strides = [1, 1]} : vector<64x256xi32> to vector<1x256xi32>
    %eq3A_1655 = vector.broadcast %slice3A_1654 : vector<1x256xi32> to vector<1024x256xi32>
    %eq3A_1656 = vector.broadcast %iota3A : vector<1024x1xi32> to vector<1024x256xi32>
    %eq3A_1657 = arith.cmpi eq, %eq3A_1655, %eq3A_1656 : vector<1024x256xi32>
    %convert_element_type3A_1658 = arith.extui %eq3A_1657 : vector<1024x256xi1> to vector<1024x256xi32>
    %convert_element_type3A_1659 = arith.sitofp %convert_element_type3A_1658 : vector<1024x256xi32> to vector<1024x256xf32>
    %add3A_1660 = arith.addf %add3A_1653, %convert_element_type3A_1659 : vector<1024x256xf32>
    %slice3A_1661 = vector.extract_strided_slice %get3A_1217 {offsets = [63, 0], sizes = [1, 256], strides = [1, 1]} : vector<64x256xi32> to vector<1x256xi32>
    %eq3A_1662 = vector.broadcast %slice3A_1661 : vector<1x256xi32> to vector<1024x256xi32>
    %eq3A_1663 = vector.broadcast %iota3A : vector<1024x1xi32> to vector<1024x256xi32>
    %eq3A_1664 = arith.cmpi eq, %eq3A_1662, %eq3A_1663 : vector<1024x256xi32>
    %convert_element_type3A_1665 = arith.extui %eq3A_1664 : vector<1024x256xi1> to vector<1024x256xi32>
    %convert_element_type3A_1666 = arith.sitofp %convert_element_type3A_1665 : vector<1024x256xi32> to vector<1024x256xf32>
    %add3A_1667 = arith.addf %add3A_1660, %convert_element_type3A_1666 : vector<1024x256xf32>
    %reduce_max3A_1668 = arith.constant dense<0xFF800000> : vector<256xf32>
    %reduce_max3A_1669 = vector.multi_reduction <maximumf>, %add3A_1214, %reduce_max3A_1668 [0] : vector<1024x256xf32> to vector<256xf32>
    %broadcast_in_dim3A_1670 = vector.shape_cast %reduce_max3A_1669 : vector<256xf32> to vector<1x256xf32>
    %sub3A_1671 = vector.broadcast %broadcast_in_dim3A_1670 : vector<1x256xf32> to vector<1024x256xf32>
    %sub3A_1672 = arith.subf %add3A_1214, %sub3A_1671 : vector<1024x256xf32>
    %exp3A_1673 = math.exp %sub3A_1672 : vector<1024x256xf32>
    %mul3A_1674 = arith.mulf %add3A_1667, %exp3A_1673 : vector<1024x256xf32>
    %reduce_sum3A_1675 = arith.constant dense<0.000000e+00> : vector<256xf32>
    %reduce_sum3A_1676 = vector.multi_reduction <add>, %mul3A_1674, %reduce_sum3A_1675 [0] : vector<1024x256xf32> to vector<256xf32>
    %broadcast_in_dim3A_1677 = vector.shape_cast %reduce_sum3A_1676 : vector<256xf32> to vector<1x256xf32>
    %max3A_1678 = arith.constant 1.000000e-30 : f32
    %max3A_1679 = vector.broadcast %max3A_1678 : f32 to vector<1x256xf32>
    %max3A_1680 = arith.maximumf %broadcast_in_dim3A_1677, %max3A_1679 : vector<1x256xf32>
    %div3A_1681 = vector.broadcast %max3A_1680 : vector<1x256xf32> to vector<1024x256xf32>
    %div3A_1682 = arith.divf %mul3A_1674, %div3A_1681 : vector<1024x256xf32>
    %convert_element_type3A_1683 = arith.truncf %div3A_1682 : vector<1024x256xf32> to vector<1024x256xbf16>
    %dot_general3A_1684 = arith.constant dense<0.000000e+00> : vector<256x256xf32>
    %dot_general3A_1685 = tpu.matmul %convert_element_type3A_1683, %get3A_5, %dot_general3A_1684 {dimension_numbers = #tpu.dot_dimension_numbers<[0], [0], [1], [1], [0, 1, 1, 1], [], []>, transpose_lhs_hint = false} : vector<1024x256xbf16>, vector<1024x256xbf16>, vector<256x256xf32> -> vector<256x256xf32>
    %convert_element_type3A_1686 = arith.truncf %get3A_1173 : vector<256x256xf32> to vector<256x256xbf16>
    %dot_general3A_1687 = arith.constant dense<0.000000e+00> : vector<1024x256xf32>
    %dot_general3A_1688 = tpu.matmul %get3A_8, %convert_element_type3A_1686, %dot_general3A_1687 {dimension_numbers = #tpu.dot_dimension_numbers<[1], [1], [0], [0], [0, 0, 1, 0], [], []>, transpose_lhs_hint = false} : vector<1024x256xbf16>, vector<256x256xbf16>, vector<1024x256xf32> -> vector<1024x256xf32>
    %add3A_1689 = vector.broadcast %select_n3A : vector<1024x1xf32> to vector<1024x256xf32>
    %add3A_1690 = arith.addf %dot_general3A_1688, %add3A_1689 : vector<1024x256xf32>
    %get3A_1691 = arith.constant 0 : index
    %get3A_1692 = arith.constant 0 : index
    %get3A_1693 = vector.load %arg18[%get3A_1691, %get3A_1692] : memref<64x256xi32, #tpu.memory_space<vmem>>, vector<64x256xi32>
    %broadcast_in_dim3A_1694 = arith.constant 0.000000e+00 : f32
    %broadcast_in_dim3A_1695 = vector.broadcast %broadcast_in_dim3A_1694 : f32 to vector<1024x256xf32>
    %slice3A_1696 = vector.extract_strided_slice %get3A_1693 {offsets = [0, 0], sizes = [1, 256], strides = [1, 1]} : vector<64x256xi32> to vector<1x256xi32>
    %eq3A_1697 = vector.broadcast %slice3A_1696 : vector<1x256xi32> to vector<1024x256xi32>
    %eq3A_1698 = vector.broadcast %iota3A : vector<1024x1xi32> to vector<1024x256xi32>
    %eq3A_1699 = arith.cmpi eq, %eq3A_1697, %eq3A_1698 : vector<1024x256xi32>
    %convert_element_type3A_1700 = arith.extui %eq3A_1699 : vector<1024x256xi1> to vector<1024x256xi32>
    %convert_element_type3A_1701 = arith.sitofp %convert_element_type3A_1700 : vector<1024x256xi32> to vector<1024x256xf32>
    %add3A_1702 = arith.addf %broadcast_in_dim3A_1695, %convert_element_type3A_1701 : vector<1024x256xf32>
    %slice3A_1703 = vector.extract_strided_slice %get3A_1693 {offsets = [1, 0], sizes = [1, 256], strides = [1, 1]} : vector<64x256xi32> to vector<1x256xi32>
    %eq3A_1704 = vector.broadcast %slice3A_1703 : vector<1x256xi32> to vector<1024x256xi32>
    %eq3A_1705 = vector.broadcast %iota3A : vector<1024x1xi32> to vector<1024x256xi32>
    %eq3A_1706 = arith.cmpi eq, %eq3A_1704, %eq3A_1705 : vector<1024x256xi32>
    %convert_element_type3A_1707 = arith.extui %eq3A_1706 : vector<1024x256xi1> to vector<1024x256xi32>
    %convert_element_type3A_1708 = arith.sitofp %convert_element_type3A_1707 : vector<1024x256xi32> to vector<1024x256xf32>
    %add3A_1709 = arith.addf %add3A_1702, %convert_element_type3A_1708 : vector<1024x256xf32>
    %slice3A_1710 = vector.extract_strided_slice %get3A_1693 {offsets = [2, 0], sizes = [1, 256], strides = [1, 1]} : vector<64x256xi32> to vector<1x256xi32>
    %eq3A_1711 = vector.broadcast %slice3A_1710 : vector<1x256xi32> to vector<1024x256xi32>
    %eq3A_1712 = vector.broadcast %iota3A : vector<1024x1xi32> to vector<1024x256xi32>
    %eq3A_1713 = arith.cmpi eq, %eq3A_1711, %eq3A_1712 : vector<1024x256xi32>
    %convert_element_type3A_1714 = arith.extui %eq3A_1713 : vector<1024x256xi1> to vector<1024x256xi32>
    %convert_element_type3A_1715 = arith.sitofp %convert_element_type3A_1714 : vector<1024x256xi32> to vector<1024x256xf32>
    %add3A_1716 = arith.addf %add3A_1709, %convert_element_type3A_1715 : vector<1024x256xf32>
    %slice3A_1717 = vector.extract_strided_slice %get3A_1693 {offsets = [3, 0], sizes = [1, 256], strides = [1, 1]} : vector<64x256xi32> to vector<1x256xi32>
    %eq3A_1718 = vector.broadcast %slice3A_1717 : vector<1x256xi32> to vector<1024x256xi32>
    %eq3A_1719 = vector.broadcast %iota3A : vector<1024x1xi32> to vector<1024x256xi32>
    %eq3A_1720 = arith.cmpi eq, %eq3A_1718, %eq3A_1719 : vector<1024x256xi32>
    %convert_element_type3A_1721 = arith.extui %eq3A_1720 : vector<1024x256xi1> to vector<1024x256xi32>
    %convert_element_type3A_1722 = arith.sitofp %convert_element_type3A_1721 : vector<1024x256xi32> to vector<1024x256xf32>
    %add3A_1723 = arith.addf %add3A_1716, %convert_element_type3A_1722 : vector<1024x256xf32>
    %slice3A_1724 = vector.extract_strided_slice %get3A_1693 {offsets = [4, 0], sizes = [1, 256], strides = [1, 1]} : vector<64x256xi32> to vector<1x256xi32>
    %eq3A_1725 = vector.broadcast %slice3A_1724 : vector<1x256xi32> to vector<1024x256xi32>
    %eq3A_1726 = vector.broadcast %iota3A : vector<1024x1xi32> to vector<1024x256xi32>
    %eq3A_1727 = arith.cmpi eq, %eq3A_1725, %eq3A_1726 : vector<1024x256xi32>
    %convert_element_type3A_1728 = arith.extui %eq3A_1727 : vector<1024x256xi1> to vector<1024x256xi32>
    %convert_element_type3A_1729 = arith.sitofp %convert_element_type3A_1728 : vector<1024x256xi32> to vector<1024x256xf32>
    %add3A_1730 = arith.addf %add3A_1723, %convert_element_type3A_1729 : vector<1024x256xf32>
    %slice3A_1731 = vector.extract_strided_slice %get3A_1693 {offsets = [5, 0], sizes = [1, 256], strides = [1, 1]} : vector<64x256xi32> to vector<1x256xi32>
    %eq3A_1732 = vector.broadcast %slice3A_1731 : vector<1x256xi32> to vector<1024x256xi32>
    %eq3A_1733 = vector.broadcast %iota3A : vector<1024x1xi32> to vector<1024x256xi32>
    %eq3A_1734 = arith.cmpi eq, %eq3A_1732, %eq3A_1733 : vector<1024x256xi32>
    %convert_element_type3A_1735 = arith.extui %eq3A_1734 : vector<1024x256xi1> to vector<1024x256xi32>
    %convert_element_type3A_1736 = arith.sitofp %convert_element_type3A_1735 : vector<1024x256xi32> to vector<1024x256xf32>
    %add3A_1737 = arith.addf %add3A_1730, %convert_element_type3A_1736 : vector<1024x256xf32>
    %slice3A_1738 = vector.extract_strided_slice %get3A_1693 {offsets = [6, 0], sizes = [1, 256], strides = [1, 1]} : vector<64x256xi32> to vector<1x256xi32>
    %eq3A_1739 = vector.broadcast %slice3A_1738 : vector<1x256xi32> to vector<1024x256xi32>
    %eq3A_1740 = vector.broadcast %iota3A : vector<1024x1xi32> to vector<1024x256xi32>
    %eq3A_1741 = arith.cmpi eq, %eq3A_1739, %eq3A_1740 : vector<1024x256xi32>
    %convert_element_type3A_1742 = arith.extui %eq3A_1741 : vector<1024x256xi1> to vector<1024x256xi32>
    %convert_element_type3A_1743 = arith.sitofp %convert_element_type3A_1742 : vector<1024x256xi32> to vector<1024x256xf32>
    %add3A_1744 = arith.addf %add3A_1737, %convert_element_type3A_1743 : vector<1024x256xf32>
    %slice3A_1745 = vector.extract_strided_slice %get3A_1693 {offsets = [7, 0], sizes = [1, 256], strides = [1, 1]} : vector<64x256xi32> to vector<1x256xi32>
    %eq3A_1746 = vector.broadcast %slice3A_1745 : vector<1x256xi32> to vector<1024x256xi32>
    %eq3A_1747 = vector.broadcast %iota3A : vector<1024x1xi32> to vector<1024x256xi32>
    %eq3A_1748 = arith.cmpi eq, %eq3A_1746, %eq3A_1747 : vector<1024x256xi32>
    %convert_element_type3A_1749 = arith.extui %eq3A_1748 : vector<1024x256xi1> to vector<1024x256xi32>
    %convert_element_type3A_1750 = arith.sitofp %convert_element_type3A_1749 : vector<1024x256xi32> to vector<1024x256xf32>
    %add3A_1751 = arith.addf %add3A_1744, %convert_element_type3A_1750 : vector<1024x256xf32>
    %slice3A_1752 = vector.extract_strided_slice %get3A_1693 {offsets = [8, 0], sizes = [1, 256], strides = [1, 1]} : vector<64x256xi32> to vector<1x256xi32>
    %eq3A_1753 = vector.broadcast %slice3A_1752 : vector<1x256xi32> to vector<1024x256xi32>
    %eq3A_1754 = vector.broadcast %iota3A : vector<1024x1xi32> to vector<1024x256xi32>
    %eq3A_1755 = arith.cmpi eq, %eq3A_1753, %eq3A_1754 : vector<1024x256xi32>
    %convert_element_type3A_1756 = arith.extui %eq3A_1755 : vector<1024x256xi1> to vector<1024x256xi32>
    %convert_element_type3A_1757 = arith.sitofp %convert_element_type3A_1756 : vector<1024x256xi32> to vector<1024x256xf32>
    %add3A_1758 = arith.addf %add3A_1751, %convert_element_type3A_1757 : vector<1024x256xf32>
    %slice3A_1759 = vector.extract_strided_slice %get3A_1693 {offsets = [9, 0], sizes = [1, 256], strides = [1, 1]} : vector<64x256xi32> to vector<1x256xi32>
    %eq3A_1760 = vector.broadcast %slice3A_1759 : vector<1x256xi32> to vector<1024x256xi32>
    %eq3A_1761 = vector.broadcast %iota3A : vector<1024x1xi32> to vector<1024x256xi32>
    %eq3A_1762 = arith.cmpi eq, %eq3A_1760, %eq3A_1761 : vector<1024x256xi32>
    %convert_element_type3A_1763 = arith.extui %eq3A_1762 : vector<1024x256xi1> to vector<1024x256xi32>
    %convert_element_type3A_1764 = arith.sitofp %convert_element_type3A_1763 : vector<1024x256xi32> to vector<1024x256xf32>
    %add3A_1765 = arith.addf %add3A_1758, %convert_element_type3A_1764 : vector<1024x256xf32>
    %slice3A_1766 = vector.extract_strided_slice %get3A_1693 {offsets = [10, 0], sizes = [1, 256], strides = [1, 1]} : vector<64x256xi32> to vector<1x256xi32>
    %eq3A_1767 = vector.broadcast %slice3A_1766 : vector<1x256xi32> to vector<1024x256xi32>
    %eq3A_1768 = vector.broadcast %iota3A : vector<1024x1xi32> to vector<1024x256xi32>
    %eq3A_1769 = arith.cmpi eq, %eq3A_1767, %eq3A_1768 : vector<1024x256xi32>
    %convert_element_type3A_1770 = arith.extui %eq3A_1769 : vector<1024x256xi1> to vector<1024x256xi32>
    %convert_element_type3A_1771 = arith.sitofp %convert_element_type3A_1770 : vector<1024x256xi32> to vector<1024x256xf32>
    %add3A_1772 = arith.addf %add3A_1765, %convert_element_type3A_1771 : vector<1024x256xf32>
    %slice3A_1773 = vector.extract_strided_slice %get3A_1693 {offsets = [11, 0], sizes = [1, 256], strides = [1, 1]} : vector<64x256xi32> to vector<1x256xi32>
    %eq3A_1774 = vector.broadcast %slice3A_1773 : vector<1x256xi32> to vector<1024x256xi32>
    %eq3A_1775 = vector.broadcast %iota3A : vector<1024x1xi32> to vector<1024x256xi32>
    %eq3A_1776 = arith.cmpi eq, %eq3A_1774, %eq3A_1775 : vector<1024x256xi32>
    %convert_element_type3A_1777 = arith.extui %eq3A_1776 : vector<1024x256xi1> to vector<1024x256xi32>
    %convert_element_type3A_1778 = arith.sitofp %convert_element_type3A_1777 : vector<1024x256xi32> to vector<1024x256xf32>
    %add3A_1779 = arith.addf %add3A_1772, %convert_element_type3A_1778 : vector<1024x256xf32>
    %slice3A_1780 = vector.extract_strided_slice %get3A_1693 {offsets = [12, 0], sizes = [1, 256], strides = [1, 1]} : vector<64x256xi32> to vector<1x256xi32>
    %eq3A_1781 = vector.broadcast %slice3A_1780 : vector<1x256xi32> to vector<1024x256xi32>
    %eq3A_1782 = vector.broadcast %iota3A : vector<1024x1xi32> to vector<1024x256xi32>
    %eq3A_1783 = arith.cmpi eq, %eq3A_1781, %eq3A_1782 : vector<1024x256xi32>
    %convert_element_type3A_1784 = arith.extui %eq3A_1783 : vector<1024x256xi1> to vector<1024x256xi32>
    %convert_element_type3A_1785 = arith.sitofp %convert_element_type3A_1784 : vector<1024x256xi32> to vector<1024x256xf32>
    %add3A_1786 = arith.addf %add3A_1779, %convert_element_type3A_1785 : vector<1024x256xf32>
    %slice3A_1787 = vector.extract_strided_slice %get3A_1693 {offsets = [13, 0], sizes = [1, 256], strides = [1, 1]} : vector<64x256xi32> to vector<1x256xi32>
    %eq3A_1788 = vector.broadcast %slice3A_1787 : vector<1x256xi32> to vector<1024x256xi32>
    %eq3A_1789 = vector.broadcast %iota3A : vector<1024x1xi32> to vector<1024x256xi32>
    %eq3A_1790 = arith.cmpi eq, %eq3A_1788, %eq3A_1789 : vector<1024x256xi32>
    %convert_element_type3A_1791 = arith.extui %eq3A_1790 : vector<1024x256xi1> to vector<1024x256xi32>
    %convert_element_type3A_1792 = arith.sitofp %convert_element_type3A_1791 : vector<1024x256xi32> to vector<1024x256xf32>
    %add3A_1793 = arith.addf %add3A_1786, %convert_element_type3A_1792 : vector<1024x256xf32>
    %slice3A_1794 = vector.extract_strided_slice %get3A_1693 {offsets = [14, 0], sizes = [1, 256], strides = [1, 1]} : vector<64x256xi32> to vector<1x256xi32>
    %eq3A_1795 = vector.broadcast %slice3A_1794 : vector<1x256xi32> to vector<1024x256xi32>
    %eq3A_1796 = vector.broadcast %iota3A : vector<1024x1xi32> to vector<1024x256xi32>
    %eq3A_1797 = arith.cmpi eq, %eq3A_1795, %eq3A_1796 : vector<1024x256xi32>
    %convert_element_type3A_1798 = arith.extui %eq3A_1797 : vector<1024x256xi1> to vector<1024x256xi32>
    %convert_element_type3A_1799 = arith.sitofp %convert_element_type3A_1798 : vector<1024x256xi32> to vector<1024x256xf32>
    %add3A_1800 = arith.addf %add3A_1793, %convert_element_type3A_1799 : vector<1024x256xf32>
    %slice3A_1801 = vector.extract_strided_slice %get3A_1693 {offsets = [15, 0], sizes = [1, 256], strides = [1, 1]} : vector<64x256xi32> to vector<1x256xi32>
    %eq3A_1802 = vector.broadcast %slice3A_1801 : vector<1x256xi32> to vector<1024x256xi32>
    %eq3A_1803 = vector.broadcast %iota3A : vector<1024x1xi32> to vector<1024x256xi32>
    %eq3A_1804 = arith.cmpi eq, %eq3A_1802, %eq3A_1803 : vector<1024x256xi32>
    %convert_element_type3A_1805 = arith.extui %eq3A_1804 : vector<1024x256xi1> to vector<1024x256xi32>
    %convert_element_type3A_1806 = arith.sitofp %convert_element_type3A_1805 : vector<1024x256xi32> to vector<1024x256xf32>
    %add3A_1807 = arith.addf %add3A_1800, %convert_element_type3A_1806 : vector<1024x256xf32>
    %slice3A_1808 = vector.extract_strided_slice %get3A_1693 {offsets = [16, 0], sizes = [1, 256], strides = [1, 1]} : vector<64x256xi32> to vector<1x256xi32>
    %eq3A_1809 = vector.broadcast %slice3A_1808 : vector<1x256xi32> to vector<1024x256xi32>
    %eq3A_1810 = vector.broadcast %iota3A : vector<1024x1xi32> to vector<1024x256xi32>
    %eq3A_1811 = arith.cmpi eq, %eq3A_1809, %eq3A_1810 : vector<1024x256xi32>
    %convert_element_type3A_1812 = arith.extui %eq3A_1811 : vector<1024x256xi1> to vector<1024x256xi32>
    %convert_element_type3A_1813 = arith.sitofp %convert_element_type3A_1812 : vector<1024x256xi32> to vector<1024x256xf32>
    %add3A_1814 = arith.addf %add3A_1807, %convert_element_type3A_1813 : vector<1024x256xf32>
    %slice3A_1815 = vector.extract_strided_slice %get3A_1693 {offsets = [17, 0], sizes = [1, 256], strides = [1, 1]} : vector<64x256xi32> to vector<1x256xi32>
    %eq3A_1816 = vector.broadcast %slice3A_1815 : vector<1x256xi32> to vector<1024x256xi32>
    %eq3A_1817 = vector.broadcast %iota3A : vector<1024x1xi32> to vector<1024x256xi32>
    %eq3A_1818 = arith.cmpi eq, %eq3A_1816, %eq3A_1817 : vector<1024x256xi32>
    %convert_element_type3A_1819 = arith.extui %eq3A_1818 : vector<1024x256xi1> to vector<1024x256xi32>
    %convert_element_type3A_1820 = arith.sitofp %convert_element_type3A_1819 : vector<1024x256xi32> to vector<1024x256xf32>
    %add3A_1821 = arith.addf %add3A_1814, %convert_element_type3A_1820 : vector<1024x256xf32>
    %slice3A_1822 = vector.extract_strided_slice %get3A_1693 {offsets = [18, 0], sizes = [1, 256], strides = [1, 1]} : vector<64x256xi32> to vector<1x256xi32>
    %eq3A_1823 = vector.broadcast %slice3A_1822 : vector<1x256xi32> to vector<1024x256xi32>
    %eq3A_1824 = vector.broadcast %iota3A : vector<1024x1xi32> to vector<1024x256xi32>
    %eq3A_1825 = arith.cmpi eq, %eq3A_1823, %eq3A_1824 : vector<1024x256xi32>
    %convert_element_type3A_1826 = arith.extui %eq3A_1825 : vector<1024x256xi1> to vector<1024x256xi32>
    %convert_element_type3A_1827 = arith.sitofp %convert_element_type3A_1826 : vector<1024x256xi32> to vector<1024x256xf32>
    %add3A_1828 = arith.addf %add3A_1821, %convert_element_type3A_1827 : vector<1024x256xf32>
    %slice3A_1829 = vector.extract_strided_slice %get3A_1693 {offsets = [19, 0], sizes = [1, 256], strides = [1, 1]} : vector<64x256xi32> to vector<1x256xi32>
    %eq3A_1830 = vector.broadcast %slice3A_1829 : vector<1x256xi32> to vector<1024x256xi32>
    %eq3A_1831 = vector.broadcast %iota3A : vector<1024x1xi32> to vector<1024x256xi32>
    %eq3A_1832 = arith.cmpi eq, %eq3A_1830, %eq3A_1831 : vector<1024x256xi32>
    %convert_element_type3A_1833 = arith.extui %eq3A_1832 : vector<1024x256xi1> to vector<1024x256xi32>
    %convert_element_type3A_1834 = arith.sitofp %convert_element_type3A_1833 : vector<1024x256xi32> to vector<1024x256xf32>
    %add3A_1835 = arith.addf %add3A_1828, %convert_element_type3A_1834 : vector<1024x256xf32>
    %slice3A_1836 = vector.extract_strided_slice %get3A_1693 {offsets = [20, 0], sizes = [1, 256], strides = [1, 1]} : vector<64x256xi32> to vector<1x256xi32>
    %eq3A_1837 = vector.broadcast %slice3A_1836 : vector<1x256xi32> to vector<1024x256xi32>
    %eq3A_1838 = vector.broadcast %iota3A : vector<1024x1xi32> to vector<1024x256xi32>
    %eq3A_1839 = arith.cmpi eq, %eq3A_1837, %eq3A_1838 : vector<1024x256xi32>
    %convert_element_type3A_1840 = arith.extui %eq3A_1839 : vector<1024x256xi1> to vector<1024x256xi32>
    %convert_element_type3A_1841 = arith.sitofp %convert_element_type3A_1840 : vector<1024x256xi32> to vector<1024x256xf32>
    %add3A_1842 = arith.addf %add3A_1835, %convert_element_type3A_1841 : vector<1024x256xf32>
    %slice3A_1843 = vector.extract_strided_slice %get3A_1693 {offsets = [21, 0], sizes = [1, 256], strides = [1, 1]} : vector<64x256xi32> to vector<1x256xi32>
    %eq3A_1844 = vector.broadcast %slice3A_1843 : vector<1x256xi32> to vector<1024x256xi32>
    %eq3A_1845 = vector.broadcast %iota3A : vector<1024x1xi32> to vector<1024x256xi32>
    %eq3A_1846 = arith.cmpi eq, %eq3A_1844, %eq3A_1845 : vector<1024x256xi32>
    %convert_element_type3A_1847 = arith.extui %eq3A_1846 : vector<1024x256xi1> to vector<1024x256xi32>
    %convert_element_type3A_1848 = arith.sitofp %convert_element_type3A_1847 : vector<1024x256xi32> to vector<1024x256xf32>
    %add3A_1849 = arith.addf %add3A_1842, %convert_element_type3A_1848 : vector<1024x256xf32>
    %slice3A_1850 = vector.extract_strided_slice %get3A_1693 {offsets = [22, 0], sizes = [1, 256], strides = [1, 1]} : vector<64x256xi32> to vector<1x256xi32>
    %eq3A_1851 = vector.broadcast %slice3A_1850 : vector<1x256xi32> to vector<1024x256xi32>
    %eq3A_1852 = vector.broadcast %iota3A : vector<1024x1xi32> to vector<1024x256xi32>
    %eq3A_1853 = arith.cmpi eq, %eq3A_1851, %eq3A_1852 : vector<1024x256xi32>
    %convert_element_type3A_1854 = arith.extui %eq3A_1853 : vector<1024x256xi1> to vector<1024x256xi32>
    %convert_element_type3A_1855 = arith.sitofp %convert_element_type3A_1854 : vector<1024x256xi32> to vector<1024x256xf32>
    %add3A_1856 = arith.addf %add3A_1849, %convert_element_type3A_1855 : vector<1024x256xf32>
    %slice3A_1857 = vector.extract_strided_slice %get3A_1693 {offsets = [23, 0], sizes = [1, 256], strides = [1, 1]} : vector<64x256xi32> to vector<1x256xi32>
    %eq3A_1858 = vector.broadcast %slice3A_1857 : vector<1x256xi32> to vector<1024x256xi32>
    %eq3A_1859 = vector.broadcast %iota3A : vector<1024x1xi32> to vector<1024x256xi32>
    %eq3A_1860 = arith.cmpi eq, %eq3A_1858, %eq3A_1859 : vector<1024x256xi32>
    %convert_element_type3A_1861 = arith.extui %eq3A_1860 : vector<1024x256xi1> to vector<1024x256xi32>
    %convert_element_type3A_1862 = arith.sitofp %convert_element_type3A_1861 : vector<1024x256xi32> to vector<1024x256xf32>
    %add3A_1863 = arith.addf %add3A_1856, %convert_element_type3A_1862 : vector<1024x256xf32>
    %slice3A_1864 = vector.extract_strided_slice %get3A_1693 {offsets = [24, 0], sizes = [1, 256], strides = [1, 1]} : vector<64x256xi32> to vector<1x256xi32>
    %eq3A_1865 = vector.broadcast %slice3A_1864 : vector<1x256xi32> to vector<1024x256xi32>
    %eq3A_1866 = vector.broadcast %iota3A : vector<1024x1xi32> to vector<1024x256xi32>
    %eq3A_1867 = arith.cmpi eq, %eq3A_1865, %eq3A_1866 : vector<1024x256xi32>
    %convert_element_type3A_1868 = arith.extui %eq3A_1867 : vector<1024x256xi1> to vector<1024x256xi32>
    %convert_element_type3A_1869 = arith.sitofp %convert_element_type3A_1868 : vector<1024x256xi32> to vector<1024x256xf32>
    %add3A_1870 = arith.addf %add3A_1863, %convert_element_type3A_1869 : vector<1024x256xf32>
    %slice3A_1871 = vector.extract_strided_slice %get3A_1693 {offsets = [25, 0], sizes = [1, 256], strides = [1, 1]} : vector<64x256xi32> to vector<1x256xi32>
    %eq3A_1872 = vector.broadcast %slice3A_1871 : vector<1x256xi32> to vector<1024x256xi32>
    %eq3A_1873 = vector.broadcast %iota3A : vector<1024x1xi32> to vector<1024x256xi32>
    %eq3A_1874 = arith.cmpi eq, %eq3A_1872, %eq3A_1873 : vector<1024x256xi32>
    %convert_element_type3A_1875 = arith.extui %eq3A_1874 : vector<1024x256xi1> to vector<1024x256xi32>
    %convert_element_type3A_1876 = arith.sitofp %convert_element_type3A_1875 : vector<1024x256xi32> to vector<1024x256xf32>
    %add3A_1877 = arith.addf %add3A_1870, %convert_element_type3A_1876 : vector<1024x256xf32>
    %slice3A_1878 = vector.extract_strided_slice %get3A_1693 {offsets = [26, 0], sizes = [1, 256], strides = [1, 1]} : vector<64x256xi32> to vector<1x256xi32>
    %eq3A_1879 = vector.broadcast %slice3A_1878 : vector<1x256xi32> to vector<1024x256xi32>
    %eq3A_1880 = vector.broadcast %iota3A : vector<1024x1xi32> to vector<1024x256xi32>
    %eq3A_1881 = arith.cmpi eq, %eq3A_1879, %eq3A_1880 : vector<1024x256xi32>
    %convert_element_type3A_1882 = arith.extui %eq3A_1881 : vector<1024x256xi1> to vector<1024x256xi32>
    %convert_element_type3A_1883 = arith.sitofp %convert_element_type3A_1882 : vector<1024x256xi32> to vector<1024x256xf32>
    %add3A_1884 = arith.addf %add3A_1877, %convert_element_type3A_1883 : vector<1024x256xf32>
    %slice3A_1885 = vector.extract_strided_slice %get3A_1693 {offsets = [27, 0], sizes = [1, 256], strides = [1, 1]} : vector<64x256xi32> to vector<1x256xi32>
    %eq3A_1886 = vector.broadcast %slice3A_1885 : vector<1x256xi32> to vector<1024x256xi32>
    %eq3A_1887 = vector.broadcast %iota3A : vector<1024x1xi32> to vector<1024x256xi32>
    %eq3A_1888 = arith.cmpi eq, %eq3A_1886, %eq3A_1887 : vector<1024x256xi32>
    %convert_element_type3A_1889 = arith.extui %eq3A_1888 : vector<1024x256xi1> to vector<1024x256xi32>
    %convert_element_type3A_1890 = arith.sitofp %convert_element_type3A_1889 : vector<1024x256xi32> to vector<1024x256xf32>
    %add3A_1891 = arith.addf %add3A_1884, %convert_element_type3A_1890 : vector<1024x256xf32>
    %slice3A_1892 = vector.extract_strided_slice %get3A_1693 {offsets = [28, 0], sizes = [1, 256], strides = [1, 1]} : vector<64x256xi32> to vector<1x256xi32>
    %eq3A_1893 = vector.broadcast %slice3A_1892 : vector<1x256xi32> to vector<1024x256xi32>
    %eq3A_1894 = vector.broadcast %iota3A : vector<1024x1xi32> to vector<1024x256xi32>
    %eq3A_1895 = arith.cmpi eq, %eq3A_1893, %eq3A_1894 : vector<1024x256xi32>
    %convert_element_type3A_1896 = arith.extui %eq3A_1895 : vector<1024x256xi1> to vector<1024x256xi32>
    %convert_element_type3A_1897 = arith.sitofp %convert_element_type3A_1896 : vector<1024x256xi32> to vector<1024x256xf32>
    %add3A_1898 = arith.addf %add3A_1891, %convert_element_type3A_1897 : vector<1024x256xf32>
    %slice3A_1899 = vector.extract_strided_slice %get3A_1693 {offsets = [29, 0], sizes = [1, 256], strides = [1, 1]} : vector<64x256xi32> to vector<1x256xi32>
    %eq3A_1900 = vector.broadcast %slice3A_1899 : vector<1x256xi32> to vector<1024x256xi32>
    %eq3A_1901 = vector.broadcast %iota3A : vector<1024x1xi32> to vector<1024x256xi32>
    %eq3A_1902 = arith.cmpi eq, %eq3A_1900, %eq3A_1901 : vector<1024x256xi32>
    %convert_element_type3A_1903 = arith.extui %eq3A_1902 : vector<1024x256xi1> to vector<1024x256xi32>
    %convert_element_type3A_1904 = arith.sitofp %convert_element_type3A_1903 : vector<1024x256xi32> to vector<1024x256xf32>
    %add3A_1905 = arith.addf %add3A_1898, %convert_element_type3A_1904 : vector<1024x256xf32>
    %slice3A_1906 = vector.extract_strided_slice %get3A_1693 {offsets = [30, 0], sizes = [1, 256], strides = [1, 1]} : vector<64x256xi32> to vector<1x256xi32>
    %eq3A_1907 = vector.broadcast %slice3A_1906 : vector<1x256xi32> to vector<1024x256xi32>
    %eq3A_1908 = vector.broadcast %iota3A : vector<1024x1xi32> to vector<1024x256xi32>
    %eq3A_1909 = arith.cmpi eq, %eq3A_1907, %eq3A_1908 : vector<1024x256xi32>
    %convert_element_type3A_1910 = arith.extui %eq3A_1909 : vector<1024x256xi1> to vector<1024x256xi32>
    %convert_element_type3A_1911 = arith.sitofp %convert_element_type3A_1910 : vector<1024x256xi32> to vector<1024x256xf32>
    %add3A_1912 = arith.addf %add3A_1905, %convert_element_type3A_1911 : vector<1024x256xf32>
    %slice3A_1913 = vector.extract_strided_slice %get3A_1693 {offsets = [31, 0], sizes = [1, 256], strides = [1, 1]} : vector<64x256xi32> to vector<1x256xi32>
    %eq3A_1914 = vector.broadcast %slice3A_1913 : vector<1x256xi32> to vector<1024x256xi32>
    %eq3A_1915 = vector.broadcast %iota3A : vector<1024x1xi32> to vector<1024x256xi32>
    %eq3A_1916 = arith.cmpi eq, %eq3A_1914, %eq3A_1915 : vector<1024x256xi32>
    %convert_element_type3A_1917 = arith.extui %eq3A_1916 : vector<1024x256xi1> to vector<1024x256xi32>
    %convert_element_type3A_1918 = arith.sitofp %convert_element_type3A_1917 : vector<1024x256xi32> to vector<1024x256xf32>
    %add3A_1919 = arith.addf %add3A_1912, %convert_element_type3A_1918 : vector<1024x256xf32>
    %slice3A_1920 = vector.extract_strided_slice %get3A_1693 {offsets = [32, 0], sizes = [1, 256], strides = [1, 1]} : vector<64x256xi32> to vector<1x256xi32>
    %eq3A_1921 = vector.broadcast %slice3A_1920 : vector<1x256xi32> to vector<1024x256xi32>
    %eq3A_1922 = vector.broadcast %iota3A : vector<1024x1xi32> to vector<1024x256xi32>
    %eq3A_1923 = arith.cmpi eq, %eq3A_1921, %eq3A_1922 : vector<1024x256xi32>
    %convert_element_type3A_1924 = arith.extui %eq3A_1923 : vector<1024x256xi1> to vector<1024x256xi32>
    %convert_element_type3A_1925 = arith.sitofp %convert_element_type3A_1924 : vector<1024x256xi32> to vector<1024x256xf32>
    %add3A_1926 = arith.addf %add3A_1919, %convert_element_type3A_1925 : vector<1024x256xf32>
    %slice3A_1927 = vector.extract_strided_slice %get3A_1693 {offsets = [33, 0], sizes = [1, 256], strides = [1, 1]} : vector<64x256xi32> to vector<1x256xi32>
    %eq3A_1928 = vector.broadcast %slice3A_1927 : vector<1x256xi32> to vector<1024x256xi32>
    %eq3A_1929 = vector.broadcast %iota3A : vector<1024x1xi32> to vector<1024x256xi32>
    %eq3A_1930 = arith.cmpi eq, %eq3A_1928, %eq3A_1929 : vector<1024x256xi32>
    %convert_element_type3A_1931 = arith.extui %eq3A_1930 : vector<1024x256xi1> to vector<1024x256xi32>
    %convert_element_type3A_1932 = arith.sitofp %convert_element_type3A_1931 : vector<1024x256xi32> to vector<1024x256xf32>
    %add3A_1933 = arith.addf %add3A_1926, %convert_element_type3A_1932 : vector<1024x256xf32>
    %slice3A_1934 = vector.extract_strided_slice %get3A_1693 {offsets = [34, 0], sizes = [1, 256], strides = [1, 1]} : vector<64x256xi32> to vector<1x256xi32>
    %eq3A_1935 = vector.broadcast %slice3A_1934 : vector<1x256xi32> to vector<1024x256xi32>
    %eq3A_1936 = vector.broadcast %iota3A : vector<1024x1xi32> to vector<1024x256xi32>
    %eq3A_1937 = arith.cmpi eq, %eq3A_1935, %eq3A_1936 : vector<1024x256xi32>
    %convert_element_type3A_1938 = arith.extui %eq3A_1937 : vector<1024x256xi1> to vector<1024x256xi32>
    %convert_element_type3A_1939 = arith.sitofp %convert_element_type3A_1938 : vector<1024x256xi32> to vector<1024x256xf32>
    %add3A_1940 = arith.addf %add3A_1933, %convert_element_type3A_1939 : vector<1024x256xf32>
    %slice3A_1941 = vector.extract_strided_slice %get3A_1693 {offsets = [35, 0], sizes = [1, 256], strides = [1, 1]} : vector<64x256xi32> to vector<1x256xi32>
    %eq3A_1942 = vector.broadcast %slice3A_1941 : vector<1x256xi32> to vector<1024x256xi32>
    %eq3A_1943 = vector.broadcast %iota3A : vector<1024x1xi32> to vector<1024x256xi32>
    %eq3A_1944 = arith.cmpi eq, %eq3A_1942, %eq3A_1943 : vector<1024x256xi32>
    %convert_element_type3A_1945 = arith.extui %eq3A_1944 : vector<1024x256xi1> to vector<1024x256xi32>
    %convert_element_type3A_1946 = arith.sitofp %convert_element_type3A_1945 : vector<1024x256xi32> to vector<1024x256xf32>
    %add3A_1947 = arith.addf %add3A_1940, %convert_element_type3A_1946 : vector<1024x256xf32>
    %slice3A_1948 = vector.extract_strided_slice %get3A_1693 {offsets = [36, 0], sizes = [1, 256], strides = [1, 1]} : vector<64x256xi32> to vector<1x256xi32>
    %eq3A_1949 = vector.broadcast %slice3A_1948 : vector<1x256xi32> to vector<1024x256xi32>
    %eq3A_1950 = vector.broadcast %iota3A : vector<1024x1xi32> to vector<1024x256xi32>
    %eq3A_1951 = arith.cmpi eq, %eq3A_1949, %eq3A_1950 : vector<1024x256xi32>
    %convert_element_type3A_1952 = arith.extui %eq3A_1951 : vector<1024x256xi1> to vector<1024x256xi32>
    %convert_element_type3A_1953 = arith.sitofp %convert_element_type3A_1952 : vector<1024x256xi32> to vector<1024x256xf32>
    %add3A_1954 = arith.addf %add3A_1947, %convert_element_type3A_1953 : vector<1024x256xf32>
    %slice3A_1955 = vector.extract_strided_slice %get3A_1693 {offsets = [37, 0], sizes = [1, 256], strides = [1, 1]} : vector<64x256xi32> to vector<1x256xi32>
    %eq3A_1956 = vector.broadcast %slice3A_1955 : vector<1x256xi32> to vector<1024x256xi32>
    %eq3A_1957 = vector.broadcast %iota3A : vector<1024x1xi32> to vector<1024x256xi32>
    %eq3A_1958 = arith.cmpi eq, %eq3A_1956, %eq3A_1957 : vector<1024x256xi32>
    %convert_element_type3A_1959 = arith.extui %eq3A_1958 : vector<1024x256xi1> to vector<1024x256xi32>
    %convert_element_type3A_1960 = arith.sitofp %convert_element_type3A_1959 : vector<1024x256xi32> to vector<1024x256xf32>
    %add3A_1961 = arith.addf %add3A_1954, %convert_element_type3A_1960 : vector<1024x256xf32>
    %slice3A_1962 = vector.extract_strided_slice %get3A_1693 {offsets = [38, 0], sizes = [1, 256], strides = [1, 1]} : vector<64x256xi32> to vector<1x256xi32>
    %eq3A_1963 = vector.broadcast %slice3A_1962 : vector<1x256xi32> to vector<1024x256xi32>
    %eq3A_1964 = vector.broadcast %iota3A : vector<1024x1xi32> to vector<1024x256xi32>
    %eq3A_1965 = arith.cmpi eq, %eq3A_1963, %eq3A_1964 : vector<1024x256xi32>
    %convert_element_type3A_1966 = arith.extui %eq3A_1965 : vector<1024x256xi1> to vector<1024x256xi32>
    %convert_element_type3A_1967 = arith.sitofp %convert_element_type3A_1966 : vector<1024x256xi32> to vector<1024x256xf32>
    %add3A_1968 = arith.addf %add3A_1961, %convert_element_type3A_1967 : vector<1024x256xf32>
    %slice3A_1969 = vector.extract_strided_slice %get3A_1693 {offsets = [39, 0], sizes = [1, 256], strides = [1, 1]} : vector<64x256xi32> to vector<1x256xi32>
    %eq3A_1970 = vector.broadcast %slice3A_1969 : vector<1x256xi32> to vector<1024x256xi32>
    %eq3A_1971 = vector.broadcast %iota3A : vector<1024x1xi32> to vector<1024x256xi32>
    %eq3A_1972 = arith.cmpi eq, %eq3A_1970, %eq3A_1971 : vector<1024x256xi32>
    %convert_element_type3A_1973 = arith.extui %eq3A_1972 : vector<1024x256xi1> to vector<1024x256xi32>
    %convert_element_type3A_1974 = arith.sitofp %convert_element_type3A_1973 : vector<1024x256xi32> to vector<1024x256xf32>
    %add3A_1975 = arith.addf %add3A_1968, %convert_element_type3A_1974 : vector<1024x256xf32>
    %slice3A_1976 = vector.extract_strided_slice %get3A_1693 {offsets = [40, 0], sizes = [1, 256], strides = [1, 1]} : vector<64x256xi32> to vector<1x256xi32>
    %eq3A_1977 = vector.broadcast %slice3A_1976 : vector<1x256xi32> to vector<1024x256xi32>
    %eq3A_1978 = vector.broadcast %iota3A : vector<1024x1xi32> to vector<1024x256xi32>
    %eq3A_1979 = arith.cmpi eq, %eq3A_1977, %eq3A_1978 : vector<1024x256xi32>
    %convert_element_type3A_1980 = arith.extui %eq3A_1979 : vector<1024x256xi1> to vector<1024x256xi32>
    %convert_element_type3A_1981 = arith.sitofp %convert_element_type3A_1980 : vector<1024x256xi32> to vector<1024x256xf32>
    %add3A_1982 = arith.addf %add3A_1975, %convert_element_type3A_1981 : vector<1024x256xf32>
    %slice3A_1983 = vector.extract_strided_slice %get3A_1693 {offsets = [41, 0], sizes = [1, 256], strides = [1, 1]} : vector<64x256xi32> to vector<1x256xi32>
    %eq3A_1984 = vector.broadcast %slice3A_1983 : vector<1x256xi32> to vector<1024x256xi32>
    %eq3A_1985 = vector.broadcast %iota3A : vector<1024x1xi32> to vector<1024x256xi32>
    %eq3A_1986 = arith.cmpi eq, %eq3A_1984, %eq3A_1985 : vector<1024x256xi32>
    %convert_element_type3A_1987 = arith.extui %eq3A_1986 : vector<1024x256xi1> to vector<1024x256xi32>
    %convert_element_type3A_1988 = arith.sitofp %convert_element_type3A_1987 : vector<1024x256xi32> to vector<1024x256xf32>
    %add3A_1989 = arith.addf %add3A_1982, %convert_element_type3A_1988 : vector<1024x256xf32>
    %slice3A_1990 = vector.extract_strided_slice %get3A_1693 {offsets = [42, 0], sizes = [1, 256], strides = [1, 1]} : vector<64x256xi32> to vector<1x256xi32>
    %eq3A_1991 = vector.broadcast %slice3A_1990 : vector<1x256xi32> to vector<1024x256xi32>
    %eq3A_1992 = vector.broadcast %iota3A : vector<1024x1xi32> to vector<1024x256xi32>
    %eq3A_1993 = arith.cmpi eq, %eq3A_1991, %eq3A_1992 : vector<1024x256xi32>
    %convert_element_type3A_1994 = arith.extui %eq3A_1993 : vector<1024x256xi1> to vector<1024x256xi32>
    %convert_element_type3A_1995 = arith.sitofp %convert_element_type3A_1994 : vector<1024x256xi32> to vector<1024x256xf32>
    %add3A_1996 = arith.addf %add3A_1989, %convert_element_type3A_1995 : vector<1024x256xf32>
    %slice3A_1997 = vector.extract_strided_slice %get3A_1693 {offsets = [43, 0], sizes = [1, 256], strides = [1, 1]} : vector<64x256xi32> to vector<1x256xi32>
    %eq3A_1998 = vector.broadcast %slice3A_1997 : vector<1x256xi32> to vector<1024x256xi32>
    %eq3A_1999 = vector.broadcast %iota3A : vector<1024x1xi32> to vector<1024x256xi32>
    %eq3A_2000 = arith.cmpi eq, %eq3A_1998, %eq3A_1999 : vector<1024x256xi32>
    %convert_element_type3A_2001 = arith.extui %eq3A_2000 : vector<1024x256xi1> to vector<1024x256xi32>
    %convert_element_type3A_2002 = arith.sitofp %convert_element_type3A_2001 : vector<1024x256xi32> to vector<1024x256xf32>
    %add3A_2003 = arith.addf %add3A_1996, %convert_element_type3A_2002 : vector<1024x256xf32>
    %slice3A_2004 = vector.extract_strided_slice %get3A_1693 {offsets = [44, 0], sizes = [1, 256], strides = [1, 1]} : vector<64x256xi32> to vector<1x256xi32>
    %eq3A_2005 = vector.broadcast %slice3A_2004 : vector<1x256xi32> to vector<1024x256xi32>
    %eq3A_2006 = vector.broadcast %iota3A : vector<1024x1xi32> to vector<1024x256xi32>
    %eq3A_2007 = arith.cmpi eq, %eq3A_2005, %eq3A_2006 : vector<1024x256xi32>
    %convert_element_type3A_2008 = arith.extui %eq3A_2007 : vector<1024x256xi1> to vector<1024x256xi32>
    %convert_element_type3A_2009 = arith.sitofp %convert_element_type3A_2008 : vector<1024x256xi32> to vector<1024x256xf32>
    %add3A_2010 = arith.addf %add3A_2003, %convert_element_type3A_2009 : vector<1024x256xf32>
    %slice3A_2011 = vector.extract_strided_slice %get3A_1693 {offsets = [45, 0], sizes = [1, 256], strides = [1, 1]} : vector<64x256xi32> to vector<1x256xi32>
    %eq3A_2012 = vector.broadcast %slice3A_2011 : vector<1x256xi32> to vector<1024x256xi32>
    %eq3A_2013 = vector.broadcast %iota3A : vector<1024x1xi32> to vector<1024x256xi32>
    %eq3A_2014 = arith.cmpi eq, %eq3A_2012, %eq3A_2013 : vector<1024x256xi32>
    %convert_element_type3A_2015 = arith.extui %eq3A_2014 : vector<1024x256xi1> to vector<1024x256xi32>
    %convert_element_type3A_2016 = arith.sitofp %convert_element_type3A_2015 : vector<1024x256xi32> to vector<1024x256xf32>
    %add3A_2017 = arith.addf %add3A_2010, %convert_element_type3A_2016 : vector<1024x256xf32>
    %slice3A_2018 = vector.extract_strided_slice %get3A_1693 {offsets = [46, 0], sizes = [1, 256], strides = [1, 1]} : vector<64x256xi32> to vector<1x256xi32>
    %eq3A_2019 = vector.broadcast %slice3A_2018 : vector<1x256xi32> to vector<1024x256xi32>
    %eq3A_2020 = vector.broadcast %iota3A : vector<1024x1xi32> to vector<1024x256xi32>
    %eq3A_2021 = arith.cmpi eq, %eq3A_2019, %eq3A_2020 : vector<1024x256xi32>
    %convert_element_type3A_2022 = arith.extui %eq3A_2021 : vector<1024x256xi1> to vector<1024x256xi32>
    %convert_element_type3A_2023 = arith.sitofp %convert_element_type3A_2022 : vector<1024x256xi32> to vector<1024x256xf32>
    %add3A_2024 = arith.addf %add3A_2017, %convert_element_type3A_2023 : vector<1024x256xf32>
    %slice3A_2025 = vector.extract_strided_slice %get3A_1693 {offsets = [47, 0], sizes = [1, 256], strides = [1, 1]} : vector<64x256xi32> to vector<1x256xi32>
    %eq3A_2026 = vector.broadcast %slice3A_2025 : vector<1x256xi32> to vector<1024x256xi32>
    %eq3A_2027 = vector.broadcast %iota3A : vector<1024x1xi32> to vector<1024x256xi32>
    %eq3A_2028 = arith.cmpi eq, %eq3A_2026, %eq3A_2027 : vector<1024x256xi32>
    %convert_element_type3A_2029 = arith.extui %eq3A_2028 : vector<1024x256xi1> to vector<1024x256xi32>
    %convert_element_type3A_2030 = arith.sitofp %convert_element_type3A_2029 : vector<1024x256xi32> to vector<1024x256xf32>
    %add3A_2031 = arith.addf %add3A_2024, %convert_element_type3A_2030 : vector<1024x256xf32>
    %slice3A_2032 = vector.extract_strided_slice %get3A_1693 {offsets = [48, 0], sizes = [1, 256], strides = [1, 1]} : vector<64x256xi32> to vector<1x256xi32>
    %eq3A_2033 = vector.broadcast %slice3A_2032 : vector<1x256xi32> to vector<1024x256xi32>
    %eq3A_2034 = vector.broadcast %iota3A : vector<1024x1xi32> to vector<1024x256xi32>
    %eq3A_2035 = arith.cmpi eq, %eq3A_2033, %eq3A_2034 : vector<1024x256xi32>
    %convert_element_type3A_2036 = arith.extui %eq3A_2035 : vector<1024x256xi1> to vector<1024x256xi32>
    %convert_element_type3A_2037 = arith.sitofp %convert_element_type3A_2036 : vector<1024x256xi32> to vector<1024x256xf32>
    %add3A_2038 = arith.addf %add3A_2031, %convert_element_type3A_2037 : vector<1024x256xf32>
    %slice3A_2039 = vector.extract_strided_slice %get3A_1693 {offsets = [49, 0], sizes = [1, 256], strides = [1, 1]} : vector<64x256xi32> to vector<1x256xi32>
    %eq3A_2040 = vector.broadcast %slice3A_2039 : vector<1x256xi32> to vector<1024x256xi32>
    %eq3A_2041 = vector.broadcast %iota3A : vector<1024x1xi32> to vector<1024x256xi32>
    %eq3A_2042 = arith.cmpi eq, %eq3A_2040, %eq3A_2041 : vector<1024x256xi32>
    %convert_element_type3A_2043 = arith.extui %eq3A_2042 : vector<1024x256xi1> to vector<1024x256xi32>
    %convert_element_type3A_2044 = arith.sitofp %convert_element_type3A_2043 : vector<1024x256xi32> to vector<1024x256xf32>
    %add3A_2045 = arith.addf %add3A_2038, %convert_element_type3A_2044 : vector<1024x256xf32>
    %slice3A_2046 = vector.extract_strided_slice %get3A_1693 {offsets = [50, 0], sizes = [1, 256], strides = [1, 1]} : vector<64x256xi32> to vector<1x256xi32>
    %eq3A_2047 = vector.broadcast %slice3A_2046 : vector<1x256xi32> to vector<1024x256xi32>
    %eq3A_2048 = vector.broadcast %iota3A : vector<1024x1xi32> to vector<1024x256xi32>
    %eq3A_2049 = arith.cmpi eq, %eq3A_2047, %eq3A_2048 : vector<1024x256xi32>
    %convert_element_type3A_2050 = arith.extui %eq3A_2049 : vector<1024x256xi1> to vector<1024x256xi32>
    %convert_element_type3A_2051 = arith.sitofp %convert_element_type3A_2050 : vector<1024x256xi32> to vector<1024x256xf32>
    %add3A_2052 = arith.addf %add3A_2045, %convert_element_type3A_2051 : vector<1024x256xf32>
    %slice3A_2053 = vector.extract_strided_slice %get3A_1693 {offsets = [51, 0], sizes = [1, 256], strides = [1, 1]} : vector<64x256xi32> to vector<1x256xi32>
    %eq3A_2054 = vector.broadcast %slice3A_2053 : vector<1x256xi32> to vector<1024x256xi32>
    %eq3A_2055 = vector.broadcast %iota3A : vector<1024x1xi32> to vector<1024x256xi32>
    %eq3A_2056 = arith.cmpi eq, %eq3A_2054, %eq3A_2055 : vector<1024x256xi32>
    %convert_element_type3A_2057 = arith.extui %eq3A_2056 : vector<1024x256xi1> to vector<1024x256xi32>
    %convert_element_type3A_2058 = arith.sitofp %convert_element_type3A_2057 : vector<1024x256xi32> to vector<1024x256xf32>
    %add3A_2059 = arith.addf %add3A_2052, %convert_element_type3A_2058 : vector<1024x256xf32>
    %slice3A_2060 = vector.extract_strided_slice %get3A_1693 {offsets = [52, 0], sizes = [1, 256], strides = [1, 1]} : vector<64x256xi32> to vector<1x256xi32>
    %eq3A_2061 = vector.broadcast %slice3A_2060 : vector<1x256xi32> to vector<1024x256xi32>
    %eq3A_2062 = vector.broadcast %iota3A : vector<1024x1xi32> to vector<1024x256xi32>
    %eq3A_2063 = arith.cmpi eq, %eq3A_2061, %eq3A_2062 : vector<1024x256xi32>
    %convert_element_type3A_2064 = arith.extui %eq3A_2063 : vector<1024x256xi1> to vector<1024x256xi32>
    %convert_element_type3A_2065 = arith.sitofp %convert_element_type3A_2064 : vector<1024x256xi32> to vector<1024x256xf32>
    %add3A_2066 = arith.addf %add3A_2059, %convert_element_type3A_2065 : vector<1024x256xf32>
    %slice3A_2067 = vector.extract_strided_slice %get3A_1693 {offsets = [53, 0], sizes = [1, 256], strides = [1, 1]} : vector<64x256xi32> to vector<1x256xi32>
    %eq3A_2068 = vector.broadcast %slice3A_2067 : vector<1x256xi32> to vector<1024x256xi32>
    %eq3A_2069 = vector.broadcast %iota3A : vector<1024x1xi32> to vector<1024x256xi32>
    %eq3A_2070 = arith.cmpi eq, %eq3A_2068, %eq3A_2069 : vector<1024x256xi32>
    %convert_element_type3A_2071 = arith.extui %eq3A_2070 : vector<1024x256xi1> to vector<1024x256xi32>
    %convert_element_type3A_2072 = arith.sitofp %convert_element_type3A_2071 : vector<1024x256xi32> to vector<1024x256xf32>
    %add3A_2073 = arith.addf %add3A_2066, %convert_element_type3A_2072 : vector<1024x256xf32>
    %slice3A_2074 = vector.extract_strided_slice %get3A_1693 {offsets = [54, 0], sizes = [1, 256], strides = [1, 1]} : vector<64x256xi32> to vector<1x256xi32>
    %eq3A_2075 = vector.broadcast %slice3A_2074 : vector<1x256xi32> to vector<1024x256xi32>
    %eq3A_2076 = vector.broadcast %iota3A : vector<1024x1xi32> to vector<1024x256xi32>
    %eq3A_2077 = arith.cmpi eq, %eq3A_2075, %eq3A_2076 : vector<1024x256xi32>
    %convert_element_type3A_2078 = arith.extui %eq3A_2077 : vector<1024x256xi1> to vector<1024x256xi32>
    %convert_element_type3A_2079 = arith.sitofp %convert_element_type3A_2078 : vector<1024x256xi32> to vector<1024x256xf32>
    %add3A_2080 = arith.addf %add3A_2073, %convert_element_type3A_2079 : vector<1024x256xf32>
    %slice3A_2081 = vector.extract_strided_slice %get3A_1693 {offsets = [55, 0], sizes = [1, 256], strides = [1, 1]} : vector<64x256xi32> to vector<1x256xi32>
    %eq3A_2082 = vector.broadcast %slice3A_2081 : vector<1x256xi32> to vector<1024x256xi32>
    %eq3A_2083 = vector.broadcast %iota3A : vector<1024x1xi32> to vector<1024x256xi32>
    %eq3A_2084 = arith.cmpi eq, %eq3A_2082, %eq3A_2083 : vector<1024x256xi32>
    %convert_element_type3A_2085 = arith.extui %eq3A_2084 : vector<1024x256xi1> to vector<1024x256xi32>
    %convert_element_type3A_2086 = arith.sitofp %convert_element_type3A_2085 : vector<1024x256xi32> to vector<1024x256xf32>
    %add3A_2087 = arith.addf %add3A_2080, %convert_element_type3A_2086 : vector<1024x256xf32>
    %slice3A_2088 = vector.extract_strided_slice %get3A_1693 {offsets = [56, 0], sizes = [1, 256], strides = [1, 1]} : vector<64x256xi32> to vector<1x256xi32>
    %eq3A_2089 = vector.broadcast %slice3A_2088 : vector<1x256xi32> to vector<1024x256xi32>
    %eq3A_2090 = vector.broadcast %iota3A : vector<1024x1xi32> to vector<1024x256xi32>
    %eq3A_2091 = arith.cmpi eq, %eq3A_2089, %eq3A_2090 : vector<1024x256xi32>
    %convert_element_type3A_2092 = arith.extui %eq3A_2091 : vector<1024x256xi1> to vector<1024x256xi32>
    %convert_element_type3A_2093 = arith.sitofp %convert_element_type3A_2092 : vector<1024x256xi32> to vector<1024x256xf32>
    %add3A_2094 = arith.addf %add3A_2087, %convert_element_type3A_2093 : vector<1024x256xf32>
    %slice3A_2095 = vector.extract_strided_slice %get3A_1693 {offsets = [57, 0], sizes = [1, 256], strides = [1, 1]} : vector<64x256xi32> to vector<1x256xi32>
    %eq3A_2096 = vector.broadcast %slice3A_2095 : vector<1x256xi32> to vector<1024x256xi32>
    %eq3A_2097 = vector.broadcast %iota3A : vector<1024x1xi32> to vector<1024x256xi32>
    %eq3A_2098 = arith.cmpi eq, %eq3A_2096, %eq3A_2097 : vector<1024x256xi32>
    %convert_element_type3A_2099 = arith.extui %eq3A_2098 : vector<1024x256xi1> to vector<1024x256xi32>
    %convert_element_type3A_2100 = arith.sitofp %convert_element_type3A_2099 : vector<1024x256xi32> to vector<1024x256xf32>
    %add3A_2101 = arith.addf %add3A_2094, %convert_element_type3A_2100 : vector<1024x256xf32>
    %slice3A_2102 = vector.extract_strided_slice %get3A_1693 {offsets = [58, 0], sizes = [1, 256], strides = [1, 1]} : vector<64x256xi32> to vector<1x256xi32>
    %eq3A_2103 = vector.broadcast %slice3A_2102 : vector<1x256xi32> to vector<1024x256xi32>
    %eq3A_2104 = vector.broadcast %iota3A : vector<1024x1xi32> to vector<1024x256xi32>
    %eq3A_2105 = arith.cmpi eq, %eq3A_2103, %eq3A_2104 : vector<1024x256xi32>
    %convert_element_type3A_2106 = arith.extui %eq3A_2105 : vector<1024x256xi1> to vector<1024x256xi32>
    %convert_element_type3A_2107 = arith.sitofp %convert_element_type3A_2106 : vector<1024x256xi32> to vector<1024x256xf32>
    %add3A_2108 = arith.addf %add3A_2101, %convert_element_type3A_2107 : vector<1024x256xf32>
    %slice3A_2109 = vector.extract_strided_slice %get3A_1693 {offsets = [59, 0], sizes = [1, 256], strides = [1, 1]} : vector<64x256xi32> to vector<1x256xi32>
    %eq3A_2110 = vector.broadcast %slice3A_2109 : vector<1x256xi32> to vector<1024x256xi32>
    %eq3A_2111 = vector.broadcast %iota3A : vector<1024x1xi32> to vector<1024x256xi32>
    %eq3A_2112 = arith.cmpi eq, %eq3A_2110, %eq3A_2111 : vector<1024x256xi32>
    %convert_element_type3A_2113 = arith.extui %eq3A_2112 : vector<1024x256xi1> to vector<1024x256xi32>
    %convert_element_type3A_2114 = arith.sitofp %convert_element_type3A_2113 : vector<1024x256xi32> to vector<1024x256xf32>
    %add3A_2115 = arith.addf %add3A_2108, %convert_element_type3A_2114 : vector<1024x256xf32>
    %slice3A_2116 = vector.extract_strided_slice %get3A_1693 {offsets = [60, 0], sizes = [1, 256], strides = [1, 1]} : vector<64x256xi32> to vector<1x256xi32>
    %eq3A_2117 = vector.broadcast %slice3A_2116 : vector<1x256xi32> to vector<1024x256xi32>
    %eq3A_2118 = vector.broadcast %iota3A : vector<1024x1xi32> to vector<1024x256xi32>
    %eq3A_2119 = arith.cmpi eq, %eq3A_2117, %eq3A_2118 : vector<1024x256xi32>
    %convert_element_type3A_2120 = arith.extui %eq3A_2119 : vector<1024x256xi1> to vector<1024x256xi32>
    %convert_element_type3A_2121 = arith.sitofp %convert_element_type3A_2120 : vector<1024x256xi32> to vector<1024x256xf32>
    %add3A_2122 = arith.addf %add3A_2115, %convert_element_type3A_2121 : vector<1024x256xf32>
    %slice3A_2123 = vector.extract_strided_slice %get3A_1693 {offsets = [61, 0], sizes = [1, 256], strides = [1, 1]} : vector<64x256xi32> to vector<1x256xi32>
    %eq3A_2124 = vector.broadcast %slice3A_2123 : vector<1x256xi32> to vector<1024x256xi32>
    %eq3A_2125 = vector.broadcast %iota3A : vector<1024x1xi32> to vector<1024x256xi32>
    %eq3A_2126 = arith.cmpi eq, %eq3A_2124, %eq3A_2125 : vector<1024x256xi32>
    %convert_element_type3A_2127 = arith.extui %eq3A_2126 : vector<1024x256xi1> to vector<1024x256xi32>
    %convert_element_type3A_2128 = arith.sitofp %convert_element_type3A_2127 : vector<1024x256xi32> to vector<1024x256xf32>
    %add3A_2129 = arith.addf %add3A_2122, %convert_element_type3A_2128 : vector<1024x256xf32>
    %slice3A_2130 = vector.extract_strided_slice %get3A_1693 {offsets = [62, 0], sizes = [1, 256], strides = [1, 1]} : vector<64x256xi32> to vector<1x256xi32>
    %eq3A_2131 = vector.broadcast %slice3A_2130 : vector<1x256xi32> to vector<1024x256xi32>
    %eq3A_2132 = vector.broadcast %iota3A : vector<1024x1xi32> to vector<1024x256xi32>
    %eq3A_2133 = arith.cmpi eq, %eq3A_2131, %eq3A_2132 : vector<1024x256xi32>
    %convert_element_type3A_2134 = arith.extui %eq3A_2133 : vector<1024x256xi1> to vector<1024x256xi32>
    %convert_element_type3A_2135 = arith.sitofp %convert_element_type3A_2134 : vector<1024x256xi32> to vector<1024x256xf32>
    %add3A_2136 = arith.addf %add3A_2129, %convert_element_type3A_2135 : vector<1024x256xf32>
    %slice3A_2137 = vector.extract_strided_slice %get3A_1693 {offsets = [63, 0], sizes = [1, 256], strides = [1, 1]} : vector<64x256xi32> to vector<1x256xi32>
    %eq3A_2138 = vector.broadcast %slice3A_2137 : vector<1x256xi32> to vector<1024x256xi32>
    %eq3A_2139 = vector.broadcast %iota3A : vector<1024x1xi32> to vector<1024x256xi32>
    %eq3A_2140 = arith.cmpi eq, %eq3A_2138, %eq3A_2139 : vector<1024x256xi32>
    %convert_element_type3A_2141 = arith.extui %eq3A_2140 : vector<1024x256xi1> to vector<1024x256xi32>
    %convert_element_type3A_2142 = arith.sitofp %convert_element_type3A_2141 : vector<1024x256xi32> to vector<1024x256xf32>
    %add3A_2143 = arith.addf %add3A_2136, %convert_element_type3A_2142 : vector<1024x256xf32>
    %reduce_max3A_2144 = arith.constant dense<0xFF800000> : vector<256xf32>
    %reduce_max3A_2145 = vector.multi_reduction <maximumf>, %add3A_1690, %reduce_max3A_2144 [0] : vector<1024x256xf32> to vector<256xf32>
    %broadcast_in_dim3A_2146 = vector.shape_cast %reduce_max3A_2145 : vector<256xf32> to vector<1x256xf32>
    %sub3A_2147 = vector.broadcast %broadcast_in_dim3A_2146 : vector<1x256xf32> to vector<1024x256xf32>
    %sub3A_2148 = arith.subf %add3A_1690, %sub3A_2147 : vector<1024x256xf32>
    %exp3A_2149 = math.exp %sub3A_2148 : vector<1024x256xf32>
    %mul3A_2150 = arith.mulf %add3A_2143, %exp3A_2149 : vector<1024x256xf32>
    %reduce_sum3A_2151 = arith.constant dense<0.000000e+00> : vector<256xf32>
    %reduce_sum3A_2152 = vector.multi_reduction <add>, %mul3A_2150, %reduce_sum3A_2151 [0] : vector<1024x256xf32> to vector<256xf32>
    %broadcast_in_dim3A_2153 = vector.shape_cast %reduce_sum3A_2152 : vector<256xf32> to vector<1x256xf32>
    %max3A_2154 = arith.constant 1.000000e-30 : f32
    %max3A_2155 = vector.broadcast %max3A_2154 : f32 to vector<1x256xf32>
    %max3A_2156 = arith.maximumf %broadcast_in_dim3A_2153, %max3A_2155 : vector<1x256xf32>
    %div3A_2157 = vector.broadcast %max3A_2156 : vector<1x256xf32> to vector<1024x256xf32>
    %div3A_2158 = arith.divf %mul3A_2150, %div3A_2157 : vector<1024x256xf32>
    %convert_element_type3A_2159 = arith.truncf %div3A_2158 : vector<1024x256xf32> to vector<1024x256xbf16>
    %dot_general3A_2160 = arith.constant dense<0.000000e+00> : vector<256x256xf32>
    %dot_general3A_2161 = tpu.matmul %convert_element_type3A_2159, %get3A_8, %dot_general3A_2160 {dimension_numbers = #tpu.dot_dimension_numbers<[0], [0], [1], [1], [0, 1, 1, 1], [], []>, transpose_lhs_hint = false} : vector<1024x256xbf16>, vector<1024x256xbf16>, vector<256x256xf32> -> vector<256x256xf32>
    %mul3A_2162 = arith.mulf %get3A_1164, %dot_general3A_1685 : vector<256x256xf32>
    %reduce_sum3A_2163 = arith.constant dense<0.000000e+00> : vector<256xf32>
    %reduce_sum3A_2164 = vector.multi_reduction <add>, %mul3A_2162, %reduce_sum3A_2163 [1] : vector<256x256xf32> to vector<256xf32>
    %broadcast_in_dim3A_2165 = vector.shape_cast %reduce_sum3A_2164 : vector<256xf32> to vector<256x1xf32>
    %neg3A_2166 = arith.constant 0.000000e+00 : f32
    %neg3A_2167 = vector.broadcast %neg3A_2166 : f32 to vector<256x1xf32>
    %neg3A_2168 = arith.subf %neg3A_2167, %broadcast_in_dim3A_2165 : vector<256x1xf32>
    %exp3A_2169 = math.exp %neg3A_2168 : vector<256x1xf32>
    %add3A_2170 = arith.constant 1.000000e+00 : f32
    %add3A_2171 = vector.broadcast %add3A_2170 : f32 to vector<256x1xf32>
    %add3A_2172 = arith.addf %add3A_2171, %exp3A_2169 : vector<256x1xf32>
    %div3A_2173 = arith.constant 1.000000e+00 : f32
    %div3A_2174 = vector.broadcast %div3A_2173 : f32 to vector<256x1xf32>
    %div3A_2175 = arith.divf %div3A_2174, %add3A_2172 : vector<256x1xf32>
    %mul3A_2176 = arith.mulf %get3A_1167, %dot_general3A_2161 : vector<256x256xf32>
    %reduce_sum3A_2177 = arith.constant dense<0.000000e+00> : vector<256xf32>
    %reduce_sum3A_2178 = vector.multi_reduction <add>, %mul3A_2176, %reduce_sum3A_2177 [1] : vector<256x256xf32> to vector<256xf32>
    %broadcast_in_dim3A_2179 = vector.shape_cast %reduce_sum3A_2178 : vector<256xf32> to vector<256x1xf32>
    %neg3A_2180 = arith.constant 0.000000e+00 : f32
    %neg3A_2181 = vector.broadcast %neg3A_2180 : f32 to vector<256x1xf32>
    %neg3A_2182 = arith.subf %neg3A_2181, %broadcast_in_dim3A_2179 : vector<256x1xf32>
    %exp3A_2183 = math.exp %neg3A_2182 : vector<256x1xf32>
    %add3A_2184 = arith.constant 1.000000e+00 : f32
    %add3A_2185 = vector.broadcast %add3A_2184 : f32 to vector<256x1xf32>
    %add3A_2186 = arith.addf %add3A_2185, %exp3A_2183 : vector<256x1xf32>
    %div3A_2187 = arith.constant 1.000000e+00 : f32
    %div3A_2188 = vector.broadcast %div3A_2187 : f32 to vector<256x1xf32>
    %div3A_2189 = arith.divf %div3A_2188, %add3A_2186 : vector<256x1xf32>
    %sub3A_2190 = arith.subf %get3A_1158, %get3A_1155 : vector<256x256xf32>
    %mul3A_2191 = arith.mulf %get3A_1161, %sub3A_2190 : vector<256x256xf32>
    %reduce_sum3A_2192 = arith.constant dense<0.000000e+00> : vector<256xf32>
    %reduce_sum3A_2193 = vector.multi_reduction <add>, %mul3A_2191, %reduce_sum3A_2192 [1] : vector<256x256xf32> to vector<256xf32>
    %broadcast_in_dim3A_2194 = vector.shape_cast %reduce_sum3A_2193 : vector<256xf32> to vector<256x1xf32>
    %neg3A_2195 = arith.constant 0.000000e+00 : f32
    %neg3A_2196 = vector.broadcast %neg3A_2195 : f32 to vector<256x1xf32>
    %neg3A_2197 = arith.subf %neg3A_2196, %broadcast_in_dim3A_2194 : vector<256x1xf32>
    %exp3A_2198 = math.exp %neg3A_2197 : vector<256x1xf32>
    %add3A_2199 = arith.constant 1.000000e+00 : f32
    %add3A_2200 = vector.broadcast %add3A_2199 : f32 to vector<256x1xf32>
    %add3A_2201 = arith.addf %add3A_2200, %exp3A_2198 : vector<256x1xf32>
    %div3A_2202 = arith.constant 1.000000e+00 : f32
    %div3A_2203 = vector.broadcast %div3A_2202 : f32 to vector<256x1xf32>
    %div3A_2204 = arith.divf %div3A_2203, %add3A_2201 : vector<256x1xf32>
    %mul3A_2205 = arith.mulf %get3A_1170, %get3A_1173 : vector<256x256xf32>
    %reduce_sum3A_2206 = arith.constant dense<0.000000e+00> : vector<256xf32>
    %reduce_sum3A_2207 = vector.multi_reduction <add>, %mul3A_2205, %reduce_sum3A_2206 [1] : vector<256x256xf32> to vector<256xf32>
    %broadcast_in_dim3A_2208 = vector.shape_cast %reduce_sum3A_2207 : vector<256xf32> to vector<256x1xf32>
    %neg3A_2209 = arith.constant 0.000000e+00 : f32
    %neg3A_2210 = vector.broadcast %neg3A_2209 : f32 to vector<256x1xf32>
    %neg3A_2211 = arith.subf %neg3A_2210, %broadcast_in_dim3A_2208 : vector<256x1xf32>
    %exp3A_2212 = math.exp %neg3A_2211 : vector<256x1xf32>
    %add3A_2213 = arith.constant 1.000000e+00 : f32
    %add3A_2214 = vector.broadcast %add3A_2213 : f32 to vector<256x1xf32>
    %add3A_2215 = arith.addf %add3A_2214, %exp3A_2212 : vector<256x1xf32>
    %div3A_2216 = arith.constant 1.000000e+00 : f32
    %div3A_2217 = vector.broadcast %div3A_2216 : f32 to vector<256x1xf32>
    %div3A_2218 = arith.divf %div3A_2217, %add3A_2215 : vector<256x1xf32>
    %mul3A_2219 = vector.broadcast %get3A_11 : vector<1x256xf32> to vector<256x256xf32>
    %mul3A_2220 = arith.mulf %get3A_1161, %mul3A_2219 : vector<256x256xf32>
    %sub3A_2221 = arith.subf %get3A_1170, %get3A_1173 : vector<256x256xf32>
    %abs3A_2222 = math.absf %sub3A_2221 : vector<256x256xf32>
    %mul3A_2223 = vector.broadcast %get3A_14 : vector<1x256xf32> to vector<256x256xf32>
    %mul3A_2224 = arith.mulf %abs3A_2222, %mul3A_2223 : vector<256x256xf32>
    %add3A_2225 = arith.addf %mul3A_2220, %mul3A_2224 : vector<256x256xf32>
    %reduce_sum3A_2226 = arith.constant dense<0.000000e+00> : vector<256xf32>
    %reduce_sum3A_2227 = vector.multi_reduction <add>, %add3A_2225, %reduce_sum3A_2226 [1] : vector<256x256xf32> to vector<256xf32>
    %broadcast_in_dim3A_2228 = vector.shape_cast %reduce_sum3A_2227 : vector<256xf32> to vector<256x1xf32>
    %neg3A_2229 = arith.constant 0.000000e+00 : f32
    %neg3A_2230 = vector.broadcast %neg3A_2229 : f32 to vector<256x1xf32>
    %neg3A_2231 = arith.subf %neg3A_2230, %broadcast_in_dim3A_2228 : vector<256x1xf32>
    %exp3A_2232 = math.exp %neg3A_2231 : vector<256x1xf32>
    %add3A_2233 = arith.constant 1.000000e+00 : f32
    %add3A_2234 = vector.broadcast %add3A_2233 : f32 to vector<256x1xf32>
    %add3A_2235 = arith.addf %add3A_2234, %exp3A_2232 : vector<256x1xf32>
    %div3A_2236 = arith.constant 1.000000e+00 : f32
    %div3A_2237 = vector.broadcast %div3A_2236 : f32 to vector<256x1xf32>
    %div3A_2238 = arith.divf %div3A_2237, %add3A_2235 : vector<256x1xf32>
    %mul3A_2239 = arith.mulf %div3A_2238, %div3A_2218 : vector<256x1xf32>
    %mul3A_2240 = arith.mulf %mul3A_2239, %convert_element_type3A_28 : vector<256x1xf32>
    %sub3A_2241 = arith.constant 1.000000e+00 : f32
    %sub3A_2242 = vector.broadcast %sub3A_2241 : f32 to vector<256x1xf32>
    %sub3A_2243 = arith.subf %sub3A_2242, %convert_element_type3A_28 : vector<256x1xf32>
    %add3A_2244 = arith.addf %mul3A_2240, %sub3A_2243 : vector<256x1xf32>
    %add3A_2245 = arith.addf %mul3A_1193, %mul3A_1203 : vector<256x256xf32>
    %sub3A_2246 = arith.subf %add3A_2245, %mul3A_1183 : vector<256x256xf32>
    %abs3A_2247 = math.absf %sub3A_2246 : vector<256x256xf32>
    %reduce_sum3A_2248 = arith.constant dense<0.000000e+00> : vector<256xf32>
    %reduce_sum3A_2249 = vector.multi_reduction <add>, %abs3A_2247, %reduce_sum3A_2248 [1] : vector<256x256xf32> to vector<256xf32>
    %broadcast_in_dim3A_2250 = vector.shape_cast %reduce_sum3A_2249 : vector<256xf32> to vector<256x1xf32>
    %neg3A_2251 = arith.constant 0.000000e+00 : f32
    %neg3A_2252 = vector.broadcast %neg3A_2251 : f32 to vector<256x1xf32>
    %neg3A_2253 = arith.subf %neg3A_2252, %broadcast_in_dim3A_2250 : vector<256x1xf32>
    %exp3A_2254 = math.exp %neg3A_2253 : vector<256x1xf32>
    %add3A_2255 = arith.constant 1.000000e+00 : f32
    %add3A_2256 = vector.broadcast %add3A_2255 : f32 to vector<256x1xf32>
    %add3A_2257 = arith.addf %add3A_2256, %exp3A_2254 : vector<256x1xf32>
    %div3A_2258 = arith.constant 1.000000e+00 : f32
    %div3A_2259 = vector.broadcast %div3A_2258 : f32 to vector<256x1xf32>
    %div3A_2260 = arith.divf %div3A_2259, %add3A_2257 : vector<256x1xf32>
    %mul3A_2261 = vector.broadcast %get3A_17 : vector<1x256xf32> to vector<256x256xf32>
    %mul3A_2262 = arith.mulf %get3A_1161, %mul3A_2261 : vector<256x256xf32>
    %reduce_sum3A_2263 = arith.constant dense<0.000000e+00> : vector<256xf32>
    %reduce_sum3A_2264 = vector.multi_reduction <add>, %mul3A_2262, %reduce_sum3A_2263 [1] : vector<256x256xf32> to vector<256xf32>
    %broadcast_in_dim3A_2265 = vector.shape_cast %reduce_sum3A_2264 : vector<256xf32> to vector<256x1xf32>
    %neg3A_2266 = arith.constant 0.000000e+00 : f32
    %neg3A_2267 = vector.broadcast %neg3A_2266 : f32 to vector<256x1xf32>
    %neg3A_2268 = arith.subf %neg3A_2267, %broadcast_in_dim3A_2265 : vector<256x1xf32>
    %exp3A_2269 = math.exp %neg3A_2268 : vector<256x1xf32>
    %add3A_2270 = arith.constant 1.000000e+00 : f32
    %add3A_2271 = vector.broadcast %add3A_2270 : f32 to vector<256x1xf32>
    %add3A_2272 = arith.addf %add3A_2271, %exp3A_2269 : vector<256x1xf32>
    %div3A_2273 = arith.constant 1.000000e+00 : f32
    %div3A_2274 = vector.broadcast %div3A_2273 : f32 to vector<256x1xf32>
    %div3A_2275 = arith.divf %div3A_2274, %add3A_2272 : vector<256x1xf32>
    %mul3A_2276 = arith.mulf %div3A_2275, %div3A_2260 : vector<256x1xf32>
    %mul3A_2277 = arith.mulf %mul3A_2276, %div3A_2218 : vector<256x1xf32>
    %add3A_2278 = arith.addf %div3A_2175, %div3A_2189 : vector<256x1xf32>
    %add3A_2279 = arith.addf %add3A_2278, %div3A_2204 : vector<256x1xf32>
    %add3A_2280 = arith.addf %add3A_2279, %add3A_2244 : vector<256x1xf32>
    %add3A_2281 = arith.addf %add3A_2280, %mul3A_2277 : vector<256x1xf32>
    %sub3A_2282 = arith.constant 5.000000e+00 : f32
    %sub3A_2283 = vector.broadcast %sub3A_2282 : f32 to vector<256x1xf32>
    %sub3A_2284 = arith.subf %sub3A_2283, %add3A_2281 : vector<256x1xf32>
    %mul3A_2285 = arith.constant 5.000000e-01 : f32
    %mul3A_2286 = vector.broadcast %mul3A_2285 : f32 to vector<256x1xf32>
    %mul3A_2287 = arith.mulf %sub3A_2284, %mul3A_2286 : vector<256x1xf32>
    %add3A_2288 = arith.addf %broadcast_in_dim3A_1209, %mul3A_2287 : vector<256x1xf32>
    %sub3A_2289 = arith.subf %add3A_1152, %add3A_2288 : vector<256x1xf32>
    %add3A_2290 = arith.constant 1.000000e+00 : f32
    %add3A_2291 = vector.broadcast %add3A_2290 : f32 to vector<256x1xf32>
    %add3A_2292 = arith.addf %sub3A_2289, %add3A_2291 : vector<256x1xf32>
    %max3A_2293 = arith.constant 0.000000e+00 : f32
    %max3A_2294 = vector.broadcast %max3A_2293 : f32 to vector<256x1xf32>
    %max3A_2295 = arith.maximumf %add3A_2292, %max3A_2294 : vector<256x1xf32>
    %reduce_sum3A_2296 = vector.shape_cast %max3A_2295 : vector<256x1xf32> to vector<1x256x1xf32>
    %reduce_sum3A_2297 = arith.constant dense<0.000000e+00> : vector<1xf32>
    %reduce_sum3A_2298 = vector.multi_reduction <add>, %reduce_sum3A_2296, %reduce_sum3A_2297 [1, 2] : vector<1x256x1xf32> to vector<1xf32>
    %reduce_sum3A_2299 = vector.shape_cast %reduce_sum3A_2298 : vector<1xf32> to vector<1x1x1xf32>
    %reduce_sum3A_2300 = vector.extract %reduce_sum3A_2299[0, 0, 0] : f32 from vector<1x1x1xf32>
    %mul3A_2301 = arith.constant 4.8828125E-4 : f32
    %mul3A_2302 = arith.mulf %reduce_sum3A_2300, %mul3A_2301 : f32
    %eq3A_2303 = arith.constant 0 : i32
    %eq3A_2304 = arith.cmpi eq, %arg0, %eq3A_2303 : i32
    %convert_element_type3A_2305 = arith.extui %eq3A_2304 : i1 to i32
    %cond3A = arith.constant 0 : i32
    %cond3A_2306 = arith.cmpi ne, %convert_element_type3A_2305, %cond3A : i32
    scf.if %cond3A_2306 {
      %broadcast_in_dim3A_2314 = arith.constant 0.000000e+00 : f32
      %broadcast_in_dim3A_2315 = vector.broadcast %broadcast_in_dim3A_2314 : f32 to vector<1x128xf32>
      %swap3A_2316 = arith.constant 0 : index
      %swap3A_2317 = arith.constant 0 : index
      %swap3A_2318 = vector.load %arg23[%swap3A_2316, %swap3A_2317] : memref<1x128xf32, #tpu.memory_space<vmem>>, vector<1x128xf32>
      tpu.vector_store %arg23[%swap3A_2316, %swap3A_2317], %broadcast_in_dim3A_2315 {strides = array<i32>} : memref<1x128xf32, #tpu.memory_space<vmem>>, vector<1x128xf32>,
    } else {
    }
    %get3A_2307 = arith.constant 0 : index
    %get3A_2308 = arith.constant 0 : index
    %get3A_2309 = vector.load %arg23[%get3A_2307, %get3A_2308] : memref<1x128xf32, #tpu.memory_space<vmem>>, vector<1x128xf32>
    %broadcast_in_dim3A_2310 = vector.broadcast %mul3A_2302 : f32 to vector<1x128xf32>
    %add3A_2311 = arith.addf %get3A_2309, %broadcast_in_dim3A_2310 : vector<1x128xf32>
    %swap3A = arith.constant 0 : index
    %swap3A_2312 = arith.constant 0 : index
    %swap3A_2313 = vector.load %arg23[%swap3A, %swap3A_2312] : memref<1x128xf32, #tpu.memory_space<vmem>>, vector<1x128xf32>
    tpu.vector_store %arg23[%swap3A, %swap3A_2312], %add3A_2311 {strides = array<i32>} : memref<1x128xf32, #tpu.memory_space<vmem>>, vector<1x128xf32>,
    return
  }
  func.func @transform_0(%arg0: i32) -> (i32, i32) {
    %c0_i32 = arith.constant 0 : i32
    %c0_i32_0 = arith.constant 0 : i32
    return %arg0, %c0_i32 : i32, i32
  }
  func.func @transform_1(%arg0: i32) -> (i32, i32) {
    %c0_i32 = arith.constant 0 : i32
    %c0_i32_0 = arith.constant 0 : i32
    return %arg0, %c0_i32 : i32, i32
  }
  func.func @transform_2(%arg0: i32) -> (i32, i32) {
    %c0_i32 = arith.constant 0 : i32
    %c0_i32_0 = arith.constant 0 : i32
    return %arg0, %c0_i32 : i32, i32
  }
  func.func @transform_3(%arg0: i32) -> (i32, i32) {
    %c0_i32 = arith.constant 0 : i32
    %c0_i32_0 = arith.constant 0 : i32
    return %arg0, %c0_i32 : i32, i32
  }
  func.func @transform_4(%arg0: i32) -> (i32, i32) {
    %c0_i32 = arith.constant 0 : i32
    %c0_i32_0 = arith.constant 0 : i32
    return %arg0, %c0_i32 : i32, i32
  }
  func.func @transform_5(%arg0: i32) -> (i32, i32) {
    %c0_i32 = arith.constant 0 : i32
    %c0_i32_0 = arith.constant 0 : i32
    return %arg0, %c0_i32 : i32, i32
  }
  func.func @transform_6(%arg0: i32) -> (i32, i32) {
    %c0_i32 = arith.constant 0 : i32
    %c0_i32_0 = arith.constant 0 : i32
    return %arg0, %c0_i32 : i32, i32
  }
  func.func @transform_7(%arg0: i32) -> (i32, i32) {
    %c0_i32 = arith.constant 0 : i32
    %c0_i32_0 = arith.constant 0 : i32
    return %arg0, %c0_i32 : i32, i32
  }
  func.func @transform_8(%arg0: i32) -> (i32, i32) {
    %c0_i32 = arith.constant 0 : i32
    %c0_i32_0 = arith.constant 0 : i32
    return %arg0, %c0_i32 : i32, i32
  }
  func.func @transform_9(%arg0: i32) -> (i32, i32) {
    %c0_i32 = arith.constant 0 : i32
    %c0_i32_0 = arith.constant 0 : i32
    return %arg0, %c0_i32 : i32, i32
  }
  func.func @transform_10(%arg0: i32) -> (i32, i32) {
    %c0_i32 = arith.constant 0 : i32
    %c0_i32_0 = arith.constant 0 : i32
    return %arg0, %c0_i32 : i32, i32
  }
  func.func @transform_11(%arg0: i32) -> (i32, i32) {
    %c0_i32 = arith.constant 0 : i32
    %c0_i32_0 = arith.constant 0 : i32
    return %arg0, %c0_i32 : i32, i32
  }
  func.func @transform_12(%arg0: i32) -> (i32, i32) {
    %c0_i32 = arith.constant 0 : i32
    %c0_i32_0 = arith.constant 0 : i32
    return %arg0, %c0_i32 : i32, i32
  }
  func.func @transform_13(%arg0: i32) -> (i32, i32) {
    %c0_i32 = arith.constant 0 : i32
    %c0_i32_0 = arith.constant 0 : i32
    return %arg0, %c0_i32 : i32, i32
  }
  func.func @transform_14(%arg0: i32) -> (i32, i32) {
    %c0_i32 = arith.constant 0 : i32
    %c0_i32_0 = arith.constant 0 : i32
    return %c0_i32, %arg0 : i32, i32
  }
  func.func @transform_15(%arg0: i32) -> (i32, i32) {
    %c0_i32 = arith.constant 0 : i32
    %c0_i32_0 = arith.constant 0 : i32
    return %c0_i32, %arg0 : i32, i32
  }
  func.func @transform_16(%arg0: i32) -> (i32, i32) {
    %c0_i32 = arith.constant 0 : i32
    %c0_i32_0 = arith.constant 0 : i32
    return %c0_i32, %arg0 : i32, i32
  }
  func.func @transform_17(%arg0: i32) -> (i32, i32) {
    %c0_i32 = arith.constant 0 : i32
    %c0_i32_0 = arith.constant 0 : i32
    return %c0_i32, %arg0 : i32, i32
  }
  func.func @transform_18(%arg0: i32) -> (i32, i32) {
    %c0_i32 = arith.constant 0 : i32
    %c0_i32_0 = arith.constant 0 : i32
    return %arg0, %c0_i32 : i32, i32
  }
  func.func @transform_19(%arg0: i32) -> (i32, i32) {
    %c0_i32 = arith.constant 0 : i32
    %c0_i32_0 = arith.constant 0 : i32
    %c0_i32_1 = arith.constant 0 : i32
    return %c0_i32, %c0_i32_0 : i32, i32
  }
  func.func @transform_20(%arg0: i32) -> (i32, i32) {
    %c0_i32 = arith.constant 0 : i32
    %c0_i32_0 = arith.constant 0 : i32
    %c0_i32_1 = arith.constant 0 : i32
    return %c0_i32, %c0_i32_0 : i32, i32
  }
  func.func @transform_21(%arg0: i32) -> (i32, i32) {
    %c0_i32 = arith.constant 0 : i32
    %c0_i32_0 = arith.constant 0 : i32
    %c0_i32_1 = arith.constant 0 : i32
    return %c0_i32, %c0_i32_0 : i32, i32
  }
  func.func @transform_22(%arg0: i32) -> (i32, i32) {
    %c0_i32 = arith.constant 0 : i32
    %c0_i32_0 = arith.constant 0 : i32
    %c0_i32_1 = arith.constant 0 : i32
    return %c0_i32, %c0_i32_0 : i32, i32
  }
}

</mosaic_0001>

<sc_bundles>
// kernel: kernel.4.cloned.1.call-start
scs
__scs_entry_jumppad:
0x0: {  	(pc) =	sbr.rel $0x88, $3  }
0x1: {  	(tag) =	ssettag $0x0;
	lr =	simm.s32 $0x1  }
0x2: {  	[smem:$0x3F90] =	sst lr;
	_ =	strace $0xD0000000  }
0x3: {  	_ = 	snop  }
0x4: {  	_ = 	snop  }
0x5: {  	_ = 	snop  }
0x6: {  	_ = 	snop  }
0x7: {  	_ = 	snop  }
__scs_overlays_trampoline_lowered:
0x8: {  	[smem:$0x3F9F] =	sst s0  }
0x9: {  	[smem:$0x3FA0] =	sst s1  }
0xa: {  	[smem:$0x3FA1] =	sst s2  }
0xb: {  	[smem:$0x3FA2] =	sst s3  }
0xc: {  	[smem:$0x3FA3] =	sst s4  }
0xd: {  	[smem:$0x3FA4] =	sst s5  }
0xe: {  	[smem:$0x3FA5] =	sst s6  }
0xf: {  	[smem:$0x3FA6] =	sst s7  }
0x10: {  	[smem:$0x3FA7] =	sst s8  }
0x11: {  	[smem:$0x3FA8] =	sst s9;
	s0 =	simm.s32 @!p0 $0x0  }
0x12: {  	s1 =	sld [smem:$0x3F8E];
	s0 =	simm.s32 @p0 $0x1  }
0x13: {  	[smem:$0x3FA9] =	sst s0;
	s0 =	simm.s32 @!p1 $0x0  }
0x14: {  	s2 =	sld [smem:$0x3F8D];
	s0 =	simm.s32 @p1 $0x1  }
0x15: {  	[smem:$0x3FAA] =	sst s0;
	s0 =	simm.s32 @!p2 $0x0  }
0x16: {  	s3 =	sld [smem:$0x3FDB];
	s0 =	simm.s32 @p2 $0x1  }
0x17: {  	s4 =	simm.s32 $0x1BF5;
	[smem:$0x3FAC] =	sst s0  }
0x18: {  	s0 =	sld [smem:$0x3F8F];
	_ =	swait.ge [sflag:s4], $0x0  }
0x19: {  	s7 =	sld [smem:$0x3F90]  }
0x1a: {  	s8 =	sadd.s32 $0xFFFFE003, lr  }
0x1b: {  	s9 =	sadd.s32 $0xFFFFFEF7, lr;
	s5 =	simm.s32 $0xFFFFFFFF;
	p2 =	slt.u32 s8, $0xFFFFF086  }
0x1c: {  	p1 =	slt.u32 s9, $0xF7A;
	s5 =	simm.s32 @!p2 $0x0  }
0x1d: {  	s5 =	simm.s32 @p1 $0x1;
	p0 =	seq.s32 s7, s2  }
0x1e: {  	s7 =	smul.u32 @!p0 $0xF7A, s2;
	p2 =	seq.s32 @!p0 s5, $0x0  }
0x1f: {  	s9 =	smul.u32 $0xF7A, s1;
	s8 =	simm.s32 @!p0 $0x1BF5;
	p2 =	por !p2, p0  }
0x20: {  	[sflag:s8] =	ssyncset.s32 @!p0 $0xFFFFF086;
	s6 =	sadd.s32 @!p0 s3, s7;
	s7 =	simm.s32 @!p0 $0x108  }
0x21: {  	s3 =	sadd.s32 s3, s9;
	s6 =	sadd.s32 @!p0 $0x88, s6;
	s7 =	simm.s32 @p2 $0x1082  }
0x22: {  	[simem:s7], [sflag:s8] =	dma.local @!p0 [hbm:s6], $0xF7A  }
0x23: {  	s9 =	sor.u32 $0xD0000000, s2;
	s6 =	simm.s32 $0x108;
	_ =	swait.ge @!p0 [sflag:s8], $0x0  }
0x24: {  	s3 =	sadd.s32 $0x88, s3;
	s6 =	simm.s32 @!p1 $0x1082;
	[sflag:s4] =	ssyncset.s32 $0xFFFFF086  }
0x25: {  	[simem:s6], [sflag:s4] =	dma.local [hbm:s3], $0xF7A  }
0x26: {  	[smem:$0x3F90] =	sst s1;
	(tag) =	ssettag s2;
	_ =	strace s9  }
0x27: {  	s1 =	sld [smem:$0x3FA0]  }
0x28: {  	s2 =	sld [smem:$0x3FA1]  }
0x29: {  	s4 =	sld [smem:$0x3FA3]  }
0x2a: {  	p0 =	seq.s32 s5, $0x0;
	s5 =	sld [smem:$0x3FA4]  }
0x2b: {  	s6 =	sld [smem:$0x3FA5]  }
0x2c: {  	s7 =	sld [smem:$0x3FA6]  }
0x2d: {  	s3 =	simm.s32 $0x108;
	s8 =	sld [smem:$0x3FA7]  }
0x2e: {  	s3 =	simm.s32 @!p0 $0x1082;
	s9 =	sld [smem:$0x3FA8]  }
0x2f: {  	lr =	sadd.s32 s0, s3;
	s0 =	sld [smem:$0x3F9F]  }
0x30: {  	s3 =	sld [smem:$0x3FA2]  }
0x31: {  	[smem:$0x3FAB] =	sst s10  }
0x32: {  	s10 =	sld [smem:$0x3FA9];
	_ =	sdelay $0x3  }
0x33: {  	p0 =	seq.s32 s10, $0x1;
	s10 =	sld [smem:$0x3FAB];
	_ =	sdelay $0x3  }
0x34: {  	[smem:$0x3FAB] =	sst s10  }
0x35: {  	s10 =	sld [smem:$0x3FAA];
	_ =	sdelay $0x3  }
0x36: {  	p1 =	seq.s32 s10, $0x1;
	s10 =	sld [smem:$0x3FAB];
	_ =	sdelay $0x3  }
0x37: {  	[smem:$0x3FAB] =	sst s10  }
0x38: {  	s10 =	sld [smem:$0x3FAC]  }
0x39: {  	_ = 	snop;
	(pc) =	sbr.ind lr, $3  }
0x3a: {  	_ = 	snop  }
0x3b: {  	_ = 	snop  }
0x3c: {  	p2 =	seq.s32 s10, $0x1;
	s10 =	sld [smem:$0x3FAB]  }
0x3d: {  	_ =	shalt  }
0x3e: {  	_ =	shalt  }
0x3f: {  	_ =	shalt  }
0x40: {  	_ =	shalt  }
0x41: {  	_ =	shalt  }
0x42: {  	_ =	shalt  }
0x43: {  	_ =	shalt  }
0x44: {  	_ =	shalt  }
0x45: {  	_ =	shalt  }
0x46: {  	_ =	shalt  }
0x47: {  	_ =	shalt  }
0x48: {  	_ =	shalt  }
0x49: {  	_ =	shalt  }
0x4a: {  	_ =	shalt  }
0x4b: {  	_ =	shalt  }
0x4c: {  	_ =	shalt  }
0x4d: {  	_ =	shalt  }
0x4e: {  	_ =	shalt  }
0x4f: {  	_ =	shalt  }
0x50: {  	_ =	shalt  }
0x51: {  	_ =	shalt  }
0x52: {  	_ =	shalt  }
0x53: {  	_ =	shalt  }
0x54: {  	_ =	shalt  }
0x55: {  	_ =	shalt  }
0x56: {  	_ =	shalt  }
0x57: {  	_ =	shalt  }
0x58: {  	_ =	shalt  }
0x59: {  	_ =	shalt  }
0x5a: {  	_ =	shalt  }
0x5b: {  	_ =	shalt  }
0x5c: {  	_ =	shalt  }
0x5d: {  	_ =	shalt  }
0x5e: {  	_ =	shalt  }
0x5f: {  	_ =	shalt  }
0x60: {  	_ =	shalt  }
0x61: {  	_ =	shalt  }
0x62: {  	_ =	shalt  }
0x63: {  	_ =	shalt  }
0x64: {  	_ =	shalt  }
0x65: {  	_ =	shalt  }
0x66: {  	_ =	shalt  }
0x67: {  	_ =	shalt  }
0x68: {  	_ =	shalt  }
0x69: {  	_ =	shalt  }
0x6a: {  	_ =	shalt  }
0x6b: {  	_ =	shalt  }
0x6c: {  	_ =	shalt  }
0x6d: {  	_ =	shalt  }
0x6e: {  	_ =	shalt  }
0x6f: {  	_ =	shalt  }
0x70: {  	_ =	shalt  }
0x71: {  	_ =	shalt  }
0x72: {  	_ =	shalt  }
0x73: {  	_ =	shalt  }
0x74: {  	_ =	shalt  }
0x75: {  	_ =	shalt  }
0x76: {  	_ =	shalt  }
0x77: {  	_ =	shalt  }
0x78: {  	_ =	shalt  }
0x79: {  	_ =	shalt  }
0x7a: {  	_ =	shalt  }
0x7b: {  	_ =	shalt  }
0x7c: {  	_ =	shalt  }
0x7d: {  	_ =	shalt  }
0x7e: {  	_ =	shalt  }
0x7f: {  	_ =	shalt  }
0x80: {  	_ =	shalt  }
0x81: {  	_ =	shalt  }
0x82: {  	_ =	shalt  }
0x83: {  	_ =	shalt  }
0x84: {  	_ =	shalt  }
0x85: {  	_ =	shalt  }
0x86: {  	_ =	shalt  }
0x87: {  	_ =	shalt  }
.Lfunc_end0:
.L_simem_size_0:
called_computation_lowered:
.L_overlay_start_0:
0x88: {  	s2 =	sld [smem:$0x3FD9]  }
0x89: {  	s3 =	sld [smem:$0x3FFE];
	_ =	sdelay $0x1  }
0x8a: {  	s1 =	srdreg.scid  }
0x8b: {  	s0 =	sand.u32 $0x1, s1  }
0x8c: {  	s17 =	sshll.u32 s0, $0xA;
	s2 =	sadd.s32 s3, s2  }
0x8d: {  	s2 =	sadd.s32 s2, s17  }
0x8e: {  	[smem:$0x3FB7] =	sst s2  }
0x8f: {  	_ = 	snop  }
0x90: {  	s2 =	sld [smem:$0x3FBF]  }
0x91: {  	s18 =	sld [smem:$0x3FBE]  }
0x92: {  	s4 =	sld [smem:$0x3FBD]  }
0x93: {  	s5 =	sld [smem:$0x3FBC]  }
0x94: {  	s6 =	sld [smem:$0x3FBB];
	(tm) =	ssettm $0x1  }
0x95: {  	s7 =	sld [smem:$0x3FFB];
	_ =	sdelay $0x3  }
0x96: {  	_ =	strace s7  }
0x97: {  	s7 =	sld [smem:$0x3FFC];
	_ =	sdelay $0x3  }
0x98: {  	_ =	strace s7  }
0x99: {  	s7 =	sld [smem:$0x3FFD];
	_ =	sdelay $0x3  }
0x9a: {  	_ =	strace s7  }
0x9b: {  	_ =	strace $0x8FFFFFFF  }
0x9c: {  	s19 =	sld [smem:$0x3FDB];
	_ =	sdelay $0x1  }
0x9d: {  	s8 =	simm.s32 $_scs_section_size  }
0x9e: {  	s9 =	simm.s32 $_size__tile_overlayer_lowered;
	s10 =	simm.s32 $_tile_overlayer_lowered  }
0x9f: {  	s22 =	simm.s32 $0x1BFF;
	s21 =	sshll.u32 s10, $0x1;
	s7 =	sadd.s32 s8, s19  }
0xa0: {  	s11 =	simm.s32 $0x0;
	s20 =	sshll.u32 s9, $0x1;
	s9 =	sadd.s32 s21, s7  }
0xa1: {  	[timem:s11], [sflag:s22] =	dma.local [hbm:s9], s20  }
0xa2: {  	_ =	swait.ge [sflag:s22], s20  }
0xa3: {  	s8 =	ssub.s32 $0x0, s20;
	[sflag:s22] =	ssyncset.done $0x0  }
0xa4: {  	[sflag:s22] =	ssyncadd.s32 s8;
	_ =	sdelay $0x1  }
0xa5: {  	s23 =	simm.s32 $0x1B8B  }
0xa6: {  	_ =	swait.ge [sflag:s23], $0x1  }
0xa7: {  	[sflag:s23] =	ssyncset.done $0x0  }
0xa8: {  	s25 =	simm.s32 $0x1B8E;
	s24 =	sld [smem:$0x3FFE];
	[sflag:s23] =	ssyncadd.s32 $0xFFFFFFFF  }
0xa9: {  	s26 =	simm.s32 $execute0_lowered;
	[smem:$0x3FD2] =	sst s25  }
0xaa: {  	s9 =	sshll.u32 s26, $0x1;
	_ =	strace $0x80000046;
	[dreg:$0x1] =	wrdreg $0xFFFFFFFF  }
0xab: {  	s28 =	simm.s32 $_size_execute0_lowered;
	s7 =	sadd.s32 s7, s9;
	[dreg:$0x0] =	wrdreg $0x0  }
0xac: {  	s9 =	sshll.u32 s28, $0x1;
	[dreg:$0x2] =	wrdreg s7  }
0xad: {  	[dreg:$0x3] =	wrdreg s9  }
0xae: {  	[dreg:$0x4] =	wrdreg $0xC0  }
0xaf: {  	_ =	task [dreg:s11], $0x5FFFF  }
0xb0: {  	[dreg:$0x1] =	wrdreg $0xFFFFFFFF  }
0xb1: {  	[dreg:$0x0] =	wrdreg $0x60  }
0xb2: {  	[dreg:$0x2] =	wrdreg s18  }
0xb3: {  	[dreg:$0x3] =	wrdreg s2  }
0xb4: {  	[dreg:$0x4] =	wrdreg s6  }
0xb5: {  	[dreg:$0x5] =	wrdreg s4  }
0xb6: {  	[dreg:$0x6] =	wrdreg s5  }
0xb7: {  	[dreg:$0x7] =	wrdreg s24  }
0xb8: {  	[dreg:$0x8] =	wrdreg $0x9  }
0xb9: {  	_ =	task.clear_ibuf [dreg:s11], $0x9FFFF;
	_ =	strace $0x90000046  }
0xba: {  	s29 =	simm.s32 $0x9;
	_ =	strace $0x80000048  }
0xbb: {  	_ =	swait.ge [sflag:s29], $0x1  }
0xbc: {  	[sflag:s29] =	ssyncadd.s32 $0xFFFFFFFF  }
0xbd: {  	_ =	strace $0x90000048  }
0xbe: {  	_ =	sfence  }
0xbf: {  	s30 =	sld [smem:$0x0];
	_ =	sdelay $0x2  }
0xc0: {  	s31 =	sshll.u32 s1, $0xD;
	s1 =	sshrl.u32 s1, $0x2  }
0xc1: {  	s3 =	sand.u32 $0x4000, s31;
	s1 =	sadd.s32 s1, s30  }
0xc2: {  	s0 =	sor.u32 s3, s0;
	s1 =	sshll.u32 s1, $0x11  }
0xc3: {  	s0 =	sor.u32 s1, s0  }
0xc4: {  	s0 =	sadd.s32 $0x8F2B, s0  }
0xc5: {  	[sflag:s0] =	ssyncadd.remote.s32 $0x1  }
0xc6: {  	_ =	sfence.sel $0xFFFF  }
0xc7: {  	[dreg:$0x0] =	wrdreg $0xFFFFFFFF;
	(pc) =	sbr.abs _section_cstart, $3  }
0xc8: {  	[dreg:$0x1] =	wrdreg $0xFFFFFFFF  }
0xc9: {  	_ =	task.clear_ibuf [dreg:s11], $0x2FFFF;
	_ =	strace $0x9FFFFFFF  }
0xca: {  	(tm) =	ssettm $0x7FFFFFFF  }
0xcb: {  	_ =	shalt  }
tec
execute0_lowered:
.L_overlay_start_1:
0x0: {  	(tag) =	ssettag $0x1  }
0x1: {  	s0 =	rddreg [dreg:$0x0];
	s5 =	srdreg.scid  }
0x2: {  	s2 =	rddreg [dreg:$0x1];
	s1 =	stileid.u32;
	s5 =	sand.u32 $0x1, s5  }
0x3: {  	s3 =	rddreg [dreg:$0x2];
	s7 =	sshll.u32 s1, $0x7;
	s8 =	sshll.u32 s5, $0x6  }
0x4: {  	s4 =	rddreg [dreg:$0x3];
	s8 =	sor.u32 s8, s7  }
0x5: {  	s9 =	rddreg [dreg:$0x5];
	s10 =	sshrl.u32 s8, $0x3  }
0x6: {  	s6 =	rddreg [dreg:$0x4];
	s7 =	simm.s32 $0x0;
	s10 =	sadd.s32 s10, s9  }
0x7: {  	[smem:$0x7FF] =	sst s7;
	s11 =	sadd.s32 $0x1A00, s10  }
0x8: {  	_ =	strace $0x80000047;
	s23 =	sadd.s32 $0x1B00, s10;
	[dreg:$0x7] =	wrdreg s11  }
0x9: {  	s24 =	sadd.s32 $0x1C00, s10;
	[dreg:$0x8] =	wrdreg s23  }
0xa: {  	s25 =	sadd.s32 $0x1D00, s10;
	[dreg:$0x9] =	wrdreg s24  }
0xb: {  	s8 =	sshll.u32 s8, $0x5;
	s26 =	sadd.s32 $0x1E00, s10;
	[dreg:$0xa] =	wrdreg s25  }
0xc: {  	s8 =	sadd.s32 s8, s9;
	s1 =	sadd.s32 $0x1F00, s10;
	[dreg:$0xb] =	wrdreg s26  }
0xd: {  	s10 =	sadd.s32 $0x2000, s8;
	[dreg:$0xc] =	wrdreg s1  }
0xe: {  	s12 =	sadd.s32 $0x22000, s8;
	[dreg:$0xd] =	wrdreg s10  }
0xf: {  	s13 =	sadd.s32 $0x32000, s8;
	[dreg:$0xf] =	wrdreg s12  }
0x10: {  	s14 =	sadd.s32 $0x42000, s8;
	[dreg:$0x10] =	wrdreg s13  }
0x11: {  	s15 =	sadd.s32 $0x82000, s8;
	[dreg:$0x11] =	wrdreg s14  }
0x12: {  	s28 =	simm.s32 $0x7B00;
	s16 =	sadd.s32 $0x92000, s8;
	[dreg:$0x12] =	wrdreg s15  }
0x13: {  	s29 =	simm.s32 $0x1;
	s17 =	sadd.s32 $0xA2000, s8;
	[dreg:$0x13] =	wrdreg s16  }
0x14: {  	s30 =	simm.s32 $0x3;
	s18 =	sadd.s32 $0x52000, s8;
	[dreg:$0x14] =	wrdreg s17  }
0x15: {  	s31 =	simm.s32 $0x2;
	s19 =	sadd.s32 $0x62000, s8;
	[dreg:$0x15] =	wrdreg s18  }
0x16: {  	s5 =	ssub.s32 $0x2, s5;
	s20 =	sadd.s32 $0x72000, s8;
	[dreg:$0x16] =	wrdreg s19  }
0x17: {  	s9 =	simm.s32 $0x5;
	s21 =	sadd.s32 $0xB2000, s8;
	[dreg:$0x17] =	wrdreg s20  }
0x18: {  	s22 =	sadd.s32 $0xC2000, s8;
	s11 =	sadd.s32 $0x12000, s8;
	[dreg:$0x18] =	wrdreg s21  }
0x19: {  	[dreg:$0x19] =	wrdreg s22;
	s8 =	sadd.s32 $0xD2000, s8;
	s23 =	sshrl.u32 s5, $0x1  }
0x1a: {  	s24 =	simm.s32 $0x80;
	s25 =	simm.s32 $0x100;
	s26 =	simm.s32 $0x180  }
0x1b: {  	s12 =	simm.s32 $0x300;
	s13 =	simm.s32 $0xB00;
	s14 =	simm.s32 $0x1300  }
0x1c: {  	s15 =	simm.s32 $0x1B00;
	s16 =	simm.s32 $0x2300;
	[dreg:$0xe] =	wrdreg s11  }
0x1d: {  	s17 =	simm.s32 $0x2B00;
	s18 =	simm.s32 $0x3300;
	[dreg:$0x1a] =	wrdreg s8  }
0x1e: {  	s19 =	simm.s32 $0x3B00;
	s20 =	simm.s32 $0x4300;
	[dreg:$0x1b] =	wrdreg s24  }
0x1f: {  	s21 =	simm.s32 $0x4B00;
	s22 =	simm.s32 $0x5300;
	[dreg:$0x1c] =	wrdreg s25  }
0x20: {  	v2 =	vlaneseq.u32;
	s5 =	ssub.s32 s5, s23;
	[dreg:$0x1d] =	wrdreg s26;
	s11 =	simm.s32 $0x280  }
0x21: {  	vm0 =	vmmov $0xffff;
	v1 =	vshrl.u32 v2, $0x3;
	s23 =	simm.s32 $0x5B00;
	s24 =	simm.s32 $0x6300;
	s25 =	simm.s32 $0x6B00  }
0x22: {  	v0 =	vand.u32 $0x7, v2;
	v2 =	vor.u32 $0x8, v2;
	v1 =	vmul.u32 $0x8, v1;
	s26 =	simm.s32 $0x7300;
	s8 =	smax.u32 s5, $0x1;
	s5 =	simm.s32 $0x4  }
.LBB2_1:
0x23: {  	s1 =	rddreg [dreg:$0x7]  }
0x24: {  	[tilespmem:s7], [sflag:$0x5] =	stream.linear.gather [hbm4b:s1+s7], $0x40, $0x38;
	[tilespmem:$0x8300] =	vst v63  }
0x25: {  	_ =	swait.ge [sflag:s9], $0x40  }
0x26: {  	s1 =	rddreg [dreg:$0x8];
	[sflag:s9] =	ssyncset.done $0x0  }
0x27: {  	s10 =	rddreg [dreg:$0x1b];
	[sflag:s9] =	ssyncadd.s32 $0xFFFFFFC0  }
0x28: {  	[tilespmem:s10], [sflag:$0x5] =	stream.linear.gather [hbm4b:s1+s7], $0x40, $0x38;
	[tilespmem:$0x8300] =	vst v63  }
0x29: {  	_ =	swait.ge [sflag:s9], $0x40  }
0x2a: {  	s1 =	rddreg [dreg:$0x9];
	[sflag:s9] =	ssyncset.done $0x0  }
0x2b: {  	s10 =	rddreg [dreg:$0x1c];
	[sflag:s9] =	ssyncadd.s32 $0xFFFFFFC0  }
0x2c: {  	[tilespmem:s10], [sflag:$0x5] =	stream.linear.gather [hbm4b:s1+s7], $0x40, $0x38;
	[tilespmem:$0x8300] =	vst v63  }
0x2d: {  	_ =	swait.ge [sflag:s9], $0x40  }
0x2e: {  	s1 =	rddreg [dreg:$0xa];
	[sflag:s9] =	ssyncset.done $0x0  }
0x2f: {  	s10 =	rddreg [dreg:$0x1d];
	[sflag:s9] =	ssyncadd.s32 $0xFFFFFFC0  }
0x30: {  	[tilespmem:s10], [sflag:$0x5] =	stream.linear.gather [hbm4b:s1+s7], $0x40, $0x38;
	[tilespmem:$0x8300] =	vst v63  }
0x31: {  	_ =	swait.ge [sflag:s9], $0x40  }
0x32: {  	[sflag:s9] =	ssyncset.done $0x0  }
0x33: {  	s10 =	simm.s32 $0x200;
	s1 =	rddreg [dreg:$0xb];
	[sflag:s9] =	ssyncadd.s32 $0xFFFFFFC0  }
0x34: {  	[tilespmem:s10], [sflag:$0x5] =	stream.linear.gather [hbm4b:s1+s7], $0x40, $0x38;
	[tilespmem:$0x8300] =	vst v63  }
0x35: {  	_ =	swait.ge [sflag:s9], $0x40  }
0x36: {  	[sflag:s9] =	ssyncset.done $0x0  }
0x37: {  	s10 =	rddreg [dreg:$0xc];
	[sflag:s9] =	ssyncadd.s32 $0xFFFFFFC0  }
0x38: {  	[tilespmem:s11], [sflag:$0x5] =	stream.linear.gather [hbm4b:s10+s7], $0x40, $0x38;
	[tilespmem:$0x8300] =	vst v63  }
0x39: {  	_ =	swait.ge [sflag:s9], $0x40  }
0x3a: {  	[sflag:s9] =	ssyncset.done $0x0  }
0x3b: {  	[sflag:s9] =	ssyncadd.s32 $0xFFFFFFC0  }
0x3c: {  	v3 =	vld [tilespmem:$0x0];
	_ =	sdelay $0x4  }
0x3d: {  	v4 =	vshll.u32 v3, $0x1  }
0x3e: {  	v3 =	vand.u32 $0x7, v3;
	v4 =	vand.u32 $0xFFFFFFF0, v4  }
0x3f: {  	v3 =	vor.u32 v3, v4  }
0x40: {  	v4 =	vperm.xlane v3, v0;
	_ =	sdelay $0x1  }
0x41: {  	v3 =	vperm.xlane v3, v2;
	v4 =	vadd.s32 v1, v4;
	_ =	sdelay $0x1  }
0x42: {  	v3 =	vadd.s32 v1, v3;
	_ =	sdelay $0x2  }
0x43: {  	[tilespmem:s12], [sflag:$0x1] =	stream.indirect_vreg.gather [hbm4b:s0+s7], $0x80, v4, vm0, $0xb8;
	[tilespmem:$0x8300] =	vst v63  }
0x44: {  	_ = 	snop  }
0x45: {  	[tilespmem:s13], [sflag:$0x1] =	stream.indirect_vreg.gather [hbm4b:s0+s7], $0x80, v3, vm0, $0xb8;
	[tilespmem:$0x8300] =	vst v63  }
0x46: {  	v3 =	vld [tilespmem:$0x10];
	_ =	sdelay $0x4  }
0x47: {  	v9 =	vshll.u32 v3, $0x1  }
0x48: {  	v3 =	vand.u32 $0x7, v3;
	v4 =	vand.u32 $0xFFFFFFF0, v9  }
0x49: {  	v3 =	vor.u32 v3, v4  }
0x4a: {  	v4 =	vperm.xlane v3, v0;
	_ =	sdelay $0x1  }
0x4b: {  	v3 =	vperm.xlane v3, v2;
	v4 =	vadd.s32 v1, v4;
	_ =	sdelay $0x1  }
0x4c: {  	v3 =	vadd.s32 v1, v3;
	_ =	sdelay $0x2  }
0x4d: {  	[tilespmem:s14], [sflag:$0x1] =	stream.indirect_vreg.gather [hbm4b:s0+s7], $0x80, v4, vm0, $0xb8;
	[tilespmem:$0x8300] =	vst v63  }
0x4e: {  	_ = 	snop  }
0x4f: {  	[tilespmem:s15], [sflag:$0x1] =	stream.indirect_vreg.gather [hbm4b:s0+s7], $0x80, v3, vm0, $0xb8;
	[tilespmem:$0x8300] =	vst v63  }
0x50: {  	v3 =	vld [tilespmem:$0x20];
	_ =	sdelay $0x4  }
0x51: {  	v10 =	vshll.u32 v3, $0x1  }
0x52: {  	v3 =	vand.u32 $0x7, v3;
	v4 =	vand.u32 $0xFFFFFFF0, v10  }
0x53: {  	v3 =	vor.u32 v3, v4  }
0x54: {  	v4 =	vperm.xlane v3, v0;
	_ =	sdelay $0x1  }
0x55: {  	v3 =	vperm.xlane v3, v2;
	v4 =	vadd.s32 v1, v4;
	_ =	sdelay $0x1  }
0x56: {  	v3 =	vadd.s32 v1, v3;
	_ =	sdelay $0x2  }
0x57: {  	[tilespmem:s16], [sflag:$0x1] =	stream.indirect_vreg.gather [hbm4b:s0+s7], $0x80, v4, vm0, $0xb8;
	[tilespmem:$0x8300] =	vst v63  }
0x58: {  	_ = 	snop  }
0x59: {  	[tilespmem:s17], [sflag:$0x1] =	stream.indirect_vreg.gather [hbm4b:s0+s7], $0x80, v3, vm0, $0xb8;
	[tilespmem:$0x8300] =	vst v63  }
0x5a: {  	v3 =	vld [tilespmem:$0x30];
	_ =	sdelay $0x4  }
0x5b: {  	v11 =	vshll.u32 v3, $0x1  }
0x5c: {  	v3 =	vand.u32 $0x7, v3;
	v4 =	vand.u32 $0xFFFFFFF0, v11  }
0x5d: {  	v3 =	vor.u32 v3, v4  }
0x5e: {  	v4 =	vperm.xlane v3, v0;
	_ =	sdelay $0x1  }
0x5f: {  	v3 =	vperm.xlane v3, v2;
	v4 =	vadd.s32 v1, v4;
	_ =	sdelay $0x1  }
0x60: {  	v3 =	vadd.s32 v1, v3;
	_ =	sdelay $0x2  }
0x61: {  	[tilespmem:s18], [sflag:$0x1] =	stream.indirect_vreg.gather [hbm4b:s0+s7], $0x80, v4, vm0, $0xb8;
	[tilespmem:$0x8300] =	vst v63  }
0x62: {  	_ = 	snop  }
0x63: {  	[tilespmem:s19], [sflag:$0x1] =	stream.indirect_vreg.gather [hbm4b:s0+s7], $0x80, v3, vm0, $0xb8;
	[tilespmem:$0x8300] =	vst v63  }
0x64: {  	v3 =	vld [tilespmem:$0x80];
	_ =	sdelay $0x4  }
0x65: {  	v12 =	vshll.u32 v3, $0x1  }
0x66: {  	v3 =	vand.u32 $0x7, v3;
	v4 =	vand.u32 $0xFFFFFFF0, v12  }
0x67: {  	v3 =	vor.u32 v3, v4  }
0x68: {  	v4 =	vperm.xlane v3, v0;
	_ =	sdelay $0x1  }
0x69: {  	v3 =	vperm.xlane v3, v2;
	v4 =	vadd.s32 v1, v4;
	_ =	sdelay $0x1  }
0x6a: {  	v3 =	vadd.s32 v1, v3;
	_ =	sdelay $0x2  }
0x6b: {  	[tilespmem:s20], [sflag:$0x2] =	stream.indirect_vreg.gather [hbm4b:s0+s7], $0x80, v4, vm0, $0xb8;
	[tilespmem:$0x8300] =	vst v63  }
0x6c: {  	_ = 	snop  }
0x6d: {  	[tilespmem:s21], [sflag:$0x2] =	stream.indirect_vreg.gather [hbm4b:s0+s7], $0x80, v3, vm0, $0xb8;
	[tilespmem:$0x8300] =	vst v63  }
0x6e: {  	v3 =	vld [tilespmem:$0x90];
	_ =	sdelay $0x4  }
0x6f: {  	v13 =	vshll.u32 v3, $0x1  }
0x70: {  	v3 =	vand.u32 $0x7, v3;
	v4 =	vand.u32 $0xFFFFFFF0, v13  }
0x71: {  	v3 =	vor.u32 v3, v4  }
0x72: {  	v4 =	vperm.xlane v3, v0;
	_ =	sdelay $0x1  }
0x73: {  	v3 =	vperm.xlane v3, v2;
	v4 =	vadd.s32 v1, v4;
	_ =	sdelay $0x1  }
0x74: {  	v3 =	vadd.s32 v1, v3;
	_ =	sdelay $0x2  }
0x75: {  	[tilespmem:s22], [sflag:$0x2] =	stream.indirect_vreg.gather [hbm4b:s0+s7], $0x80, v4, vm0, $0xb8;
	[tilespmem:$0x8300] =	vst v63  }
0x76: {  	_ = 	snop  }
0x77: {  	[tilespmem:s23], [sflag:$0x2] =	stream.indirect_vreg.gather [hbm4b:s0+s7], $0x80, v3, vm0, $0xb8;
	[tilespmem:$0x8300] =	vst v63  }
0x78: {  	v3 =	vld [tilespmem:$0xA0];
	_ =	sdelay $0x4  }
0x79: {  	v14 =	vshll.u32 v3, $0x1  }
0x7a: {  	v3 =	vand.u32 $0x7, v3;
	v4 =	vand.u32 $0xFFFFFFF0, v14  }
0x7b: {  	v3 =	vor.u32 v3, v4  }
0x7c: {  	v4 =	vperm.xlane v3, v0;
	_ =	sdelay $0x1  }
0x7d: {  	v3 =	vperm.xlane v3, v2;
	v4 =	vadd.s32 v1, v4;
	_ =	sdelay $0x1  }
0x7e: {  	v3 =	vadd.s32 v1, v3;
	_ =	sdelay $0x2  }
0x7f: {  	[tilespmem:s24], [sflag:$0x2] =	stream.indirect_vreg.gather [hbm4b:s0+s7], $0x80, v4, vm0, $0xb8;
	[tilespmem:$0x8300] =	vst v63  }
0x80: {  	_ = 	snop  }
0x81: {  	[tilespmem:s25], [sflag:$0x2] =	stream.indirect_vreg.gather [hbm4b:s0+s7], $0x80, v3, vm0, $0xb8;
	[tilespmem:$0x8300] =	vst v63  }
0x82: {  	v3 =	vld [tilespmem:$0xB0];
	_ =	sdelay $0x4  }
0x83: {  	v15 =	vshll.u32 v3, $0x1  }
0x84: {  	v3 =	vand.u32 $0x7, v3;
	v4 =	vand.u32 $0xFFFFFFF0, v15  }
0x85: {  	v3 =	vor.u32 v3, v4  }
0x86: {  	v4 =	vperm.xlane v3, v0;
	_ =	sdelay $0x1  }
0x87: {  	v3 =	vperm.xlane v3, v2;
	v4 =	vadd.s32 v1, v4;
	_ =	sdelay $0x1  }
0x88: {  	v3 =	vadd.s32 v1, v3;
	_ =	sdelay $0x2  }
0x89: {  	[tilespmem:s26], [sflag:$0x2] =	stream.indirect_vreg.gather [hbm4b:s0+s7], $0x80, v4, vm0, $0xb8;
	[tilespmem:$0x8300] =	vst v63  }
0x8a: {  	_ = 	snop  }
0x8b: {  	[tilespmem:s28], [sflag:$0x2] =	stream.indirect_vreg.gather [hbm4b:s0+s7], $0x80, v3, vm0, $0xb8;
	[tilespmem:$0x8300] =	vst v63  }
0x8c: {  	_ =	swait.ge [sflag:s29], $0x4000  }
0x8d: {  	[sflag:s29] =	ssyncset.done $0x0  }
0x8e: {  	s10 =	rddreg [dreg:$0xd];
	[sflag:s29] =	ssyncadd.s32 $0xFFFFC000  }
0x8f: {  	[hbm4b:s10+s7] =	stream.linear.scatter [tilespmem:s12], [sflag:$0x3], $0x4000, $0x38;
	[tilespmem:$0x8300] =	vst v63  }
0x90: {  	_ =	swait.ge [sflag:s30], $0x4000  }
0x91: {  	[sflag:s30] =	ssyncset.done $0x0  }
0x92: {  	[sflag:s30] =	ssyncadd.s32 $0xFFFFC000  }
0x93: {  	v3 =	vld [tilespmem:$0x0];
	_ =	sdelay $0x4  }
0x94: {  	v16 =	vshll.u32 v3, $0x1  }
0x95: {  	v3 =	vand.u32 $0x7, v3;
	v4 =	vand.u32 $0xFFFFFFF0, v16  }
0x96: {  	v3 =	vor.u32 v3, v4  }
0x97: {  	v4 =	vperm.xlane v3, v0;
	_ =	sdelay $0x1  }
0x98: {  	v3 =	vperm.xlane v3, v2;
	v4 =	vadd.s32 v1, v4;
	_ =	sdelay $0x1  }
0x99: {  	v3 =	vadd.s32 v1, v3;
	_ =	sdelay $0x2  }
0x9a: {  	[tilespmem:s12], [sflag:$0x1] =	stream.indirect_vreg.gather [hbm4b:s2+s7], $0x80, v4, vm0, $0xb8;
	[tilespmem:$0x8300] =	vst v63  }
0x9b: {  	_ = 	snop  }
0x9c: {  	[tilespmem:s13], [sflag:$0x1] =	stream.indirect_vreg.gather [hbm4b:s2+s7], $0x80, v3, vm0, $0xb8;
	[tilespmem:$0x8300] =	vst v63  }
0x9d: {  	v3 =	vld [tilespmem:$0x10];
	_ =	sdelay $0x4  }
0x9e: {  	v17 =	vshll.u32 v3, $0x1  }
0x9f: {  	v3 =	vand.u32 $0x7, v3;
	v4 =	vand.u32 $0xFFFFFFF0, v17  }
0xa0: {  	v3 =	vor.u32 v3, v4  }
0xa1: {  	v4 =	vperm.xlane v3, v0;
	_ =	sdelay $0x1  }
0xa2: {  	v3 =	vperm.xlane v3, v2;
	v4 =	vadd.s32 v1, v4;
	_ =	sdelay $0x1  }
0xa3: {  	v3 =	vadd.s32 v1, v3;
	_ =	sdelay $0x2  }
0xa4: {  	[tilespmem:s14], [sflag:$0x1] =	stream.indirect_vreg.gather [hbm4b:s2+s7], $0x80, v4, vm0, $0xb8;
	[tilespmem:$0x8300] =	vst v63  }
0xa5: {  	_ = 	snop  }
0xa6: {  	[tilespmem:s15], [sflag:$0x1] =	stream.indirect_vreg.gather [hbm4b:s2+s7], $0x80, v3, vm0, $0xb8;
	[tilespmem:$0x8300] =	vst v63  }
0xa7: {  	v3 =	vld [tilespmem:$0x20];
	_ =	sdelay $0x4  }
0xa8: {  	v18 =	vshll.u32 v3, $0x1  }
0xa9: {  	v3 =	vand.u32 $0x7, v3;
	v4 =	vand.u32 $0xFFFFFFF0, v18  }
0xaa: {  	v3 =	vor.u32 v3, v4  }
0xab: {  	v4 =	vperm.xlane v3, v0;
	_ =	sdelay $0x1  }
0xac: {  	v3 =	vperm.xlane v3, v2;
	v4 =	vadd.s32 v1, v4;
	_ =	sdelay $0x1  }
0xad: {  	v3 =	vadd.s32 v1, v3;
	_ =	sdelay $0x2  }
0xae: {  	[tilespmem:s16], [sflag:$0x1] =	stream.indirect_vreg.gather [hbm4b:s2+s7], $0x80, v4, vm0, $0xb8;
	[tilespmem:$0x8300] =	vst v63  }
0xaf: {  	_ = 	snop  }
0xb0: {  	[tilespmem:s17], [sflag:$0x1] =	stream.indirect_vreg.gather [hbm4b:s2+s7], $0x80, v3, vm0, $0xb8;
	[tilespmem:$0x8300] =	vst v63  }
0xb1: {  	v3 =	vld [tilespmem:$0x30];
	_ =	sdelay $0x4  }
0xb2: {  	v19 =	vshll.u32 v3, $0x1  }
0xb3: {  	v3 =	vand.u32 $0x7, v3;
	v4 =	vand.u32 $0xFFFFFFF0, v19  }
0xb4: {  	v3 =	vor.u32 v3, v4  }
0xb5: {  	v4 =	vperm.xlane v3, v0;
	_ =	sdelay $0x1  }
0xb6: {  	v3 =	vperm.xlane v3, v2;
	v4 =	vadd.s32 v1, v4;
	_ =	sdelay $0x1  }
0xb7: {  	v3 =	vadd.s32 v1, v3;
	_ =	sdelay $0x2  }
0xb8: {  	[tilespmem:s18], [sflag:$0x1] =	stream.indirect_vreg.gather [hbm4b:s2+s7], $0x80, v4, vm0, $0xb8;
	[tilespmem:$0x8300] =	vst v63  }
0xb9: {  	_ = 	snop  }
0xba: {  	[tilespmem:s19], [sflag:$0x1] =	stream.indirect_vreg.gather [hbm4b:s2+s7], $0x80, v3, vm0, $0xb8;
	[tilespmem:$0x8300] =	vst v63  }
0xbb: {  	_ =	swait.ge [sflag:s31], $0x4000  }
0xbc: {  	[sflag:s31] =	ssyncset.done $0x0  }
0xbd: {  	s10 =	rddreg [dreg:$0xe];
	[sflag:s31] =	ssyncadd.s32 $0xFFFFC000  }
0xbe: {  	[hbm4b:s10+s7] =	stream.linear.scatter [tilespmem:s20], [sflag:$0x4], $0x4000, $0x38;
	[tilespmem:$0x8300] =	vst v63  }
0xbf: {  	_ =	swait.ge [sflag:s5], $0x4000  }
0xc0: {  	[sflag:s5] =	ssyncset.done $0x0  }
0xc1: {  	[sflag:s5] =	ssyncadd.s32 $0xFFFFC000  }
0xc2: {  	v3 =	vld [tilespmem:$0x80];
	_ =	sdelay $0x4  }
0xc3: {  	v20 =	vshll.u32 v3, $0x1  }
0xc4: {  	v3 =	vand.u32 $0x7, v3;
	v4 =	vand.u32 $0xFFFFFFF0, v20  }
0xc5: {  	v3 =	vor.u32 v3, v4  }
0xc6: {  	v4 =	vperm.xlane v3, v0;
	_ =	sdelay $0x1  }
0xc7: {  	v3 =	vperm.xlane v3, v2;
	v4 =	vadd.s32 v1, v4;
	_ =	sdelay $0x1  }
0xc8: {  	v3 =	vadd.s32 v1, v3;
	_ =	sdelay $0x2  }
0xc9: {  	[tilespmem:s20], [sflag:$0x2] =	stream.indirect_vreg.gather [hbm4b:s2+s7], $0x80, v4, vm0, $0xb8;
	[tilespmem:$0x8300] =	vst v63  }
0xca: {  	_ = 	snop  }
0xcb: {  	[tilespmem:s21], [sflag:$0x2] =	stream.indirect_vreg.gather [hbm4b:s2+s7], $0x80, v3, vm0, $0xb8;
	[tilespmem:$0x8300] =	vst v63  }
0xcc: {  	v3 =	vld [tilespmem:$0x90];
	_ =	sdelay $0x4  }
0xcd: {  	v21 =	vshll.u32 v3, $0x1  }
0xce: {  	v3 =	vand.u32 $0x7, v3;
	v4 =	vand.u32 $0xFFFFFFF0, v21  }
0xcf: {  	v3 =	vor.u32 v3, v4  }
0xd0: {  	v4 =	vperm.xlane v3, v0;
	_ =	sdelay $0x1  }
0xd1: {  	v3 =	vperm.xlane v3, v2;
	v4 =	vadd.s32 v1, v4;
	_ =	sdelay $0x1  }
0xd2: {  	v3 =	vadd.s32 v1, v3;
	_ =	sdelay $0x2  }
0xd3: {  	[tilespmem:s22], [sflag:$0x2] =	stream.indirect_vreg.gather [hbm4b:s2+s7], $0x80, v4, vm0, $0xb8;
	[tilespmem:$0x8300] =	vst v63  }
0xd4: {  	_ = 	snop  }
0xd5: {  	[tilespmem:s23], [sflag:$0x2] =	stream.indirect_vreg.gather [hbm4b:s2+s7], $0x80, v3, vm0, $0xb8;
	[tilespmem:$0x8300] =	vst v63  }
0xd6: {  	v3 =	vld [tilespmem:$0xA0];
	_ =	sdelay $0x4  }
0xd7: {  	v22 =	vshll.u32 v3, $0x1  }
0xd8: {  	v3 =	vand.u32 $0x7, v3;
	v4 =	vand.u32 $0xFFFFFFF0, v22  }
0xd9: {  	v3 =	vor.u32 v3, v4  }
0xda: {  	v4 =	vperm.xlane v3, v0;
	_ =	sdelay $0x1  }
0xdb: {  	v3 =	vperm.xlane v3, v2;
	v4 =	vadd.s32 v1, v4;
	_ =	sdelay $0x1  }
0xdc: {  	v3 =	vadd.s32 v1, v3;
	_ =	sdelay $0x2  }
0xdd: {  	[tilespmem:s24], [sflag:$0x2] =	stream.indirect_vreg.gather [hbm4b:s2+s7], $0x80, v4, vm0, $0xb8;
	[tilespmem:$0x8300] =	vst v63  }
0xde: {  	_ = 	snop  }
0xdf: {  	[tilespmem:s25], [sflag:$0x2] =	stream.indirect_vreg.gather [hbm4b:s2+s7], $0x80, v3, vm0, $0xb8;
	[tilespmem:$0x8300] =	vst v63  }
0xe0: {  	v3 =	vld [tilespmem:$0xB0];
	_ =	sdelay $0x4  }
0xe1: {  	v23 =	vshll.u32 v3, $0x1  }
0xe2: {  	v3 =	vand.u32 $0x7, v3;
	v4 =	vand.u32 $0xFFFFFFF0, v23  }
0xe3: {  	v3 =	vor.u32 v3, v4  }
0xe4: {  	v4 =	vperm.xlane v3, v0;
	_ =	sdelay $0x1  }
0xe5: {  	v3 =	vperm.xlane v3, v2;
	v4 =	vadd.s32 v1, v4;
	_ =	sdelay $0x1  }
0xe6: {  	v3 =	vadd.s32 v1, v3;
	_ =	sdelay $0x2  }
0xe7: {  	[tilespmem:s26], [sflag:$0x2] =	stream.indirect_vreg.gather [hbm4b:s2+s7], $0x80, v4, vm0, $0xb8;
	[tilespmem:$0x8300] =	vst v63  }
0xe8: {  	_ = 	snop  }
0xe9: {  	[tilespmem:s28], [sflag:$0x2] =	stream.indirect_vreg.gather [hbm4b:s2+s7], $0x80, v3, vm0, $0xb8;
	[tilespmem:$0x8300] =	vst v63  }
0xea: {  	_ =	swait.ge [sflag:s29], $0x4000  }
0xeb: {  	[sflag:s29] =	ssyncset.done $0x0  }
0xec: {  	s10 =	rddreg [dreg:$0xf];
	[sflag:s29] =	ssyncadd.s32 $0xFFFFC000  }
0xed: {  	[hbm4b:s10+s7] =	stream.linear.scatter [tilespmem:s12], [sflag:$0x3], $0x4000, $0x38;
	[tilespmem:$0x8300] =	vst v63  }
0xee: {  	_ =	swait.ge [sflag:s30], $0x4000  }
0xef: {  	[sflag:s30] =	ssyncset.done $0x0  }
0xf0: {  	[sflag:s30] =	ssyncadd.s32 $0xFFFFC000  }
0xf1: {  	v3 =	vld [tilespmem:$0x100];
	_ =	sdelay $0x4  }
0xf2: {  	v24 =	vshll.u32 v3, $0x1  }
0xf3: {  	v3 =	vand.u32 $0x7, v3;
	v4 =	vand.u32 $0xFFFFFFF0, v24  }
0xf4: {  	v3 =	vor.u32 v3, v4  }
0xf5: {  	v4 =	vperm.xlane v3, v0;
	_ =	sdelay $0x1  }
0xf6: {  	v3 =	vperm.xlane v3, v2;
	v4 =	vadd.s32 v1, v4;
	_ =	sdelay $0x1  }
0xf7: {  	v3 =	vadd.s32 v1, v3;
	_ =	sdelay $0x2  }
0xf8: {  	[tilespmem:s12], [sflag:$0x1] =	stream.indirect_vreg.gather [hbm4b:s0+s7], $0x80, v4, vm0, $0xb8;
	[tilespmem:$0x8300] =	vst v63  }
0xf9: {  	_ = 	snop  }
0xfa: {  	[tilespmem:s13], [sflag:$0x1] =	stream.indirect_vreg.gather [hbm4b:s0+s7], $0x80, v3, vm0, $0xb8;
	[tilespmem:$0x8300] =	vst v63  }
0xfb: {  	v3 =	vld [tilespmem:$0x110];
	_ =	sdelay $0x4  }
0xfc: {  	v25 =	vshll.u32 v3, $0x1  }
0xfd: {  	v3 =	vand.u32 $0x7, v3;
	v4 =	vand.u32 $0xFFFFFFF0, v25  }
0xfe: {  	v3 =	vor.u32 v3, v4  }
0xff: {  	v4 =	vperm.xlane v3, v0;
	_ =	sdelay $0x1  }
0x100: {  	v3 =	vperm.xlane v3, v2;
	v4 =	vadd.s32 v1, v4;
	_ =	sdelay $0x1  }
0x101: {  	v3 =	vadd.s32 v1, v3;
	_ =	sdelay $0x2  }
0x102: {  	[tilespmem:s14], [sflag:$0x1] =	stream.indirect_vreg.gather [hbm4b:s0+s7], $0x80, v4, vm0, $0xb8;
	[tilespmem:$0x8300] =	vst v63  }
0x103: {  	_ = 	snop  }
0x104: {  	[tilespmem:s15], [sflag:$0x1] =	stream.indirect_vreg.gather [hbm4b:s0+s7], $0x80, v3, vm0, $0xb8;
	[tilespmem:$0x8300] =	vst v63  }
0x105: {  	v3 =	vld [tilespmem:$0x120];
	_ =	sdelay $0x4  }
0x106: {  	v26 =	vshll.u32 v3, $0x1  }
0x107: {  	v3 =	vand.u32 $0x7, v3;
	v4 =	vand.u32 $0xFFFFFFF0, v26  }
0x108: {  	v3 =	vor.u32 v3, v4  }
0x109: {  	v4 =	vperm.xlane v3, v0;
	_ =	sdelay $0x1  }
0x10a: {  	v3 =	vperm.xlane v3, v2;
	v4 =	vadd.s32 v1, v4;
	_ =	sdelay $0x1  }
0x10b: {  	v3 =	vadd.s32 v1, v3;
	_ =	sdelay $0x2  }
0x10c: {  	[tilespmem:s16], [sflag:$0x1] =	stream.indirect_vreg.gather [hbm4b:s0+s7], $0x80, v4, vm0, $0xb8;
	[tilespmem:$0x8300] =	vst v63  }
0x10d: {  	_ = 	snop  }
0x10e: {  	[tilespmem:s17], [sflag:$0x1] =	stream.indirect_vreg.gather [hbm4b:s0+s7], $0x80, v3, vm0, $0xb8;
	[tilespmem:$0x8300] =	vst v63  }
0x10f: {  	v3 =	vld [tilespmem:$0x130];
	_ =	sdelay $0x4  }
0x110: {  	v27 =	vshll.u32 v3, $0x1  }
0x111: {  	v3 =	vand.u32 $0x7, v3;
	v4 =	vand.u32 $0xFFFFFFF0, v27  }
0x112: {  	v3 =	vor.u32 v3, v4  }
0x113: {  	v4 =	vperm.xlane v3, v0;
	_ =	sdelay $0x1  }
0x114: {  	v3 =	vperm.xlane v3, v2;
	v4 =	vadd.s32 v1, v4;
	_ =	sdelay $0x1  }
0x115: {  	v3 =	vadd.s32 v1, v3;
	_ =	sdelay $0x2  }
0x116: {  	[tilespmem:s18], [sflag:$0x1] =	stream.indirect_vreg.gather [hbm4b:s0+s7], $0x80, v4, vm0, $0xb8;
	[tilespmem:$0x8300] =	vst v63  }
0x117: {  	_ = 	snop  }
0x118: {  	[tilespmem:s19], [sflag:$0x1] =	stream.indirect_vreg.gather [hbm4b:s0+s7], $0x80, v3, vm0, $0xb8;
	[tilespmem:$0x8300] =	vst v63  }
0x119: {  	_ =	swait.ge [sflag:s31], $0x4000  }
0x11a: {  	[sflag:s31] =	ssyncset.done $0x0  }
0x11b: {  	s10 =	rddreg [dreg:$0x10];
	[sflag:s31] =	ssyncadd.s32 $0xFFFFC000  }
0x11c: {  	[hbm4b:s10+s7] =	stream.linear.scatter [tilespmem:s20], [sflag:$0x4], $0x4000, $0x38;
	[tilespmem:$0x8300] =	vst v63  }
0x11d: {  	_ =	swait.ge [sflag:s5], $0x4000  }
0x11e: {  	[sflag:s5] =	ssyncset.done $0x0  }
0x11f: {  	[sflag:s5] =	ssyncadd.s32 $0xFFFFC000  }
0x120: {  	v3 =	vld [tilespmem:$0x180];
	_ =	sdelay $0x4  }
0x121: {  	v28 =	vshll.u32 v3, $0x1  }
0x122: {  	v3 =	vand.u32 $0x7, v3;
	v4 =	vand.u32 $0xFFFFFFF0, v28  }
0x123: {  	v3 =	vor.u32 v3, v4  }
0x124: {  	v4 =	vperm.xlane v3, v0;
	_ =	sdelay $0x1  }
0x125: {  	v3 =	vperm.xlane v3, v2;
	v4 =	vadd.s32 v1, v4;
	_ =	sdelay $0x1  }
0x126: {  	v3 =	vadd.s32 v1, v3;
	_ =	sdelay $0x2  }
0x127: {  	[tilespmem:s20], [sflag:$0x2] =	stream.indirect_vreg.gather [hbm4b:s0+s7], $0x80, v4, vm0, $0xb8;
	[tilespmem:$0x8300] =	vst v63  }
0x128: {  	_ = 	snop  }
0x129: {  	[tilespmem:s21], [sflag:$0x2] =	stream.indirect_vreg.gather [hbm4b:s0+s7], $0x80, v3, vm0, $0xb8;
	[tilespmem:$0x8300] =	vst v63  }
0x12a: {  	v3 =	vld [tilespmem:$0x190];
	_ =	sdelay $0x4  }
0x12b: {  	v29 =	vshll.u32 v3, $0x1  }
0x12c: {  	v3 =	vand.u32 $0x7, v3;
	v4 =	vand.u32 $0xFFFFFFF0, v29  }
0x12d: {  	v3 =	vor.u32 v3, v4  }
0x12e: {  	v4 =	vperm.xlane v3, v0;
	_ =	sdelay $0x1  }
0x12f: {  	v3 =	vperm.xlane v3, v2;
	v4 =	vadd.s32 v1, v4;
	_ =	sdelay $0x1  }
0x130: {  	v3 =	vadd.s32 v1, v3;
	_ =	sdelay $0x2  }
0x131: {  	[tilespmem:s22], [sflag:$0x2] =	stream.indirect_vreg.gather [hbm4b:s0+s7], $0x80, v4, vm0, $0xb8;
	[tilespmem:$0x8300] =	vst v63  }
0x132: {  	_ = 	snop  }
0x133: {  	[tilespmem:s23], [sflag:$0x2] =	stream.indirect_vreg.gather [hbm4b:s0+s7], $0x80, v3, vm0, $0xb8;
	[tilespmem:$0x8300] =	vst v63  }
0x134: {  	v3 =	vld [tilespmem:$0x1A0];
	_ =	sdelay $0x4  }
0x135: {  	v30 =	vshll.u32 v3, $0x1  }
0x136: {  	v3 =	vand.u32 $0x7, v3;
	v4 =	vand.u32 $0xFFFFFFF0, v30  }
0x137: {  	v3 =	vor.u32 v3, v4  }
0x138: {  	v4 =	vperm.xlane v3, v0;
	_ =	sdelay $0x1  }
0x139: {  	v3 =	vperm.xlane v3, v2;
	v4 =	vadd.s32 v1, v4;
	_ =	sdelay $0x1  }
0x13a: {  	v3 =	vadd.s32 v1, v3;
	_ =	sdelay $0x2  }
0x13b: {  	[tilespmem:s24], [sflag:$0x2] =	stream.indirect_vreg.gather [hbm4b:s0+s7], $0x80, v4, vm0, $0xb8;
	[tilespmem:$0x8300] =	vst v63  }
0x13c: {  	_ = 	snop  }
0x13d: {  	[tilespmem:s25], [sflag:$0x2] =	stream.indirect_vreg.gather [hbm4b:s0+s7], $0x80, v3, vm0, $0xb8;
	[tilespmem:$0x8300] =	vst v63  }
0x13e: {  	v3 =	vld [tilespmem:$0x1B0];
	_ =	sdelay $0x4  }
0x13f: {  	v31 =	vshll.u32 v3, $0x1  }
0x140: {  	v3 =	vand.u32 $0x7, v3;
	v4 =	vand.u32 $0xFFFFFFF0, v31  }
0x141: {  	v3 =	vor.u32 v3, v4  }
0x142: {  	v4 =	vperm.xlane v3, v0;
	_ =	sdelay $0x1  }
0x143: {  	v3 =	vperm.xlane v3, v2;
	v4 =	vadd.s32 v1, v4;
	_ =	sdelay $0x1  }
0x144: {  	v3 =	vadd.s32 v1, v3;
	_ =	sdelay $0x2  }
0x145: {  	[tilespmem:s26], [sflag:$0x2] =	stream.indirect_vreg.gather [hbm4b:s0+s7], $0x80, v4, vm0, $0xb8;
	[tilespmem:$0x8300] =	vst v63  }
0x146: {  	_ = 	snop  }
0x147: {  	[tilespmem:s28], [sflag:$0x2] =	stream.indirect_vreg.gather [hbm4b:s0+s7], $0x80, v3, vm0, $0xb8;
	[tilespmem:$0x8300] =	vst v63  }
0x148: {  	_ =	swait.ge [sflag:s29], $0x4000  }
0x149: {  	[sflag:s29] =	ssyncset.done $0x0  }
0x14a: {  	s10 =	rddreg [dreg:$0x11];
	[sflag:s29] =	ssyncadd.s32 $0xFFFFC000  }
0x14b: {  	[hbm4b:s10+s7] =	stream.linear.scatter [tilespmem:s12], [sflag:$0x3], $0x4000, $0x38;
	[tilespmem:$0x8300] =	vst v63  }
0x14c: {  	_ =	swait.ge [sflag:s30], $0x4000  }
0x14d: {  	[sflag:s30] =	ssyncset.done $0x0  }
0x14e: {  	[sflag:s30] =	ssyncadd.s32 $0xFFFFC000  }
0x14f: {  	v3 =	vld [tilespmem:$0x100];
	_ =	sdelay $0x4  }
0x150: {  	v32 =	vshll.u32 v3, $0x1  }
0x151: {  	v3 =	vand.u32 $0x7, v3;
	v4 =	vand.u32 $0xFFFFFFF0, v32  }
0x152: {  	v3 =	vor.u32 v3, v4  }
0x153: {  	v4 =	vperm.xlane v3, v0;
	_ =	sdelay $0x1  }
0x154: {  	v3 =	vperm.xlane v3, v2;
	v4 =	vadd.s32 v1, v4;
	_ =	sdelay $0x1  }
0x155: {  	v3 =	vadd.s32 v1, v3;
	_ =	sdelay $0x2  }
0x156: {  	[tilespmem:s12], [sflag:$0x1] =	stream.indirect_vreg.gather [hbm4b:s2+s7], $0x80, v4, vm0, $0xb8;
	[tilespmem:$0x8300] =	vst v63  }
0x157: {  	_ = 	snop  }
0x158: {  	[tilespmem:s13], [sflag:$0x1] =	stream.indirect_vreg.gather [hbm4b:s2+s7], $0x80, v3, vm0, $0xb8;
	[tilespmem:$0x8300] =	vst v63  }
0x159: {  	v3 =	vld [tilespmem:$0x110];
	_ =	sdelay $0x4  }
0x15a: {  	v33 =	vshll.u32 v3, $0x1  }
0x15b: {  	v3 =	vand.u32 $0x7, v3;
	v4 =	vand.u32 $0xFFFFFFF0, v33  }
0x15c: {  	v3 =	vor.u32 v3, v4  }
0x15d: {  	v4 =	vperm.xlane v3, v0;
	_ =	sdelay $0x1  }
0x15e: {  	v3 =	vperm.xlane v3, v2;
	v4 =	vadd.s32 v1, v4;
	_ =	sdelay $0x1  }
0x15f: {  	v3 =	vadd.s32 v1, v3;
	_ =	sdelay $0x2  }
0x160: {  	[tilespmem:s14], [sflag:$0x1] =	stream.indirect_vreg.gather [hbm4b:s2+s7], $0x80, v4, vm0, $0xb8;
	[tilespmem:$0x8300] =	vst v63  }
0x161: {  	_ = 	snop  }
0x162: {  	[tilespmem:s15], [sflag:$0x1] =	stream.indirect_vreg.gather [hbm4b:s2+s7], $0x80, v3, vm0, $0xb8;
	[tilespmem:$0x8300] =	vst v63  }
0x163: {  	v3 =	vld [tilespmem:$0x120];
	_ =	sdelay $0x4  }
0x164: {  	v34 =	vshll.u32 v3, $0x1  }
0x165: {  	v3 =	vand.u32 $0x7, v3;
	v4 =	vand.u32 $0xFFFFFFF0, v34  }
0x166: {  	v3 =	vor.u32 v3, v4  }
0x167: {  	v4 =	vperm.xlane v3, v0;
	_ =	sdelay $0x1  }
0x168: {  	v3 =	vperm.xlane v3, v2;
	v4 =	vadd.s32 v1, v4;
	_ =	sdelay $0x1  }
0x169: {  	v3 =	vadd.s32 v1, v3;
	_ =	sdelay $0x2  }
0x16a: {  	[tilespmem:s16], [sflag:$0x1] =	stream.indirect_vreg.gather [hbm4b:s2+s7], $0x80, v4, vm0, $0xb8;
	[tilespmem:$0x8300] =	vst v63  }
0x16b: {  	_ = 	snop  }
0x16c: {  	[tilespmem:s17], [sflag:$0x1] =	stream.indirect_vreg.gather [hbm4b:s2+s7], $0x80, v3, vm0, $0xb8;
	[tilespmem:$0x8300] =	vst v63  }
0x16d: {  	v3 =	vld [tilespmem:$0x130];
	_ =	sdelay $0x4  }
0x16e: {  	v35 =	vshll.u32 v3, $0x1  }
0x16f: {  	v3 =	vand.u32 $0x7, v3;
	v4 =	vand.u32 $0xFFFFFFF0, v35  }
0x170: {  	v3 =	vor.u32 v3, v4  }
0x171: {  	v4 =	vperm.xlane v3, v0;
	_ =	sdelay $0x1  }
0x172: {  	v3 =	vperm.xlane v3, v2;
	v4 =	vadd.s32 v1, v4;
	_ =	sdelay $0x1  }
0x173: {  	v3 =	vadd.s32 v1, v3;
	_ =	sdelay $0x2  }
0x174: {  	[tilespmem:s18], [sflag:$0x1] =	stream.indirect_vreg.gather [hbm4b:s2+s7], $0x80, v4, vm0, $0xb8;
	[tilespmem:$0x8300] =	vst v63  }
0x175: {  	_ = 	snop  }
0x176: {  	[tilespmem:s19], [sflag:$0x1] =	stream.indirect_vreg.gather [hbm4b:s2+s7], $0x80, v3, vm0, $0xb8;
	[tilespmem:$0x8300] =	vst v63  }
0x177: {  	_ =	swait.ge [sflag:s31], $0x4000  }
0x178: {  	[sflag:s31] =	ssyncset.done $0x0  }
0x179: {  	s10 =	rddreg [dreg:$0x12];
	[sflag:s31] =	ssyncadd.s32 $0xFFFFC000  }
0x17a: {  	[hbm4b:s10+s7] =	stream.linear.scatter [tilespmem:s20], [sflag:$0x4], $0x4000, $0x38;
	[tilespmem:$0x8300] =	vst v63  }
0x17b: {  	_ =	swait.ge [sflag:s5], $0x4000  }
0x17c: {  	[sflag:s5] =	ssyncset.done $0x0  }
0x17d: {  	[sflag:s5] =	ssyncadd.s32 $0xFFFFC000  }
0x17e: {  	v3 =	vld [tilespmem:$0x180];
	_ =	sdelay $0x4  }
0x17f: {  	v36 =	vshll.u32 v3, $0x1  }
0x180: {  	v3 =	vand.u32 $0x7, v3;
	v4 =	vand.u32 $0xFFFFFFF0, v36  }
0x181: {  	v3 =	vor.u32 v3, v4  }
0x182: {  	v4 =	vperm.xlane v3, v0;
	_ =	sdelay $0x1  }
0x183: {  	v3 =	vperm.xlane v3, v2;
	v4 =	vadd.s32 v1, v4;
	_ =	sdelay $0x1  }
0x184: {  	v3 =	vadd.s32 v1, v3;
	_ =	sdelay $0x2  }
0x185: {  	[tilespmem:s20], [sflag:$0x2] =	stream.indirect_vreg.gather [hbm4b:s2+s7], $0x80, v4, vm0, $0xb8;
	[tilespmem:$0x8300] =	vst v63  }
0x186: {  	_ = 	snop  }
0x187: {  	[tilespmem:s21], [sflag:$0x2] =	stream.indirect_vreg.gather [hbm4b:s2+s7], $0x80, v3, vm0, $0xb8;
	[tilespmem:$0x8300] =	vst v63  }
0x188: {  	v3 =	vld [tilespmem:$0x190];
	_ =	sdelay $0x4  }
0x189: {  	v37 =	vshll.u32 v3, $0x1  }
0x18a: {  	v3 =	vand.u32 $0x7, v3;
	v4 =	vand.u32 $0xFFFFFFF0, v37  }
0x18b: {  	v3 =	vor.u32 v3, v4  }
0x18c: {  	v4 =	vperm.xlane v3, v0;
	_ =	sdelay $0x1  }
0x18d: {  	v3 =	vperm.xlane v3, v2;
	v4 =	vadd.s32 v1, v4;
	_ =	sdelay $0x1  }
0x18e: {  	v3 =	vadd.s32 v1, v3;
	_ =	sdelay $0x2  }
0x18f: {  	[tilespmem:s22], [sflag:$0x2] =	stream.indirect_vreg.gather [hbm4b:s2+s7], $0x80, v4, vm0, $0xb8;
	[tilespmem:$0x8300] =	vst v63  }
0x190: {  	_ = 	snop  }
0x191: {  	[tilespmem:s23], [sflag:$0x2] =	stream.indirect_vreg.gather [hbm4b:s2+s7], $0x80, v3, vm0, $0xb8;
	[tilespmem:$0x8300] =	vst v63  }
0x192: {  	v3 =	vld [tilespmem:$0x1A0];
	_ =	sdelay $0x4  }
0x193: {  	v38 =	vshll.u32 v3, $0x1  }
0x194: {  	v3 =	vand.u32 $0x7, v3;
	v4 =	vand.u32 $0xFFFFFFF0, v38  }
0x195: {  	v3 =	vor.u32 v3, v4  }
0x196: {  	v4 =	vperm.xlane v3, v0;
	_ =	sdelay $0x1  }
0x197: {  	v3 =	vperm.xlane v3, v2;
	v4 =	vadd.s32 v1, v4;
	_ =	sdelay $0x1  }
0x198: {  	v3 =	vadd.s32 v1, v3;
	_ =	sdelay $0x2  }
0x199: {  	[tilespmem:s24], [sflag:$0x2] =	stream.indirect_vreg.gather [hbm4b:s2+s7], $0x80, v4, vm0, $0xb8;
	[tilespmem:$0x8300] =	vst v63  }
0x19a: {  	_ = 	snop  }
0x19b: {  	[tilespmem:s25], [sflag:$0x2] =	stream.indirect_vreg.gather [hbm4b:s2+s7], $0x80, v3, vm0, $0xb8;
	[tilespmem:$0x8300] =	vst v63  }
0x19c: {  	v3 =	vld [tilespmem:$0x1B0];
	_ =	sdelay $0x4  }
0x19d: {  	v39 =	vshll.u32 v3, $0x1  }
0x19e: {  	v3 =	vand.u32 $0x7, v3;
	v4 =	vand.u32 $0xFFFFFFF0, v39  }
0x19f: {  	v3 =	vor.u32 v3, v4  }
0x1a0: {  	v4 =	vperm.xlane v3, v0;
	_ =	sdelay $0x1  }
0x1a1: {  	v3 =	vperm.xlane v3, v2;
	v4 =	vadd.s32 v1, v4;
	_ =	sdelay $0x1  }
0x1a2: {  	v3 =	vadd.s32 v1, v3;
	_ =	sdelay $0x2  }
0x1a3: {  	[tilespmem:s26], [sflag:$0x2] =	stream.indirect_vreg.gather [hbm4b:s2+s7], $0x80, v4, vm0, $0xb8;
	[tilespmem:$0x8300] =	vst v63  }
0x1a4: {  	_ = 	snop  }
0x1a5: {  	[tilespmem:s28], [sflag:$0x2] =	stream.indirect_vreg.gather [hbm4b:s2+s7], $0x80, v3, vm0, $0xb8;
	[tilespmem:$0x8300] =	vst v63  }
0x1a6: {  	_ =	swait.ge [sflag:s29], $0x4000  }
0x1a7: {  	[sflag:s29] =	ssyncset.done $0x0  }
0x1a8: {  	s10 =	rddreg [dreg:$0x13];
	[sflag:s29] =	ssyncadd.s32 $0xFFFFC000  }
0x1a9: {  	[hbm4b:s10+s7] =	stream.linear.scatter [tilespmem:s12], [sflag:$0x3], $0x4000, $0x38;
	[tilespmem:$0x8300] =	vst v63  }
0x1aa: {  	_ =	swait.ge [sflag:s30], $0x4000  }
0x1ab: {  	[sflag:s30] =	ssyncset.done $0x0  }
0x1ac: {  	[sflag:s30] =	ssyncadd.s32 $0xFFFFC000  }
0x1ad: {  	v3 =	vld [tilespmem:$0x200];
	_ =	sdelay $0x4  }
0x1ae: {  	v40 =	vshll.u32 v3, $0x1  }
0x1af: {  	v3 =	vand.u32 $0x7, v3;
	v4 =	vand.u32 $0xFFFFFFF0, v40  }
0x1b0: {  	v3 =	vor.u32 v3, v4  }
0x1b1: {  	v4 =	vperm.xlane v3, v0;
	_ =	sdelay $0x1  }
0x1b2: {  	v3 =	vperm.xlane v3, v2;
	v4 =	vadd.s32 v1, v4;
	_ =	sdelay $0x1  }
0x1b3: {  	v3 =	vadd.s32 v1, v3;
	_ =	sdelay $0x2  }
0x1b4: {  	[tilespmem:s12], [sflag:$0x1] =	stream.indirect_vreg.gather [hbm4b:s3+s7], $0x80, v4, vm0, $0xb8;
	[tilespmem:$0x8300] =	vst v63  }
0x1b5: {  	_ = 	snop  }
0x1b6: {  	[tilespmem:s13], [sflag:$0x1] =	stream.indirect_vreg.gather [hbm4b:s3+s7], $0x80, v3, vm0, $0xb8;
	[tilespmem:$0x8300] =	vst v63  }
0x1b7: {  	v3 =	vld [tilespmem:$0x210];
	_ =	sdelay $0x4  }
0x1b8: {  	v41 =	vshll.u32 v3, $0x1  }
0x1b9: {  	v3 =	vand.u32 $0x7, v3;
	v4 =	vand.u32 $0xFFFFFFF0, v41  }
0x1ba: {  	v3 =	vor.u32 v3, v4  }
0x1bb: {  	v4 =	vperm.xlane v3, v0;
	_ =	sdelay $0x1  }
0x1bc: {  	v3 =	vperm.xlane v3, v2;
	v4 =	vadd.s32 v1, v4;
	_ =	sdelay $0x1  }
0x1bd: {  	v3 =	vadd.s32 v1, v3;
	_ =	sdelay $0x2  }
0x1be: {  	[tilespmem:s14], [sflag:$0x1] =	stream.indirect_vreg.gather [hbm4b:s3+s7], $0x80, v4, vm0, $0xb8;
	[tilespmem:$0x8300] =	vst v63  }
0x1bf: {  	_ = 	snop  }
0x1c0: {  	[tilespmem:s15], [sflag:$0x1] =	stream.indirect_vreg.gather [hbm4b:s3+s7], $0x80, v3, vm0, $0xb8;
	[tilespmem:$0x8300] =	vst v63  }
0x1c1: {  	v3 =	vld [tilespmem:$0x220];
	_ =	sdelay $0x4  }
0x1c2: {  	v42 =	vshll.u32 v3, $0x1  }
0x1c3: {  	v3 =	vand.u32 $0x7, v3;
	v4 =	vand.u32 $0xFFFFFFF0, v42  }
0x1c4: {  	v3 =	vor.u32 v3, v4  }
0x1c5: {  	v4 =	vperm.xlane v3, v0;
	_ =	sdelay $0x1  }
0x1c6: {  	v3 =	vperm.xlane v3, v2;
	v4 =	vadd.s32 v1, v4;
	_ =	sdelay $0x1  }
0x1c7: {  	v3 =	vadd.s32 v1, v3;
	_ =	sdelay $0x2  }
0x1c8: {  	[tilespmem:s16], [sflag:$0x1] =	stream.indirect_vreg.gather [hbm4b:s3+s7], $0x80, v4, vm0, $0xb8;
	[tilespmem:$0x8300] =	vst v63  }
0x1c9: {  	_ = 	snop  }
0x1ca: {  	[tilespmem:s17], [sflag:$0x1] =	stream.indirect_vreg.gather [hbm4b:s3+s7], $0x80, v3, vm0, $0xb8;
	[tilespmem:$0x8300] =	vst v63  }
0x1cb: {  	v3 =	vld [tilespmem:$0x230];
	_ =	sdelay $0x4  }
0x1cc: {  	v43 =	vshll.u32 v3, $0x1  }
0x1cd: {  	v3 =	vand.u32 $0x7, v3;
	v4 =	vand.u32 $0xFFFFFFF0, v43  }
0x1ce: {  	v3 =	vor.u32 v3, v4  }
0x1cf: {  	v4 =	vperm.xlane v3, v0;
	_ =	sdelay $0x1  }
0x1d0: {  	v3 =	vperm.xlane v3, v2;
	v4 =	vadd.s32 v1, v4;
	_ =	sdelay $0x1  }
0x1d1: {  	v3 =	vadd.s32 v1, v3;
	_ =	sdelay $0x2  }
0x1d2: {  	[tilespmem:s18], [sflag:$0x1] =	stream.indirect_vreg.gather [hbm4b:s3+s7], $0x80, v4, vm0, $0xb8;
	[tilespmem:$0x8300] =	vst v63  }
0x1d3: {  	_ = 	snop  }
0x1d4: {  	[tilespmem:s19], [sflag:$0x1] =	stream.indirect_vreg.gather [hbm4b:s3+s7], $0x80, v3, vm0, $0xb8;
	[tilespmem:$0x8300] =	vst v63  }
0x1d5: {  	_ =	swait.ge [sflag:s31], $0x4000  }
0x1d6: {  	[sflag:s31] =	ssyncset.done $0x0  }
0x1d7: {  	s10 =	rddreg [dreg:$0x14];
	[sflag:s31] =	ssyncadd.s32 $0xFFFFC000  }
0x1d8: {  	[hbm4b:s10+s7] =	stream.linear.scatter [tilespmem:s20], [sflag:$0x4], $0x4000, $0x38;
	[tilespmem:$0x8300] =	vst v63  }
0x1d9: {  	_ =	swait.ge [sflag:s5], $0x4000  }
0x1da: {  	[sflag:s5] =	ssyncset.done $0x0  }
0x1db: {  	[sflag:s5] =	ssyncadd.s32 $0xFFFFC000  }
0x1dc: {  	v3 =	vld [tilespmem:$0x200];
	_ =	sdelay $0x4  }
0x1dd: {  	v44 =	vshll.u32 v3, $0x1  }
0x1de: {  	v3 =	vand.u32 $0x7, v3;
	v4 =	vand.u32 $0xFFFFFFF0, v44  }
0x1df: {  	v3 =	vor.u32 v3, v4  }
0x1e0: {  	v4 =	vperm.xlane v3, v0;
	_ =	sdelay $0x1  }
0x1e1: {  	v3 =	vperm.xlane v3, v2;
	v4 =	vadd.s32 v1, v4;
	_ =	sdelay $0x1  }
0x1e2: {  	v3 =	vadd.s32 v1, v3;
	_ =	sdelay $0x2  }
0x1e3: {  	[tilespmem:s20], [sflag:$0x2] =	stream.indirect_vreg.gather [hbm4b:s4+s7], $0x80, v4, vm0, $0xb8;
	[tilespmem:$0x8300] =	vst v63  }
0x1e4: {  	_ = 	snop  }
0x1e5: {  	[tilespmem:s21], [sflag:$0x2] =	stream.indirect_vreg.gather [hbm4b:s4+s7], $0x80, v3, vm0, $0xb8;
	[tilespmem:$0x8300] =	vst v63  }
0x1e6: {  	v3 =	vld [tilespmem:$0x210];
	_ =	sdelay $0x4  }
0x1e7: {  	v45 =	vshll.u32 v3, $0x1  }
0x1e8: {  	v3 =	vand.u32 $0x7, v3;
	v4 =	vand.u32 $0xFFFFFFF0, v45  }
0x1e9: {  	v3 =	vor.u32 v3, v4  }
0x1ea: {  	v4 =	vperm.xlane v3, v0;
	_ =	sdelay $0x1  }
0x1eb: {  	v3 =	vperm.xlane v3, v2;
	v4 =	vadd.s32 v1, v4;
	_ =	sdelay $0x1  }
0x1ec: {  	v3 =	vadd.s32 v1, v3;
	_ =	sdelay $0x2  }
0x1ed: {  	[tilespmem:s22], [sflag:$0x2] =	stream.indirect_vreg.gather [hbm4b:s4+s7], $0x80, v4, vm0, $0xb8;
	[tilespmem:$0x8300] =	vst v63  }
0x1ee: {  	_ = 	snop  }
0x1ef: {  	[tilespmem:s23], [sflag:$0x2] =	stream.indirect_vreg.gather [hbm4b:s4+s7], $0x80, v3, vm0, $0xb8;
	[tilespmem:$0x8300] =	vst v63  }
0x1f0: {  	v3 =	vld [tilespmem:$0x220];
	_ =	sdelay $0x4  }
0x1f1: {  	v46 =	vshll.u32 v3, $0x1  }
0x1f2: {  	v3 =	vand.u32 $0x7, v3;
	v4 =	vand.u32 $0xFFFFFFF0, v46  }
0x1f3: {  	v3 =	vor.u32 v3, v4  }
0x1f4: {  	v4 =	vperm.xlane v3, v0;
	_ =	sdelay $0x1  }
0x1f5: {  	v3 =	vperm.xlane v3, v2;
	v4 =	vadd.s32 v1, v4;
	_ =	sdelay $0x1  }
0x1f6: {  	v3 =	vadd.s32 v1, v3;
	_ =	sdelay $0x2  }
0x1f7: {  	[tilespmem:s24], [sflag:$0x2] =	stream.indirect_vreg.gather [hbm4b:s4+s7], $0x80, v4, vm0, $0xb8;
	[tilespmem:$0x8300] =	vst v63  }
0x1f8: {  	_ = 	snop  }
0x1f9: {  	[tilespmem:s25], [sflag:$0x2] =	stream.indirect_vreg.gather [hbm4b:s4+s7], $0x80, v3, vm0, $0xb8;
	[tilespmem:$0x8300] =	vst v63  }
0x1fa: {  	v3 =	vld [tilespmem:$0x230];
	_ =	sdelay $0x4  }
0x1fb: {  	v47 =	vshll.u32 v3, $0x1  }
0x1fc: {  	v3 =	vand.u32 $0x7, v3;
	v4 =	vand.u32 $0xFFFFFFF0, v47  }
0x1fd: {  	v3 =	vor.u32 v3, v4  }
0x1fe: {  	v4 =	vperm.xlane v3, v0;
	_ =	sdelay $0x1  }
0x1ff: {  	v3 =	vperm.xlane v3, v2;
	v4 =	vadd.s32 v1, v4;
	_ =	sdelay $0x1  }
0x200: {  	v3 =	vadd.s32 v1, v3;
	_ =	sdelay $0x2  }
0x201: {  	[tilespmem:s26], [sflag:$0x2] =	stream.indirect_vreg.gather [hbm4b:s4+s7], $0x80, v4, vm0, $0xb8;
	[tilespmem:$0x8300] =	vst v63  }
0x202: {  	_ = 	snop  }
0x203: {  	[tilespmem:s28], [sflag:$0x2] =	stream.indirect_vreg.gather [hbm4b:s4+s7], $0x80, v3, vm0, $0xb8;
	[tilespmem:$0x8300] =	vst v63  }
0x204: {  	_ =	swait.ge [sflag:s29], $0x4000  }
0x205: {  	[sflag:s29] =	ssyncset.done $0x0  }
0x206: {  	s10 =	rddreg [dreg:$0x15];
	[sflag:s29] =	ssyncadd.s32 $0xFFFFC000  }
0x207: {  	[hbm4b:s10+s7] =	stream.linear.scatter [tilespmem:s12], [sflag:$0x3], $0x4000, $0x38;
	[tilespmem:$0x8300] =	vst v63  }
0x208: {  	_ =	swait.ge [sflag:s30], $0x4000  }
0x209: {  	[sflag:s30] =	ssyncset.done $0x0  }
0x20a: {  	[sflag:s30] =	ssyncadd.s32 $0xFFFFC000  }
0x20b: {  	v3 =	vld [tilespmem:$0x200];
	_ =	sdelay $0x4  }
0x20c: {  	v48 =	vshll.u32 v3, $0x1  }
0x20d: {  	v3 =	vand.u32 $0x7, v3;
	v4 =	vand.u32 $0xFFFFFFF0, v48  }
0x20e: {  	v3 =	vor.u32 v3, v4  }
0x20f: {  	v4 =	vperm.xlane v3, v0;
	_ =	sdelay $0x1  }
0x210: {  	v3 =	vperm.xlane v3, v2;
	v4 =	vadd.s32 v1, v4;
	_ =	sdelay $0x1  }
0x211: {  	v3 =	vadd.s32 v1, v3;
	_ =	sdelay $0x2  }
0x212: {  	[tilespmem:s12], [sflag:$0x1] =	stream.indirect_vreg.gather [hbm4b:s6+s7], $0x80, v4, vm0, $0xb8;
	[tilespmem:$0x8300] =	vst v63  }
0x213: {  	_ = 	snop  }
0x214: {  	[tilespmem:s13], [sflag:$0x1] =	stream.indirect_vreg.gather [hbm4b:s6+s7], $0x80, v3, vm0, $0xb8;
	[tilespmem:$0x8300] =	vst v63  }
0x215: {  	v3 =	vld [tilespmem:$0x210];
	_ =	sdelay $0x4  }
0x216: {  	v49 =	vshll.u32 v3, $0x1  }
0x217: {  	v3 =	vand.u32 $0x7, v3;
	v4 =	vand.u32 $0xFFFFFFF0, v49  }
0x218: {  	v3 =	vor.u32 v3, v4  }
0x219: {  	v4 =	vperm.xlane v3, v0;
	_ =	sdelay $0x1  }
0x21a: {  	v3 =	vperm.xlane v3, v2;
	v4 =	vadd.s32 v1, v4;
	_ =	sdelay $0x1  }
0x21b: {  	v3 =	vadd.s32 v1, v3;
	_ =	sdelay $0x2  }
0x21c: {  	[tilespmem:s14], [sflag:$0x1] =	stream.indirect_vreg.gather [hbm4b:s6+s7], $0x80, v4, vm0, $0xb8;
	[tilespmem:$0x8300] =	vst v63  }
0x21d: {  	_ = 	snop  }
0x21e: {  	[tilespmem:s15], [sflag:$0x1] =	stream.indirect_vreg.gather [hbm4b:s6+s7], $0x80, v3, vm0, $0xb8;
	[tilespmem:$0x8300] =	vst v63  }
0x21f: {  	v3 =	vld [tilespmem:$0x220];
	_ =	sdelay $0x4  }
0x220: {  	v50 =	vshll.u32 v3, $0x1  }
0x221: {  	v3 =	vand.u32 $0x7, v3;
	v4 =	vand.u32 $0xFFFFFFF0, v50  }
0x222: {  	v3 =	vor.u32 v3, v4  }
0x223: {  	v4 =	vperm.xlane v3, v0;
	_ =	sdelay $0x1  }
0x224: {  	v3 =	vperm.xlane v3, v2;
	v4 =	vadd.s32 v1, v4;
	_ =	sdelay $0x1  }
0x225: {  	v3 =	vadd.s32 v1, v3;
	_ =	sdelay $0x2  }
0x226: {  	[tilespmem:s16], [sflag:$0x1] =	stream.indirect_vreg.gather [hbm4b:s6+s7], $0x80, v4, vm0, $0xb8;
	[tilespmem:$0x8300] =	vst v63  }
0x227: {  	_ = 	snop  }
0x228: {  	[tilespmem:s17], [sflag:$0x1] =	stream.indirect_vreg.gather [hbm4b:s6+s7], $0x80, v3, vm0, $0xb8;
	[tilespmem:$0x8300] =	vst v63  }
0x229: {  	v3 =	vld [tilespmem:$0x230];
	_ =	sdelay $0x4  }
0x22a: {  	v51 =	vshll.u32 v3, $0x1  }
0x22b: {  	v3 =	vand.u32 $0x7, v3;
	v4 =	vand.u32 $0xFFFFFFF0, v51  }
0x22c: {  	v3 =	vor.u32 v3, v4  }
0x22d: {  	v4 =	vperm.xlane v3, v0;
	_ =	sdelay $0x1  }
0x22e: {  	v3 =	vperm.xlane v3, v2;
	v4 =	vadd.s32 v1, v4;
	_ =	sdelay $0x1  }
0x22f: {  	v3 =	vadd.s32 v1, v3;
	_ =	sdelay $0x2  }
0x230: {  	[tilespmem:s18], [sflag:$0x1] =	stream.indirect_vreg.gather [hbm4b:s6+s7], $0x80, v4, vm0, $0xb8;
	[tilespmem:$0x8300] =	vst v63  }
0x231: {  	_ = 	snop  }
0x232: {  	[tilespmem:s19], [sflag:$0x1] =	stream.indirect_vreg.gather [hbm4b:s6+s7], $0x80, v3, vm0, $0xb8;
	[tilespmem:$0x8300] =	vst v63  }
0x233: {  	_ =	swait.ge [sflag:s31], $0x4000  }
0x234: {  	[sflag:s31] =	ssyncset.done $0x0  }
0x235: {  	s10 =	rddreg [dreg:$0x16];
	[sflag:s31] =	ssyncadd.s32 $0xFFFFC000  }
0x236: {  	[hbm4b:s10+s7] =	stream.linear.scatter [tilespmem:s20], [sflag:$0x4], $0x4000, $0x38;
	[tilespmem:$0x8300] =	vst v63  }
0x237: {  	_ =	swait.ge [sflag:s5], $0x4000  }
0x238: {  	[sflag:s5] =	ssyncset.done $0x0  }
0x239: {  	[sflag:s5] =	ssyncadd.s32 $0xFFFFC000  }
0x23a: {  	v3 =	vld [tilespmem:$0x280];
	_ =	sdelay $0x4  }
0x23b: {  	v52 =	vshll.u32 v3, $0x1  }
0x23c: {  	v3 =	vand.u32 $0x7, v3;
	v4 =	vand.u32 $0xFFFFFFF0, v52  }
0x23d: {  	v3 =	vor.u32 v3, v4  }
0x23e: {  	v4 =	vperm.xlane v3, v0;
	_ =	sdelay $0x1  }
0x23f: {  	v3 =	vperm.xlane v3, v2;
	v4 =	vadd.s32 v1, v4;
	_ =	sdelay $0x1  }
0x240: {  	v3 =	vadd.s32 v1, v3;
	_ =	sdelay $0x2  }
0x241: {  	[tilespmem:s20], [sflag:$0x2] =	stream.indirect_vreg.gather [hbm4b:s3+s7], $0x80, v4, vm0, $0xb8;
	[tilespmem:$0x8300] =	vst v63  }
0x242: {  	_ = 	snop  }
0x243: {  	[tilespmem:s21], [sflag:$0x2] =	stream.indirect_vreg.gather [hbm4b:s3+s7], $0x80, v3, vm0, $0xb8;
	[tilespmem:$0x8300] =	vst v63  }
0x244: {  	v3 =	vld [tilespmem:$0x290];
	_ =	sdelay $0x4  }
0x245: {  	v53 =	vshll.u32 v3, $0x1  }
0x246: {  	v3 =	vand.u32 $0x7, v3;
	v4 =	vand.u32 $0xFFFFFFF0, v53  }
0x247: {  	v3 =	vor.u32 v3, v4  }
0x248: {  	v4 =	vperm.xlane v3, v0;
	_ =	sdelay $0x1  }
0x249: {  	v3 =	vperm.xlane v3, v2;
	v4 =	vadd.s32 v1, v4;
	_ =	sdelay $0x1  }
0x24a: {  	v3 =	vadd.s32 v1, v3;
	_ =	sdelay $0x2  }
0x24b: {  	[tilespmem:s22], [sflag:$0x2] =	stream.indirect_vreg.gather [hbm4b:s3+s7], $0x80, v4, vm0, $0xb8;
	[tilespmem:$0x8300] =	vst v63  }
0x24c: {  	_ = 	snop  }
0x24d: {  	[tilespmem:s23], [sflag:$0x2] =	stream.indirect_vreg.gather [hbm4b:s3+s7], $0x80, v3, vm0, $0xb8;
	[tilespmem:$0x8300] =	vst v63  }
0x24e: {  	v3 =	vld [tilespmem:$0x2A0];
	_ =	sdelay $0x4  }
0x24f: {  	v54 =	vshll.u32 v3, $0x1  }
0x250: {  	v3 =	vand.u32 $0x7, v3;
	v4 =	vand.u32 $0xFFFFFFF0, v54  }
0x251: {  	v3 =	vor.u32 v3, v4  }
0x252: {  	v4 =	vperm.xlane v3, v0;
	_ =	sdelay $0x1  }
0x253: {  	v3 =	vperm.xlane v3, v2;
	v4 =	vadd.s32 v1, v4;
	_ =	sdelay $0x1  }
0x254: {  	v3 =	vadd.s32 v1, v3;
	_ =	sdelay $0x2  }
0x255: {  	[tilespmem:s24], [sflag:$0x2] =	stream.indirect_vreg.gather [hbm4b:s3+s7], $0x80, v4, vm0, $0xb8;
	[tilespmem:$0x8300] =	vst v63  }
0x256: {  	_ = 	snop  }
0x257: {  	[tilespmem:s25], [sflag:$0x2] =	stream.indirect_vreg.gather [hbm4b:s3+s7], $0x80, v3, vm0, $0xb8;
	[tilespmem:$0x8300] =	vst v63  }
0x258: {  	v3 =	vld [tilespmem:$0x2B0];
	_ =	sdelay $0x4  }
0x259: {  	v55 =	vshll.u32 v3, $0x1  }
0x25a: {  	v3 =	vand.u32 $0x7, v3;
	v4 =	vand.u32 $0xFFFFFFF0, v55  }
0x25b: {  	v3 =	vor.u32 v3, v4  }
0x25c: {  	v4 =	vperm.xlane v3, v0;
	_ =	sdelay $0x1  }
0x25d: {  	v3 =	vperm.xlane v3, v2;
	v4 =	vadd.s32 v1, v4;
	_ =	sdelay $0x1  }
0x25e: {  	v3 =	vadd.s32 v1, v3;
	_ =	sdelay $0x2  }
0x25f: {  	[tilespmem:s26], [sflag:$0x2] =	stream.indirect_vreg.gather [hbm4b:s3+s7], $0x80, v4, vm0, $0xb8;
	[tilespmem:$0x8300] =	vst v63  }
0x260: {  	_ = 	snop  }
0x261: {  	[tilespmem:s28], [sflag:$0x2] =	stream.indirect_vreg.gather [hbm4b:s3+s7], $0x80, v3, vm0, $0xb8;
	[tilespmem:$0x8300] =	vst v63  }
0x262: {  	_ =	swait.ge [sflag:s29], $0x4000  }
0x263: {  	[sflag:s29] =	ssyncset.done $0x0  }
0x264: {  	s10 =	rddreg [dreg:$0x17];
	[sflag:s29] =	ssyncadd.s32 $0xFFFFC000  }
0x265: {  	[hbm4b:s10+s7] =	stream.linear.scatter [tilespmem:s12], [sflag:$0x3], $0x4000, $0x38;
	[tilespmem:$0x8300] =	vst v63  }
0x266: {  	_ =	swait.ge [sflag:s30], $0x4000  }
0x267: {  	[sflag:s30] =	ssyncset.done $0x0  }
0x268: {  	[sflag:s30] =	ssyncadd.s32 $0xFFFFC000  }
0x269: {  	v3 =	vld [tilespmem:$0x280];
	_ =	sdelay $0x4  }
0x26a: {  	v56 =	vshll.u32 v3, $0x1  }
0x26b: {  	v3 =	vand.u32 $0x7, v3;
	v4 =	vand.u32 $0xFFFFFFF0, v56  }
0x26c: {  	v3 =	vor.u32 v3, v4  }
0x26d: {  	v4 =	vperm.xlane v3, v0;
	_ =	sdelay $0x1  }
0x26e: {  	v3 =	vperm.xlane v3, v2;
	v4 =	vadd.s32 v1, v4;
	_ =	sdelay $0x1  }
0x26f: {  	v3 =	vadd.s32 v1, v3;
	_ =	sdelay $0x2  }
0x270: {  	[tilespmem:s12], [sflag:$0x1] =	stream.indirect_vreg.gather [hbm4b:s4+s7], $0x80, v4, vm0, $0xb8;
	[tilespmem:$0x8300] =	vst v63  }
0x271: {  	_ = 	snop  }
0x272: {  	[tilespmem:s13], [sflag:$0x1] =	stream.indirect_vreg.gather [hbm4b:s4+s7], $0x80, v3, vm0, $0xb8;
	[tilespmem:$0x8300] =	vst v63  }
0x273: {  	v3 =	vld [tilespmem:$0x290];
	_ =	sdelay $0x4  }
0x274: {  	v57 =	vshll.u32 v3, $0x1  }
0x275: {  	v3 =	vand.u32 $0x7, v3;
	v4 =	vand.u32 $0xFFFFFFF0, v57  }
0x276: {  	v3 =	vor.u32 v3, v4  }
0x277: {  	v4 =	vperm.xlane v3, v0;
	_ =	sdelay $0x1  }
0x278: {  	v3 =	vperm.xlane v3, v2;
	v4 =	vadd.s32 v1, v4;
	_ =	sdelay $0x1  }
0x279: {  	v3 =	vadd.s32 v1, v3;
	_ =	sdelay $0x2  }
0x27a: {  	[tilespmem:s14], [sflag:$0x1] =	stream.indirect_vreg.gather [hbm4b:s4+s7], $0x80, v4, vm0, $0xb8;
	[tilespmem:$0x8300] =	vst v63  }
0x27b: {  	_ = 	snop  }
0x27c: {  	[tilespmem:s15], [sflag:$0x1] =	stream.indirect_vreg.gather [hbm4b:s4+s7], $0x80, v3, vm0, $0xb8;
	[tilespmem:$0x8300] =	vst v63  }
0x27d: {  	v3 =	vld [tilespmem:$0x2A0];
	_ =	sdelay $0x4  }
0x27e: {  	v58 =	vshll.u32 v3, $0x1  }
0x27f: {  	v3 =	vand.u32 $0x7, v3;
	v4 =	vand.u32 $0xFFFFFFF0, v58  }
0x280: {  	v3 =	vor.u32 v3, v4  }
0x281: {  	v4 =	vperm.xlane v3, v0;
	_ =	sdelay $0x1  }
0x282: {  	v3 =	vperm.xlane v3, v2;
	v4 =	vadd.s32 v1, v4;
	_ =	sdelay $0x1  }
0x283: {  	v3 =	vadd.s32 v1, v3;
	_ =	sdelay $0x2  }
0x284: {  	[tilespmem:s16], [sflag:$0x1] =	stream.indirect_vreg.gather [hbm4b:s4+s7], $0x80, v4, vm0, $0xb8;
	[tilespmem:$0x8300] =	vst v63  }
0x285: {  	_ = 	snop  }
0x286: {  	[tilespmem:s17], [sflag:$0x1] =	stream.indirect_vreg.gather [hbm4b:s4+s7], $0x80, v3, vm0, $0xb8;
	[tilespmem:$0x8300] =	vst v63  }
0x287: {  	v3 =	vld [tilespmem:$0x2B0];
	_ =	sdelay $0x4  }
0x288: {  	v59 =	vshll.u32 v3, $0x1  }
0x289: {  	v3 =	vand.u32 $0x7, v3;
	v4 =	vand.u32 $0xFFFFFFF0, v59  }
0x28a: {  	v3 =	vor.u32 v3, v4  }
0x28b: {  	v4 =	vperm.xlane v3, v0;
	_ =	sdelay $0x1  }
0x28c: {  	v3 =	vperm.xlane v3, v2;
	v4 =	vadd.s32 v1, v4;
	_ =	sdelay $0x1  }
0x28d: {  	v3 =	vadd.s32 v1, v3;
	_ =	sdelay $0x2  }
0x28e: {  	[tilespmem:s18], [sflag:$0x1] =	stream.indirect_vreg.gather [hbm4b:s4+s7], $0x80, v4, vm0, $0xb8;
	[tilespmem:$0x8300] =	vst v63  }
0x28f: {  	_ = 	snop  }
0x290: {  	[tilespmem:s19], [sflag:$0x1] =	stream.indirect_vreg.gather [hbm4b:s4+s7], $0x80, v3, vm0, $0xb8;
	[tilespmem:$0x8300] =	vst v63  }
0x291: {  	_ =	swait.ge [sflag:s31], $0x4000  }
0x292: {  	[sflag:s31] =	ssyncset.done $0x0  }
0x293: {  	s10 =	rddreg [dreg:$0x18];
	[sflag:s31] =	ssyncadd.s32 $0xFFFFC000  }
0x294: {  	[hbm4b:s10+s7] =	stream.linear.scatter [tilespmem:s20], [sflag:$0x4], $0x4000, $0x38;
	[tilespmem:$0x8300] =	vst v63  }
0x295: {  	_ =	swait.ge [sflag:s5], $0x4000  }
0x296: {  	[sflag:s5] =	ssyncset.done $0x0  }
0x297: {  	[sflag:s5] =	ssyncadd.s32 $0xFFFFC000  }
0x298: {  	v3 =	vld [tilespmem:$0x280];
	_ =	sdelay $0x4  }
0x299: {  	v60 =	vshll.u32 v3, $0x1  }
0x29a: {  	v3 =	vand.u32 $0x7, v3;
	v4 =	vand.u32 $0xFFFFFFF0, v60  }
0x29b: {  	v3 =	vor.u32 v3, v4  }
0x29c: {  	v4 =	vperm.xlane v3, v0;
	_ =	sdelay $0x1  }
0x29d: {  	v3 =	vperm.xlane v3, v2;
	v4 =	vadd.s32 v1, v4;
	_ =	sdelay $0x1  }
0x29e: {  	v3 =	vadd.s32 v1, v3;
	_ =	sdelay $0x2  }
0x29f: {  	[tilespmem:s20], [sflag:$0x2] =	stream.indirect_vreg.gather [hbm4b:s6+s7], $0x80, v4, vm0, $0xb8;
	[tilespmem:$0x8300] =	vst v63  }
0x2a0: {  	_ = 	snop  }
0x2a1: {  	[tilespmem:s21], [sflag:$0x2] =	stream.indirect_vreg.gather [hbm4b:s6+s7], $0x80, v3, vm0, $0xb8;
	[tilespmem:$0x8300] =	vst v63  }
0x2a2: {  	v3 =	vld [tilespmem:$0x290];
	_ =	sdelay $0x4  }
0x2a3: {  	v61 =	vshll.u32 v3, $0x1  }
0x2a4: {  	v3 =	vand.u32 $0x7, v3;
	v4 =	vand.u32 $0xFFFFFFF0, v61  }
0x2a5: {  	v3 =	vor.u32 v3, v4  }
0x2a6: {  	v4 =	vperm.xlane v3, v0;
	_ =	sdelay $0x1  }
0x2a7: {  	v3 =	vperm.xlane v3, v2;
	v4 =	vadd.s32 v1, v4;
	_ =	sdelay $0x1  }
0x2a8: {  	v3 =	vadd.s32 v1, v3;
	_ =	sdelay $0x2  }
0x2a9: {  	[tilespmem:s22], [sflag:$0x2] =	stream.indirect_vreg.gather [hbm4b:s6+s7], $0x80, v4, vm0, $0xb8;
	[tilespmem:$0x8300] =	vst v63  }
0x2aa: {  	_ = 	snop  }
0x2ab: {  	[tilespmem:s23], [sflag:$0x2] =	stream.indirect_vreg.gather [hbm4b:s6+s7], $0x80, v3, vm0, $0xb8;
	[tilespmem:$0x8300] =	vst v63  }
0x2ac: {  	v3 =	vld [tilespmem:$0x2A0];
	_ =	sdelay $0x4  }
0x2ad: {  	v62 =	vshll.u32 v3, $0x1  }
0x2ae: {  	v3 =	vand.u32 $0x7, v3;
	v4 =	vand.u32 $0xFFFFFFF0, v62  }
0x2af: {  	v3 =	vor.u32 v3, v4  }
0x2b0: {  	v4 =	vperm.xlane v3, v0;
	_ =	sdelay $0x1  }
0x2b1: {  	v3 =	vperm.xlane v3, v2;
	v4 =	vadd.s32 v1, v4;
	_ =	sdelay $0x1  }
0x2b2: {  	v3 =	vadd.s32 v1, v3;
	_ =	sdelay $0x2  }
0x2b3: {  	[tilespmem:s24], [sflag:$0x2] =	stream.indirect_vreg.gather [hbm4b:s6+s7], $0x80, v4, vm0, $0xb8;
	[tilespmem:$0x8300] =	vst v63  }
0x2b4: {  	_ = 	snop  }
0x2b5: {  	[tilespmem:s25], [sflag:$0x2] =	stream.indirect_vreg.gather [hbm4b:s6+s7], $0x80, v3, vm0, $0xb8;
	[tilespmem:$0x8300] =	vst v63  }
0x2b6: {  	v3 =	vld [tilespmem:$0x2B0];
	_ =	sdelay $0x4  }
0x2b7: {  	v63 =	vshll.u32 v3, $0x1  }
0x2b8: {  	v3 =	vand.u32 $0x7, v3;
	v4 =	vand.u32 $0xFFFFFFF0, v63  }
0x2b9: {  	v3 =	vor.u32 v3, v4  }
0x2ba: {  	v4 =	vperm.xlane v3, v0;
	_ =	sdelay $0x1  }
0x2bb: {  	v3 =	vperm.xlane v3, v2;
	v4 =	vadd.s32 v1, v4;
	_ =	sdelay $0x1  }
0x2bc: {  	v3 =	vadd.s32 v1, v3;
	_ =	sdelay $0x2  }
0x2bd: {  	[tilespmem:s26], [sflag:$0x2] =	stream.indirect_vreg.gather [hbm4b:s6+s7], $0x80, v4, vm0, $0xb8;
	[tilespmem:$0x8300] =	vst v63  }
0x2be: {  	_ = 	snop  }
0x2bf: {  	[tilespmem:s28], [sflag:$0x2] =	stream.indirect_vreg.gather [hbm4b:s6+s7], $0x80, v3, vm0, $0xb8;
	[tilespmem:$0x8300] =	vst v63  }
0x2c0: {  	_ =	swait.ge [sflag:s29], $0x4000  }
0x2c1: {  	[sflag:s29] =	ssyncset.done $0x0  }
0x2c2: {  	s10 =	rddreg [dreg:$0x19];
	[sflag:s29] =	ssyncadd.s32 $0xFFFFC000  }
0x2c3: {  	[hbm4b:s10+s7] =	stream.linear.scatter [tilespmem:s12], [sflag:$0x3], $0x4000, $0x38;
	[tilespmem:$0x8300] =	vst v63  }
0x2c4: {  	_ =	swait.ge [sflag:s31], $0x4000  }
0x2c5: {  	[sflag:s31] =	ssyncset.done $0x0  }
0x2c6: {  	s10 =	rddreg [dreg:$0x1a];
	[sflag:s31] =	ssyncadd.s32 $0xFFFFC000  }
0x2c7: {  	[hbm4b:s10+s7] =	stream.linear.scatter [tilespmem:s20], [sflag:$0x4], $0x4000, $0x38;
	[tilespmem:$0x8300] =	vst v63  }
0x2c8: {  	p0 =	sne.s32 s8, $0x1;
	_ =	swait.ge [sflag:s30], $0x4000  }
.Ltmp0:
0x2c9: {  	[sflag:s30] =	ssyncset.done $0x0;
	(pc) =	sbr.rel @p0 .LBB2_1-.Ltmp0, $4  }
0x2ca: {  	[sflag:s30] =	ssyncadd.s32 $0xFFFFC000  }
0x2cb: {  	_ =	swait.ge [sflag:s5], $0x4000  }
0x2cc: {  	[sflag:s5] =	ssyncset.done $0x0  }
0x2cd: {  	s8 =	sadd.s32 $0xFFFFFFFF, s8;
	[sflag:s5] =	ssyncadd.s32 $0xFFFFC000  }
0x2ce: {  	_ =	sfence.sel $0x180000  }
0x2cf: {  	[bflag:$0x0] =	sbarrier.arrive $0xFFFF  }
0x2d0: {  	_ =	strace $0x90000047  }
0x2d1: {  	s0 =	stileid.u32;
	[bflag:$0x2] =	sbarrier.arrive $0xFFFF  }
0x2d2: {  	p0 =	sne.s32 s0, $0x0;
	s0 =	rddreg [dreg:$0x6]  }
0x2d3: {  	s0 =	sadd.s32 @!p0 $0x100000, s0  }
0x2d4: {  	[sflag:s0] =	ssyncadd.tile.s32 @!p0 $0x1;
	_ =	shalt  }
.Lfunc_end2:
_tile_overlayer_lowered:
.L_overlay_start_2:
0x2d5: {  	(tag) =	ssettag $0x2  }
0x2d6: {  	s0 =	rddreg [dreg:$0x0];
	s2 =	stileid.u32  }
0x2d7: {  	s1 =	rddreg [dreg:$0x1];
	p0 =	sne.s32 s2, $0x0  }
0x2d8: {  	s3 =	rddreg [dreg:$0x2];
	[bflag:$0x3] =	sbarrier.arrive $0xFFFF;
	s2 =	simm.s32 @!p0 $0x1C05  }
0x2d9: {  	[timem:s3], [sflag:s2] =	dma.local @!p0 [hbm:s0], s1  }
0x2da: {  	s0 =	simm.s32 @!p0 $0x5  }
0x2db: {  	_ =	swait.ge @!p0 [sflag:s0], s1  }
0x2dc: {  	s1 =	ssub.s32 @!p0 $0x0, s1;
	[sflag:s0] =	ssyncset.done @!p0 $0x0  }
0x2dd: {  	[sflag:s0] =	ssyncadd.s32 @!p0 s1  }
0x2de: {  	[bflag:$0x3] =	sbarrier.arrive $0xFFFF  }
0x2df: {  	_ =	shalt  }

</sc_bundles>
